<compile_context>
chip_gen: v7x
topology: tpu7x:2x2x1
jax: 0.10.2.dev20260603
libtpu: 0.0.44.dev20260713+nightly
codegen_flags: <defaults>
</compile_context>

<pallas_src>
import functools

import jax
import jax.numpy as jnp
from jax import lax
from jax.experimental import pallas as pl
from jax.experimental.pallas import tpu as pltpu
from jax.experimental.pallas import tpu_sc as plsc

_LANES = 16
_NSUB = 16
_NCORE = 2
_NW = _NSUB * _NCORE
_CHUNK = 1024
_G = _CHUNK // 128
_ZR = 256


def _round_up(x, m):
    return (x + m - 1) // m * m


def _block_rows(n):
    for b in (1024, 1000, 512, 500, 256, 200, 128, 100, 64, 40, 32, 16, 8):
        if n % b == 0:
            return b
    return 8



def _proj(x, w_aug, b_aug):
    n, d = x.shape
    bn = _block_rows(n)
    nblk = n // bn + 1

    def body(x_ref, w_ref, b_ref, o_ref):
        o_ref[...] = (
            jnp.dot(x_ref[...], w_ref[...], preferred_element_type=jnp.float32)
            + b_ref[...]
        )

    return pl.pallas_call(
        body,
        grid=(nblk,),
        in_specs=[
            pl.BlockSpec((bn, d), lambda i: (jnp.minimum(i, n // bn - 1), 0)),
            pl.BlockSpec((d, 16), lambda i: (0, 0)),
            pl.BlockSpec((1, 16), lambda i: (0, 0)),
        ],
        out_specs=pl.BlockSpec((bn, 16), lambda i: (i, 0)),
        out_shape=jax.ShapeDtypeStruct((nblk * bn, 16), jnp.float32),
    )(x, w_aug, b_aug)


def _aug_table(x, w, b, atts):
    d = w.shape[0]
    cols = [w, jnp.zeros((d, 1), jnp.float32)]
    bcols = [b, jnp.ones((1,), jnp.float32)]
    for a in atts:
        cols.append(w @ a[:, None])
        bcols.append((b @ a)[None])
    npad = 16 - 9 - len(atts)
    cols.append(jnp.zeros((d, npad), jnp.float32))
    bcols.append(jnp.zeros((npad,), jnp.float32))
    w_aug = jnp.concatenate(cols, axis=1)
    b_aug = jnp.concatenate(bcols)[None, :]
    return _proj(x, w_aug, b_aug)



def _edge_pass(h_src, h_dst, src_ids, dst_ids, n_dst_pad, col_s, col_d):
    e_pad = src_ids.shape[0]
    per_w = e_pad // _NW
    iters = per_w // _CHUNK
    stripe = n_dst_pad // _NSUB
    row_chunks = [(k * _CHUNK, _CHUNK) for k in range(stripe // _CHUNK)]
    if stripe % _CHUNK:
        row_chunks.append((stripe // _CHUNK * _CHUNK, stripe % _CHUNK))

    mesh = plsc.VectorSubcoreMesh(core_axis_name="c", subcore_axis_name="s")

    @functools.partial(
        pl.kernel,
        out_type=[
            jax.ShapeDtypeStruct((_NCORE, n_dst_pad, 8), jnp.float32),
            jax.ShapeDtypeStruct((_NCORE, n_dst_pad), jnp.float32),
        ],
        mesh=mesh,
        compiler_params=pltpu.CompilerParams(
            needs_layout_passes=False, use_tc_tiling_on_sc=False),
        scratch_types=[
            pltpu.VMEM((_G, 128), jnp.int32),
            pltpu.VMEM((_G, 128), jnp.int32),
            pltpu.VMEM((_CHUNK, 16), jnp.float32),
            pltpu.VMEM((_CHUNK, 16), jnp.float32),
            pltpu.VMEM((_CHUNK, 8), jnp.float32),
            pltpu.VMEM((_CHUNK,), jnp.float32),
            pltpu.VMEM_SHARED((n_dst_pad, 8), jnp.float32),
            pltpu.VMEM_SHARED((n_dst_pad,), jnp.float32),
            pltpu.SemaphoreType.DMA,
        ],
    )
    def body(hs, hd, si, di, onum, oden, src2, dst2, srows, drows,
             msg, ebuf, accn, accd, sem):
        c = lax.axis_index("c")
        s = lax.axis_index("s")
        wid = c * _NSUB + s

        def zmsg(i, _):
            rows = i * 2 + lax.iota(jnp.int32, _LANES) // 8
            cols = lax.iota(jnp.int32, _LANES) % 8
            plsc.store_scatter(msg, [rows, cols], jnp.zeros((_LANES,),
                                                            jnp.float32))
            return 0

        lax.fori_loop(0, _CHUNK // 2, zmsg, 0)

        def zebuf(i, _):
            ebuf[pl.ds(i * _LANES, _LANES)] = jnp.zeros((_LANES,), jnp.float32)
            return 0

        lax.fori_loop(0, _CHUNK // _LANES, zebuf, 0)
        for off, sz in row_chunks:
            pltpu.sync_copy(msg.at[pl.ds(0, sz)],
                            accn.at[pl.ds(s * stripe + off, sz)])
            pltpu.sync_copy(ebuf.at[pl.ds(0, sz)],
                            accd.at[pl.ds(s * stripe + off, sz)])
        plsc.subcore_barrier()

        base_w = wid * per_w

        def chunk_body(t, _):
            rbase = base_w // 128 + t * _G
            pltpu.sync_copy(si.at[pl.ds(rbase, _G)], src2)
            pltpu.sync_copy(di.at[pl.ds(rbase, _G)], dst2)
            cps = []
            for g in range(_G):
                cps.append(pltpu.async_copy(
                    hs.at[src2.at[g]], srows.at[pl.ds(g * 128, 128)], sem))
                cps.append(pltpu.async_copy(
                    hd.at[dst2.at[g]], drows.at[pl.ds(g * 128, 128)], sem))
            for cp in cps:
                cp.wait()

            def grp(i, _):
                rows = lax.iota(jnp.int32, _LANES) + i * _LANES
                a_s = plsc.load_gather(
                    srows, [rows, jnp.full((_LANES,), col_s, jnp.int32)])
                a_d = plsc.load_gather(
                    drows, [rows, jnp.full((_LANES,), col_d, jnp.int32)])
                al = a_s + a_d
                al = jnp.where(al > 0, al, 0.2 * al)
                e = jnp.exp(al)
                ebuf[pl.ds(i * _LANES, _LANES)] = e
                for j in range(8):
                    cj = jnp.full((_LANES,), j, jnp.int32)
                    v = plsc.load_gather(srows, [rows, cj]) * e
                    plsc.store_scatter(msg, [rows, cj], v)
                return 0

            lax.fori_loop(0, _CHUNK // _LANES, grp, 0)

            scs = []
            for g in range(_G):
                scs.append(pltpu.async_copy(
                    msg.at[pl.ds(g * 128, 128)], accn.at[dst2.at[g]], sem,
                    add=True))
                scs.append(pltpu.async_copy(
                    ebuf.at[pl.ds(g * 128, 128)], accd.at[dst2.at[g]], sem,
                    add=True))
            for cp in scs:
                cp.wait()
            return 0

        lax.fori_loop(0, iters, chunk_body, 0)
        plsc.subcore_barrier()

        for off, sz in row_chunks:
            o = s * stripe + off
            pltpu.sync_copy(accn.at[pl.ds(o, sz)], onum.at[c, pl.ds(o, sz)])
            pltpu.sync_copy(accd.at[pl.ds(o, sz)], oden.at[c, pl.ds(o, sz)])

    return body(h_src, h_dst, src_ids, dst_ids)


def _pad_edges(eidx, n_dst):
    e = eidx.shape[1]
    e_pad = _round_up(e, _NW * _CHUNK)
    pad = e_pad - e
    src = jnp.concatenate([eidx[0], jnp.zeros((pad,), jnp.int32)])
    dst = jnp.concatenate([eidx[1], jnp.full((pad,), n_dst, jnp.int32)])
    return src.reshape(e_pad // 128, 128), dst.reshape(e_pad // 128, 128)



def _combine(pa_num, pa_den, pb_num, pb_den, k_w, k_b, n_dst):
    n_pad = pa_num.shape[1]
    bn = 1024

    def body(pan_ref, pad_ref, pbn_ref, pbd_ref, kw_ref, kb_ref,
             oa_ref, ob_ref, sums_ref):
        i = pl.program_id(0)

        @pl.when(i == 0)
        def _():
            sums_ref[...] = jnp.zeros_like(sums_ref)

        na = pan_ref[0] + pan_ref[1]
        nb = pbn_ref[0] + pbn_ref[1]
        da = (pad_ref[0] + pad_ref[1])[:, None]
        db = (pbd_ref[0] + pbd_ref[1])[:, None]
        oa = jnp.maximum(na / (da + 1e-16), 0.0)
        ob = jnp.maximum(nb / (db + 1e-16), 0.0)
        oa_ref[...] = oa
        ob_ref[...] = ob
        rid = jax.lax.broadcasted_iota(jnp.int32, (bn, 8), 0) + i * bn
        valid = rid < n_dst
        ta = jnp.tanh(
            jnp.dot(oa, kw_ref[...], preferred_element_type=jnp.float32)
            + kb_ref[...])
        tb = jnp.tanh(
            jnp.dot(ob, kw_ref[...], preferred_element_type=jnp.float32)
            + kb_ref[...])
        ta = jnp.where(valid, ta, 0.0)
        tb = jnp.where(valid, tb, 0.0)
        part = jnp.stack([jnp.sum(ta, axis=0), jnp.sum(tb, axis=0)], axis=0)
        sums_ref[...] += part

    return pl.pallas_call(
        body,
        grid=(n_pad // bn,),
        in_specs=[
            pl.BlockSpec((2, bn, 8), lambda i: (0, i, 0)),
            pl.BlockSpec((2, bn), lambda i: (0, i)),
            pl.BlockSpec((2, bn, 8), lambda i: (0, i, 0)),
            pl.BlockSpec((2, bn), lambda i: (0, i)),
            pl.BlockSpec((8, 8), lambda i: (0, 0)),
            pl.BlockSpec((1, 8), lambda i: (0, 0)),
        ],
        out_specs=[
            pl.BlockSpec((bn, 8), lambda i: (i, 0)),
            pl.BlockSpec((bn, 8), lambda i: (i, 0)),
            pl.BlockSpec((2, 8), lambda i: (0, 0)),
        ],
        out_shape=[
            jax.ShapeDtypeStruct((n_pad, 8), jnp.float32),
            jax.ShapeDtypeStruct((n_pad, 8), jnp.float32),
            jax.ShapeDtypeStruct((2, 8), jnp.float32),
        ],
    )(pa_num, pa_den, pb_num, pb_den, k_w, k_b)


def _head(oa, ob, sums, q2, lw, lb, n_dst):
    n_pad = oa.shape[0]
    bn = 1024

    def body(oa_ref, ob_ref, sums_ref, q_ref, lw_ref, lb_ref, o_ref):
        inv_n = 1.0 / n_dst
        s_a = jnp.sum(q_ref[0, :] * sums_ref[0, :]) * inv_n
        s_b = jnp.sum(q_ref[0, :] * sums_ref[1, :]) * inv_n
        m = jnp.maximum(s_a, s_b)
        ea = jnp.exp(s_a - m)
        eb = jnp.exp(s_b - m)
        w_a = ea / (ea + eb)
        w_b = eb / (ea + eb)
        z = w_a * oa_ref[...] + w_b * ob_ref[...]
        logit = jnp.sum(z * lw_ref[...], axis=1, keepdims=True) + lb_ref[0, 0]
        o_ref[...] = jax.nn.sigmoid(logit)

    return pl.pallas_call(
        body,
        grid=(n_pad // bn,),
        in_specs=[
            pl.BlockSpec((bn, 8), lambda i: (i, 0)),
            pl.BlockSpec((bn, 8), lambda i: (i, 0)),
            pl.BlockSpec((2, 8), lambda i: (0, 0)),
            pl.BlockSpec((1, 8), lambda i: (0, 0)),
            pl.BlockSpec((1, 8), lambda i: (0, 0)),
            pl.BlockSpec((1, 1), lambda i: (0, 0)),
        ],
        out_specs=pl.BlockSpec((bn, 1), lambda i: (i, 0)),
        out_shape=jax.ShapeDtypeStruct((n_pad, 1), jnp.float32),
    )(oa, ob, sums, q2, lw, lb)



def kernel(x_ind, x_org, x_ext, edge_index_ind_org, edge_index_org_ind,
           edge_index_ext_ind, edge_index_ext_org, W_ind, b_ind, W_org, b_org,
           W_ext, b_ext, att_src_io, att_dst_io, att_src_oi, att_dst_oi,
           att_src_ei, att_dst_ei, att_src_eo, att_dst_eo, k_W, k_b, q,
           lin_ind_W, lin_ind_b, lin_org_W, lin_org_b):
    n_ind = x_ind.shape[0]
    n_org = x_org.shape[0]

    t_ind = _aug_table(x_ind, W_ind, b_ind,
                       [att_src_io.reshape(-1), att_dst_oi.reshape(-1),
                        att_dst_ei.reshape(-1)])
    t_org = _aug_table(x_org, W_org, b_org,
                       [att_src_oi.reshape(-1), att_dst_io.reshape(-1),
                        att_dst_eo.reshape(-1)])
    t_ext = _aug_table(x_ext, W_ext, b_ext,
                       [att_src_ei.reshape(-1), att_src_eo.reshape(-1)])

    n_ind_pad = _round_up(n_ind + 1, _NSUB * _ZR)
    n_org_pad = _round_up(n_org + 1, _NSUB * _ZR)

    src_io, dst_io = _pad_edges(edge_index_ind_org, n_org)
    src_oi, dst_oi = _pad_edges(edge_index_org_ind, n_ind)
    src_ei, dst_ei = _pad_edges(edge_index_ext_ind, n_ind)
    src_eo, dst_eo = _pad_edges(edge_index_ext_org, n_org)

    p_io = _edge_pass(t_ind, t_org, src_io, dst_io, n_org_pad, 9, 10)
    p_oi = _edge_pass(t_org, t_ind, src_oi, dst_oi, n_ind_pad, 9, 10)
    p_ei = _edge_pass(t_ext, t_ind, src_ei, dst_ei, n_ind_pad, 9, 11)
    p_eo = _edge_pass(t_ext, t_org, src_eo, dst_eo, n_org_pad, 10, 11)

    kb2 = k_b[None, :]
    q2 = q[None, :]

    out_oi, out_ei, sums_ind = _combine(p_oi[0], p_oi[1], p_ei[0], p_ei[1],
                                        k_W, kb2, n_ind)
    out_io, out_eo, sums_org = _combine(p_io[0], p_io[1], p_eo[0], p_eo[1],
                                        k_W, kb2, n_org)

    pred_ind = _head(out_oi, out_ei, sums_ind, q2,
                     lin_ind_W.reshape(1, -1), lin_ind_b.reshape(1, 1), n_ind)
    pred_org = _head(out_io, out_eo, sums_org, q2,
                     lin_org_W.reshape(1, -1), lin_org_b.reshape(1, 1), n_org)

    return (pred_ind[:n_ind, 0], pred_org[:n_org, 0])

# --- scband reference (transcript-rebuilt; emitter-appended) ---
"""Pipeline reference for scband-han1-layer-80547816669336 (READ-ONLY COPY).

The authoritative reference and input builder live on the scoring server;
editing this copy changes nothing except your own understanding.
"""

import jax, jax.numpy as jnp
import numpy as np

N_IND, N_ORG, N_EXT = 100000, 50000, 10000
E_IO, E_OI, E_EI, E_EO = 1600000, 800000, 160000, 160000
D_FEAT = 128
H, DIM = 1, 8
OUT = H * DIM


def _edges(k, E, n_src, n_dst):
    k1, k2 = jax.random.split(k)
    src = jax.random.randint(k1, (E,), 0, n_src, dtype=jnp.int32)
    dst = jax.random.randint(k2, (E,), 0, n_dst, dtype=jnp.int32)
    return jnp.stack([src, dst], axis=0)


def setup_inputs(seed: int = 0):
    key = jax.random.key(seed)
    ks = jax.random.split(key, 32)
    s = 0.1
    p = {}
    p['x_ind'] = jax.random.normal(ks[0], (N_IND, D_FEAT), dtype=jnp.float32)
    p['x_org'] = jax.random.normal(ks[1], (N_ORG, D_FEAT), dtype=jnp.float32)
    p['x_ext'] = jax.random.normal(ks[2], (N_EXT, D_FEAT), dtype=jnp.float32)
    p['edge_index_ind_org'] = _edges(ks[3], E_IO, N_IND, N_ORG)
    p['edge_index_org_ind'] = _edges(ks[4], E_OI, N_ORG, N_IND)
    p['edge_index_ext_ind'] = _edges(ks[5], E_EI, N_EXT, N_IND)
    p['edge_index_ext_org'] = _edges(ks[6], E_EO, N_EXT, N_ORG)
    p['W_ind'] = jax.random.normal(ks[7], (D_FEAT, OUT), dtype=jnp.float32) * s
    p['b_ind'] = jnp.zeros((OUT,), jnp.float32)
    p['W_org'] = jax.random.normal(ks[8], (D_FEAT, OUT), dtype=jnp.float32) * s
    p['b_org'] = jnp.zeros((OUT,), jnp.float32)
    p['W_ext'] = jax.random.normal(ks[9], (D_FEAT, OUT), dtype=jnp.float32) * s
    p['b_ext'] = jnp.zeros((OUT,), jnp.float32)
    p['att_src_io'] = jax.random.normal(ks[10], (H, DIM), dtype=jnp.float32) * s
    p['att_dst_io'] = jax.random.normal(ks[11], (H, DIM), dtype=jnp.float32) * s
    p['att_src_oi'] = jax.random.normal(ks[12], (H, DIM), dtype=jnp.float32) * s
    p['att_dst_oi'] = jax.random.normal(ks[13], (H, DIM), dtype=jnp.float32) * s
    p['att_src_ei'] = jax.random.normal(ks[14], (H, DIM), dtype=jnp.float32) * s
    p['att_dst_ei'] = jax.random.normal(ks[15], (H, DIM), dtype=jnp.float32) * s
    p['att_src_eo'] = jax.random.normal(ks[16], (H, DIM), dtype=jnp.float32) * s
    p['att_dst_eo'] = jax.random.normal(ks[17], (H, DIM), dtype=jnp.float32) * s
    p['k_W'] = jax.random.normal(ks[18], (OUT, OUT), dtype=jnp.float32) * s
    p['k_b'] = jnp.zeros((OUT,), jnp.float32)
    p['q'] = jax.random.normal(ks[19], (OUT,), dtype=jnp.float32) * s
    p['lin_ind_W'] = jax.random.normal(ks[20], (OUT, 1), dtype=jnp.float32) * s
    p['lin_ind_b'] = jnp.zeros((1,), jnp.float32)
    p['lin_org_W'] = jax.random.normal(ks[21], (OUT, 1), dtype=jnp.float32) * s
    p['lin_org_b'] = jnp.zeros((1,), jnp.float32)
    return p


def _leaky_relu(x):
    return jnp.where(x > 0, x, 0.2 * x)


def _attend(h_src, h_dst, att_src, att_dst, edge_index, n_dst):
    # GAT-style per-metapath attention as in PyG HANConv
    src = edge_index[0]
    dst = edge_index[1]
    a_src = jnp.sum(h_src * att_src[None], axis=-1)  # [N_src, H]
    a_dst = jnp.sum(h_dst * att_dst[None], axis=-1)  # [N_dst, H]
    alpha = _leaky_relu(a_src[src] + a_dst[dst])     # [E, H]
    amax = jax.ops.segment_max(alpha, dst, num_segments=n_dst)
    amax = jnp.where(jnp.isfinite(amax), amax, 0.0)
    ex = jnp.exp(alpha - amax[dst])
    denom = jax.ops.segment_sum(ex, dst, num_segments=n_dst)
    coef = ex / (denom[dst] + 1e-16)
    msg = h_src[src] * coef[:, :, None]              # [E, H, DIM]
    out = jax.ops.segment_sum(msg, dst, num_segments=n_dst)
    return jax.nn.relu(out.reshape(n_dst, H * DIM))


def _group(outs, q, k_W, k_b):
    # semantic (metapath-level) attention as in PyG HANConv group()
    out = jnp.stack(outs, axis=0)  # [M, N, F]
    score = jnp.sum(q * jnp.mean(jnp.tanh(out @ k_W + k_b), axis=1), axis=-1)  # [M]
    attn = jax.nn.softmax(score, axis=0)
    return jnp.sum(attn[:, None, None] * out, axis=0)


def reference(x_ind, x_org, x_ext, edge_index_ind_org, edge_index_org_ind,
              edge_index_ext_ind, edge_index_ext_org, W_ind, b_ind, W_org, b_org,
              W_ext, b_ext, att_src_io, att_dst_io, att_src_oi, att_dst_oi,
              att_src_ei, att_dst_ei, att_src_eo, att_dst_eo, k_W, k_b, q,
              lin_ind_W, lin_ind_b, lin_org_W, lin_org_b):
    h_ind = (x_ind @ W_ind + b_ind).reshape(N_IND, H, DIM)
    h_org = (x_org @ W_org + b_org).reshape(N_ORG, H, DIM)
    h_ext = (x_ext @ W_ext + b_ext).reshape(N_EXT, H, DIM)
    out_io = _attend(h_ind, h_org, att_src_io, att_dst_io, edge_index_ind_org, N_ORG)
    out_oi = _attend(h_org, h_ind, att_src_oi, att_dst_oi, edge_index_org_ind, N_IND)
    out_ei = _attend(h_ext, h_ind, att_src_ei, att_dst_ei, edge_index_ext_ind, N_IND)
    out_eo = _attend(h_ext, h_org, att_src_eo, att_dst_eo, edge_index_ext_org, N_ORG)
    z_ind = _group([out_oi, out_ei], q, k_W, k_b)
    z_org = _group([out_io, out_eo], q, k_W, k_b)
    pred_ind = jax.nn.sigmoid(z_ind @ lin_ind_W + lin_ind_b)[:, 0]
    pred_org = jax.nn.sigmoid(z_org @ lin_org_W + lin_org_b)[:, 0]
    return (pred_ind, pred_org)

if __name__ == "__main__":
    import jax
    _d = setup_inputs()
    print(jax.jit(kernel)(*tuple(_d.values())))

</pallas_src>

<mosaic_0001>
#map = affine_map<(d0, d1) -> (0, 0)>
#map1 = affine_map<(d0, d1) -> (0, 0, 0)>
module attributes {stable_mosaic.version = 14 : i64} {
  func.func @body(%arg0: i32, %arg1: i32, %arg2: memref<11000x16xf32, #tpu.memory_space<hbm>>, %arg3: memref<51000x16xf32, #tpu.memory_space<hbm>>, %arg4: memref<1280x128xi32, #tpu.memory_space<hbm>>, %arg5: memref<1280x128xi32, #tpu.memory_space<hbm>>, %arg6: memref<2x53248x8xf32, #tpu.memory_space<hbm>>, %arg7: memref<2x53248xf32, #tpu.memory_space<hbm>>, %arg8: memref<8x128xi32, #tpu.memory_space<vmem>>, %arg9: memref<8x128xi32, #tpu.memory_space<vmem>>, %arg10: memref<1024x16xf32, #tpu.memory_space<vmem>>, %arg11: memref<1024x16xf32, #tpu.memory_space<vmem>>, %arg12: memref<1024x8xf32, #tpu.memory_space<vmem>>, %arg13: memref<1024xf32, #tpu.memory_space<vmem>>, %arg14: memref<53248x8xf32, #tpu.memory_space<vmem_shared>>, %arg15: memref<53248xf32, #tpu.memory_space<vmem_shared>>, %arg16: memref<!tpu.dma_semaphore, #tpu.memory_space<semaphore_mem>>) attributes {dimension_semantics = [#tpu.dimension_semantics<core_parallel>, #tpu.dimension_semantics<subcore_parallel>], iteration_bounds = array<i64: 2, 16>, scalar_prefetch = 0 : i64, scratch_operands = 9 : i64, tpu.core_type = #tpu.core_type<sc_vector_subcore>, window_params = [{transform_indices = #map}, {transform_indices = #map}, {transform_indices = #map}, {transform_indices = #map}, {transform_indices = #map1}, {transform_indices = #map}]} {
    %mul3A = arith.constant 16 : i32
    %mul3A_0 = arith.muli %arg0, %mul3A : i32
    %add3A = arith.addi %mul3A_0, %arg1 : i32
    %scan3A = arith.constant 0 : i32
    %scan3A_1 = arith.constant 0 : i32
    %scan3A_2 = arith.constant 512 : i32
    %scan3A_3 = arith.addi %scan3A_1, %scan3A_2 : i32
    %scan3A_4 = arith.constant 1 : i32
    %scan3A_5 = scf.for %scan3A_70 = %scan3A_1 to %scan3A_3 step %scan3A_4 iter_args(%scan3A_71 = %scan3A) -> (i32)  : i32 {
      %mul3A_72 = arith.constant 2 : i32
      %mul3A_73 = arith.muli %scan3A_70, %mul3A_72 : i32
      %iota3A = tpu.iota {dimensions = array<i32: 0>} : vector<16xi32>
      %jit3A = arith.constant 8 : i32
      %div3A = vector.broadcast %jit3A : i32 to vector<16xi32>
      %div3A_74 = arith.divsi %iota3A, %div3A : vector<16xi32>
      %sign3A = arith.constant 0 : i32
      %sign3A_75 = vector.broadcast %sign3A : i32 to vector<16xi32>
      %sign3A_76 = arith.cmpi sgt, %iota3A, %sign3A_75 : vector<16xi32>
      %sign3A_77 = arith.extui %sign3A_76 : vector<16xi1> to vector<16xi32>
      %sign3A_78 = arith.constant 0 : i32
      %sign3A_79 = vector.broadcast %sign3A_78 : i32 to vector<16xi32>
      %sign3A_80 = arith.cmpi slt, %iota3A, %sign3A_79 : vector<16xi32>
      %sign3A_81 = arith.extui %sign3A_80 : vector<16xi1> to vector<16xi32>
      %sign3A_82 = arith.subi %sign3A_77, %sign3A_81 : vector<16xi32>
      %sign3A_83 = arith.constant 0 : i32
      %sign3A_84 = arith.cmpi sgt, %jit3A, %sign3A_83 : i32
      %sign3A_85 = arith.extui %sign3A_84 : i1 to i32
      %sign3A_86 = arith.constant 0 : i32
      %sign3A_87 = arith.cmpi slt, %jit3A, %sign3A_86 : i32
      %sign3A_88 = arith.extui %sign3A_87 : i1 to i32
      %sign3A_89 = arith.subi %sign3A_85, %sign3A_88 : i32
      %ne3A = vector.broadcast %sign3A_89 : i32 to vector<16xi32>
      %ne3A_90 = arith.cmpi ne, %sign3A_82, %ne3A : vector<16xi32>
      %rem3A = vector.broadcast %jit3A : i32 to vector<16xi32>
      %rem3A_91 = arith.remsi %iota3A, %rem3A : vector<16xi32>
      %ne3A_92 = arith.constant 0 : i32
      %ne3A_93 = vector.broadcast %ne3A_92 : i32 to vector<16xi32>
      %ne3A_94 = arith.cmpi ne, %rem3A_91, %ne3A_93 : vector<16xi32>
      %and3A = arith.andi %ne3A_90, %ne3A_94 : vector<16xi1>
      %sub3A = arith.constant 1 : i32
      %sub3A_95 = vector.broadcast %sub3A : i32 to vector<16xi32>
      %sub3A_96 = arith.subi %div3A_74, %sub3A_95 : vector<16xi32>
      %select_n3A = arith.select %and3A, %sub3A_96, %div3A_74 : vector<16xi1>, vector<16xi32>
      %add3A_97 = vector.broadcast %mul3A_73 : i32 to vector<16xi32>
      %add3A_98 = arith.addi %add3A_97, %select_n3A : vector<16xi32>
      %iota3A_99 = tpu.iota {dimensions = array<i32: 0>} : vector<16xi32>
      %jit3A_100 = arith.constant 8 : i32
      %eq3A = arith.constant 0 : i32
      %eq3A_101 = arith.cmpi eq, %jit3A_100, %eq3A : i32
      %jit3A_102 = arith.constant 1 : i32
      %select_n3A_103 = arith.select %eq3A_101, %jit3A_102, %jit3A_100 : i32
      %rem3A_104 = vector.broadcast %select_n3A_103 : i32 to vector<16xi32>
      %rem3A_105 = arith.remsi %iota3A_99, %rem3A_104 : vector<16xi32>
      %ne3A_106 = arith.constant 0 : i32
      %ne3A_107 = vector.broadcast %ne3A_106 : i32 to vector<16xi32>
      %ne3A_108 = arith.cmpi ne, %rem3A_105, %ne3A_107 : vector<16xi32>
      %lt3A = arith.constant 0 : i32
      %lt3A_109 = vector.broadcast %lt3A : i32 to vector<16xi32>
      %lt3A_110 = arith.cmpi slt, %rem3A_105, %lt3A_109 : vector<16xi32>
      %lt3A_111 = arith.constant 0 : i32
      %lt3A_112 = arith.cmpi slt, %select_n3A_103, %lt3A_111 : i32
      %ne3A_113 = vector.broadcast %lt3A_112 : i1 to vector<16xi1>
      %ne3A_114 = vector.broadcast %ne3A_113 : vector<16xi1> to vector<16xi1>
      %ne3A_115 = arith.xori %lt3A_110, %ne3A_114 : vector<16xi1>
      %and3A_116 = arith.andi %ne3A_115, %ne3A_108 : vector<16xi1>
      %add3A_117 = vector.broadcast %select_n3A_103 : i32 to vector<16xi32>
      %add3A_118 = arith.addi %rem3A_105, %add3A_117 : vector<16xi32>
      %select_n3A_119 = arith.select %and3A_116, %add3A_118, %rem3A_105 : vector<16xi1>, vector<16xi32>
      %broadcast_in_dim3A = arith.constant 0.000000e+00 : f32
      %broadcast_in_dim3A_120 = vector.broadcast %broadcast_in_dim3A : f32 to vector<16xf32>
      tpu.vector_store_idx %arg12[%add3A_98, %select_n3A_119], %broadcast_in_dim3A_120 : memref<1024x8xf32, #tpu.memory_space<vmem>>[vector<16xi32>, vector<16xi32>], vector<16xf32>,
      %scan3A_121 = arith.constant 0 : i32
      scf.yield %scan3A_121 : i32
    }
    %scan3A_6 = arith.constant 512 : i32
    %scan3A_7 = arith.constant 0 : i32
    %scan3A_8 = arith.constant 0 : i32
    %scan3A_9 = arith.constant 64 : i32
    %scan3A_10 = arith.addi %scan3A_8, %scan3A_9 : i32
    %scan3A_11 = arith.constant 1 : i32
    %scan3A_12 = scf.for %scan3A_70 = %scan3A_8 to %scan3A_10 step %scan3A_11 iter_args(%scan3A_71 = %scan3A_7) -> (i32)  : i32 {
      %broadcast_in_dim3A = arith.constant 0.000000e+00 : f32
      %broadcast_in_dim3A_72 = vector.broadcast %broadcast_in_dim3A : f32 to vector<16xf32>
      %mul3A_73 = arith.constant 16 : i32
      %mul3A_74 = arith.muli %scan3A_70, %mul3A_73 : i32
      %swap3A = arith.index_cast %mul3A_74 : i32 to index
      %swap3A_75 = tpu.vector_load %arg13[%swap3A] {strides = array<i32>} : memref<1024xf32, #tpu.memory_space<vmem>>, vector<16xf32>,
      tpu.vector_store %arg13[%swap3A], %broadcast_in_dim3A_72 {strides = array<i32>} : memref<1024xf32, #tpu.memory_space<vmem>>, vector<16xf32>,
      %scan3A_76 = arith.constant 0 : i32
      scf.yield %scan3A_76 : i32
    }
    %scan3A_13 = arith.constant 64 : i32
    %mul3A_14 = arith.constant 3328 : i32
    %mul3A_15 = arith.muli %arg1, %mul3A_14 : i32
    %add3A_16 = arith.constant 0 : i32
    %add3A_17 = arith.addi %mul3A_15, %add3A_16 : i32
    "tpu.region"() ({
      %run_scoped3A = tpu.sem_alloc : memref<!tpu.dma_semaphore, #tpu.memory_space<semaphore_mem>>
      %dma_start3A = arith.constant 0 : i32
      %dma_start3A_70 = arith.constant 0 : i32
      %dma_start3A_71 = tpu.memref_slice %arg12[%dma_start3A, %dma_start3A_70] : memref<1024x8xf32, #tpu.memory_space<vmem>> -> memref<1024x8xf32, #tpu.memory_space<vmem>>
      %dma_start3A_72 = arith.constant 0 : i32
      %dma_start3A_73 = tpu.memref_slice %arg14[%add3A_17, %dma_start3A_72] : memref<53248x8xf32, #tpu.memory_space<vmem_shared>> -> memref<1024x8xf32, #tpu.memory_space<vmem_shared>>
      %dma_start3A_74 = arith.constant 0 : i32
      %dma_start3A_75 = tpu.memref_slice %arg14[%add3A_17, %dma_start3A_74] : memref<53248x8xf32, #tpu.memory_space<vmem_shared>> -> memref<1024x8xf32, #tpu.memory_space<vmem_shared>>
      %dma_start3A_76 = arith.constant 0 : i32
      %dma_start3A_77 = arith.constant 0 : i32
      %dma_start3A_78 = tpu.memref_slice %arg12[%dma_start3A_76, %dma_start3A_77] : memref<1024x8xf32, #tpu.memory_space<vmem>> -> memref<1024x8xf32, #tpu.memory_space<vmem>>
      tpu.enqueue_dma source(%dma_start3A_78 : memref<1024x8xf32, #tpu.memory_space<vmem>>) target(%dma_start3A_75 : memref<1024x8xf32, #tpu.memory_space<vmem_shared>>) target_semaphore(%run_scoped3A : memref<!tpu.dma_semaphore, #tpu.memory_space<semaphore_mem>>)
      %dma_wait3A = arith.constant 0 : i32
      %dma_wait3A_79 = arith.constant 0 : i32
      %dma_wait3A_80 = tpu.memref_slice %arg12[%dma_wait3A, %dma_wait3A_79] : memref<1024x8xf32, #tpu.memory_space<vmem>> -> memref<1024x8xf32, #tpu.memory_space<vmem>>
      %dma_wait3A_81 = arith.constant 0 : i32
      %dma_wait3A_82 = tpu.memref_slice %arg14[%add3A_17, %dma_wait3A_81] : memref<53248x8xf32, #tpu.memory_space<vmem_shared>> -> memref<1024x8xf32, #tpu.memory_space<vmem_shared>>
      %dma_wait3A_83 = arith.constant 0 : i32
      %dma_wait3A_84 = tpu.memref_slice %arg14[%add3A_17, %dma_wait3A_83] : memref<53248x8xf32, #tpu.memory_space<vmem_shared>> -> memref<1024x8xf32, #tpu.memory_space<vmem_shared>>
      %dma_wait3A_85 = arith.constant 0 : i32
      %dma_wait3A_86 = arith.constant 0 : i32
      %dma_wait3A_87 = tpu.memref_slice %arg12[%dma_wait3A_85, %dma_wait3A_86] : memref<1024x8xf32, #tpu.memory_space<vmem>> -> memref<1024x8xf32, #tpu.memory_space<vmem>>
      tpu.wait_dma2 semaphore(%run_scoped3A : memref<!tpu.dma_semaphore, #tpu.memory_space<semaphore_mem>>) src(%dma_wait3A_87 : memref<1024x8xf32, #tpu.memory_space<vmem>>) dst(%dma_wait3A_84 : memref<1024x8xf32, #tpu.memory_space<vmem_shared>>)
      tpu.yield
    }) : () -> ()
    %mul3A_18 = arith.constant 3328 : i32
    %mul3A_19 = arith.muli %arg1, %mul3A_18 : i32
    %add3A_20 = arith.constant 0 : i32
    %add3A_21 = arith.addi %mul3A_19, %add3A_20 : i32
    "tpu.region"() ({
      %run_scoped3A = tpu.sem_alloc : memref<!tpu.dma_semaphore, #tpu.memory_space<semaphore_mem>>
      %dma_start3A = arith.constant 0 : i32
      %dma_start3A_70 = tpu.memref_slice %arg13[%dma_start3A] : memref<1024xf32, #tpu.memory_space<vmem>> -> memref<1024xf32, #tpu.memory_space<vmem>>
      %dma_start3A_71 = tpu.memref_slice %arg15[%add3A_21] : memref<53248xf32, #tpu.memory_space<vmem_shared>> -> memref<1024xf32, #tpu.memory_space<vmem_shared>>
      %dma_start3A_72 = tpu.memref_slice %arg15[%add3A_21] : memref<53248xf32, #tpu.memory_space<vmem_shared>> -> memref<1024xf32, #tpu.memory_space<vmem_shared>>
      %dma_start3A_73 = arith.constant 0 : i32
      %dma_start3A_74 = tpu.memref_slice %arg13[%dma_start3A_73] : memref<1024xf32, #tpu.memory_space<vmem>> -> memref<1024xf32, #tpu.memory_space<vmem>>
      tpu.enqueue_dma source(%dma_start3A_74 : memref<1024xf32, #tpu.memory_space<vmem>>) target(%dma_start3A_72 : memref<1024xf32, #tpu.memory_space<vmem_shared>>) target_semaphore(%run_scoped3A : memref<!tpu.dma_semaphore, #tpu.memory_space<semaphore_mem>>)
      %dma_wait3A = arith.constant 0 : i32
      %dma_wait3A_75 = tpu.memref_slice %arg13[%dma_wait3A] : memref<1024xf32, #tpu.memory_space<vmem>> -> memref<1024xf32, #tpu.memory_space<vmem>>
      %dma_wait3A_76 = tpu.memref_slice %arg15[%add3A_21] : memref<53248xf32, #tpu.memory_space<vmem_shared>> -> memref<1024xf32, #tpu.memory_space<vmem_shared>>
      %dma_wait3A_77 = tpu.memref_slice %arg15[%add3A_21] : memref<53248xf32, #tpu.memory_space<vmem_shared>> -> memref<1024xf32, #tpu.memory_space<vmem_shared>>
      %dma_wait3A_78 = arith.constant 0 : i32
      %dma_wait3A_79 = tpu.memref_slice %arg13[%dma_wait3A_78] : memref<1024xf32, #tpu.memory_space<vmem>> -> memref<1024xf32, #tpu.memory_space<vmem>>
      tpu.wait_dma2 semaphore(%run_scoped3A : memref<!tpu.dma_semaphore, #tpu.memory_space<semaphore_mem>>) src(%dma_wait3A_79 : memref<1024xf32, #tpu.memory_space<vmem>>) dst(%dma_wait3A_77 : memref<1024xf32, #tpu.memory_space<vmem_shared>>)
      tpu.yield
    }) : () -> ()
    %mul3A_22 = arith.constant 3328 : i32
    %mul3A_23 = arith.muli %arg1, %mul3A_22 : i32
    %add3A_24 = arith.constant 1024 : i32
    %add3A_25 = arith.addi %mul3A_23, %add3A_24 : i32
    "tpu.region"() ({
      %run_scoped3A = tpu.sem_alloc : memref<!tpu.dma_semaphore, #tpu.memory_space<semaphore_mem>>
      %dma_start3A = arith.constant 0 : i32
      %dma_start3A_70 = arith.constant 0 : i32
      %dma_start3A_71 = tpu.memref_slice %arg12[%dma_start3A, %dma_start3A_70] : memref<1024x8xf32, #tpu.memory_space<vmem>> -> memref<1024x8xf32, #tpu.memory_space<vmem>>
      %dma_start3A_72 = arith.constant 0 : i32
      %dma_start3A_73 = tpu.memref_slice %arg14[%add3A_25, %dma_start3A_72] : memref<53248x8xf32, #tpu.memory_space<vmem_shared>> -> memref<1024x8xf32, #tpu.memory_space<vmem_shared>>
      %dma_start3A_74 = arith.constant 0 : i32
      %dma_start3A_75 = tpu.memref_slice %arg14[%add3A_25, %dma_start3A_74] : memref<53248x8xf32, #tpu.memory_space<vmem_shared>> -> memref<1024x8xf32, #tpu.memory_space<vmem_shared>>
      %dma_start3A_76 = arith.constant 0 : i32
      %dma_start3A_77 = arith.constant 0 : i32
      %dma_start3A_78 = tpu.memref_slice %arg12[%dma_start3A_76, %dma_start3A_77] : memref<1024x8xf32, #tpu.memory_space<vmem>> -> memref<1024x8xf32, #tpu.memory_space<vmem>>
      tpu.enqueue_dma source(%dma_start3A_78 : memref<1024x8xf32, #tpu.memory_space<vmem>>) target(%dma_start3A_75 : memref<1024x8xf32, #tpu.memory_space<vmem_shared>>) target_semaphore(%run_scoped3A : memref<!tpu.dma_semaphore, #tpu.memory_space<semaphore_mem>>)
      %dma_wait3A = arith.constant 0 : i32
      %dma_wait3A_79 = arith.constant 0 : i32
      %dma_wait3A_80 = tpu.memref_slice %arg12[%dma_wait3A, %dma_wait3A_79] : memref<1024x8xf32, #tpu.memory_space<vmem>> -> memref<1024x8xf32, #tpu.memory_space<vmem>>
      %dma_wait3A_81 = arith.constant 0 : i32
      %dma_wait3A_82 = tpu.memref_slice %arg14[%add3A_25, %dma_wait3A_81] : memref<53248x8xf32, #tpu.memory_space<vmem_shared>> -> memref<1024x8xf32, #tpu.memory_space<vmem_shared>>
      %dma_wait3A_83 = arith.constant 0 : i32
      %dma_wait3A_84 = tpu.memref_slice %arg14[%add3A_25, %dma_wait3A_83] : memref<53248x8xf32, #tpu.memory_space<vmem_shared>> -> memref<1024x8xf32, #tpu.memory_space<vmem_shared>>
      %dma_wait3A_85 = arith.constant 0 : i32
      %dma_wait3A_86 = arith.constant 0 : i32
      %dma_wait3A_87 = tpu.memref_slice %arg12[%dma_wait3A_85, %dma_wait3A_86] : memref<1024x8xf32, #tpu.memory_space<vmem>> -> memref<1024x8xf32, #tpu.memory_space<vmem>>
      tpu.wait_dma2 semaphore(%run_scoped3A : memref<!tpu.dma_semaphore, #tpu.memory_space<semaphore_mem>>) src(%dma_wait3A_87 : memref<1024x8xf32, #tpu.memory_space<vmem>>) dst(%dma_wait3A_84 : memref<1024x8xf32, #tpu.memory_space<vmem_shared>>)
      tpu.yield
    }) : () -> ()
    %mul3A_26 = arith.constant 3328 : i32
    %mul3A_27 = arith.muli %arg1, %mul3A_26 : i32
    %add3A_28 = arith.constant 1024 : i32
    %add3A_29 = arith.addi %mul3A_27, %add3A_28 : i32
    "tpu.region"() ({
      %run_scoped3A = tpu.sem_alloc : memref<!tpu.dma_semaphore, #tpu.memory_space<semaphore_mem>>
      %dma_start3A = arith.constant 0 : i32
      %dma_start3A_70 = tpu.memref_slice %arg13[%dma_start3A] : memref<1024xf32, #tpu.memory_space<vmem>> -> memref<1024xf32, #tpu.memory_space<vmem>>
      %dma_start3A_71 = tpu.memref_slice %arg15[%add3A_29] : memref<53248xf32, #tpu.memory_space<vmem_shared>> -> memref<1024xf32, #tpu.memory_space<vmem_shared>>
      %dma_start3A_72 = tpu.memref_slice %arg15[%add3A_29] : memref<53248xf32, #tpu.memory_space<vmem_shared>> -> memref<1024xf32, #tpu.memory_space<vmem_shared>>
      %dma_start3A_73 = arith.constant 0 : i32
      %dma_start3A_74 = tpu.memref_slice %arg13[%dma_start3A_73] : memref<1024xf32, #tpu.memory_space<vmem>> -> memref<1024xf32, #tpu.memory_space<vmem>>
      tpu.enqueue_dma source(%dma_start3A_74 : memref<1024xf32, #tpu.memory_space<vmem>>) target(%dma_start3A_72 : memref<1024xf32, #tpu.memory_space<vmem_shared>>) target_semaphore(%run_scoped3A : memref<!tpu.dma_semaphore, #tpu.memory_space<semaphore_mem>>)
      %dma_wait3A = arith.constant 0 : i32
      %dma_wait3A_75 = tpu.memref_slice %arg13[%dma_wait3A] : memref<1024xf32, #tpu.memory_space<vmem>> -> memref<1024xf32, #tpu.memory_space<vmem>>
      %dma_wait3A_76 = tpu.memref_slice %arg15[%add3A_29] : memref<53248xf32, #tpu.memory_space<vmem_shared>> -> memref<1024xf32, #tpu.memory_space<vmem_shared>>
      %dma_wait3A_77 = tpu.memref_slice %arg15[%add3A_29] : memref<53248xf32, #tpu.memory_space<vmem_shared>> -> memref<1024xf32, #tpu.memory_space<vmem_shared>>
      %dma_wait3A_78 = arith.constant 0 : i32
      %dma_wait3A_79 = tpu.memref_slice %arg13[%dma_wait3A_78] : memref<1024xf32, #tpu.memory_space<vmem>> -> memref<1024xf32, #tpu.memory_space<vmem>>
      tpu.wait_dma2 semaphore(%run_scoped3A : memref<!tpu.dma_semaphore, #tpu.memory_space<semaphore_mem>>) src(%dma_wait3A_79 : memref<1024xf32, #tpu.memory_space<vmem>>) dst(%dma_wait3A_77 : memref<1024xf32, #tpu.memory_space<vmem_shared>>)
      tpu.yield
    }) : () -> ()
    %mul3A_30 = arith.constant 3328 : i32
    %mul3A_31 = arith.muli %arg1, %mul3A_30 : i32
    %add3A_32 = arith.constant 2048 : i32
    %add3A_33 = arith.addi %mul3A_31, %add3A_32 : i32
    "tpu.region"() ({
      %run_scoped3A = tpu.sem_alloc : memref<!tpu.dma_semaphore, #tpu.memory_space<semaphore_mem>>
      %dma_start3A = arith.constant 0 : i32
      %dma_start3A_70 = arith.constant 0 : i32
      %dma_start3A_71 = tpu.memref_slice %arg12[%dma_start3A, %dma_start3A_70] : memref<1024x8xf32, #tpu.memory_space<vmem>> -> memref<1024x8xf32, #tpu.memory_space<vmem>>
      %dma_start3A_72 = arith.constant 0 : i32
      %dma_start3A_73 = tpu.memref_slice %arg14[%add3A_33, %dma_start3A_72] : memref<53248x8xf32, #tpu.memory_space<vmem_shared>> -> memref<1024x8xf32, #tpu.memory_space<vmem_shared>>
      %dma_start3A_74 = arith.constant 0 : i32
      %dma_start3A_75 = tpu.memref_slice %arg14[%add3A_33, %dma_start3A_74] : memref<53248x8xf32, #tpu.memory_space<vmem_shared>> -> memref<1024x8xf32, #tpu.memory_space<vmem_shared>>
      %dma_start3A_76 = arith.constant 0 : i32
      %dma_start3A_77 = arith.constant 0 : i32
      %dma_start3A_78 = tpu.memref_slice %arg12[%dma_start3A_76, %dma_start3A_77] : memref<1024x8xf32, #tpu.memory_space<vmem>> -> memref<1024x8xf32, #tpu.memory_space<vmem>>
      tpu.enqueue_dma source(%dma_start3A_78 : memref<1024x8xf32, #tpu.memory_space<vmem>>) target(%dma_start3A_75 : memref<1024x8xf32, #tpu.memory_space<vmem_shared>>) target_semaphore(%run_scoped3A : memref<!tpu.dma_semaphore, #tpu.memory_space<semaphore_mem>>)
      %dma_wait3A = arith.constant 0 : i32
      %dma_wait3A_79 = arith.constant 0 : i32
      %dma_wait3A_80 = tpu.memref_slice %arg12[%dma_wait3A, %dma_wait3A_79] : memref<1024x8xf32, #tpu.memory_space<vmem>> -> memref<1024x8xf32, #tpu.memory_space<vmem>>
      %dma_wait3A_81 = arith.constant 0 : i32
      %dma_wait3A_82 = tpu.memref_slice %arg14[%add3A_33, %dma_wait3A_81] : memref<53248x8xf32, #tpu.memory_space<vmem_shared>> -> memref<1024x8xf32, #tpu.memory_space<vmem_shared>>
      %dma_wait3A_83 = arith.constant 0 : i32
      %dma_wait3A_84 = tpu.memref_slice %arg14[%add3A_33, %dma_wait3A_83] : memref<53248x8xf32, #tpu.memory_space<vmem_shared>> -> memref<1024x8xf32, #tpu.memory_space<vmem_shared>>
      %dma_wait3A_85 = arith.constant 0 : i32
      %dma_wait3A_86 = arith.constant 0 : i32
      %dma_wait3A_87 = tpu.memref_slice %arg12[%dma_wait3A_85, %dma_wait3A_86] : memref<1024x8xf32, #tpu.memory_space<vmem>> -> memref<1024x8xf32, #tpu.memory_space<vmem>>
      tpu.wait_dma2 semaphore(%run_scoped3A : memref<!tpu.dma_semaphore, #tpu.memory_space<semaphore_mem>>) src(%dma_wait3A_87 : memref<1024x8xf32, #tpu.memory_space<vmem>>) dst(%dma_wait3A_84 : memref<1024x8xf32, #tpu.memory_space<vmem_shared>>)
      tpu.yield
    }) : () -> ()
    %mul3A_34 = arith.constant 3328 : i32
    %mul3A_35 = arith.muli %arg1, %mul3A_34 : i32
    %add3A_36 = arith.constant 2048 : i32
    %add3A_37 = arith.addi %mul3A_35, %add3A_36 : i32
    "tpu.region"() ({
      %run_scoped3A = tpu.sem_alloc : memref<!tpu.dma_semaphore, #tpu.memory_space<semaphore_mem>>
      %dma_start3A = arith.constant 0 : i32
      %dma_start3A_70 = tpu.memref_slice %arg13[%dma_start3A] : memref<1024xf32, #tpu.memory_space<vmem>> -> memref<1024xf32, #tpu.memory_space<vmem>>
      %dma_start3A_71 = tpu.memref_slice %arg15[%add3A_37] : memref<53248xf32, #tpu.memory_space<vmem_shared>> -> memref<1024xf32, #tpu.memory_space<vmem_shared>>
      %dma_start3A_72 = tpu.memref_slice %arg15[%add3A_37] : memref<53248xf32, #tpu.memory_space<vmem_shared>> -> memref<1024xf32, #tpu.memory_space<vmem_shared>>
      %dma_start3A_73 = arith.constant 0 : i32
      %dma_start3A_74 = tpu.memref_slice %arg13[%dma_start3A_73] : memref<1024xf32, #tpu.memory_space<vmem>> -> memref<1024xf32, #tpu.memory_space<vmem>>
      tpu.enqueue_dma source(%dma_start3A_74 : memref<1024xf32, #tpu.memory_space<vmem>>) target(%dma_start3A_72 : memref<1024xf32, #tpu.memory_space<vmem_shared>>) target_semaphore(%run_scoped3A : memref<!tpu.dma_semaphore, #tpu.memory_space<semaphore_mem>>)
      %dma_wait3A = arith.constant 0 : i32
      %dma_wait3A_75 = tpu.memref_slice %arg13[%dma_wait3A] : memref<1024xf32, #tpu.memory_space<vmem>> -> memref<1024xf32, #tpu.memory_space<vmem>>
      %dma_wait3A_76 = tpu.memref_slice %arg15[%add3A_37] : memref<53248xf32, #tpu.memory_space<vmem_shared>> -> memref<1024xf32, #tpu.memory_space<vmem_shared>>
      %dma_wait3A_77 = tpu.memref_slice %arg15[%add3A_37] : memref<53248xf32, #tpu.memory_space<vmem_shared>> -> memref<1024xf32, #tpu.memory_space<vmem_shared>>
      %dma_wait3A_78 = arith.constant 0 : i32
      %dma_wait3A_79 = tpu.memref_slice %arg13[%dma_wait3A_78] : memref<1024xf32, #tpu.memory_space<vmem>> -> memref<1024xf32, #tpu.memory_space<vmem>>
      tpu.wait_dma2 semaphore(%run_scoped3A : memref<!tpu.dma_semaphore, #tpu.memory_space<semaphore_mem>>) src(%dma_wait3A_79 : memref<1024xf32, #tpu.memory_space<vmem>>) dst(%dma_wait3A_77 : memref<1024xf32, #tpu.memory_space<vmem_shared>>)
      tpu.yield
    }) : () -> ()
    %mul3A_38 = arith.constant 3328 : i32
    %mul3A_39 = arith.muli %arg1, %mul3A_38 : i32
    %add3A_40 = arith.constant 3072 : i32
    %add3A_41 = arith.addi %mul3A_39, %add3A_40 : i32
    "tpu.region"() ({
      %run_scoped3A = tpu.sem_alloc : memref<!tpu.dma_semaphore, #tpu.memory_space<semaphore_mem>>
      %dma_start3A = arith.constant 0 : i32
      %dma_start3A_70 = arith.constant 0 : i32
      %dma_start3A_71 = tpu.memref_slice %arg12[%dma_start3A, %dma_start3A_70] : memref<1024x8xf32, #tpu.memory_space<vmem>> -> memref<256x8xf32, #tpu.memory_space<vmem>>
      %dma_start3A_72 = arith.constant 0 : i32
      %dma_start3A_73 = tpu.memref_slice %arg14[%add3A_41, %dma_start3A_72] : memref<53248x8xf32, #tpu.memory_space<vmem_shared>> -> memref<256x8xf32, #tpu.memory_space<vmem_shared>>
      %dma_start3A_74 = arith.constant 0 : i32
      %dma_start3A_75 = tpu.memref_slice %arg14[%add3A_41, %dma_start3A_74] : memref<53248x8xf32, #tpu.memory_space<vmem_shared>> -> memref<256x8xf32, #tpu.memory_space<vmem_shared>>
      %dma_start3A_76 = arith.constant 0 : i32
      %dma_start3A_77 = arith.constant 0 : i32
      %dma_start3A_78 = tpu.memref_slice %arg12[%dma_start3A_76, %dma_start3A_77] : memref<1024x8xf32, #tpu.memory_space<vmem>> -> memref<256x8xf32, #tpu.memory_space<vmem>>
      tpu.enqueue_dma source(%dma_start3A_78 : memref<256x8xf32, #tpu.memory_space<vmem>>) target(%dma_start3A_75 : memref<256x8xf32, #tpu.memory_space<vmem_shared>>) target_semaphore(%run_scoped3A : memref<!tpu.dma_semaphore, #tpu.memory_space<semaphore_mem>>)
      %dma_wait3A = arith.constant 0 : i32
      %dma_wait3A_79 = arith.constant 0 : i32
      %dma_wait3A_80 = tpu.memref_slice %arg12[%dma_wait3A, %dma_wait3A_79] : memref<1024x8xf32, #tpu.memory_space<vmem>> -> memref<256x8xf32, #tpu.memory_space<vmem>>
      %dma_wait3A_81 = arith.constant 0 : i32
      %dma_wait3A_82 = tpu.memref_slice %arg14[%add3A_41, %dma_wait3A_81] : memref<53248x8xf32, #tpu.memory_space<vmem_shared>> -> memref<256x8xf32, #tpu.memory_space<vmem_shared>>
      %dma_wait3A_83 = arith.constant 0 : i32
      %dma_wait3A_84 = tpu.memref_slice %arg14[%add3A_41, %dma_wait3A_83] : memref<53248x8xf32, #tpu.memory_space<vmem_shared>> -> memref<256x8xf32, #tpu.memory_space<vmem_shared>>
      %dma_wait3A_85 = arith.constant 0 : i32
      %dma_wait3A_86 = arith.constant 0 : i32
      %dma_wait3A_87 = tpu.memref_slice %arg12[%dma_wait3A_85, %dma_wait3A_86] : memref<1024x8xf32, #tpu.memory_space<vmem>> -> memref<256x8xf32, #tpu.memory_space<vmem>>
      tpu.wait_dma2 semaphore(%run_scoped3A : memref<!tpu.dma_semaphore, #tpu.memory_space<semaphore_mem>>) src(%dma_wait3A_87 : memref<256x8xf32, #tpu.memory_space<vmem>>) dst(%dma_wait3A_84 : memref<256x8xf32, #tpu.memory_space<vmem_shared>>)
      tpu.yield
    }) : () -> ()
    %mul3A_42 = arith.constant 3328 : i32
    %mul3A_43 = arith.muli %arg1, %mul3A_42 : i32
    %add3A_44 = arith.constant 3072 : i32
    %add3A_45 = arith.addi %mul3A_43, %add3A_44 : i32
    "tpu.region"() ({
      %run_scoped3A = tpu.sem_alloc : memref<!tpu.dma_semaphore, #tpu.memory_space<semaphore_mem>>
      %dma_start3A = arith.constant 0 : i32
      %dma_start3A_70 = tpu.memref_slice %arg13[%dma_start3A] : memref<1024xf32, #tpu.memory_space<vmem>> -> memref<256xf32, #tpu.memory_space<vmem>>
      %dma_start3A_71 = tpu.memref_slice %arg15[%add3A_45] : memref<53248xf32, #tpu.memory_space<vmem_shared>> -> memref<256xf32, #tpu.memory_space<vmem_shared>>
      %dma_start3A_72 = tpu.memref_slice %arg15[%add3A_45] : memref<53248xf32, #tpu.memory_space<vmem_shared>> -> memref<256xf32, #tpu.memory_space<vmem_shared>>
      %dma_start3A_73 = arith.constant 0 : i32
      %dma_start3A_74 = tpu.memref_slice %arg13[%dma_start3A_73] : memref<1024xf32, #tpu.memory_space<vmem>> -> memref<256xf32, #tpu.memory_space<vmem>>
      tpu.enqueue_dma source(%dma_start3A_74 : memref<256xf32, #tpu.memory_space<vmem>>) target(%dma_start3A_72 : memref<256xf32, #tpu.memory_space<vmem_shared>>) target_semaphore(%run_scoped3A : memref<!tpu.dma_semaphore, #tpu.memory_space<semaphore_mem>>)
      %dma_wait3A = arith.constant 0 : i32
      %dma_wait3A_75 = tpu.memref_slice %arg13[%dma_wait3A] : memref<1024xf32, #tpu.memory_space<vmem>> -> memref<256xf32, #tpu.memory_space<vmem>>
      %dma_wait3A_76 = tpu.memref_slice %arg15[%add3A_45] : memref<53248xf32, #tpu.memory_space<vmem_shared>> -> memref<256xf32, #tpu.memory_space<vmem_shared>>
      %dma_wait3A_77 = tpu.memref_slice %arg15[%add3A_45] : memref<53248xf32, #tpu.memory_space<vmem_shared>> -> memref<256xf32, #tpu.memory_space<vmem_shared>>
      %dma_wait3A_78 = arith.constant 0 : i32
      %dma_wait3A_79 = tpu.memref_slice %arg13[%dma_wait3A_78] : memref<1024xf32, #tpu.memory_space<vmem>> -> memref<256xf32, #tpu.memory_space<vmem>>
      tpu.wait_dma2 semaphore(%run_scoped3A : memref<!tpu.dma_semaphore, #tpu.memory_space<semaphore_mem>>) src(%dma_wait3A_79 : memref<256xf32, #tpu.memory_space<vmem>>) dst(%dma_wait3A_77 : memref<256xf32, #tpu.memory_space<vmem_shared>>)
      tpu.yield
    }) : () -> ()
    %barrier3A = arith.constant 0 : index
    tpu.barrier barrier_id(%barrier3A)
    %mul3A_46 = arith.constant 40 : i32
    %mul3A_47 = arith.muli %add3A, %mul3A_46 : i32
    %scan3A_48 = arith.constant 0 : i32
    %scan3A_49 = arith.constant 0 : i32
    %scan3A_50 = arith.constant 0 : i32
    %scan3A_51 = arith.addi %scan3A_49, %scan3A_50 : i32
    %scan3A_52 = arith.constant 0 : i32
    %barrier3A_53 = arith.constant 0 : index
    tpu.barrier barrier_id(%barrier3A_53)
    %mul3A_54 = arith.constant 3328 : i32
    %mul3A_55 = arith.muli %arg1, %mul3A_54 : i32
    %add3A_56 = arith.constant 0 : i32
    %add3A_57 = arith.addi %mul3A_55, %add3A_56 : i32
    "tpu.region"() ({
      %run_scoped3A = tpu.sem_alloc : memref<!tpu.dma_semaphore, #tpu.memory_space<semaphore_mem>>
      %dma_start3A = arith.constant 0 : i32
      %dma_start3A_70 = tpu.memref_slice %arg6[%arg0, %add3A_57, %dma_start3A] : memref<2x53248x8xf32, #tpu.memory_space<hbm>> -> memref<1x1024x8xf32, #tpu.memory_space<hbm>>
      %dma_start3A_71 = tpu.memref_squeeze %dma_start3A_70 : memref<1x1024x8xf32, #tpu.memory_space<hbm>> -> memref<1024x8xf32, #tpu.memory_space<hbm>>
      %dma_start3A_72 = arith.constant 0 : i32
      %dma_start3A_73 = tpu.memref_slice %arg14[%add3A_57, %dma_start3A_72] : memref<53248x8xf32, #tpu.memory_space<vmem_shared>> -> memref<1024x8xf32, #tpu.memory_space<vmem_shared>>
      tpu.enqueue_dma source(%dma_start3A_73 : memref<1024x8xf32, #tpu.memory_space<vmem_shared>>) target(%dma_start3A_71 : memref<1024x8xf32, #tpu.memory_space<hbm>>) target_semaphore(%run_scoped3A : memref<!tpu.dma_semaphore, #tpu.memory_space<semaphore_mem>>)
      %dma_wait3A = arith.constant 0 : i32
      %dma_wait3A_74 = tpu.memref_slice %arg6[%arg0, %add3A_57, %dma_wait3A] : memref<2x53248x8xf32, #tpu.memory_space<hbm>> -> memref<1x1024x8xf32, #tpu.memory_space<hbm>>
      %dma_wait3A_75 = tpu.memref_squeeze %dma_wait3A_74 : memref<1x1024x8xf32, #tpu.memory_space<hbm>> -> memref<1024x8xf32, #tpu.memory_space<hbm>>
      %dma_wait3A_76 = arith.constant 0 : i32
      %dma_wait3A_77 = tpu.memref_slice %arg14[%add3A_57, %dma_wait3A_76] : memref<53248x8xf32, #tpu.memory_space<vmem_shared>> -> memref<1024x8xf32, #tpu.memory_space<vmem_shared>>
      tpu.wait_dma2 semaphore(%run_scoped3A : memref<!tpu.dma_semaphore, #tpu.memory_space<semaphore_mem>>) src(%dma_wait3A_77 : memref<1024x8xf32, #tpu.memory_space<vmem_shared>>) dst(%dma_wait3A_75 : memref<1024x8xf32, #tpu.memory_space<hbm>>)
      tpu.yield
    }) : () -> ()
    "tpu.region"() ({
      %run_scoped3A = tpu.sem_alloc : memref<!tpu.dma_semaphore, #tpu.memory_space<semaphore_mem>>
      %dma_start3A = tpu.memref_slice %arg7[%arg0, %add3A_57] : memref<2x53248xf32, #tpu.memory_space<hbm>> -> memref<1x1024xf32, #tpu.memory_space<hbm>>
      %dma_start3A_70 = tpu.memref_squeeze %dma_start3A : memref<1x1024xf32, #tpu.memory_space<hbm>> -> memref<1024xf32, #tpu.memory_space<hbm>>
      %dma_start3A_71 = tpu.memref_slice %arg15[%add3A_57] : memref<53248xf32, #tpu.memory_space<vmem_shared>> -> memref<1024xf32, #tpu.memory_space<vmem_shared>>
      tpu.enqueue_dma source(%dma_start3A_71 : memref<1024xf32, #tpu.memory_space<vmem_shared>>) target(%dma_start3A_70 : memref<1024xf32, #tpu.memory_space<hbm>>) target_semaphore(%run_scoped3A : memref<!tpu.dma_semaphore, #tpu.memory_space<semaphore_mem>>)
      %dma_wait3A = tpu.memref_slice %arg7[%arg0, %add3A_57] : memref<2x53248xf32, #tpu.memory_space<hbm>> -> memref<1x1024xf32, #tpu.memory_space<hbm>>
      %dma_wait3A_72 = tpu.memref_squeeze %dma_wait3A : memref<1x1024xf32, #tpu.memory_space<hbm>> -> memref<1024xf32, #tpu.memory_space<hbm>>
      %dma_wait3A_73 = tpu.memref_slice %arg15[%add3A_57] : memref<53248xf32, #tpu.memory_space<vmem_shared>> -> memref<1024xf32, #tpu.memory_space<vmem_shared>>
      tpu.wait_dma2 semaphore(%run_scoped3A : memref<!tpu.dma_semaphore, #tpu.memory_space<semaphore_mem>>) src(%dma_wait3A_73 : memref<1024xf32, #tpu.memory_space<vmem_shared>>) dst(%dma_wait3A_72 : memref<1024xf32, #tpu.memory_space<hbm>>)
      tpu.yield
    }) : () -> ()
    %mul3A_58 = arith.constant 3328 : i32
    %mul3A_59 = arith.muli %arg1, %mul3A_58 : i32
    %add3A_60 = arith.constant 1024 : i32
    %add3A_61 = arith.addi %mul3A_59, %add3A_60 : i32
    "tpu.region"() ({
      %run_scoped3A = tpu.sem_alloc : memref<!tpu.dma_semaphore, #tpu.memory_space<semaphore_mem>>
      %dma_start3A = arith.constant 0 : i32
      %dma_start3A_70 = tpu.memref_slice %arg6[%arg0, %add3A_61, %dma_start3A] : memref<2x53248x8xf32, #tpu.memory_space<hbm>> -> memref<1x1024x8xf32, #tpu.memory_space<hbm>>
      %dma_start3A_71 = tpu.memref_squeeze %dma_start3A_70 : memref<1x1024x8xf32, #tpu.memory_space<hbm>> -> memref<1024x8xf32, #tpu.memory_space<hbm>>
      %dma_start3A_72 = arith.constant 0 : i32
      %dma_start3A_73 = tpu.memref_slice %arg14[%add3A_61, %dma_start3A_72] : memref<53248x8xf32, #tpu.memory_space<vmem_shared>> -> memref<1024x8xf32, #tpu.memory_space<vmem_shared>>
      tpu.enqueue_dma source(%dma_start3A_73 : memref<1024x8xf32, #tpu.memory_space<vmem_shared>>) target(%dma_start3A_71 : memref<1024x8xf32, #tpu.memory_space<hbm>>) target_semaphore(%run_scoped3A : memref<!tpu.dma_semaphore, #tpu.memory_space<semaphore_mem>>)
      %dma_wait3A = arith.constant 0 : i32
      %dma_wait3A_74 = tpu.memref_slice %arg6[%arg0, %add3A_61, %dma_wait3A] : memref<2x53248x8xf32, #tpu.memory_space<hbm>> -> memref<1x1024x8xf32, #tpu.memory_space<hbm>>
      %dma_wait3A_75 = tpu.memref_squeeze %dma_wait3A_74 : memref<1x1024x8xf32, #tpu.memory_space<hbm>> -> memref<1024x8xf32, #tpu.memory_space<hbm>>
      %dma_wait3A_76 = arith.constant 0 : i32
      %dma_wait3A_77 = tpu.memref_slice %arg14[%add3A_61, %dma_wait3A_76] : memref<53248x8xf32, #tpu.memory_space<vmem_shared>> -> memref<1024x8xf32, #tpu.memory_space<vmem_shared>>
      tpu.wait_dma2 semaphore(%run_scoped3A : memref<!tpu.dma_semaphore, #tpu.memory_space<semaphore_mem>>) src(%dma_wait3A_77 : memref<1024x8xf32, #tpu.memory_space<vmem_shared>>) dst(%dma_wait3A_75 : memref<1024x8xf32, #tpu.memory_space<hbm>>)
      tpu.yield
    }) : () -> ()
    "tpu.region"() ({
      %run_scoped3A = tpu.sem_alloc : memref<!tpu.dma_semaphore, #tpu.memory_space<semaphore_mem>>
      %dma_start3A = tpu.memref_slice %arg7[%arg0, %add3A_61] : memref<2x53248xf32, #tpu.memory_space<hbm>> -> memref<1x1024xf32, #tpu.memory_space<hbm>>
      %dma_start3A_70 = tpu.memref_squeeze %dma_start3A : memref<1x1024xf32, #tpu.memory_space<hbm>> -> memref<1024xf32, #tpu.memory_space<hbm>>
      %dma_start3A_71 = tpu.memref_slice %arg15[%add3A_61] : memref<53248xf32, #tpu.memory_space<vmem_shared>> -> memref<1024xf32, #tpu.memory_space<vmem_shared>>
      tpu.enqueue_dma source(%dma_start3A_71 : memref<1024xf32, #tpu.memory_space<vmem_shared>>) target(%dma_start3A_70 : memref<1024xf32, #tpu.memory_space<hbm>>) target_semaphore(%run_scoped3A : memref<!tpu.dma_semaphore, #tpu.memory_space<semaphore_mem>>)
      %dma_wait3A = tpu.memref_slice %arg7[%arg0, %add3A_61] : memref<2x53248xf32, #tpu.memory_space<hbm>> -> memref<1x1024xf32, #tpu.memory_space<hbm>>
      %dma_wait3A_72 = tpu.memref_squeeze %dma_wait3A : memref<1x1024xf32, #tpu.memory_space<hbm>> -> memref<1024xf32, #tpu.memory_space<hbm>>
      %dma_wait3A_73 = tpu.memref_slice %arg15[%add3A_61] : memref<53248xf32, #tpu.memory_space<vmem_shared>> -> memref<1024xf32, #tpu.memory_space<vmem_shared>>
      tpu.wait_dma2 semaphore(%run_scoped3A : memref<!tpu.dma_semaphore, #tpu.memory_space<semaphore_mem>>) src(%dma_wait3A_73 : memref<1024xf32, #tpu.memory_space<vmem_shared>>) dst(%dma_wait3A_72 : memref<1024xf32, #tpu.memory_space<hbm>>)
      tpu.yield
    }) : () -> ()
    %mul3A_62 = arith.constant 3328 : i32
    %mul3A_63 = arith.muli %arg1, %mul3A_62 : i32
    %add3A_64 = arith.constant 2048 : i32
    %add3A_65 = arith.addi %mul3A_63, %add3A_64 : i32
    "tpu.region"() ({
      %run_scoped3A = tpu.sem_alloc : memref<!tpu.dma_semaphore, #tpu.memory_space<semaphore_mem>>
      %dma_start3A = arith.constant 0 : i32
      %dma_start3A_70 = tpu.memref_slice %arg6[%arg0, %add3A_65, %dma_start3A] : memref<2x53248x8xf32, #tpu.memory_space<hbm>> -> memref<1x1024x8xf32, #tpu.memory_space<hbm>>
      %dma_start3A_71 = tpu.memref_squeeze %dma_start3A_70 : memref<1x1024x8xf32, #tpu.memory_space<hbm>> -> memref<1024x8xf32, #tpu.memory_space<hbm>>
      %dma_start3A_72 = arith.constant 0 : i32
      %dma_start3A_73 = tpu.memref_slice %arg14[%add3A_65, %dma_start3A_72] : memref<53248x8xf32, #tpu.memory_space<vmem_shared>> -> memref<1024x8xf32, #tpu.memory_space<vmem_shared>>
      tpu.enqueue_dma source(%dma_start3A_73 : memref<1024x8xf32, #tpu.memory_space<vmem_shared>>) target(%dma_start3A_71 : memref<1024x8xf32, #tpu.memory_space<hbm>>) target_semaphore(%run_scoped3A : memref<!tpu.dma_semaphore, #tpu.memory_space<semaphore_mem>>)
      %dma_wait3A = arith.constant 0 : i32
      %dma_wait3A_74 = tpu.memref_slice %arg6[%arg0, %add3A_65, %dma_wait3A] : memref<2x53248x8xf32, #tpu.memory_space<hbm>> -> memref<1x1024x8xf32, #tpu.memory_space<hbm>>
      %dma_wait3A_75 = tpu.memref_squeeze %dma_wait3A_74 : memref<1x1024x8xf32, #tpu.memory_space<hbm>> -> memref<1024x8xf32, #tpu.memory_space<hbm>>
      %dma_wait3A_76 = arith.constant 0 : i32
      %dma_wait3A_77 = tpu.memref_slice %arg14[%add3A_65, %dma_wait3A_76] : memref<53248x8xf32, #tpu.memory_space<vmem_shared>> -> memref<1024x8xf32, #tpu.memory_space<vmem_shared>>
      tpu.wait_dma2 semaphore(%run_scoped3A : memref<!tpu.dma_semaphore, #tpu.memory_space<semaphore_mem>>) src(%dma_wait3A_77 : memref<1024x8xf32, #tpu.memory_space<vmem_shared>>) dst(%dma_wait3A_75 : memref<1024x8xf32, #tpu.memory_space<hbm>>)
      tpu.yield
    }) : () -> ()
    "tpu.region"() ({
      %run_scoped3A = tpu.sem_alloc : memref<!tpu.dma_semaphore, #tpu.memory_space<semaphore_mem>>
      %dma_start3A = tpu.memref_slice %arg7[%arg0, %add3A_65] : memref<2x53248xf32, #tpu.memory_space<hbm>> -> memref<1x1024xf32, #tpu.memory_space<hbm>>
      %dma_start3A_70 = tpu.memref_squeeze %dma_start3A : memref<1x1024xf32, #tpu.memory_space<hbm>> -> memref<1024xf32, #tpu.memory_space<hbm>>
      %dma_start3A_71 = tpu.memref_slice %arg15[%add3A_65] : memref<53248xf32, #tpu.memory_space<vmem_shared>> -> memref<1024xf32, #tpu.memory_space<vmem_shared>>
      tpu.enqueue_dma source(%dma_start3A_71 : memref<1024xf32, #tpu.memory_space<vmem_shared>>) target(%dma_start3A_70 : memref<1024xf32, #tpu.memory_space<hbm>>) target_semaphore(%run_scoped3A : memref<!tpu.dma_semaphore, #tpu.memory_space<semaphore_mem>>)
      %dma_wait3A = tpu.memref_slice %arg7[%arg0, %add3A_65] : memref<2x53248xf32, #tpu.memory_space<hbm>> -> memref<1x1024xf32, #tpu.memory_space<hbm>>
      %dma_wait3A_72 = tpu.memref_squeeze %dma_wait3A : memref<1x1024xf32, #tpu.memory_space<hbm>> -> memref<1024xf32, #tpu.memory_space<hbm>>
      %dma_wait3A_73 = tpu.memref_slice %arg15[%add3A_65] : memref<53248xf32, #tpu.memory_space<vmem_shared>> -> memref<1024xf32, #tpu.memory_space<vmem_shared>>
      tpu.wait_dma2 semaphore(%run_scoped3A : memref<!tpu.dma_semaphore, #tpu.memory_space<semaphore_mem>>) src(%dma_wait3A_73 : memref<1024xf32, #tpu.memory_space<vmem_shared>>) dst(%dma_wait3A_72 : memref<1024xf32, #tpu.memory_space<hbm>>)
      tpu.yield
    }) : () -> ()
    %mul3A_66 = arith.constant 3328 : i32
    %mul3A_67 = arith.muli %arg1, %mul3A_66 : i32
    %add3A_68 = arith.constant 3072 : i32
    %add3A_69 = arith.addi %mul3A_67, %add3A_68 : i32
    "tpu.region"() ({
      %run_scoped3A = tpu.sem_alloc : memref<!tpu.dma_semaphore, #tpu.memory_space<semaphore_mem>>
      %dma_start3A = arith.constant 0 : i32
      %dma_start3A_70 = tpu.memref_slice %arg6[%arg0, %add3A_69, %dma_start3A] : memref<2x53248x8xf32, #tpu.memory_space<hbm>> -> memref<1x256x8xf32, #tpu.memory_space<hbm>>
      %dma_start3A_71 = tpu.memref_squeeze %dma_start3A_70 : memref<1x256x8xf32, #tpu.memory_space<hbm>> -> memref<256x8xf32, #tpu.memory_space<hbm>>
      %dma_start3A_72 = arith.constant 0 : i32
      %dma_start3A_73 = tpu.memref_slice %arg14[%add3A_69, %dma_start3A_72] : memref<53248x8xf32, #tpu.memory_space<vmem_shared>> -> memref<256x8xf32, #tpu.memory_space<vmem_shared>>
      tpu.enqueue_dma source(%dma_start3A_73 : memref<256x8xf32, #tpu.memory_space<vmem_shared>>) target(%dma_start3A_71 : memref<256x8xf32, #tpu.memory_space<hbm>>) target_semaphore(%run_scoped3A : memref<!tpu.dma_semaphore, #tpu.memory_space<semaphore_mem>>)
      %dma_wait3A = arith.constant 0 : i32
      %dma_wait3A_74 = tpu.memref_slice %arg6[%arg0, %add3A_69, %dma_wait3A] : memref<2x53248x8xf32, #tpu.memory_space<hbm>> -> memref<1x256x8xf32, #tpu.memory_space<hbm>>
      %dma_wait3A_75 = tpu.memref_squeeze %dma_wait3A_74 : memref<1x256x8xf32, #tpu.memory_space<hbm>> -> memref<256x8xf32, #tpu.memory_space<hbm>>
      %dma_wait3A_76 = arith.constant 0 : i32
      %dma_wait3A_77 = tpu.memref_slice %arg14[%add3A_69, %dma_wait3A_76] : memref<53248x8xf32, #tpu.memory_space<vmem_shared>> -> memref<256x8xf32, #tpu.memory_space<vmem_shared>>
      tpu.wait_dma2 semaphore(%run_scoped3A : memref<!tpu.dma_semaphore, #tpu.memory_space<semaphore_mem>>) src(%dma_wait3A_77 : memref<256x8xf32, #tpu.memory_space<vmem_shared>>) dst(%dma_wait3A_75 : memref<256x8xf32, #tpu.memory_space<hbm>>)
      tpu.yield
    }) : () -> ()
    "tpu.region"() ({
      %run_scoped3A = tpu.sem_alloc : memref<!tpu.dma_semaphore, #tpu.memory_space<semaphore_mem>>
      %dma_start3A = tpu.memref_slice %arg7[%arg0, %add3A_69] : memref<2x53248xf32, #tpu.memory_space<hbm>> -> memref<1x256xf32, #tpu.memory_space<hbm>>
      %dma_start3A_70 = tpu.memref_squeeze %dma_start3A : memref<1x256xf32, #tpu.memory_space<hbm>> -> memref<256xf32, #tpu.memory_space<hbm>>
      %dma_start3A_71 = tpu.memref_slice %arg15[%add3A_69] : memref<53248xf32, #tpu.memory_space<vmem_shared>> -> memref<256xf32, #tpu.memory_space<vmem_shared>>
      tpu.enqueue_dma source(%dma_start3A_71 : memref<256xf32, #tpu.memory_space<vmem_shared>>) target(%dma_start3A_70 : memref<256xf32, #tpu.memory_space<hbm>>) target_semaphore(%run_scoped3A : memref<!tpu.dma_semaphore, #tpu.memory_space<semaphore_mem>>)
      %dma_wait3A = tpu.memref_slice %arg7[%arg0, %add3A_69] : memref<2x53248xf32, #tpu.memory_space<hbm>> -> memref<1x256xf32, #tpu.memory_space<hbm>>
      %dma_wait3A_72 = tpu.memref_squeeze %dma_wait3A : memref<1x256xf32, #tpu.memory_space<hbm>> -> memref<256xf32, #tpu.memory_space<hbm>>
      %dma_wait3A_73 = tpu.memref_slice %arg15[%add3A_69] : memref<53248xf32, #tpu.memory_space<vmem_shared>> -> memref<256xf32, #tpu.memory_space<vmem_shared>>
      tpu.wait_dma2 semaphore(%run_scoped3A : memref<!tpu.dma_semaphore, #tpu.memory_space<semaphore_mem>>) src(%dma_wait3A_73 : memref<256xf32, #tpu.memory_space<vmem_shared>>) dst(%dma_wait3A_72 : memref<256xf32, #tpu.memory_space<hbm>>)
      tpu.yield
    }) : () -> ()
    return
  }
}

#map = affine_map<(d0, d1) -> (0, 0)>
#map1 = affine_map<(d0, d1) -> (0, 0, 0)>
module attributes {stable_mosaic.version = 14 : i64} {
  func.func @body(%arg0: i32, %arg1: i32, %arg2: memref<51000x16xf32, #tpu.memory_space<hbm>>, %arg3: memref<101000x16xf32, #tpu.memory_space<hbm>>, %arg4: memref<6400x128xi32, #tpu.memory_space<hbm>>, %arg5: memref<6400x128xi32, #tpu.memory_space<hbm>>, %arg6: memref<2x102400x8xf32, #tpu.memory_space<hbm>>, %arg7: memref<2x102400xf32, #tpu.memory_space<hbm>>, %arg8: memref<8x128xi32, #tpu.memory_space<vmem>>, %arg9: memref<8x128xi32, #tpu.memory_space<vmem>>, %arg10: memref<1024x16xf32, #tpu.memory_space<vmem>>, %arg11: memref<1024x16xf32, #tpu.memory_space<vmem>>, %arg12: memref<1024x8xf32, #tpu.memory_space<vmem>>, %arg13: memref<1024xf32, #tpu.memory_space<vmem>>, %arg14: memref<102400x8xf32, #tpu.memory_space<vmem_shared>>, %arg15: memref<102400xf32, #tpu.memory_space<vmem_shared>>, %arg16: memref<!tpu.dma_semaphore, #tpu.memory_space<semaphore_mem>>) attributes {dimension_semantics = [#tpu.dimension_semantics<core_parallel>, #tpu.dimension_semantics<subcore_parallel>], iteration_bounds = array<i64: 2, 16>, scalar_prefetch = 0 : i64, scratch_operands = 9 : i64, tpu.core_type = #tpu.core_type<sc_vector_subcore>, window_params = [{transform_indices = #map}, {transform_indices = #map}, {transform_indices = #map}, {transform_indices = #map}, {transform_indices = #map1}, {transform_indices = #map}]} {
    %mul3A = arith.constant 16 : i32
    %mul3A_0 = arith.muli %arg0, %mul3A : i32
    %add3A = arith.addi %mul3A_0, %arg1 : i32
    %scan3A = arith.constant 0 : i32
    %scan3A_1 = arith.constant 0 : i32
    %scan3A_2 = arith.constant 512 : i32
    %scan3A_3 = arith.addi %scan3A_1, %scan3A_2 : i32
    %scan3A_4 = arith.constant 1 : i32
    %scan3A_5 = scf.for %scan3A_106 = %scan3A_1 to %scan3A_3 step %scan3A_4 iter_args(%scan3A_107 = %scan3A) -> (i32)  : i32 {
      %mul3A_108 = arith.constant 2 : i32
      %mul3A_109 = arith.muli %scan3A_106, %mul3A_108 : i32
      %iota3A = tpu.iota {dimensions = array<i32: 0>} : vector<16xi32>
      %jit3A = arith.constant 8 : i32
      %div3A = vector.broadcast %jit3A : i32 to vector<16xi32>
      %div3A_110 = arith.divsi %iota3A, %div3A : vector<16xi32>
      %sign3A = arith.constant 0 : i32
      %sign3A_111 = vector.broadcast %sign3A : i32 to vector<16xi32>
      %sign3A_112 = arith.cmpi sgt, %iota3A, %sign3A_111 : vector<16xi32>
      %sign3A_113 = arith.extui %sign3A_112 : vector<16xi1> to vector<16xi32>
      %sign3A_114 = arith.constant 0 : i32
      %sign3A_115 = vector.broadcast %sign3A_114 : i32 to vector<16xi32>
      %sign3A_116 = arith.cmpi slt, %iota3A, %sign3A_115 : vector<16xi32>
      %sign3A_117 = arith.extui %sign3A_116 : vector<16xi1> to vector<16xi32>
      %sign3A_118 = arith.subi %sign3A_113, %sign3A_117 : vector<16xi32>
      %sign3A_119 = arith.constant 0 : i32
      %sign3A_120 = arith.cmpi sgt, %jit3A, %sign3A_119 : i32
      %sign3A_121 = arith.extui %sign3A_120 : i1 to i32
      %sign3A_122 = arith.constant 0 : i32
      %sign3A_123 = arith.cmpi slt, %jit3A, %sign3A_122 : i32
      %sign3A_124 = arith.extui %sign3A_123 : i1 to i32
      %sign3A_125 = arith.subi %sign3A_121, %sign3A_124 : i32
      %ne3A = vector.broadcast %sign3A_125 : i32 to vector<16xi32>
      %ne3A_126 = arith.cmpi ne, %sign3A_118, %ne3A : vector<16xi32>
      %rem3A = vector.broadcast %jit3A : i32 to vector<16xi32>
      %rem3A_127 = arith.remsi %iota3A, %rem3A : vector<16xi32>
      %ne3A_128 = arith.constant 0 : i32
      %ne3A_129 = vector.broadcast %ne3A_128 : i32 to vector<16xi32>
      %ne3A_130 = arith.cmpi ne, %rem3A_127, %ne3A_129 : vector<16xi32>
      %and3A = arith.andi %ne3A_126, %ne3A_130 : vector<16xi1>
      %sub3A = arith.constant 1 : i32
      %sub3A_131 = vector.broadcast %sub3A : i32 to vector<16xi32>
      %sub3A_132 = arith.subi %div3A_110, %sub3A_131 : vector<16xi32>
      %select_n3A = arith.select %and3A, %sub3A_132, %div3A_110 : vector<16xi1>, vector<16xi32>
      %add3A_133 = vector.broadcast %mul3A_109 : i32 to vector<16xi32>
      %add3A_134 = arith.addi %add3A_133, %select_n3A : vector<16xi32>
      %iota3A_135 = tpu.iota {dimensions = array<i32: 0>} : vector<16xi32>
      %jit3A_136 = arith.constant 8 : i32
      %eq3A = arith.constant 0 : i32
      %eq3A_137 = arith.cmpi eq, %jit3A_136, %eq3A : i32
      %jit3A_138 = arith.constant 1 : i32
      %select_n3A_139 = arith.select %eq3A_137, %jit3A_138, %jit3A_136 : i32
      %rem3A_140 = vector.broadcast %select_n3A_139 : i32 to vector<16xi32>
      %rem3A_141 = arith.remsi %iota3A_135, %rem3A_140 : vector<16xi32>
      %ne3A_142 = arith.constant 0 : i32
      %ne3A_143 = vector.broadcast %ne3A_142 : i32 to vector<16xi32>
      %ne3A_144 = arith.cmpi ne, %rem3A_141, %ne3A_143 : vector<16xi32>
      %lt3A = arith.constant 0 : i32
      %lt3A_145 = vector.broadcast %lt3A : i32 to vector<16xi32>
      %lt3A_146 = arith.cmpi slt, %rem3A_141, %lt3A_145 : vector<16xi32>
      %lt3A_147 = arith.constant 0 : i32
      %lt3A_148 = arith.cmpi slt, %select_n3A_139, %lt3A_147 : i32
      %ne3A_149 = vector.broadcast %lt3A_148 : i1 to vector<16xi1>
      %ne3A_150 = vector.broadcast %ne3A_149 : vector<16xi1> to vector<16xi1>
      %ne3A_151 = arith.xori %lt3A_146, %ne3A_150 : vector<16xi1>
      %and3A_152 = arith.andi %ne3A_151, %ne3A_144 : vector<16xi1>
      %add3A_153 = vector.broadcast %select_n3A_139 : i32 to vector<16xi32>
      %add3A_154 = arith.addi %rem3A_141, %add3A_153 : vector<16xi32>
      %select_n3A_155 = arith.select %and3A_152, %add3A_154, %rem3A_141 : vector<16xi1>, vector<16xi32>
      %broadcast_in_dim3A = arith.constant 0.000000e+00 : f32
      %broadcast_in_dim3A_156 = vector.broadcast %broadcast_in_dim3A : f32 to vector<16xf32>
      tpu.vector_store_idx %arg12[%add3A_134, %select_n3A_155], %broadcast_in_dim3A_156 : memref<1024x8xf32, #tpu.memory_space<vmem>>[vector<16xi32>, vector<16xi32>], vector<16xf32>,
      %scan3A_157 = arith.constant 0 : i32
      scf.yield %scan3A_157 : i32
    }
    %scan3A_6 = arith.constant 512 : i32
    %scan3A_7 = arith.constant 0 : i32
    %scan3A_8 = arith.constant 0 : i32
    %scan3A_9 = arith.constant 64 : i32
    %scan3A_10 = arith.addi %scan3A_8, %scan3A_9 : i32
    %scan3A_11 = arith.constant 1 : i32
    %scan3A_12 = scf.for %scan3A_106 = %scan3A_8 to %scan3A_10 step %scan3A_11 iter_args(%scan3A_107 = %scan3A_7) -> (i32)  : i32 {
      %broadcast_in_dim3A = arith.constant 0.000000e+00 : f32
      %broadcast_in_dim3A_108 = vector.broadcast %broadcast_in_dim3A : f32 to vector<16xf32>
      %mul3A_109 = arith.constant 16 : i32
      %mul3A_110 = arith.muli %scan3A_106, %mul3A_109 : i32
      %swap3A = arith.index_cast %mul3A_110 : i32 to index
      %swap3A_111 = tpu.vector_load %arg13[%swap3A] {strides = array<i32>} : memref<1024xf32, #tpu.memory_space<vmem>>, vector<16xf32>,
      tpu.vector_store %arg13[%swap3A], %broadcast_in_dim3A_108 {strides = array<i32>} : memref<1024xf32, #tpu.memory_space<vmem>>, vector<16xf32>,
      %scan3A_112 = arith.constant 0 : i32
      scf.yield %scan3A_112 : i32
    }
    %scan3A_13 = arith.constant 64 : i32
    %mul3A_14 = arith.constant 6400 : i32
    %mul3A_15 = arith.muli %arg1, %mul3A_14 : i32
    %add3A_16 = arith.constant 0 : i32
    %add3A_17 = arith.addi %mul3A_15, %add3A_16 : i32
    "tpu.region"() ({
      %run_scoped3A = tpu.sem_alloc : memref<!tpu.dma_semaphore, #tpu.memory_space<semaphore_mem>>
      %dma_start3A = arith.constant 0 : i32
      %dma_start3A_106 = arith.constant 0 : i32
      %dma_start3A_107 = tpu.memref_slice %arg12[%dma_start3A, %dma_start3A_106] : memref<1024x8xf32, #tpu.memory_space<vmem>> -> memref<1024x8xf32, #tpu.memory_space<vmem>>
      %dma_start3A_108 = arith.constant 0 : i32
      %dma_start3A_109 = tpu.memref_slice %arg14[%add3A_17, %dma_start3A_108] : memref<102400x8xf32, #tpu.memory_space<vmem_shared>> -> memref<1024x8xf32, #tpu.memory_space<vmem_shared>>
      %dma_start3A_110 = arith.constant 0 : i32
      %dma_start3A_111 = tpu.memref_slice %arg14[%add3A_17, %dma_start3A_110] : memref<102400x8xf32, #tpu.memory_space<vmem_shared>> -> memref<1024x8xf32, #tpu.memory_space<vmem_shared>>
      %dma_start3A_112 = arith.constant 0 : i32
      %dma_start3A_113 = arith.constant 0 : i32
      %dma_start3A_114 = tpu.memref_slice %arg12[%dma_start3A_112, %dma_start3A_113] : memref<1024x8xf32, #tpu.memory_space<vmem>> -> memref<1024x8xf32, #tpu.memory_space<vmem>>
      tpu.enqueue_dma source(%dma_start3A_114 : memref<1024x8xf32, #tpu.memory_space<vmem>>) target(%dma_start3A_111 : memref<1024x8xf32, #tpu.memory_space<vmem_shared>>) target_semaphore(%run_scoped3A : memref<!tpu.dma_semaphore, #tpu.memory_space<semaphore_mem>>)
      %dma_wait3A = arith.constant 0 : i32
      %dma_wait3A_115 = arith.constant 0 : i32
      %dma_wait3A_116 = tpu.memref_slice %arg12[%dma_wait3A, %dma_wait3A_115] : memref<1024x8xf32, #tpu.memory_space<vmem>> -> memref<1024x8xf32, #tpu.memory_space<vmem>>
      %dma_wait3A_117 = arith.constant 0 : i32
      %dma_wait3A_118 = tpu.memref_slice %arg14[%add3A_17, %dma_wait3A_117] : memref<102400x8xf32, #tpu.memory_space<vmem_shared>> -> memref<1024x8xf32, #tpu.memory_space<vmem_shared>>
      %dma_wait3A_119 = arith.constant 0 : i32
      %dma_wait3A_120 = tpu.memref_slice %arg14[%add3A_17, %dma_wait3A_119] : memref<102400x8xf32, #tpu.memory_space<vmem_shared>> -> memref<1024x8xf32, #tpu.memory_space<vmem_shared>>
      %dma_wait3A_121 = arith.constant 0 : i32
      %dma_wait3A_122 = arith.constant 0 : i32
      %dma_wait3A_123 = tpu.memref_slice %arg12[%dma_wait3A_121, %dma_wait3A_122] : memref<1024x8xf32, #tpu.memory_space<vmem>> -> memref<1024x8xf32, #tpu.memory_space<vmem>>
      tpu.wait_dma2 semaphore(%run_scoped3A : memref<!tpu.dma_semaphore, #tpu.memory_space<semaphore_mem>>) src(%dma_wait3A_123 : memref<1024x8xf32, #tpu.memory_space<vmem>>) dst(%dma_wait3A_120 : memref<1024x8xf32, #tpu.memory_space<vmem_shared>>)
      tpu.yield
    }) : () -> ()
    %mul3A_18 = arith.constant 6400 : i32
    %mul3A_19 = arith.muli %arg1, %mul3A_18 : i32
    %add3A_20 = arith.constant 0 : i32
    %add3A_21 = arith.addi %mul3A_19, %add3A_20 : i32
    "tpu.region"() ({
      %run_scoped3A = tpu.sem_alloc : memref<!tpu.dma_semaphore, #tpu.memory_space<semaphore_mem>>
      %dma_start3A = arith.constant 0 : i32
      %dma_start3A_106 = tpu.memref_slice %arg13[%dma_start3A] : memref<1024xf32, #tpu.memory_space<vmem>> -> memref<1024xf32, #tpu.memory_space<vmem>>
      %dma_start3A_107 = tpu.memref_slice %arg15[%add3A_21] : memref<102400xf32, #tpu.memory_space<vmem_shared>> -> memref<1024xf32, #tpu.memory_space<vmem_shared>>
      %dma_start3A_108 = tpu.memref_slice %arg15[%add3A_21] : memref<102400xf32, #tpu.memory_space<vmem_shared>> -> memref<1024xf32, #tpu.memory_space<vmem_shared>>
      %dma_start3A_109 = arith.constant 0 : i32
      %dma_start3A_110 = tpu.memref_slice %arg13[%dma_start3A_109] : memref<1024xf32, #tpu.memory_space<vmem>> -> memref<1024xf32, #tpu.memory_space<vmem>>
      tpu.enqueue_dma source(%dma_start3A_110 : memref<1024xf32, #tpu.memory_space<vmem>>) target(%dma_start3A_108 : memref<1024xf32, #tpu.memory_space<vmem_shared>>) target_semaphore(%run_scoped3A : memref<!tpu.dma_semaphore, #tpu.memory_space<semaphore_mem>>)
      %dma_wait3A = arith.constant 0 : i32
      %dma_wait3A_111 = tpu.memref_slice %arg13[%dma_wait3A] : memref<1024xf32, #tpu.memory_space<vmem>> -> memref<1024xf32, #tpu.memory_space<vmem>>
      %dma_wait3A_112 = tpu.memref_slice %arg15[%add3A_21] : memref<102400xf32, #tpu.memory_space<vmem_shared>> -> memref<1024xf32, #tpu.memory_space<vmem_shared>>
      %dma_wait3A_113 = tpu.memref_slice %arg15[%add3A_21] : memref<102400xf32, #tpu.memory_space<vmem_shared>> -> memref<1024xf32, #tpu.memory_space<vmem_shared>>
      %dma_wait3A_114 = arith.constant 0 : i32
      %dma_wait3A_115 = tpu.memref_slice %arg13[%dma_wait3A_114] : memref<1024xf32, #tpu.memory_space<vmem>> -> memref<1024xf32, #tpu.memory_space<vmem>>
      tpu.wait_dma2 semaphore(%run_scoped3A : memref<!tpu.dma_semaphore, #tpu.memory_space<semaphore_mem>>) src(%dma_wait3A_115 : memref<1024xf32, #tpu.memory_space<vmem>>) dst(%dma_wait3A_113 : memref<1024xf32, #tpu.memory_space<vmem_shared>>)
      tpu.yield
    }) : () -> ()
    %mul3A_22 = arith.constant 6400 : i32
    %mul3A_23 = arith.muli %arg1, %mul3A_22 : i32
    %add3A_24 = arith.constant 1024 : i32
    %add3A_25 = arith.addi %mul3A_23, %add3A_24 : i32
    "tpu.region"() ({
      %run_scoped3A = tpu.sem_alloc : memref<!tpu.dma_semaphore, #tpu.memory_space<semaphore_mem>>
      %dma_start3A = arith.constant 0 : i32
      %dma_start3A_106 = arith.constant 0 : i32
      %dma_start3A_107 = tpu.memref_slice %arg12[%dma_start3A, %dma_start3A_106] : memref<1024x8xf32, #tpu.memory_space<vmem>> -> memref<1024x8xf32, #tpu.memory_space<vmem>>
      %dma_start3A_108 = arith.constant 0 : i32
      %dma_start3A_109 = tpu.memref_slice %arg14[%add3A_25, %dma_start3A_108] : memref<102400x8xf32, #tpu.memory_space<vmem_shared>> -> memref<1024x8xf32, #tpu.memory_space<vmem_shared>>
      %dma_start3A_110 = arith.constant 0 : i32
      %dma_start3A_111 = tpu.memref_slice %arg14[%add3A_25, %dma_start3A_110] : memref<102400x8xf32, #tpu.memory_space<vmem_shared>> -> memref<1024x8xf32, #tpu.memory_space<vmem_shared>>
      %dma_start3A_112 = arith.constant 0 : i32
      %dma_start3A_113 = arith.constant 0 : i32
      %dma_start3A_114 = tpu.memref_slice %arg12[%dma_start3A_112, %dma_start3A_113] : memref<1024x8xf32, #tpu.memory_space<vmem>> -> memref<1024x8xf32, #tpu.memory_space<vmem>>
      tpu.enqueue_dma source(%dma_start3A_114 : memref<1024x8xf32, #tpu.memory_space<vmem>>) target(%dma_start3A_111 : memref<1024x8xf32, #tpu.memory_space<vmem_shared>>) target_semaphore(%run_scoped3A : memref<!tpu.dma_semaphore, #tpu.memory_space<semaphore_mem>>)
      %dma_wait3A = arith.constant 0 : i32
      %dma_wait3A_115 = arith.constant 0 : i32
      %dma_wait3A_116 = tpu.memref_slice %arg12[%dma_wait3A, %dma_wait3A_115] : memref<1024x8xf32, #tpu.memory_space<vmem>> -> memref<1024x8xf32, #tpu.memory_space<vmem>>
      %dma_wait3A_117 = arith.constant 0 : i32
      %dma_wait3A_118 = tpu.memref_slice %arg14[%add3A_25, %dma_wait3A_117] : memref<102400x8xf32, #tpu.memory_space<vmem_shared>> -> memref<1024x8xf32, #tpu.memory_space<vmem_shared>>
      %dma_wait3A_119 = arith.constant 0 : i32
      %dma_wait3A_120 = tpu.memref_slice %arg14[%add3A_25, %dma_wait3A_119] : memref<102400x8xf32, #tpu.memory_space<vmem_shared>> -> memref<1024x8xf32, #tpu.memory_space<vmem_shared>>
      %dma_wait3A_121 = arith.constant 0 : i32
      %dma_wait3A_122 = arith.constant 0 : i32
      %dma_wait3A_123 = tpu.memref_slice %arg12[%dma_wait3A_121, %dma_wait3A_122] : memref<1024x8xf32, #tpu.memory_space<vmem>> -> memref<1024x8xf32, #tpu.memory_space<vmem>>
      tpu.wait_dma2 semaphore(%run_scoped3A : memref<!tpu.dma_semaphore, #tpu.memory_space<semaphore_mem>>) src(%dma_wait3A_123 : memref<1024x8xf32, #tpu.memory_space<vmem>>) dst(%dma_wait3A_120 : memref<1024x8xf32, #tpu.memory_space<vmem_shared>>)
      tpu.yield
    }) : () -> ()
    %mul3A_26 = arith.constant 6400 : i32
    %mul3A_27 = arith.muli %arg1, %mul3A_26 : i32
    %add3A_28 = arith.constant 1024 : i32
    %add3A_29 = arith.addi %mul3A_27, %add3A_28 : i32
    "tpu.region"() ({
      %run_scoped3A = tpu.sem_alloc : memref<!tpu.dma_semaphore, #tpu.memory_space<semaphore_mem>>
      %dma_start3A = arith.constant 0 : i32
      %dma_start3A_106 = tpu.memref_slice %arg13[%dma_start3A] : memref<1024xf32, #tpu.memory_space<vmem>> -> memref<1024xf32, #tpu.memory_space<vmem>>
      %dma_start3A_107 = tpu.memref_slice %arg15[%add3A_29] : memref<102400xf32, #tpu.memory_space<vmem_shared>> -> memref<1024xf32, #tpu.memory_space<vmem_shared>>
      %dma_start3A_108 = tpu.memref_slice %arg15[%add3A_29] : memref<102400xf32, #tpu.memory_space<vmem_shared>> -> memref<1024xf32, #tpu.memory_space<vmem_shared>>
      %dma_start3A_109 = arith.constant 0 : i32
      %dma_start3A_110 = tpu.memref_slice %arg13[%dma_start3A_109] : memref<1024xf32, #tpu.memory_space<vmem>> -> memref<1024xf32, #tpu.memory_space<vmem>>
      tpu.enqueue_dma source(%dma_start3A_110 : memref<1024xf32, #tpu.memory_space<vmem>>) target(%dma_start3A_108 : memref<1024xf32, #tpu.memory_space<vmem_shared>>) target_semaphore(%run_scoped3A : memref<!tpu.dma_semaphore, #tpu.memory_space<semaphore_mem>>)
      %dma_wait3A = arith.constant 0 : i32
      %dma_wait3A_111 = tpu.memref_slice %arg13[%dma_wait3A] : memref<1024xf32, #tpu.memory_space<vmem>> -> memref<1024xf32, #tpu.memory_space<vmem>>
      %dma_wait3A_112 = tpu.memref_slice %arg15[%add3A_29] : memref<102400xf32, #tpu.memory_space<vmem_shared>> -> memref<1024xf32, #tpu.memory_space<vmem_shared>>
      %dma_wait3A_113 = tpu.memref_slice %arg15[%add3A_29] : memref<102400xf32, #tpu.memory_space<vmem_shared>> -> memref<1024xf32, #tpu.memory_space<vmem_shared>>
      %dma_wait3A_114 = arith.constant 0 : i32
      %dma_wait3A_115 = tpu.memref_slice %arg13[%dma_wait3A_114] : memref<1024xf32, #tpu.memory_space<vmem>> -> memref<1024xf32, #tpu.memory_space<vmem>>
      tpu.wait_dma2 semaphore(%run_scoped3A : memref<!tpu.dma_semaphore, #tpu.memory_space<semaphore_mem>>) src(%dma_wait3A_115 : memref<1024xf32, #tpu.memory_space<vmem>>) dst(%dma_wait3A_113 : memref<1024xf32, #tpu.memory_space<vmem_shared>>)
      tpu.yield
    }) : () -> ()
    %mul3A_30 = arith.constant 6400 : i32
    %mul3A_31 = arith.muli %arg1, %mul3A_30 : i32
    %add3A_32 = arith.constant 2048 : i32
    %add3A_33 = arith.addi %mul3A_31, %add3A_32 : i32
    "tpu.region"() ({
      %run_scoped3A = tpu.sem_alloc : memref<!tpu.dma_semaphore, #tpu.memory_space<semaphore_mem>>
      %dma_start3A = arith.constant 0 : i32
      %dma_start3A_106 = arith.constant 0 : i32
      %dma_start3A_107 = tpu.memref_slice %arg12[%dma_start3A, %dma_start3A_106] : memref<1024x8xf32, #tpu.memory_space<vmem>> -> memref<1024x8xf32, #tpu.memory_space<vmem>>
      %dma_start3A_108 = arith.constant 0 : i32
      %dma_start3A_109 = tpu.memref_slice %arg14[%add3A_33, %dma_start3A_108] : memref<102400x8xf32, #tpu.memory_space<vmem_shared>> -> memref<1024x8xf32, #tpu.memory_space<vmem_shared>>
      %dma_start3A_110 = arith.constant 0 : i32
      %dma_start3A_111 = tpu.memref_slice %arg14[%add3A_33, %dma_start3A_110] : memref<102400x8xf32, #tpu.memory_space<vmem_shared>> -> memref<1024x8xf32, #tpu.memory_space<vmem_shared>>
      %dma_start3A_112 = arith.constant 0 : i32
      %dma_start3A_113 = arith.constant 0 : i32
      %dma_start3A_114 = tpu.memref_slice %arg12[%dma_start3A_112, %dma_start3A_113] : memref<1024x8xf32, #tpu.memory_space<vmem>> -> memref<1024x8xf32, #tpu.memory_space<vmem>>
      tpu.enqueue_dma source(%dma_start3A_114 : memref<1024x8xf32, #tpu.memory_space<vmem>>) target(%dma_start3A_111 : memref<1024x8xf32, #tpu.memory_space<vmem_shared>>) target_semaphore(%run_scoped3A : memref<!tpu.dma_semaphore, #tpu.memory_space<semaphore_mem>>)
      %dma_wait3A = arith.constant 0 : i32
      %dma_wait3A_115 = arith.constant 0 : i32
      %dma_wait3A_116 = tpu.memref_slice %arg12[%dma_wait3A, %dma_wait3A_115] : memref<1024x8xf32, #tpu.memory_space<vmem>> -> memref<1024x8xf32, #tpu.memory_space<vmem>>
      %dma_wait3A_117 = arith.constant 0 : i32
      %dma_wait3A_118 = tpu.memref_slice %arg14[%add3A_33, %dma_wait3A_117] : memref<102400x8xf32, #tpu.memory_space<vmem_shared>> -> memref<1024x8xf32, #tpu.memory_space<vmem_shared>>
      %dma_wait3A_119 = arith.constant 0 : i32
      %dma_wait3A_120 = tpu.memref_slice %arg14[%add3A_33, %dma_wait3A_119] : memref<102400x8xf32, #tpu.memory_space<vmem_shared>> -> memref<1024x8xf32, #tpu.memory_space<vmem_shared>>
      %dma_wait3A_121 = arith.constant 0 : i32
      %dma_wait3A_122 = arith.constant 0 : i32
      %dma_wait3A_123 = tpu.memref_slice %arg12[%dma_wait3A_121, %dma_wait3A_122] : memref<1024x8xf32, #tpu.memory_space<vmem>> -> memref<1024x8xf32, #tpu.memory_space<vmem>>
      tpu.wait_dma2 semaphore(%run_scoped3A : memref<!tpu.dma_semaphore, #tpu.memory_space<semaphore_mem>>) src(%dma_wait3A_123 : memref<1024x8xf32, #tpu.memory_space<vmem>>) dst(%dma_wait3A_120 : memref<1024x8xf32, #tpu.memory_space<vmem_shared>>)
      tpu.yield
    }) : () -> ()
    %mul3A_34 = arith.constant 6400 : i32
    %mul3A_35 = arith.muli %arg1, %mul3A_34 : i32
    %add3A_36 = arith.constant 2048 : i32
    %add3A_37 = arith.addi %mul3A_35, %add3A_36 : i32
    "tpu.region"() ({
      %run_scoped3A = tpu.sem_alloc : memref<!tpu.dma_semaphore, #tpu.memory_space<semaphore_mem>>
      %dma_start3A = arith.constant 0 : i32
      %dma_start3A_106 = tpu.memref_slice %arg13[%dma_start3A] : memref<1024xf32, #tpu.memory_space<vmem>> -> memref<1024xf32, #tpu.memory_space<vmem>>
      %dma_start3A_107 = tpu.memref_slice %arg15[%add3A_37] : memref<102400xf32, #tpu.memory_space<vmem_shared>> -> memref<1024xf32, #tpu.memory_space<vmem_shared>>
      %dma_start3A_108 = tpu.memref_slice %arg15[%add3A_37] : memref<102400xf32, #tpu.memory_space<vmem_shared>> -> memref<1024xf32, #tpu.memory_space<vmem_shared>>
      %dma_start3A_109 = arith.constant 0 : i32
      %dma_start3A_110 = tpu.memref_slice %arg13[%dma_start3A_109] : memref<1024xf32, #tpu.memory_space<vmem>> -> memref<1024xf32, #tpu.memory_space<vmem>>
      tpu.enqueue_dma source(%dma_start3A_110 : memref<1024xf32, #tpu.memory_space<vmem>>) target(%dma_start3A_108 : memref<1024xf32, #tpu.memory_space<vmem_shared>>) target_semaphore(%run_scoped3A : memref<!tpu.dma_semaphore, #tpu.memory_space<semaphore_mem>>)
      %dma_wait3A = arith.constant 0 : i32
      %dma_wait3A_111 = tpu.memref_slice %arg13[%dma_wait3A] : memref<1024xf32, #tpu.memory_space<vmem>> -> memref<1024xf32, #tpu.memory_space<vmem>>
      %dma_wait3A_112 = tpu.memref_slice %arg15[%add3A_37] : memref<102400xf32, #tpu.memory_space<vmem_shared>> -> memref<1024xf32, #tpu.memory_space<vmem_shared>>
      %dma_wait3A_113 = tpu.memref_slice %arg15[%add3A_37] : memref<102400xf32, #tpu.memory_space<vmem_shared>> -> memref<1024xf32, #tpu.memory_space<vmem_shared>>
      %dma_wait3A_114 = arith.constant 0 : i32
      %dma_wait3A_115 = tpu.memref_slice %arg13[%dma_wait3A_114] : memref<1024xf32, #tpu.memory_space<vmem>> -> memref<1024xf32, #tpu.memory_space<vmem>>
      tpu.wait_dma2 semaphore(%run_scoped3A : memref<!tpu.dma_semaphore, #tpu.memory_space<semaphore_mem>>) src(%dma_wait3A_115 : memref<1024xf32, #tpu.memory_space<vmem>>) dst(%dma_wait3A_113 : memref<1024xf32, #tpu.memory_space<vmem_shared>>)
      tpu.yield
    }) : () -> ()
    %mul3A_38 = arith.constant 6400 : i32
    %mul3A_39 = arith.muli %arg1, %mul3A_38 : i32
    %add3A_40 = arith.constant 3072 : i32
    %add3A_41 = arith.addi %mul3A_39, %add3A_40 : i32
    "tpu.region"() ({
      %run_scoped3A = tpu.sem_alloc : memref<!tpu.dma_semaphore, #tpu.memory_space<semaphore_mem>>
      %dma_start3A = arith.constant 0 : i32
      %dma_start3A_106 = arith.constant 0 : i32
      %dma_start3A_107 = tpu.memref_slice %arg12[%dma_start3A, %dma_start3A_106] : memref<1024x8xf32, #tpu.memory_space<vmem>> -> memref<1024x8xf32, #tpu.memory_space<vmem>>
      %dma_start3A_108 = arith.constant 0 : i32
      %dma_start3A_109 = tpu.memref_slice %arg14[%add3A_41, %dma_start3A_108] : memref<102400x8xf32, #tpu.memory_space<vmem_shared>> -> memref<1024x8xf32, #tpu.memory_space<vmem_shared>>
      %dma_start3A_110 = arith.constant 0 : i32
      %dma_start3A_111 = tpu.memref_slice %arg14[%add3A_41, %dma_start3A_110] : memref<102400x8xf32, #tpu.memory_space<vmem_shared>> -> memref<1024x8xf32, #tpu.memory_space<vmem_shared>>
      %dma_start3A_112 = arith.constant 0 : i32
      %dma_start3A_113 = arith.constant 0 : i32
      %dma_start3A_114 = tpu.memref_slice %arg12[%dma_start3A_112, %dma_start3A_113] : memref<1024x8xf32, #tpu.memory_space<vmem>> -> memref<1024x8xf32, #tpu.memory_space<vmem>>
      tpu.enqueue_dma source(%dma_start3A_114 : memref<1024x8xf32, #tpu.memory_space<vmem>>) target(%dma_start3A_111 : memref<1024x8xf32, #tpu.memory_space<vmem_shared>>) target_semaphore(%run_scoped3A : memref<!tpu.dma_semaphore, #tpu.memory_space<semaphore_mem>>)
      %dma_wait3A = arith.constant 0 : i32
      %dma_wait3A_115 = arith.constant 0 : i32
      %dma_wait3A_116 = tpu.memref_slice %arg12[%dma_wait3A, %dma_wait3A_115] : memref<1024x8xf32, #tpu.memory_space<vmem>> -> memref<1024x8xf32, #tpu.memory_space<vmem>>
      %dma_wait3A_117 = arith.constant 0 : i32
      %dma_wait3A_118 = tpu.memref_slice %arg14[%add3A_41, %dma_wait3A_117] : memref<102400x8xf32, #tpu.memory_space<vmem_shared>> -> memref<1024x8xf32, #tpu.memory_space<vmem_shared>>
      %dma_wait3A_119 = arith.constant 0 : i32
      %dma_wait3A_120 = tpu.memref_slice %arg14[%add3A_41, %dma_wait3A_119] : memref<102400x8xf32, #tpu.memory_space<vmem_shared>> -> memref<1024x8xf32, #tpu.memory_space<vmem_shared>>
      %dma_wait3A_121 = arith.constant 0 : i32
      %dma_wait3A_122 = arith.constant 0 : i32
      %dma_wait3A_123 = tpu.memref_slice %arg12[%dma_wait3A_121, %dma_wait3A_122] : memref<1024x8xf32, #tpu.memory_space<vmem>> -> memref<1024x8xf32, #tpu.memory_space<vmem>>
      tpu.wait_dma2 semaphore(%run_scoped3A : memref<!tpu.dma_semaphore, #tpu.memory_space<semaphore_mem>>) src(%dma_wait3A_123 : memref<1024x8xf32, #tpu.memory_space<vmem>>) dst(%dma_wait3A_120 : memref<1024x8xf32, #tpu.memory_space<vmem_shared>>)
      tpu.yield
    }) : () -> ()
    %mul3A_42 = arith.constant 6400 : i32
    %mul3A_43 = arith.muli %arg1, %mul3A_42 : i32
    %add3A_44 = arith.constant 3072 : i32
    %add3A_45 = arith.addi %mul3A_43, %add3A_44 : i32
    "tpu.region"() ({
      %run_scoped3A = tpu.sem_alloc : memref<!tpu.dma_semaphore, #tpu.memory_space<semaphore_mem>>
      %dma_start3A = arith.constant 0 : i32
      %dma_start3A_106 = tpu.memref_slice %arg13[%dma_start3A] : memref<1024xf32, #tpu.memory_space<vmem>> -> memref<1024xf32, #tpu.memory_space<vmem>>
      %dma_start3A_107 = tpu.memref_slice %arg15[%add3A_45] : memref<102400xf32, #tpu.memory_space<vmem_shared>> -> memref<1024xf32, #tpu.memory_space<vmem_shared>>
      %dma_start3A_108 = tpu.memref_slice %arg15[%add3A_45] : memref<102400xf32, #tpu.memory_space<vmem_shared>> -> memref<1024xf32, #tpu.memory_space<vmem_shared>>
      %dma_start3A_109 = arith.constant 0 : i32
      %dma_start3A_110 = tpu.memref_slice %arg13[%dma_start3A_109] : memref<1024xf32, #tpu.memory_space<vmem>> -> memref<1024xf32, #tpu.memory_space<vmem>>
      tpu.enqueue_dma source(%dma_start3A_110 : memref<1024xf32, #tpu.memory_space<vmem>>) target(%dma_start3A_108 : memref<1024xf32, #tpu.memory_space<vmem_shared>>) target_semaphore(%run_scoped3A : memref<!tpu.dma_semaphore, #tpu.memory_space<semaphore_mem>>)
      %dma_wait3A = arith.constant 0 : i32
      %dma_wait3A_111 = tpu.memref_slice %arg13[%dma_wait3A] : memref<1024xf32, #tpu.memory_space<vmem>> -> memref<1024xf32, #tpu.memory_space<vmem>>
      %dma_wait3A_112 = tpu.memref_slice %arg15[%add3A_45] : memref<102400xf32, #tpu.memory_space<vmem_shared>> -> memref<1024xf32, #tpu.memory_space<vmem_shared>>
      %dma_wait3A_113 = tpu.memref_slice %arg15[%add3A_45] : memref<102400xf32, #tpu.memory_space<vmem_shared>> -> memref<1024xf32, #tpu.memory_space<vmem_shared>>
      %dma_wait3A_114 = arith.constant 0 : i32
      %dma_wait3A_115 = tpu.memref_slice %arg13[%dma_wait3A_114] : memref<1024xf32, #tpu.memory_space<vmem>> -> memref<1024xf32, #tpu.memory_space<vmem>>
      tpu.wait_dma2 semaphore(%run_scoped3A : memref<!tpu.dma_semaphore, #tpu.memory_space<semaphore_mem>>) src(%dma_wait3A_115 : memref<1024xf32, #tpu.memory_space<vmem>>) dst(%dma_wait3A_113 : memref<1024xf32, #tpu.memory_space<vmem_shared>>)
      tpu.yield
    }) : () -> ()
    %mul3A_46 = arith.constant 6400 : i32
    %mul3A_47 = arith.muli %arg1, %mul3A_46 : i32
    %add3A_48 = arith.constant 4096 : i32
    %add3A_49 = arith.addi %mul3A_47, %add3A_48 : i32
    "tpu.region"() ({
      %run_scoped3A = tpu.sem_alloc : memref<!tpu.dma_semaphore, #tpu.memory_space<semaphore_mem>>
      %dma_start3A = arith.constant 0 : i32
      %dma_start3A_106 = arith.constant 0 : i32
      %dma_start3A_107 = tpu.memref_slice %arg12[%dma_start3A, %dma_start3A_106] : memref<1024x8xf32, #tpu.memory_space<vmem>> -> memref<1024x8xf32, #tpu.memory_space<vmem>>
      %dma_start3A_108 = arith.constant 0 : i32
      %dma_start3A_109 = tpu.memref_slice %arg14[%add3A_49, %dma_start3A_108] : memref<102400x8xf32, #tpu.memory_space<vmem_shared>> -> memref<1024x8xf32, #tpu.memory_space<vmem_shared>>
      %dma_start3A_110 = arith.constant 0 : i32
      %dma_start3A_111 = tpu.memref_slice %arg14[%add3A_49, %dma_start3A_110] : memref<102400x8xf32, #tpu.memory_space<vmem_shared>> -> memref<1024x8xf32, #tpu.memory_space<vmem_shared>>
      %dma_start3A_112 = arith.constant 0 : i32
      %dma_start3A_113 = arith.constant 0 : i32
      %dma_start3A_114 = tpu.memref_slice %arg12[%dma_start3A_112, %dma_start3A_113] : memref<1024x8xf32, #tpu.memory_space<vmem>> -> memref<1024x8xf32, #tpu.memory_space<vmem>>
      tpu.enqueue_dma source(%dma_start3A_114 : memref<1024x8xf32, #tpu.memory_space<vmem>>) target(%dma_start3A_111 : memref<1024x8xf32, #tpu.memory_space<vmem_shared>>) target_semaphore(%run_scoped3A : memref<!tpu.dma_semaphore, #tpu.memory_space<semaphore_mem>>)
      %dma_wait3A = arith.constant 0 : i32
      %dma_wait3A_115 = arith.constant 0 : i32
      %dma_wait3A_116 = tpu.memref_slice %arg12[%dma_wait3A, %dma_wait3A_115] : memref<1024x8xf32, #tpu.memory_space<vmem>> -> memref<1024x8xf32, #tpu.memory_space<vmem>>
      %dma_wait3A_117 = arith.constant 0 : i32
      %dma_wait3A_118 = tpu.memref_slice %arg14[%add3A_49, %dma_wait3A_117] : memref<102400x8xf32, #tpu.memory_space<vmem_shared>> -> memref<1024x8xf32, #tpu.memory_space<vmem_shared>>
      %dma_wait3A_119 = arith.constant 0 : i32
      %dma_wait3A_120 = tpu.memref_slice %arg14[%add3A_49, %dma_wait3A_119] : memref<102400x8xf32, #tpu.memory_space<vmem_shared>> -> memref<1024x8xf32, #tpu.memory_space<vmem_shared>>
      %dma_wait3A_121 = arith.constant 0 : i32
      %dma_wait3A_122 = arith.constant 0 : i32
      %dma_wait3A_123 = tpu.memref_slice %arg12[%dma_wait3A_121, %dma_wait3A_122] : memref<1024x8xf32, #tpu.memory_space<vmem>> -> memref<1024x8xf32, #tpu.memory_space<vmem>>
      tpu.wait_dma2 semaphore(%run_scoped3A : memref<!tpu.dma_semaphore, #tpu.memory_space<semaphore_mem>>) src(%dma_wait3A_123 : memref<1024x8xf32, #tpu.memory_space<vmem>>) dst(%dma_wait3A_120 : memref<1024x8xf32, #tpu.memory_space<vmem_shared>>)
      tpu.yield
    }) : () -> ()
    %mul3A_50 = arith.constant 6400 : i32
    %mul3A_51 = arith.muli %arg1, %mul3A_50 : i32
    %add3A_52 = arith.constant 4096 : i32
    %add3A_53 = arith.addi %mul3A_51, %add3A_52 : i32
    "tpu.region"() ({
      %run_scoped3A = tpu.sem_alloc : memref<!tpu.dma_semaphore, #tpu.memory_space<semaphore_mem>>
      %dma_start3A = arith.constant 0 : i32
      %dma_start3A_106 = tpu.memref_slice %arg13[%dma_start3A] : memref<1024xf32, #tpu.memory_space<vmem>> -> memref<1024xf32, #tpu.memory_space<vmem>>
      %dma_start3A_107 = tpu.memref_slice %arg15[%add3A_53] : memref<102400xf32, #tpu.memory_space<vmem_shared>> -> memref<1024xf32, #tpu.memory_space<vmem_shared>>
      %dma_start3A_108 = tpu.memref_slice %arg15[%add3A_53] : memref<102400xf32, #tpu.memory_space<vmem_shared>> -> memref<1024xf32, #tpu.memory_space<vmem_shared>>
      %dma_start3A_109 = arith.constant 0 : i32
      %dma_start3A_110 = tpu.memref_slice %arg13[%dma_start3A_109] : memref<1024xf32, #tpu.memory_space<vmem>> -> memref<1024xf32, #tpu.memory_space<vmem>>
      tpu.enqueue_dma source(%dma_start3A_110 : memref<1024xf32, #tpu.memory_space<vmem>>) target(%dma_start3A_108 : memref<1024xf32, #tpu.memory_space<vmem_shared>>) target_semaphore(%run_scoped3A : memref<!tpu.dma_semaphore, #tpu.memory_space<semaphore_mem>>)
      %dma_wait3A = arith.constant 0 : i32
      %dma_wait3A_111 = tpu.memref_slice %arg13[%dma_wait3A] : memref<1024xf32, #tpu.memory_space<vmem>> -> memref<1024xf32, #tpu.memory_space<vmem>>
      %dma_wait3A_112 = tpu.memref_slice %arg15[%add3A_53] : memref<102400xf32, #tpu.memory_space<vmem_shared>> -> memref<1024xf32, #tpu.memory_space<vmem_shared>>
      %dma_wait3A_113 = tpu.memref_slice %arg15[%add3A_53] : memref<102400xf32, #tpu.memory_space<vmem_shared>> -> memref<1024xf32, #tpu.memory_space<vmem_shared>>
      %dma_wait3A_114 = arith.constant 0 : i32
      %dma_wait3A_115 = tpu.memref_slice %arg13[%dma_wait3A_114] : memref<1024xf32, #tpu.memory_space<vmem>> -> memref<1024xf32, #tpu.memory_space<vmem>>
      tpu.wait_dma2 semaphore(%run_scoped3A : memref<!tpu.dma_semaphore, #tpu.memory_space<semaphore_mem>>) src(%dma_wait3A_115 : memref<1024xf32, #tpu.memory_space<vmem>>) dst(%dma_wait3A_113 : memref<1024xf32, #tpu.memory_space<vmem_shared>>)
      tpu.yield
    }) : () -> ()
    %mul3A_54 = arith.constant 6400 : i32
    %mul3A_55 = arith.muli %arg1, %mul3A_54 : i32
    %add3A_56 = arith.constant 5120 : i32
    %add3A_57 = arith.addi %mul3A_55, %add3A_56 : i32
    "tpu.region"() ({
      %run_scoped3A = tpu.sem_alloc : memref<!tpu.dma_semaphore, #tpu.memory_space<semaphore_mem>>
      %dma_start3A = arith.constant 0 : i32
      %dma_start3A_106 = arith.constant 0 : i32
      %dma_start3A_107 = tpu.memref_slice %arg12[%dma_start3A, %dma_start3A_106] : memref<1024x8xf32, #tpu.memory_space<vmem>> -> memref<1024x8xf32, #tpu.memory_space<vmem>>
      %dma_start3A_108 = arith.constant 0 : i32
      %dma_start3A_109 = tpu.memref_slice %arg14[%add3A_57, %dma_start3A_108] : memref<102400x8xf32, #tpu.memory_space<vmem_shared>> -> memref<1024x8xf32, #tpu.memory_space<vmem_shared>>
      %dma_start3A_110 = arith.constant 0 : i32
      %dma_start3A_111 = tpu.memref_slice %arg14[%add3A_57, %dma_start3A_110] : memref<102400x8xf32, #tpu.memory_space<vmem_shared>> -> memref<1024x8xf32, #tpu.memory_space<vmem_shared>>
      %dma_start3A_112 = arith.constant 0 : i32
      %dma_start3A_113 = arith.constant 0 : i32
      %dma_start3A_114 = tpu.memref_slice %arg12[%dma_start3A_112, %dma_start3A_113] : memref<1024x8xf32, #tpu.memory_space<vmem>> -> memref<1024x8xf32, #tpu.memory_space<vmem>>
      tpu.enqueue_dma source(%dma_start3A_114 : memref<1024x8xf32, #tpu.memory_space<vmem>>) target(%dma_start3A_111 : memref<1024x8xf32, #tpu.memory_space<vmem_shared>>) target_semaphore(%run_scoped3A : memref<!tpu.dma_semaphore, #tpu.memory_space<semaphore_mem>>)
      %dma_wait3A = arith.constant 0 : i32
      %dma_wait3A_115 = arith.constant 0 : i32
      %dma_wait3A_116 = tpu.memref_slice %arg12[%dma_wait3A, %dma_wait3A_115] : memref<1024x8xf32, #tpu.memory_space<vmem>> -> memref<1024x8xf32, #tpu.memory_space<vmem>>
      %dma_wait3A_117 = arith.constant 0 : i32
      %dma_wait3A_118 = tpu.memref_slice %arg14[%add3A_57, %dma_wait3A_117] : memref<102400x8xf32, #tpu.memory_space<vmem_shared>> -> memref<1024x8xf32, #tpu.memory_space<vmem_shared>>
      %dma_wait3A_119 = arith.constant 0 : i32
      %dma_wait3A_120 = tpu.memref_slice %arg14[%add3A_57, %dma_wait3A_119] : memref<102400x8xf32, #tpu.memory_space<vmem_shared>> -> memref<1024x8xf32, #tpu.memory_space<vmem_shared>>
      %dma_wait3A_121 = arith.constant 0 : i32
      %dma_wait3A_122 = arith.constant 0 : i32
      %dma_wait3A_123 = tpu.memref_slice %arg12[%dma_wait3A_121, %dma_wait3A_122] : memref<1024x8xf32, #tpu.memory_space<vmem>> -> memref<1024x8xf32, #tpu.memory_space<vmem>>
      tpu.wait_dma2 semaphore(%run_scoped3A : memref<!tpu.dma_semaphore, #tpu.memory_space<semaphore_mem>>) src(%dma_wait3A_123 : memref<1024x8xf32, #tpu.memory_space<vmem>>) dst(%dma_wait3A_120 : memref<1024x8xf32, #tpu.memory_space<vmem_shared>>)
      tpu.yield
    }) : () -> ()
    %mul3A_58 = arith.constant 6400 : i32
    %mul3A_59 = arith.muli %arg1, %mul3A_58 : i32
    %add3A_60 = arith.constant 5120 : i32
    %add3A_61 = arith.addi %mul3A_59, %add3A_60 : i32
    "tpu.region"() ({
      %run_scoped3A = tpu.sem_alloc : memref<!tpu.dma_semaphore, #tpu.memory_space<semaphore_mem>>
      %dma_start3A = arith.constant 0 : i32
      %dma_start3A_106 = tpu.memref_slice %arg13[%dma_start3A] : memref<1024xf32, #tpu.memory_space<vmem>> -> memref<1024xf32, #tpu.memory_space<vmem>>
      %dma_start3A_107 = tpu.memref_slice %arg15[%add3A_61] : memref<102400xf32, #tpu.memory_space<vmem_shared>> -> memref<1024xf32, #tpu.memory_space<vmem_shared>>
      %dma_start3A_108 = tpu.memref_slice %arg15[%add3A_61] : memref<102400xf32, #tpu.memory_space<vmem_shared>> -> memref<1024xf32, #tpu.memory_space<vmem_shared>>
      %dma_start3A_109 = arith.constant 0 : i32
      %dma_start3A_110 = tpu.memref_slice %arg13[%dma_start3A_109] : memref<1024xf32, #tpu.memory_space<vmem>> -> memref<1024xf32, #tpu.memory_space<vmem>>
      tpu.enqueue_dma source(%dma_start3A_110 : memref<1024xf32, #tpu.memory_space<vmem>>) target(%dma_start3A_108 : memref<1024xf32, #tpu.memory_space<vmem_shared>>) target_semaphore(%run_scoped3A : memref<!tpu.dma_semaphore, #tpu.memory_space<semaphore_mem>>)
      %dma_wait3A = arith.constant 0 : i32
      %dma_wait3A_111 = tpu.memref_slice %arg13[%dma_wait3A] : memref<1024xf32, #tpu.memory_space<vmem>> -> memref<1024xf32, #tpu.memory_space<vmem>>
      %dma_wait3A_112 = tpu.memref_slice %arg15[%add3A_61] : memref<102400xf32, #tpu.memory_space<vmem_shared>> -> memref<1024xf32, #tpu.memory_space<vmem_shared>>
      %dma_wait3A_113 = tpu.memref_slice %arg15[%add3A_61] : memref<102400xf32, #tpu.memory_space<vmem_shared>> -> memref<1024xf32, #tpu.memory_space<vmem_shared>>
      %dma_wait3A_114 = arith.constant 0 : i32
      %dma_wait3A_115 = tpu.memref_slice %arg13[%dma_wait3A_114] : memref<1024xf32, #tpu.memory_space<vmem>> -> memref<1024xf32, #tpu.memory_space<vmem>>
      tpu.wait_dma2 semaphore(%run_scoped3A : memref<!tpu.dma_semaphore, #tpu.memory_space<semaphore_mem>>) src(%dma_wait3A_115 : memref<1024xf32, #tpu.memory_space<vmem>>) dst(%dma_wait3A_113 : memref<1024xf32, #tpu.memory_space<vmem_shared>>)
      tpu.yield
    }) : () -> ()
    %mul3A_62 = arith.constant 6400 : i32
    %mul3A_63 = arith.muli %arg1, %mul3A_62 : i32
    %add3A_64 = arith.constant 6144 : i32
    %add3A_65 = arith.addi %mul3A_63, %add3A_64 : i32
    "tpu.region"() ({
      %run_scoped3A = tpu.sem_alloc : memref<!tpu.dma_semaphore, #tpu.memory_space<semaphore_mem>>
      %dma_start3A = arith.constant 0 : i32
      %dma_start3A_106 = arith.constant 0 : i32
      %dma_start3A_107 = tpu.memref_slice %arg12[%dma_start3A, %dma_start3A_106] : memref<1024x8xf32, #tpu.memory_space<vmem>> -> memref<256x8xf32, #tpu.memory_space<vmem>>
      %dma_start3A_108 = arith.constant 0 : i32
      %dma_start3A_109 = tpu.memref_slice %arg14[%add3A_65, %dma_start3A_108] : memref<102400x8xf32, #tpu.memory_space<vmem_shared>> -> memref<256x8xf32, #tpu.memory_space<vmem_shared>>
      %dma_start3A_110 = arith.constant 0 : i32
      %dma_start3A_111 = tpu.memref_slice %arg14[%add3A_65, %dma_start3A_110] : memref<102400x8xf32, #tpu.memory_space<vmem_shared>> -> memref<256x8xf32, #tpu.memory_space<vmem_shared>>
      %dma_start3A_112 = arith.constant 0 : i32
      %dma_start3A_113 = arith.constant 0 : i32
      %dma_start3A_114 = tpu.memref_slice %arg12[%dma_start3A_112, %dma_start3A_113] : memref<1024x8xf32, #tpu.memory_space<vmem>> -> memref<256x8xf32, #tpu.memory_space<vmem>>
      tpu.enqueue_dma source(%dma_start3A_114 : memref<256x8xf32, #tpu.memory_space<vmem>>) target(%dma_start3A_111 : memref<256x8xf32, #tpu.memory_space<vmem_shared>>) target_semaphore(%run_scoped3A : memref<!tpu.dma_semaphore, #tpu.memory_space<semaphore_mem>>)
      %dma_wait3A = arith.constant 0 : i32
      %dma_wait3A_115 = arith.constant 0 : i32
      %dma_wait3A_116 = tpu.memref_slice %arg12[%dma_wait3A, %dma_wait3A_115] : memref<1024x8xf32, #tpu.memory_space<vmem>> -> memref<256x8xf32, #tpu.memory_space<vmem>>
      %dma_wait3A_117 = arith.constant 0 : i32
      %dma_wait3A_118 = tpu.memref_slice %arg14[%add3A_65, %dma_wait3A_117] : memref<102400x8xf32, #tpu.memory_space<vmem_shared>> -> memref<256x8xf32, #tpu.memory_space<vmem_shared>>
      %dma_wait3A_119 = arith.constant 0 : i32
      %dma_wait3A_120 = tpu.memref_slice %arg14[%add3A_65, %dma_wait3A_119] : memref<102400x8xf32, #tpu.memory_space<vmem_shared>> -> memref<256x8xf32, #tpu.memory_space<vmem_shared>>
      %dma_wait3A_121 = arith.constant 0 : i32
      %dma_wait3A_122 = arith.constant 0 : i32
      %dma_wait3A_123 = tpu.memref_slice %arg12[%dma_wait3A_121, %dma_wait3A_122] : memref<1024x8xf32, #tpu.memory_space<vmem>> -> memref<256x8xf32, #tpu.memory_space<vmem>>
      tpu.wait_dma2 semaphore(%run_scoped3A : memref<!tpu.dma_semaphore, #tpu.memory_space<semaphore_mem>>) src(%dma_wait3A_123 : memref<256x8xf32, #tpu.memory_space<vmem>>) dst(%dma_wait3A_120 : memref<256x8xf32, #tpu.memory_space<vmem_shared>>)
      tpu.yield
    }) : () -> ()
    %mul3A_66 = arith.constant 6400 : i32
    %mul3A_67 = arith.muli %arg1, %mul3A_66 : i32
    %add3A_68 = arith.constant 6144 : i32
    %add3A_69 = arith.addi %mul3A_67, %add3A_68 : i32
    "tpu.region"() ({
      %run_scoped3A = tpu.sem_alloc : memref<!tpu.dma_semaphore, #tpu.memory_space<semaphore_mem>>
      %dma_start3A = arith.constant 0 : i32
      %dma_start3A_106 = tpu.memref_slice %arg13[%dma_start3A] : memref<1024xf32, #tpu.memory_space<vmem>> -> memref<256xf32, #tpu.memory_space<vmem>>
      %dma_start3A_107 = tpu.memref_slice %arg15[%add3A_69] : memref<102400xf32, #tpu.memory_space<vmem_shared>> -> memref<256xf32, #tpu.memory_space<vmem_shared>>
      %dma_start3A_108 = tpu.memref_slice %arg15[%add3A_69] : memref<102400xf32, #tpu.memory_space<vmem_shared>> -> memref<256xf32, #tpu.memory_space<vmem_shared>>
      %dma_start3A_109 = arith.constant 0 : i32
      %dma_start3A_110 = tpu.memref_slice %arg13[%dma_start3A_109] : memref<1024xf32, #tpu.memory_space<vmem>> -> memref<256xf32, #tpu.memory_space<vmem>>
      tpu.enqueue_dma source(%dma_start3A_110 : memref<256xf32, #tpu.memory_space<vmem>>) target(%dma_start3A_108 : memref<256xf32, #tpu.memory_space<vmem_shared>>) target_semaphore(%run_scoped3A : memref<!tpu.dma_semaphore, #tpu.memory_space<semaphore_mem>>)
      %dma_wait3A = arith.constant 0 : i32
      %dma_wait3A_111 = tpu.memref_slice %arg13[%dma_wait3A] : memref<1024xf32, #tpu.memory_space<vmem>> -> memref<256xf32, #tpu.memory_space<vmem>>
      %dma_wait3A_112 = tpu.memref_slice %arg15[%add3A_69] : memref<102400xf32, #tpu.memory_space<vmem_shared>> -> memref<256xf32, #tpu.memory_space<vmem_shared>>
      %dma_wait3A_113 = tpu.memref_slice %arg15[%add3A_69] : memref<102400xf32, #tpu.memory_space<vmem_shared>> -> memref<256xf32, #tpu.memory_space<vmem_shared>>
      %dma_wait3A_114 = arith.constant 0 : i32
      %dma_wait3A_115 = tpu.memref_slice %arg13[%dma_wait3A_114] : memref<1024xf32, #tpu.memory_space<vmem>> -> memref<256xf32, #tpu.memory_space<vmem>>
      tpu.wait_dma2 semaphore(%run_scoped3A : memref<!tpu.dma_semaphore, #tpu.memory_space<semaphore_mem>>) src(%dma_wait3A_115 : memref<256xf32, #tpu.memory_space<vmem>>) dst(%dma_wait3A_113 : memref<256xf32, #tpu.memory_space<vmem_shared>>)
      tpu.yield
    }) : () -> ()
    %barrier3A = arith.constant 0 : index
    tpu.barrier barrier_id(%barrier3A)
    %mul3A_70 = arith.constant 200 : i32
    %mul3A_71 = arith.muli %add3A, %mul3A_70 : i32
    %scan3A_72 = arith.constant 0 : i32
    %scan3A_73 = arith.constant 0 : i32
    %scan3A_74 = arith.constant 0 : i32
    %scan3A_75 = arith.addi %scan3A_73, %scan3A_74 : i32
    %scan3A_76 = arith.constant 0 : i32
    %barrier3A_77 = arith.constant 0 : index
    tpu.barrier barrier_id(%barrier3A_77)
    %mul3A_78 = arith.constant 6400 : i32
    %mul3A_79 = arith.muli %arg1, %mul3A_78 : i32
    %add3A_80 = arith.constant 0 : i32
    %add3A_81 = arith.addi %mul3A_79, %add3A_80 : i32
    "tpu.region"() ({
      %run_scoped3A = tpu.sem_alloc : memref<!tpu.dma_semaphore, #tpu.memory_space<semaphore_mem>>
      %dma_start3A = arith.constant 0 : i32
      %dma_start3A_106 = tpu.memref_slice %arg6[%arg0, %add3A_81, %dma_start3A] : memref<2x102400x8xf32, #tpu.memory_space<hbm>> -> memref<1x1024x8xf32, #tpu.memory_space<hbm>>
      %dma_start3A_107 = tpu.memref_squeeze %dma_start3A_106 : memref<1x1024x8xf32, #tpu.memory_space<hbm>> -> memref<1024x8xf32, #tpu.memory_space<hbm>>
      %dma_start3A_108 = arith.constant 0 : i32
      %dma_start3A_109 = tpu.memref_slice %arg14[%add3A_81, %dma_start3A_108] : memref<102400x8xf32, #tpu.memory_space<vmem_shared>> -> memref<1024x8xf32, #tpu.memory_space<vmem_shared>>
      tpu.enqueue_dma source(%dma_start3A_109 : memref<1024x8xf32, #tpu.memory_space<vmem_shared>>) target(%dma_start3A_107 : memref<1024x8xf32, #tpu.memory_space<hbm>>) target_semaphore(%run_scoped3A : memref<!tpu.dma_semaphore, #tpu.memory_space<semaphore_mem>>)
      %dma_wait3A = arith.constant 0 : i32
      %dma_wait3A_110 = tpu.memref_slice %arg6[%arg0, %add3A_81, %dma_wait3A] : memref<2x102400x8xf32, #tpu.memory_space<hbm>> -> memref<1x1024x8xf32, #tpu.memory_space<hbm>>
      %dma_wait3A_111 = tpu.memref_squeeze %dma_wait3A_110 : memref<1x1024x8xf32, #tpu.memory_space<hbm>> -> memref<1024x8xf32, #tpu.memory_space<hbm>>
      %dma_wait3A_112 = arith.constant 0 : i32
      %dma_wait3A_113 = tpu.memref_slice %arg14[%add3A_81, %dma_wait3A_112] : memref<102400x8xf32, #tpu.memory_space<vmem_shared>> -> memref<1024x8xf32, #tpu.memory_space<vmem_shared>>
      tpu.wait_dma2 semaphore(%run_scoped3A : memref<!tpu.dma_semaphore, #tpu.memory_space<semaphore_mem>>) src(%dma_wait3A_113 : memref<1024x8xf32, #tpu.memory_space<vmem_shared>>) dst(%dma_wait3A_111 : memref<1024x8xf32, #tpu.memory_space<hbm>>)
      tpu.yield
    }) : () -> ()
    "tpu.region"() ({
      %run_scoped3A = tpu.sem_alloc : memref<!tpu.dma_semaphore, #tpu.memory_space<semaphore_mem>>
      %dma_start3A = tpu.memref_slice %arg7[%arg0, %add3A_81] : memref<2x102400xf32, #tpu.memory_space<hbm>> -> memref<1x1024xf32, #tpu.memory_space<hbm>>
      %dma_start3A_106 = tpu.memref_squeeze %dma_start3A : memref<1x1024xf32, #tpu.memory_space<hbm>> -> memref<1024xf32, #tpu.memory_space<hbm>>
      %dma_start3A_107 = tpu.memref_slice %arg15[%add3A_81] : memref<102400xf32, #tpu.memory_space<vmem_shared>> -> memref<1024xf32, #tpu.memory_space<vmem_shared>>
      tpu.enqueue_dma source(%dma_start3A_107 : memref<1024xf32, #tpu.memory_space<vmem_shared>>) target(%dma_start3A_106 : memref<1024xf32, #tpu.memory_space<hbm>>) target_semaphore(%run_scoped3A : memref<!tpu.dma_semaphore, #tpu.memory_space<semaphore_mem>>)
      %dma_wait3A = tpu.memref_slice %arg7[%arg0, %add3A_81] : memref<2x102400xf32, #tpu.memory_space<hbm>> -> memref<1x1024xf32, #tpu.memory_space<hbm>>
      %dma_wait3A_108 = tpu.memref_squeeze %dma_wait3A : memref<1x1024xf32, #tpu.memory_space<hbm>> -> memref<1024xf32, #tpu.memory_space<hbm>>
      %dma_wait3A_109 = tpu.memref_slice %arg15[%add3A_81] : memref<102400xf32, #tpu.memory_space<vmem_shared>> -> memref<1024xf32, #tpu.memory_space<vmem_shared>>
      tpu.wait_dma2 semaphore(%run_scoped3A : memref<!tpu.dma_semaphore, #tpu.memory_space<semaphore_mem>>) src(%dma_wait3A_109 : memref<1024xf32, #tpu.memory_space<vmem_shared>>) dst(%dma_wait3A_108 : memref<1024xf32, #tpu.memory_space<hbm>>)
      tpu.yield
    }) : () -> ()
    %mul3A_82 = arith.constant 6400 : i32
    %mul3A_83 = arith.muli %arg1, %mul3A_82 : i32
    %add3A_84 = arith.constant 1024 : i32
    %add3A_85 = arith.addi %mul3A_83, %add3A_84 : i32
    "tpu.region"() ({
      %run_scoped3A = tpu.sem_alloc : memref<!tpu.dma_semaphore, #tpu.memory_space<semaphore_mem>>
      %dma_start3A = arith.constant 0 : i32
      %dma_start3A_106 = tpu.memref_slice %arg6[%arg0, %add3A_85, %dma_start3A] : memref<2x102400x8xf32, #tpu.memory_space<hbm>> -> memref<1x1024x8xf32, #tpu.memory_space<hbm>>
      %dma_start3A_107 = tpu.memref_squeeze %dma_start3A_106 : memref<1x1024x8xf32, #tpu.memory_space<hbm>> -> memref<1024x8xf32, #tpu.memory_space<hbm>>
      %dma_start3A_108 = arith.constant 0 : i32
      %dma_start3A_109 = tpu.memref_slice %arg14[%add3A_85, %dma_start3A_108] : memref<102400x8xf32, #tpu.memory_space<vmem_shared>> -> memref<1024x8xf32, #tpu.memory_space<vmem_shared>>
      tpu.enqueue_dma source(%dma_start3A_109 : memref<1024x8xf32, #tpu.memory_space<vmem_shared>>) target(%dma_start3A_107 : memref<1024x8xf32, #tpu.memory_space<hbm>>) target_semaphore(%run_scoped3A : memref<!tpu.dma_semaphore, #tpu.memory_space<semaphore_mem>>)
      %dma_wait3A = arith.constant 0 : i32
      %dma_wait3A_110 = tpu.memref_slice %arg6[%arg0, %add3A_85, %dma_wait3A] : memref<2x102400x8xf32, #tpu.memory_space<hbm>> -> memref<1x1024x8xf32, #tpu.memory_space<hbm>>
      %dma_wait3A_111 = tpu.memref_squeeze %dma_wait3A_110 : memref<1x1024x8xf32, #tpu.memory_space<hbm>> -> memref<1024x8xf32, #tpu.memory_space<hbm>>
      %dma_wait3A_112 = arith.constant 0 : i32
      %dma_wait3A_113 = tpu.memref_slice %arg14[%add3A_85, %dma_wait3A_112] : memref<102400x8xf32, #tpu.memory_space<vmem_shared>> -> memref<1024x8xf32, #tpu.memory_space<vmem_shared>>
      tpu.wait_dma2 semaphore(%run_scoped3A : memref<!tpu.dma_semaphore, #tpu.memory_space<semaphore_mem>>) src(%dma_wait3A_113 : memref<1024x8xf32, #tpu.memory_space<vmem_shared>>) dst(%dma_wait3A_111 : memref<1024x8xf32, #tpu.memory_space<hbm>>)
      tpu.yield
    }) : () -> ()
    "tpu.region"() ({
      %run_scoped3A = tpu.sem_alloc : memref<!tpu.dma_semaphore, #tpu.memory_space<semaphore_mem>>
      %dma_start3A = tpu.memref_slice %arg7[%arg0, %add3A_85] : memref<2x102400xf32, #tpu.memory_space<hbm>> -> memref<1x1024xf32, #tpu.memory_space<hbm>>
      %dma_start3A_106 = tpu.memref_squeeze %dma_start3A : memref<1x1024xf32, #tpu.memory_space<hbm>> -> memref<1024xf32, #tpu.memory_space<hbm>>
      %dma_start3A_107 = tpu.memref_slice %arg15[%add3A_85] : memref<102400xf32, #tpu.memory_space<vmem_shared>> -> memref<1024xf32, #tpu.memory_space<vmem_shared>>
      tpu.enqueue_dma source(%dma_start3A_107 : memref<1024xf32, #tpu.memory_space<vmem_shared>>) target(%dma_start3A_106 : memref<1024xf32, #tpu.memory_space<hbm>>) target_semaphore(%run_scoped3A : memref<!tpu.dma_semaphore, #tpu.memory_space<semaphore_mem>>)
      %dma_wait3A = tpu.memref_slice %arg7[%arg0, %add3A_85] : memref<2x102400xf32, #tpu.memory_space<hbm>> -> memref<1x1024xf32, #tpu.memory_space<hbm>>
      %dma_wait3A_108 = tpu.memref_squeeze %dma_wait3A : memref<1x1024xf32, #tpu.memory_space<hbm>> -> memref<1024xf32, #tpu.memory_space<hbm>>
      %dma_wait3A_109 = tpu.memref_slice %arg15[%add3A_85] : memref<102400xf32, #tpu.memory_space<vmem_shared>> -> memref<1024xf32, #tpu.memory_space<vmem_shared>>
      tpu.wait_dma2 semaphore(%run_scoped3A : memref<!tpu.dma_semaphore, #tpu.memory_space<semaphore_mem>>) src(%dma_wait3A_109 : memref<1024xf32, #tpu.memory_space<vmem_shared>>) dst(%dma_wait3A_108 : memref<1024xf32, #tpu.memory_space<hbm>>)
      tpu.yield
    }) : () -> ()
    %mul3A_86 = arith.constant 6400 : i32
    %mul3A_87 = arith.muli %arg1, %mul3A_86 : i32
    %add3A_88 = arith.constant 2048 : i32
    %add3A_89 = arith.addi %mul3A_87, %add3A_88 : i32
    "tpu.region"() ({
      %run_scoped3A = tpu.sem_alloc : memref<!tpu.dma_semaphore, #tpu.memory_space<semaphore_mem>>
      %dma_start3A = arith.constant 0 : i32
      %dma_start3A_106 = tpu.memref_slice %arg6[%arg0, %add3A_89, %dma_start3A] : memref<2x102400x8xf32, #tpu.memory_space<hbm>> -> memref<1x1024x8xf32, #tpu.memory_space<hbm>>
      %dma_start3A_107 = tpu.memref_squeeze %dma_start3A_106 : memref<1x1024x8xf32, #tpu.memory_space<hbm>> -> memref<1024x8xf32, #tpu.memory_space<hbm>>
      %dma_start3A_108 = arith.constant 0 : i32
      %dma_start3A_109 = tpu.memref_slice %arg14[%add3A_89, %dma_start3A_108] : memref<102400x8xf32, #tpu.memory_space<vmem_shared>> -> memref<1024x8xf32, #tpu.memory_space<vmem_shared>>
      tpu.enqueue_dma source(%dma_start3A_109 : memref<1024x8xf32, #tpu.memory_space<vmem_shared>>) target(%dma_start3A_107 : memref<1024x8xf32, #tpu.memory_space<hbm>>) target_semaphore(%run_scoped3A : memref<!tpu.dma_semaphore, #tpu.memory_space<semaphore_mem>>)
      %dma_wait3A = arith.constant 0 : i32
      %dma_wait3A_110 = tpu.memref_slice %arg6[%arg0, %add3A_89, %dma_wait3A] : memref<2x102400x8xf32, #tpu.memory_space<hbm>> -> memref<1x1024x8xf32, #tpu.memory_space<hbm>>
      %dma_wait3A_111 = tpu.memref_squeeze %dma_wait3A_110 : memref<1x1024x8xf32, #tpu.memory_space<hbm>> -> memref<1024x8xf32, #tpu.memory_space<hbm>>
      %dma_wait3A_112 = arith.constant 0 : i32
      %dma_wait3A_113 = tpu.memref_slice %arg14[%add3A_89, %dma_wait3A_112] : memref<102400x8xf32, #tpu.memory_space<vmem_shared>> -> memref<1024x8xf32, #tpu.memory_space<vmem_shared>>
      tpu.wait_dma2 semaphore(%run_scoped3A : memref<!tpu.dma_semaphore, #tpu.memory_space<semaphore_mem>>) src(%dma_wait3A_113 : memref<1024x8xf32, #tpu.memory_space<vmem_shared>>) dst(%dma_wait3A_111 : memref<1024x8xf32, #tpu.memory_space<hbm>>)
      tpu.yield
    }) : () -> ()
    "tpu.region"() ({
      %run_scoped3A = tpu.sem_alloc : memref<!tpu.dma_semaphore, #tpu.memory_space<semaphore_mem>>
      %dma_start3A = tpu.memref_slice %arg7[%arg0, %add3A_89] : memref<2x102400xf32, #tpu.memory_space<hbm>> -> memref<1x1024xf32, #tpu.memory_space<hbm>>
      %dma_start3A_106 = tpu.memref_squeeze %dma_start3A : memref<1x1024xf32, #tpu.memory_space<hbm>> -> memref<1024xf32, #tpu.memory_space<hbm>>
      %dma_start3A_107 = tpu.memref_slice %arg15[%add3A_89] : memref<102400xf32, #tpu.memory_space<vmem_shared>> -> memref<1024xf32, #tpu.memory_space<vmem_shared>>
      tpu.enqueue_dma source(%dma_start3A_107 : memref<1024xf32, #tpu.memory_space<vmem_shared>>) target(%dma_start3A_106 : memref<1024xf32, #tpu.memory_space<hbm>>) target_semaphore(%run_scoped3A : memref<!tpu.dma_semaphore, #tpu.memory_space<semaphore_mem>>)
      %dma_wait3A = tpu.memref_slice %arg7[%arg0, %add3A_89] : memref<2x102400xf32, #tpu.memory_space<hbm>> -> memref<1x1024xf32, #tpu.memory_space<hbm>>
      %dma_wait3A_108 = tpu.memref_squeeze %dma_wait3A : memref<1x1024xf32, #tpu.memory_space<hbm>> -> memref<1024xf32, #tpu.memory_space<hbm>>
      %dma_wait3A_109 = tpu.memref_slice %arg15[%add3A_89] : memref<102400xf32, #tpu.memory_space<vmem_shared>> -> memref<1024xf32, #tpu.memory_space<vmem_shared>>
      tpu.wait_dma2 semaphore(%run_scoped3A : memref<!tpu.dma_semaphore, #tpu.memory_space<semaphore_mem>>) src(%dma_wait3A_109 : memref<1024xf32, #tpu.memory_space<vmem_shared>>) dst(%dma_wait3A_108 : memref<1024xf32, #tpu.memory_space<hbm>>)
      tpu.yield
    }) : () -> ()
    %mul3A_90 = arith.constant 6400 : i32
    %mul3A_91 = arith.muli %arg1, %mul3A_90 : i32
    %add3A_92 = arith.constant 3072 : i32
    %add3A_93 = arith.addi %mul3A_91, %add3A_92 : i32
    "tpu.region"() ({
      %run_scoped3A = tpu.sem_alloc : memref<!tpu.dma_semaphore, #tpu.memory_space<semaphore_mem>>
      %dma_start3A = arith.constant 0 : i32
      %dma_start3A_106 = tpu.memref_slice %arg6[%arg0, %add3A_93, %dma_start3A] : memref<2x102400x8xf32, #tpu.memory_space<hbm>> -> memref<1x1024x8xf32, #tpu.memory_space<hbm>>
      %dma_start3A_107 = tpu.memref_squeeze %dma_start3A_106 : memref<1x1024x8xf32, #tpu.memory_space<hbm>> -> memref<1024x8xf32, #tpu.memory_space<hbm>>
      %dma_start3A_108 = arith.constant 0 : i32
      %dma_start3A_109 = tpu.memref_slice %arg14[%add3A_93, %dma_start3A_108] : memref<102400x8xf32, #tpu.memory_space<vmem_shared>> -> memref<1024x8xf32, #tpu.memory_space<vmem_shared>>
      tpu.enqueue_dma source(%dma_start3A_109 : memref<1024x8xf32, #tpu.memory_space<vmem_shared>>) target(%dma_start3A_107 : memref<1024x8xf32, #tpu.memory_space<hbm>>) target_semaphore(%run_scoped3A : memref<!tpu.dma_semaphore, #tpu.memory_space<semaphore_mem>>)
      %dma_wait3A = arith.constant 0 : i32
      %dma_wait3A_110 = tpu.memref_slice %arg6[%arg0, %add3A_93, %dma_wait3A] : memref<2x102400x8xf32, #tpu.memory_space<hbm>> -> memref<1x1024x8xf32, #tpu.memory_space<hbm>>
      %dma_wait3A_111 = tpu.memref_squeeze %dma_wait3A_110 : memref<1x1024x8xf32, #tpu.memory_space<hbm>> -> memref<1024x8xf32, #tpu.memory_space<hbm>>
      %dma_wait3A_112 = arith.constant 0 : i32
      %dma_wait3A_113 = tpu.memref_slice %arg14[%add3A_93, %dma_wait3A_112] : memref<102400x8xf32, #tpu.memory_space<vmem_shared>> -> memref<1024x8xf32, #tpu.memory_space<vmem_shared>>
      tpu.wait_dma2 semaphore(%run_scoped3A : memref<!tpu.dma_semaphore, #tpu.memory_space<semaphore_mem>>) src(%dma_wait3A_113 : memref<1024x8xf32, #tpu.memory_space<vmem_shared>>) dst(%dma_wait3A_111 : memref<1024x8xf32, #tpu.memory_space<hbm>>)
      tpu.yield
    }) : () -> ()
    "tpu.region"() ({
      %run_scoped3A = tpu.sem_alloc : memref<!tpu.dma_semaphore, #tpu.memory_space<semaphore_mem>>
      %dma_start3A = tpu.memref_slice %arg7[%arg0, %add3A_93] : memref<2x102400xf32, #tpu.memory_space<hbm>> -> memref<1x1024xf32, #tpu.memory_space<hbm>>
      %dma_start3A_106 = tpu.memref_squeeze %dma_start3A : memref<1x1024xf32, #tpu.memory_space<hbm>> -> memref<1024xf32, #tpu.memory_space<hbm>>
      %dma_start3A_107 = tpu.memref_slice %arg15[%add3A_93] : memref<102400xf32, #tpu.memory_space<vmem_shared>> -> memref<1024xf32, #tpu.memory_space<vmem_shared>>
      tpu.enqueue_dma source(%dma_start3A_107 : memref<1024xf32, #tpu.memory_space<vmem_shared>>) target(%dma_start3A_106 : memref<1024xf32, #tpu.memory_space<hbm>>) target_semaphore(%run_scoped3A : memref<!tpu.dma_semaphore, #tpu.memory_space<semaphore_mem>>)
      %dma_wait3A = tpu.memref_slice %arg7[%arg0, %add3A_93] : memref<2x102400xf32, #tpu.memory_space<hbm>> -> memref<1x1024xf32, #tpu.memory_space<hbm>>
      %dma_wait3A_108 = tpu.memref_squeeze %dma_wait3A : memref<1x1024xf32, #tpu.memory_space<hbm>> -> memref<1024xf32, #tpu.memory_space<hbm>>
      %dma_wait3A_109 = tpu.memref_slice %arg15[%add3A_93] : memref<102400xf32, #tpu.memory_space<vmem_shared>> -> memref<1024xf32, #tpu.memory_space<vmem_shared>>
      tpu.wait_dma2 semaphore(%run_scoped3A : memref<!tpu.dma_semaphore, #tpu.memory_space<semaphore_mem>>) src(%dma_wait3A_109 : memref<1024xf32, #tpu.memory_space<vmem_shared>>) dst(%dma_wait3A_108 : memref<1024xf32, #tpu.memory_space<hbm>>)
      tpu.yield
    }) : () -> ()
    %mul3A_94 = arith.constant 6400 : i32
    %mul3A_95 = arith.muli %arg1, %mul3A_94 : i32
    %add3A_96 = arith.constant 4096 : i32
    %add3A_97 = arith.addi %mul3A_95, %add3A_96 : i32
    "tpu.region"() ({
      %run_scoped3A = tpu.sem_alloc : memref<!tpu.dma_semaphore, #tpu.memory_space<semaphore_mem>>
      %dma_start3A = arith.constant 0 : i32
      %dma_start3A_106 = tpu.memref_slice %arg6[%arg0, %add3A_97, %dma_start3A] : memref<2x102400x8xf32, #tpu.memory_space<hbm>> -> memref<1x1024x8xf32, #tpu.memory_space<hbm>>
      %dma_start3A_107 = tpu.memref_squeeze %dma_start3A_106 : memref<1x1024x8xf32, #tpu.memory_space<hbm>> -> memref<1024x8xf32, #tpu.memory_space<hbm>>
      %dma_start3A_108 = arith.constant 0 : i32
      %dma_start3A_109 = tpu.memref_slice %arg14[%add3A_97, %dma_start3A_108] : memref<102400x8xf32, #tpu.memory_space<vmem_shared>> -> memref<1024x8xf32, #tpu.memory_space<vmem_shared>>
      tpu.enqueue_dma source(%dma_start3A_109 : memref<1024x8xf32, #tpu.memory_space<vmem_shared>>) target(%dma_start3A_107 : memref<1024x8xf32, #tpu.memory_space<hbm>>) target_semaphore(%run_scoped3A : memref<!tpu.dma_semaphore, #tpu.memory_space<semaphore_mem>>)
      %dma_wait3A = arith.constant 0 : i32
      %dma_wait3A_110 = tpu.memref_slice %arg6[%arg0, %add3A_97, %dma_wait3A] : memref<2x102400x8xf32, #tpu.memory_space<hbm>> -> memref<1x1024x8xf32, #tpu.memory_space<hbm>>
      %dma_wait3A_111 = tpu.memref_squeeze %dma_wait3A_110 : memref<1x1024x8xf32, #tpu.memory_space<hbm>> -> memref<1024x8xf32, #tpu.memory_space<hbm>>
      %dma_wait3A_112 = arith.constant 0 : i32
      %dma_wait3A_113 = tpu.memref_slice %arg14[%add3A_97, %dma_wait3A_112] : memref<102400x8xf32, #tpu.memory_space<vmem_shared>> -> memref<1024x8xf32, #tpu.memory_space<vmem_shared>>
      tpu.wait_dma2 semaphore(%run_scoped3A : memref<!tpu.dma_semaphore, #tpu.memory_space<semaphore_mem>>) src(%dma_wait3A_113 : memref<1024x8xf32, #tpu.memory_space<vmem_shared>>) dst(%dma_wait3A_111 : memref<1024x8xf32, #tpu.memory_space<hbm>>)
      tpu.yield
    }) : () -> ()
    "tpu.region"() ({
      %run_scoped3A = tpu.sem_alloc : memref<!tpu.dma_semaphore, #tpu.memory_space<semaphore_mem>>
      %dma_start3A = tpu.memref_slice %arg7[%arg0, %add3A_97] : memref<2x102400xf32, #tpu.memory_space<hbm>> -> memref<1x1024xf32, #tpu.memory_space<hbm>>
      %dma_start3A_106 = tpu.memref_squeeze %dma_start3A : memref<1x1024xf32, #tpu.memory_space<hbm>> -> memref<1024xf32, #tpu.memory_space<hbm>>
      %dma_start3A_107 = tpu.memref_slice %arg15[%add3A_97] : memref<102400xf32, #tpu.memory_space<vmem_shared>> -> memref<1024xf32, #tpu.memory_space<vmem_shared>>
      tpu.enqueue_dma source(%dma_start3A_107 : memref<1024xf32, #tpu.memory_space<vmem_shared>>) target(%dma_start3A_106 : memref<1024xf32, #tpu.memory_space<hbm>>) target_semaphore(%run_scoped3A : memref<!tpu.dma_semaphore, #tpu.memory_space<semaphore_mem>>)
      %dma_wait3A = tpu.memref_slice %arg7[%arg0, %add3A_97] : memref<2x102400xf32, #tpu.memory_space<hbm>> -> memref<1x1024xf32, #tpu.memory_space<hbm>>
      %dma_wait3A_108 = tpu.memref_squeeze %dma_wait3A : memref<1x1024xf32, #tpu.memory_space<hbm>> -> memref<1024xf32, #tpu.memory_space<hbm>>
      %dma_wait3A_109 = tpu.memref_slice %arg15[%add3A_97] : memref<102400xf32, #tpu.memory_space<vmem_shared>> -> memref<1024xf32, #tpu.memory_space<vmem_shared>>
      tpu.wait_dma2 semaphore(%run_scoped3A : memref<!tpu.dma_semaphore, #tpu.memory_space<semaphore_mem>>) src(%dma_wait3A_109 : memref<1024xf32, #tpu.memory_space<vmem_shared>>) dst(%dma_wait3A_108 : memref<1024xf32, #tpu.memory_space<hbm>>)
      tpu.yield
    }) : () -> ()
    %mul3A_98 = arith.constant 6400 : i32
    %mul3A_99 = arith.muli %arg1, %mul3A_98 : i32
    %add3A_100 = arith.constant 5120 : i32
    %add3A_101 = arith.addi %mul3A_99, %add3A_100 : i32
    "tpu.region"() ({
      %run_scoped3A = tpu.sem_alloc : memref<!tpu.dma_semaphore, #tpu.memory_space<semaphore_mem>>
      %dma_start3A = arith.constant 0 : i32
      %dma_start3A_106 = tpu.memref_slice %arg6[%arg0, %add3A_101, %dma_start3A] : memref<2x102400x8xf32, #tpu.memory_space<hbm>> -> memref<1x1024x8xf32, #tpu.memory_space<hbm>>
      %dma_start3A_107 = tpu.memref_squeeze %dma_start3A_106 : memref<1x1024x8xf32, #tpu.memory_space<hbm>> -> memref<1024x8xf32, #tpu.memory_space<hbm>>
      %dma_start3A_108 = arith.constant 0 : i32
      %dma_start3A_109 = tpu.memref_slice %arg14[%add3A_101, %dma_start3A_108] : memref<102400x8xf32, #tpu.memory_space<vmem_shared>> -> memref<1024x8xf32, #tpu.memory_space<vmem_shared>>
      tpu.enqueue_dma source(%dma_start3A_109 : memref<1024x8xf32, #tpu.memory_space<vmem_shared>>) target(%dma_start3A_107 : memref<1024x8xf32, #tpu.memory_space<hbm>>) target_semaphore(%run_scoped3A : memref<!tpu.dma_semaphore, #tpu.memory_space<semaphore_mem>>)
      %dma_wait3A = arith.constant 0 : i32
      %dma_wait3A_110 = tpu.memref_slice %arg6[%arg0, %add3A_101, %dma_wait3A] : memref<2x102400x8xf32, #tpu.memory_space<hbm>> -> memref<1x1024x8xf32, #tpu.memory_space<hbm>>
      %dma_wait3A_111 = tpu.memref_squeeze %dma_wait3A_110 : memref<1x1024x8xf32, #tpu.memory_space<hbm>> -> memref<1024x8xf32, #tpu.memory_space<hbm>>
      %dma_wait3A_112 = arith.constant 0 : i32
      %dma_wait3A_113 = tpu.memref_slice %arg14[%add3A_101, %dma_wait3A_112] : memref<102400x8xf32, #tpu.memory_space<vmem_shared>> -> memref<1024x8xf32, #tpu.memory_space<vmem_shared>>
      tpu.wait_dma2 semaphore(%run_scoped3A : memref<!tpu.dma_semaphore, #tpu.memory_space<semaphore_mem>>) src(%dma_wait3A_113 : memref<1024x8xf32, #tpu.memory_space<vmem_shared>>) dst(%dma_wait3A_111 : memref<1024x8xf32, #tpu.memory_space<hbm>>)
      tpu.yield
    }) : () -> ()
    "tpu.region"() ({
      %run_scoped3A = tpu.sem_alloc : memref<!tpu.dma_semaphore, #tpu.memory_space<semaphore_mem>>
      %dma_start3A = tpu.memref_slice %arg7[%arg0, %add3A_101] : memref<2x102400xf32, #tpu.memory_space<hbm>> -> memref<1x1024xf32, #tpu.memory_space<hbm>>
      %dma_start3A_106 = tpu.memref_squeeze %dma_start3A : memref<1x1024xf32, #tpu.memory_space<hbm>> -> memref<1024xf32, #tpu.memory_space<hbm>>
      %dma_start3A_107 = tpu.memref_slice %arg15[%add3A_101] : memref<102400xf32, #tpu.memory_space<vmem_shared>> -> memref<1024xf32, #tpu.memory_space<vmem_shared>>
      tpu.enqueue_dma source(%dma_start3A_107 : memref<1024xf32, #tpu.memory_space<vmem_shared>>) target(%dma_start3A_106 : memref<1024xf32, #tpu.memory_space<hbm>>) target_semaphore(%run_scoped3A : memref<!tpu.dma_semaphore, #tpu.memory_space<semaphore_mem>>)
      %dma_wait3A = tpu.memref_slice %arg7[%arg0, %add3A_101] : memref<2x102400xf32, #tpu.memory_space<hbm>> -> memref<1x1024xf32, #tpu.memory_space<hbm>>
      %dma_wait3A_108 = tpu.memref_squeeze %dma_wait3A : memref<1x1024xf32, #tpu.memory_space<hbm>> -> memref<1024xf32, #tpu.memory_space<hbm>>
      %dma_wait3A_109 = tpu.memref_slice %arg15[%add3A_101] : memref<102400xf32, #tpu.memory_space<vmem_shared>> -> memref<1024xf32, #tpu.memory_space<vmem_shared>>
      tpu.wait_dma2 semaphore(%run_scoped3A : memref<!tpu.dma_semaphore, #tpu.memory_space<semaphore_mem>>) src(%dma_wait3A_109 : memref<1024xf32, #tpu.memory_space<vmem_shared>>) dst(%dma_wait3A_108 : memref<1024xf32, #tpu.memory_space<hbm>>)
      tpu.yield
    }) : () -> ()
    %mul3A_102 = arith.constant 6400 : i32
    %mul3A_103 = arith.muli %arg1, %mul3A_102 : i32
    %add3A_104 = arith.constant 6144 : i32
    %add3A_105 = arith.addi %mul3A_103, %add3A_104 : i32
    "tpu.region"() ({
      %run_scoped3A = tpu.sem_alloc : memref<!tpu.dma_semaphore, #tpu.memory_space<semaphore_mem>>
      %dma_start3A = arith.constant 0 : i32
      %dma_start3A_106 = tpu.memref_slice %arg6[%arg0, %add3A_105, %dma_start3A] : memref<2x102400x8xf32, #tpu.memory_space<hbm>> -> memref<1x256x8xf32, #tpu.memory_space<hbm>>
      %dma_start3A_107 = tpu.memref_squeeze %dma_start3A_106 : memref<1x256x8xf32, #tpu.memory_space<hbm>> -> memref<256x8xf32, #tpu.memory_space<hbm>>
      %dma_start3A_108 = arith.constant 0 : i32
      %dma_start3A_109 = tpu.memref_slice %arg14[%add3A_105, %dma_start3A_108] : memref<102400x8xf32, #tpu.memory_space<vmem_shared>> -> memref<256x8xf32, #tpu.memory_space<vmem_shared>>
      tpu.enqueue_dma source(%dma_start3A_109 : memref<256x8xf32, #tpu.memory_space<vmem_shared>>) target(%dma_start3A_107 : memref<256x8xf32, #tpu.memory_space<hbm>>) target_semaphore(%run_scoped3A : memref<!tpu.dma_semaphore, #tpu.memory_space<semaphore_mem>>)
      %dma_wait3A = arith.constant 0 : i32
      %dma_wait3A_110 = tpu.memref_slice %arg6[%arg0, %add3A_105, %dma_wait3A] : memref<2x102400x8xf32, #tpu.memory_space<hbm>> -> memref<1x256x8xf32, #tpu.memory_space<hbm>>
      %dma_wait3A_111 = tpu.memref_squeeze %dma_wait3A_110 : memref<1x256x8xf32, #tpu.memory_space<hbm>> -> memref<256x8xf32, #tpu.memory_space<hbm>>
      %dma_wait3A_112 = arith.constant 0 : i32
      %dma_wait3A_113 = tpu.memref_slice %arg14[%add3A_105, %dma_wait3A_112] : memref<102400x8xf32, #tpu.memory_space<vmem_shared>> -> memref<256x8xf32, #tpu.memory_space<vmem_shared>>
      tpu.wait_dma2 semaphore(%run_scoped3A : memref<!tpu.dma_semaphore, #tpu.memory_space<semaphore_mem>>) src(%dma_wait3A_113 : memref<256x8xf32, #tpu.memory_space<vmem_shared>>) dst(%dma_wait3A_111 : memref<256x8xf32, #tpu.memory_space<hbm>>)
      tpu.yield
    }) : () -> ()
    "tpu.region"() ({
      %run_scoped3A = tpu.sem_alloc : memref<!tpu.dma_semaphore, #tpu.memory_space<semaphore_mem>>
      %dma_start3A = tpu.memref_slice %arg7[%arg0, %add3A_105] : memref<2x102400xf32, #tpu.memory_space<hbm>> -> memref<1x256xf32, #tpu.memory_space<hbm>>
      %dma_start3A_106 = tpu.memref_squeeze %dma_start3A : memref<1x256xf32, #tpu.memory_space<hbm>> -> memref<256xf32, #tpu.memory_space<hbm>>
      %dma_start3A_107 = tpu.memref_slice %arg15[%add3A_105] : memref<102400xf32, #tpu.memory_space<vmem_shared>> -> memref<256xf32, #tpu.memory_space<vmem_shared>>
      tpu.enqueue_dma source(%dma_start3A_107 : memref<256xf32, #tpu.memory_space<vmem_shared>>) target(%dma_start3A_106 : memref<256xf32, #tpu.memory_space<hbm>>) target_semaphore(%run_scoped3A : memref<!tpu.dma_semaphore, #tpu.memory_space<semaphore_mem>>)
      %dma_wait3A = tpu.memref_slice %arg7[%arg0, %add3A_105] : memref<2x102400xf32, #tpu.memory_space<hbm>> -> memref<1x256xf32, #tpu.memory_space<hbm>>
      %dma_wait3A_108 = tpu.memref_squeeze %dma_wait3A : memref<1x256xf32, #tpu.memory_space<hbm>> -> memref<256xf32, #tpu.memory_space<hbm>>
      %dma_wait3A_109 = tpu.memref_slice %arg15[%add3A_105] : memref<102400xf32, #tpu.memory_space<vmem_shared>> -> memref<256xf32, #tpu.memory_space<vmem_shared>>
      tpu.wait_dma2 semaphore(%run_scoped3A : memref<!tpu.dma_semaphore, #tpu.memory_space<semaphore_mem>>) src(%dma_wait3A_109 : memref<256xf32, #tpu.memory_space<vmem_shared>>) dst(%dma_wait3A_108 : memref<256xf32, #tpu.memory_space<hbm>>)
      tpu.yield
    }) : () -> ()
    return
  }
}

#map = affine_map<(d0, d1) -> (0, 0)>
#map1 = affine_map<(d0, d1) -> (0, 0, 0)>
module attributes {stable_mosaic.version = 14 : i64} {
  func.func @body(%arg0: i32, %arg1: i32, %arg2: memref<101000x16xf32, #tpu.memory_space<hbm>>, %arg3: memref<51000x16xf32, #tpu.memory_space<hbm>>, %arg4: memref<12544x128xi32, #tpu.memory_space<hbm>>, %arg5: memref<12544x128xi32, #tpu.memory_space<hbm>>, %arg6: memref<2x53248x8xf32, #tpu.memory_space<hbm>>, %arg7: memref<2x53248xf32, #tpu.memory_space<hbm>>, %arg8: memref<8x128xi32, #tpu.memory_space<vmem>>, %arg9: memref<8x128xi32, #tpu.memory_space<vmem>>, %arg10: memref<1024x16xf32, #tpu.memory_space<vmem>>, %arg11: memref<1024x16xf32, #tpu.memory_space<vmem>>, %arg12: memref<1024x8xf32, #tpu.memory_space<vmem>>, %arg13: memref<1024xf32, #tpu.memory_space<vmem>>, %arg14: memref<53248x8xf32, #tpu.memory_space<vmem_shared>>, %arg15: memref<53248xf32, #tpu.memory_space<vmem_shared>>, %arg16: memref<!tpu.dma_semaphore, #tpu.memory_space<semaphore_mem>>) attributes {dimension_semantics = [#tpu.dimension_semantics<core_parallel>, #tpu.dimension_semantics<subcore_parallel>], iteration_bounds = array<i64: 2, 16>, scalar_prefetch = 0 : i64, scratch_operands = 9 : i64, tpu.core_type = #tpu.core_type<sc_vector_subcore>, window_params = [{transform_indices = #map}, {transform_indices = #map}, {transform_indices = #map}, {transform_indices = #map}, {transform_indices = #map1}, {transform_indices = #map}]} {
    %mul3A = arith.constant 16 : i32
    %mul3A_0 = arith.muli %arg0, %mul3A : i32
    %add3A = arith.addi %mul3A_0, %arg1 : i32
    %scan3A = arith.constant 0 : i32
    %scan3A_1 = arith.constant 0 : i32
    %scan3A_2 = arith.constant 512 : i32
    %scan3A_3 = arith.addi %scan3A_1, %scan3A_2 : i32
    %scan3A_4 = arith.constant 1 : i32
    %scan3A_5 = scf.for %scan3A_70 = %scan3A_1 to %scan3A_3 step %scan3A_4 iter_args(%scan3A_71 = %scan3A) -> (i32)  : i32 {
      %mul3A_72 = arith.constant 2 : i32
      %mul3A_73 = arith.muli %scan3A_70, %mul3A_72 : i32
      %iota3A = tpu.iota {dimensions = array<i32: 0>} : vector<16xi32>
      %jit3A = arith.constant 8 : i32
      %div3A = vector.broadcast %jit3A : i32 to vector<16xi32>
      %div3A_74 = arith.divsi %iota3A, %div3A : vector<16xi32>
      %sign3A = arith.constant 0 : i32
      %sign3A_75 = vector.broadcast %sign3A : i32 to vector<16xi32>
      %sign3A_76 = arith.cmpi sgt, %iota3A, %sign3A_75 : vector<16xi32>
      %sign3A_77 = arith.extui %sign3A_76 : vector<16xi1> to vector<16xi32>
      %sign3A_78 = arith.constant 0 : i32
      %sign3A_79 = vector.broadcast %sign3A_78 : i32 to vector<16xi32>
      %sign3A_80 = arith.cmpi slt, %iota3A, %sign3A_79 : vector<16xi32>
      %sign3A_81 = arith.extui %sign3A_80 : vector<16xi1> to vector<16xi32>
      %sign3A_82 = arith.subi %sign3A_77, %sign3A_81 : vector<16xi32>
      %sign3A_83 = arith.constant 0 : i32
      %sign3A_84 = arith.cmpi sgt, %jit3A, %sign3A_83 : i32
      %sign3A_85 = arith.extui %sign3A_84 : i1 to i32
      %sign3A_86 = arith.constant 0 : i32
      %sign3A_87 = arith.cmpi slt, %jit3A, %sign3A_86 : i32
      %sign3A_88 = arith.extui %sign3A_87 : i1 to i32
      %sign3A_89 = arith.subi %sign3A_85, %sign3A_88 : i32
      %ne3A = vector.broadcast %sign3A_89 : i32 to vector<16xi32>
      %ne3A_90 = arith.cmpi ne, %sign3A_82, %ne3A : vector<16xi32>
      %rem3A = vector.broadcast %jit3A : i32 to vector<16xi32>
      %rem3A_91 = arith.remsi %iota3A, %rem3A : vector<16xi32>
      %ne3A_92 = arith.constant 0 : i32
      %ne3A_93 = vector.broadcast %ne3A_92 : i32 to vector<16xi32>
      %ne3A_94 = arith.cmpi ne, %rem3A_91, %ne3A_93 : vector<16xi32>
      %and3A = arith.andi %ne3A_90, %ne3A_94 : vector<16xi1>
      %sub3A = arith.constant 1 : i32
      %sub3A_95 = vector.broadcast %sub3A : i32 to vector<16xi32>
      %sub3A_96 = arith.subi %div3A_74, %sub3A_95 : vector<16xi32>
      %select_n3A = arith.select %and3A, %sub3A_96, %div3A_74 : vector<16xi1>, vector<16xi32>
      %add3A_97 = vector.broadcast %mul3A_73 : i32 to vector<16xi32>
      %add3A_98 = arith.addi %add3A_97, %select_n3A : vector<16xi32>
      %iota3A_99 = tpu.iota {dimensions = array<i32: 0>} : vector<16xi32>
      %jit3A_100 = arith.constant 8 : i32
      %eq3A = arith.constant 0 : i32
      %eq3A_101 = arith.cmpi eq, %jit3A_100, %eq3A : i32
      %jit3A_102 = arith.constant 1 : i32
      %select_n3A_103 = arith.select %eq3A_101, %jit3A_102, %jit3A_100 : i32
      %rem3A_104 = vector.broadcast %select_n3A_103 : i32 to vector<16xi32>
      %rem3A_105 = arith.remsi %iota3A_99, %rem3A_104 : vector<16xi32>
      %ne3A_106 = arith.constant 0 : i32
      %ne3A_107 = vector.broadcast %ne3A_106 : i32 to vector<16xi32>
      %ne3A_108 = arith.cmpi ne, %rem3A_105, %ne3A_107 : vector<16xi32>
      %lt3A = arith.constant 0 : i32
      %lt3A_109 = vector.broadcast %lt3A : i32 to vector<16xi32>
      %lt3A_110 = arith.cmpi slt, %rem3A_105, %lt3A_109 : vector<16xi32>
      %lt3A_111 = arith.constant 0 : i32
      %lt3A_112 = arith.cmpi slt, %select_n3A_103, %lt3A_111 : i32
      %ne3A_113 = vector.broadcast %lt3A_112 : i1 to vector<16xi1>
      %ne3A_114 = vector.broadcast %ne3A_113 : vector<16xi1> to vector<16xi1>
      %ne3A_115 = arith.xori %lt3A_110, %ne3A_114 : vector<16xi1>
      %and3A_116 = arith.andi %ne3A_115, %ne3A_108 : vector<16xi1>
      %add3A_117 = vector.broadcast %select_n3A_103 : i32 to vector<16xi32>
      %add3A_118 = arith.addi %rem3A_105, %add3A_117 : vector<16xi32>
      %select_n3A_119 = arith.select %and3A_116, %add3A_118, %rem3A_105 : vector<16xi1>, vector<16xi32>
      %broadcast_in_dim3A = arith.constant 0.000000e+00 : f32
      %broadcast_in_dim3A_120 = vector.broadcast %broadcast_in_dim3A : f32 to vector<16xf32>
      tpu.vector_store_idx %arg12[%add3A_98, %select_n3A_119], %broadcast_in_dim3A_120 : memref<1024x8xf32, #tpu.memory_space<vmem>>[vector<16xi32>, vector<16xi32>], vector<16xf32>,
      %scan3A_121 = arith.constant 0 : i32
      scf.yield %scan3A_121 : i32
    }
    %scan3A_6 = arith.constant 512 : i32
    %scan3A_7 = arith.constant 0 : i32
    %scan3A_8 = arith.constant 0 : i32
    %scan3A_9 = arith.constant 64 : i32
    %scan3A_10 = arith.addi %scan3A_8, %scan3A_9 : i32
    %scan3A_11 = arith.constant 1 : i32
    %scan3A_12 = scf.for %scan3A_70 = %scan3A_8 to %scan3A_10 step %scan3A_11 iter_args(%scan3A_71 = %scan3A_7) -> (i32)  : i32 {
      %broadcast_in_dim3A = arith.constant 0.000000e+00 : f32
      %broadcast_in_dim3A_72 = vector.broadcast %broadcast_in_dim3A : f32 to vector<16xf32>
      %mul3A_73 = arith.constant 16 : i32
      %mul3A_74 = arith.muli %scan3A_70, %mul3A_73 : i32
      %swap3A = arith.index_cast %mul3A_74 : i32 to index
      %swap3A_75 = tpu.vector_load %arg13[%swap3A] {strides = array<i32>} : memref<1024xf32, #tpu.memory_space<vmem>>, vector<16xf32>,
      tpu.vector_store %arg13[%swap3A], %broadcast_in_dim3A_72 {strides = array<i32>} : memref<1024xf32, #tpu.memory_space<vmem>>, vector<16xf32>,
      %scan3A_76 = arith.constant 0 : i32
      scf.yield %scan3A_76 : i32
    }
    %scan3A_13 = arith.constant 64 : i32
    %mul3A_14 = arith.constant 3328 : i32
    %mul3A_15 = arith.muli %arg1, %mul3A_14 : i32
    %add3A_16 = arith.constant 0 : i32
    %add3A_17 = arith.addi %mul3A_15, %add3A_16 : i32
    "tpu.region"() ({
      %run_scoped3A = tpu.sem_alloc : memref<!tpu.dma_semaphore, #tpu.memory_space<semaphore_mem>>
      %dma_start3A = arith.constant 0 : i32
      %dma_start3A_70 = arith.constant 0 : i32
      %dma_start3A_71 = tpu.memref_slice %arg12[%dma_start3A, %dma_start3A_70] : memref<1024x8xf32, #tpu.memory_space<vmem>> -> memref<1024x8xf32, #tpu.memory_space<vmem>>
      %dma_start3A_72 = arith.constant 0 : i32
      %dma_start3A_73 = tpu.memref_slice %arg14[%add3A_17, %dma_start3A_72] : memref<53248x8xf32, #tpu.memory_space<vmem_shared>> -> memref<1024x8xf32, #tpu.memory_space<vmem_shared>>
      %dma_start3A_74 = arith.constant 0 : i32
      %dma_start3A_75 = tpu.memref_slice %arg14[%add3A_17, %dma_start3A_74] : memref<53248x8xf32, #tpu.memory_space<vmem_shared>> -> memref<1024x8xf32, #tpu.memory_space<vmem_shared>>
      %dma_start3A_76 = arith.constant 0 : i32
      %dma_start3A_77 = arith.constant 0 : i32
      %dma_start3A_78 = tpu.memref_slice %arg12[%dma_start3A_76, %dma_start3A_77] : memref<1024x8xf32, #tpu.memory_space<vmem>> -> memref<1024x8xf32, #tpu.memory_space<vmem>>
      tpu.enqueue_dma source(%dma_start3A_78 : memref<1024x8xf32, #tpu.memory_space<vmem>>) target(%dma_start3A_75 : memref<1024x8xf32, #tpu.memory_space<vmem_shared>>) target_semaphore(%run_scoped3A : memref<!tpu.dma_semaphore, #tpu.memory_space<semaphore_mem>>)
      %dma_wait3A = arith.constant 0 : i32
      %dma_wait3A_79 = arith.constant 0 : i32
      %dma_wait3A_80 = tpu.memref_slice %arg12[%dma_wait3A, %dma_wait3A_79] : memref<1024x8xf32, #tpu.memory_space<vmem>> -> memref<1024x8xf32, #tpu.memory_space<vmem>>
      %dma_wait3A_81 = arith.constant 0 : i32
      %dma_wait3A_82 = tpu.memref_slice %arg14[%add3A_17, %dma_wait3A_81] : memref<53248x8xf32, #tpu.memory_space<vmem_shared>> -> memref<1024x8xf32, #tpu.memory_space<vmem_shared>>
      %dma_wait3A_83 = arith.constant 0 : i32
      %dma_wait3A_84 = tpu.memref_slice %arg14[%add3A_17, %dma_wait3A_83] : memref<53248x8xf32, #tpu.memory_space<vmem_shared>> -> memref<1024x8xf32, #tpu.memory_space<vmem_shared>>
      %dma_wait3A_85 = arith.constant 0 : i32
      %dma_wait3A_86 = arith.constant 0 : i32
      %dma_wait3A_87 = tpu.memref_slice %arg12[%dma_wait3A_85, %dma_wait3A_86] : memref<1024x8xf32, #tpu.memory_space<vmem>> -> memref<1024x8xf32, #tpu.memory_space<vmem>>
      tpu.wait_dma2 semaphore(%run_scoped3A : memref<!tpu.dma_semaphore, #tpu.memory_space<semaphore_mem>>) src(%dma_wait3A_87 : memref<1024x8xf32, #tpu.memory_space<vmem>>) dst(%dma_wait3A_84 : memref<1024x8xf32, #tpu.memory_space<vmem_shared>>)
      tpu.yield
    }) : () -> ()
    %mul3A_18 = arith.constant 3328 : i32
    %mul3A_19 = arith.muli %arg1, %mul3A_18 : i32
    %add3A_20 = arith.constant 0 : i32
    %add3A_21 = arith.addi %mul3A_19, %add3A_20 : i32
    "tpu.region"() ({
      %run_scoped3A = tpu.sem_alloc : memref<!tpu.dma_semaphore, #tpu.memory_space<semaphore_mem>>
      %dma_start3A = arith.constant 0 : i32
      %dma_start3A_70 = tpu.memref_slice %arg13[%dma_start3A] : memref<1024xf32, #tpu.memory_space<vmem>> -> memref<1024xf32, #tpu.memory_space<vmem>>
      %dma_start3A_71 = tpu.memref_slice %arg15[%add3A_21] : memref<53248xf32, #tpu.memory_space<vmem_shared>> -> memref<1024xf32, #tpu.memory_space<vmem_shared>>
      %dma_start3A_72 = tpu.memref_slice %arg15[%add3A_21] : memref<53248xf32, #tpu.memory_space<vmem_shared>> -> memref<1024xf32, #tpu.memory_space<vmem_shared>>
      %dma_start3A_73 = arith.constant 0 : i32
      %dma_start3A_74 = tpu.memref_slice %arg13[%dma_start3A_73] : memref<1024xf32, #tpu.memory_space<vmem>> -> memref<1024xf32, #tpu.memory_space<vmem>>
      tpu.enqueue_dma source(%dma_start3A_74 : memref<1024xf32, #tpu.memory_space<vmem>>) target(%dma_start3A_72 : memref<1024xf32, #tpu.memory_space<vmem_shared>>) target_semaphore(%run_scoped3A : memref<!tpu.dma_semaphore, #tpu.memory_space<semaphore_mem>>)
      %dma_wait3A = arith.constant 0 : i32
      %dma_wait3A_75 = tpu.memref_slice %arg13[%dma_wait3A] : memref<1024xf32, #tpu.memory_space<vmem>> -> memref<1024xf32, #tpu.memory_space<vmem>>
      %dma_wait3A_76 = tpu.memref_slice %arg15[%add3A_21] : memref<53248xf32, #tpu.memory_space<vmem_shared>> -> memref<1024xf32, #tpu.memory_space<vmem_shared>>
      %dma_wait3A_77 = tpu.memref_slice %arg15[%add3A_21] : memref<53248xf32, #tpu.memory_space<vmem_shared>> -> memref<1024xf32, #tpu.memory_space<vmem_shared>>
      %dma_wait3A_78 = arith.constant 0 : i32
      %dma_wait3A_79 = tpu.memref_slice %arg13[%dma_wait3A_78] : memref<1024xf32, #tpu.memory_space<vmem>> -> memref<1024xf32, #tpu.memory_space<vmem>>
      tpu.wait_dma2 semaphore(%run_scoped3A : memref<!tpu.dma_semaphore, #tpu.memory_space<semaphore_mem>>) src(%dma_wait3A_79 : memref<1024xf32, #tpu.memory_space<vmem>>) dst(%dma_wait3A_77 : memref<1024xf32, #tpu.memory_space<vmem_shared>>)
      tpu.yield
    }) : () -> ()
    %mul3A_22 = arith.constant 3328 : i32
    %mul3A_23 = arith.muli %arg1, %mul3A_22 : i32
    %add3A_24 = arith.constant 1024 : i32
    %add3A_25 = arith.addi %mul3A_23, %add3A_24 : i32
    "tpu.region"() ({
      %run_scoped3A = tpu.sem_alloc : memref<!tpu.dma_semaphore, #tpu.memory_space<semaphore_mem>>
      %dma_start3A = arith.constant 0 : i32
      %dma_start3A_70 = arith.constant 0 : i32
      %dma_start3A_71 = tpu.memref_slice %arg12[%dma_start3A, %dma_start3A_70] : memref<1024x8xf32, #tpu.memory_space<vmem>> -> memref<1024x8xf32, #tpu.memory_space<vmem>>
      %dma_start3A_72 = arith.constant 0 : i32
      %dma_start3A_73 = tpu.memref_slice %arg14[%add3A_25, %dma_start3A_72] : memref<53248x8xf32, #tpu.memory_space<vmem_shared>> -> memref<1024x8xf32, #tpu.memory_space<vmem_shared>>
      %dma_start3A_74 = arith.constant 0 : i32
      %dma_start3A_75 = tpu.memref_slice %arg14[%add3A_25, %dma_start3A_74] : memref<53248x8xf32, #tpu.memory_space<vmem_shared>> -> memref<1024x8xf32, #tpu.memory_space<vmem_shared>>
      %dma_start3A_76 = arith.constant 0 : i32
      %dma_start3A_77 = arith.constant 0 : i32
      %dma_start3A_78 = tpu.memref_slice %arg12[%dma_start3A_76, %dma_start3A_77] : memref<1024x8xf32, #tpu.memory_space<vmem>> -> memref<1024x8xf32, #tpu.memory_space<vmem>>
      tpu.enqueue_dma source(%dma_start3A_78 : memref<1024x8xf32, #tpu.memory_space<vmem>>) target(%dma_start3A_75 : memref<1024x8xf32, #tpu.memory_space<vmem_shared>>) target_semaphore(%run_scoped3A : memref<!tpu.dma_semaphore, #tpu.memory_space<semaphore_mem>>)
      %dma_wait3A = arith.constant 0 : i32
      %dma_wait3A_79 = arith.constant 0 : i32
      %dma_wait3A_80 = tpu.memref_slice %arg12[%dma_wait3A, %dma_wait3A_79] : memref<1024x8xf32, #tpu.memory_space<vmem>> -> memref<1024x8xf32, #tpu.memory_space<vmem>>
      %dma_wait3A_81 = arith.constant 0 : i32
      %dma_wait3A_82 = tpu.memref_slice %arg14[%add3A_25, %dma_wait3A_81] : memref<53248x8xf32, #tpu.memory_space<vmem_shared>> -> memref<1024x8xf32, #tpu.memory_space<vmem_shared>>
      %dma_wait3A_83 = arith.constant 0 : i32
      %dma_wait3A_84 = tpu.memref_slice %arg14[%add3A_25, %dma_wait3A_83] : memref<53248x8xf32, #tpu.memory_space<vmem_shared>> -> memref<1024x8xf32, #tpu.memory_space<vmem_shared>>
      %dma_wait3A_85 = arith.constant 0 : i32
      %dma_wait3A_86 = arith.constant 0 : i32
      %dma_wait3A_87 = tpu.memref_slice %arg12[%dma_wait3A_85, %dma_wait3A_86] : memref<1024x8xf32, #tpu.memory_space<vmem>> -> memref<1024x8xf32, #tpu.memory_space<vmem>>
      tpu.wait_dma2 semaphore(%run_scoped3A : memref<!tpu.dma_semaphore, #tpu.memory_space<semaphore_mem>>) src(%dma_wait3A_87 : memref<1024x8xf32, #tpu.memory_space<vmem>>) dst(%dma_wait3A_84 : memref<1024x8xf32, #tpu.memory_space<vmem_shared>>)
      tpu.yield
    }) : () -> ()
    %mul3A_26 = arith.constant 3328 : i32
    %mul3A_27 = arith.muli %arg1, %mul3A_26 : i32
    %add3A_28 = arith.constant 1024 : i32
    %add3A_29 = arith.addi %mul3A_27, %add3A_28 : i32
    "tpu.region"() ({
      %run_scoped3A = tpu.sem_alloc : memref<!tpu.dma_semaphore, #tpu.memory_space<semaphore_mem>>
      %dma_start3A = arith.constant 0 : i32
      %dma_start3A_70 = tpu.memref_slice %arg13[%dma_start3A] : memref<1024xf32, #tpu.memory_space<vmem>> -> memref<1024xf32, #tpu.memory_space<vmem>>
      %dma_start3A_71 = tpu.memref_slice %arg15[%add3A_29] : memref<53248xf32, #tpu.memory_space<vmem_shared>> -> memref<1024xf32, #tpu.memory_space<vmem_shared>>
      %dma_start3A_72 = tpu.memref_slice %arg15[%add3A_29] : memref<53248xf32, #tpu.memory_space<vmem_shared>> -> memref<1024xf32, #tpu.memory_space<vmem_shared>>
      %dma_start3A_73 = arith.constant 0 : i32
      %dma_start3A_74 = tpu.memref_slice %arg13[%dma_start3A_73] : memref<1024xf32, #tpu.memory_space<vmem>> -> memref<1024xf32, #tpu.memory_space<vmem>>
      tpu.enqueue_dma source(%dma_start3A_74 : memref<1024xf32, #tpu.memory_space<vmem>>) target(%dma_start3A_72 : memref<1024xf32, #tpu.memory_space<vmem_shared>>) target_semaphore(%run_scoped3A : memref<!tpu.dma_semaphore, #tpu.memory_space<semaphore_mem>>)
      %dma_wait3A = arith.constant 0 : i32
      %dma_wait3A_75 = tpu.memref_slice %arg13[%dma_wait3A] : memref<1024xf32, #tpu.memory_space<vmem>> -> memref<1024xf32, #tpu.memory_space<vmem>>
      %dma_wait3A_76 = tpu.memref_slice %arg15[%add3A_29] : memref<53248xf32, #tpu.memory_space<vmem_shared>> -> memref<1024xf32, #tpu.memory_space<vmem_shared>>
      %dma_wait3A_77 = tpu.memref_slice %arg15[%add3A_29] : memref<53248xf32, #tpu.memory_space<vmem_shared>> -> memref<1024xf32, #tpu.memory_space<vmem_shared>>
      %dma_wait3A_78 = arith.constant 0 : i32
      %dma_wait3A_79 = tpu.memref_slice %arg13[%dma_wait3A_78] : memref<1024xf32, #tpu.memory_space<vmem>> -> memref<1024xf32, #tpu.memory_space<vmem>>
      tpu.wait_dma2 semaphore(%run_scoped3A : memref<!tpu.dma_semaphore, #tpu.memory_space<semaphore_mem>>) src(%dma_wait3A_79 : memref<1024xf32, #tpu.memory_space<vmem>>) dst(%dma_wait3A_77 : memref<1024xf32, #tpu.memory_space<vmem_shared>>)
      tpu.yield
    }) : () -> ()
    %mul3A_30 = arith.constant 3328 : i32
    %mul3A_31 = arith.muli %arg1, %mul3A_30 : i32
    %add3A_32 = arith.constant 2048 : i32
    %add3A_33 = arith.addi %mul3A_31, %add3A_32 : i32
    "tpu.region"() ({
      %run_scoped3A = tpu.sem_alloc : memref<!tpu.dma_semaphore, #tpu.memory_space<semaphore_mem>>
      %dma_start3A = arith.constant 0 : i32
      %dma_start3A_70 = arith.constant 0 : i32
      %dma_start3A_71 = tpu.memref_slice %arg12[%dma_start3A, %dma_start3A_70] : memref<1024x8xf32, #tpu.memory_space<vmem>> -> memref<1024x8xf32, #tpu.memory_space<vmem>>
      %dma_start3A_72 = arith.constant 0 : i32
      %dma_start3A_73 = tpu.memref_slice %arg14[%add3A_33, %dma_start3A_72] : memref<53248x8xf32, #tpu.memory_space<vmem_shared>> -> memref<1024x8xf32, #tpu.memory_space<vmem_shared>>
      %dma_start3A_74 = arith.constant 0 : i32
      %dma_start3A_75 = tpu.memref_slice %arg14[%add3A_33, %dma_start3A_74] : memref<53248x8xf32, #tpu.memory_space<vmem_shared>> -> memref<1024x8xf32, #tpu.memory_space<vmem_shared>>
      %dma_start3A_76 = arith.constant 0 : i32
      %dma_start3A_77 = arith.constant 0 : i32
      %dma_start3A_78 = tpu.memref_slice %arg12[%dma_start3A_76, %dma_start3A_77] : memref<1024x8xf32, #tpu.memory_space<vmem>> -> memref<1024x8xf32, #tpu.memory_space<vmem>>
      tpu.enqueue_dma source(%dma_start3A_78 : memref<1024x8xf32, #tpu.memory_space<vmem>>) target(%dma_start3A_75 : memref<1024x8xf32, #tpu.memory_space<vmem_shared>>) target_semaphore(%run_scoped3A : memref<!tpu.dma_semaphore, #tpu.memory_space<semaphore_mem>>)
      %dma_wait3A = arith.constant 0 : i32
      %dma_wait3A_79 = arith.constant 0 : i32
      %dma_wait3A_80 = tpu.memref_slice %arg12[%dma_wait3A, %dma_wait3A_79] : memref<1024x8xf32, #tpu.memory_space<vmem>> -> memref<1024x8xf32, #tpu.memory_space<vmem>>
      %dma_wait3A_81 = arith.constant 0 : i32
      %dma_wait3A_82 = tpu.memref_slice %arg14[%add3A_33, %dma_wait3A_81] : memref<53248x8xf32, #tpu.memory_space<vmem_shared>> -> memref<1024x8xf32, #tpu.memory_space<vmem_shared>>
      %dma_wait3A_83 = arith.constant 0 : i32
      %dma_wait3A_84 = tpu.memref_slice %arg14[%add3A_33, %dma_wait3A_83] : memref<53248x8xf32, #tpu.memory_space<vmem_shared>> -> memref<1024x8xf32, #tpu.memory_space<vmem_shared>>
      %dma_wait3A_85 = arith.constant 0 : i32
      %dma_wait3A_86 = arith.constant 0 : i32
      %dma_wait3A_87 = tpu.memref_slice %arg12[%dma_wait3A_85, %dma_wait3A_86] : memref<1024x8xf32, #tpu.memory_space<vmem>> -> memref<1024x8xf32, #tpu.memory_space<vmem>>
      tpu.wait_dma2 semaphore(%run_scoped3A : memref<!tpu.dma_semaphore, #tpu.memory_space<semaphore_mem>>) src(%dma_wait3A_87 : memref<1024x8xf32, #tpu.memory_space<vmem>>) dst(%dma_wait3A_84 : memref<1024x8xf32, #tpu.memory_space<vmem_shared>>)
      tpu.yield
    }) : () -> ()
    %mul3A_34 = arith.constant 3328 : i32
    %mul3A_35 = arith.muli %arg1, %mul3A_34 : i32
    %add3A_36 = arith.constant 2048 : i32
    %add3A_37 = arith.addi %mul3A_35, %add3A_36 : i32
    "tpu.region"() ({
      %run_scoped3A = tpu.sem_alloc : memref<!tpu.dma_semaphore, #tpu.memory_space<semaphore_mem>>
      %dma_start3A = arith.constant 0 : i32
      %dma_start3A_70 = tpu.memref_slice %arg13[%dma_start3A] : memref<1024xf32, #tpu.memory_space<vmem>> -> memref<1024xf32, #tpu.memory_space<vmem>>
      %dma_start3A_71 = tpu.memref_slice %arg15[%add3A_37] : memref<53248xf32, #tpu.memory_space<vmem_shared>> -> memref<1024xf32, #tpu.memory_space<vmem_shared>>
      %dma_start3A_72 = tpu.memref_slice %arg15[%add3A_37] : memref<53248xf32, #tpu.memory_space<vmem_shared>> -> memref<1024xf32, #tpu.memory_space<vmem_shared>>
      %dma_start3A_73 = arith.constant 0 : i32
      %dma_start3A_74 = tpu.memref_slice %arg13[%dma_start3A_73] : memref<1024xf32, #tpu.memory_space<vmem>> -> memref<1024xf32, #tpu.memory_space<vmem>>
      tpu.enqueue_dma source(%dma_start3A_74 : memref<1024xf32, #tpu.memory_space<vmem>>) target(%dma_start3A_72 : memref<1024xf32, #tpu.memory_space<vmem_shared>>) target_semaphore(%run_scoped3A : memref<!tpu.dma_semaphore, #tpu.memory_space<semaphore_mem>>)
      %dma_wait3A = arith.constant 0 : i32
      %dma_wait3A_75 = tpu.memref_slice %arg13[%dma_wait3A] : memref<1024xf32, #tpu.memory_space<vmem>> -> memref<1024xf32, #tpu.memory_space<vmem>>
      %dma_wait3A_76 = tpu.memref_slice %arg15[%add3A_37] : memref<53248xf32, #tpu.memory_space<vmem_shared>> -> memref<1024xf32, #tpu.memory_space<vmem_shared>>
      %dma_wait3A_77 = tpu.memref_slice %arg15[%add3A_37] : memref<53248xf32, #tpu.memory_space<vmem_shared>> -> memref<1024xf32, #tpu.memory_space<vmem_shared>>
      %dma_wait3A_78 = arith.constant 0 : i32
      %dma_wait3A_79 = tpu.memref_slice %arg13[%dma_wait3A_78] : memref<1024xf32, #tpu.memory_space<vmem>> -> memref<1024xf32, #tpu.memory_space<vmem>>
      tpu.wait_dma2 semaphore(%run_scoped3A : memref<!tpu.dma_semaphore, #tpu.memory_space<semaphore_mem>>) src(%dma_wait3A_79 : memref<1024xf32, #tpu.memory_space<vmem>>) dst(%dma_wait3A_77 : memref<1024xf32, #tpu.memory_space<vmem_shared>>)
      tpu.yield
    }) : () -> ()
    %mul3A_38 = arith.constant 3328 : i32
    %mul3A_39 = arith.muli %arg1, %mul3A_38 : i32
    %add3A_40 = arith.constant 3072 : i32
    %add3A_41 = arith.addi %mul3A_39, %add3A_40 : i32
    "tpu.region"() ({
      %run_scoped3A = tpu.sem_alloc : memref<!tpu.dma_semaphore, #tpu.memory_space<semaphore_mem>>
      %dma_start3A = arith.constant 0 : i32
      %dma_start3A_70 = arith.constant 0 : i32
      %dma_start3A_71 = tpu.memref_slice %arg12[%dma_start3A, %dma_start3A_70] : memref<1024x8xf32, #tpu.memory_space<vmem>> -> memref<256x8xf32, #tpu.memory_space<vmem>>
      %dma_start3A_72 = arith.constant 0 : i32
      %dma_start3A_73 = tpu.memref_slice %arg14[%add3A_41, %dma_start3A_72] : memref<53248x8xf32, #tpu.memory_space<vmem_shared>> -> memref<256x8xf32, #tpu.memory_space<vmem_shared>>
      %dma_start3A_74 = arith.constant 0 : i32
      %dma_start3A_75 = tpu.memref_slice %arg14[%add3A_41, %dma_start3A_74] : memref<53248x8xf32, #tpu.memory_space<vmem_shared>> -> memref<256x8xf32, #tpu.memory_space<vmem_shared>>
      %dma_start3A_76 = arith.constant 0 : i32
      %dma_start3A_77 = arith.constant 0 : i32
      %dma_start3A_78 = tpu.memref_slice %arg12[%dma_start3A_76, %dma_start3A_77] : memref<1024x8xf32, #tpu.memory_space<vmem>> -> memref<256x8xf32, #tpu.memory_space<vmem>>
      tpu.enqueue_dma source(%dma_start3A_78 : memref<256x8xf32, #tpu.memory_space<vmem>>) target(%dma_start3A_75 : memref<256x8xf32, #tpu.memory_space<vmem_shared>>) target_semaphore(%run_scoped3A : memref<!tpu.dma_semaphore, #tpu.memory_space<semaphore_mem>>)
      %dma_wait3A = arith.constant 0 : i32
      %dma_wait3A_79 = arith.constant 0 : i32
      %dma_wait3A_80 = tpu.memref_slice %arg12[%dma_wait3A, %dma_wait3A_79] : memref<1024x8xf32, #tpu.memory_space<vmem>> -> memref<256x8xf32, #tpu.memory_space<vmem>>
      %dma_wait3A_81 = arith.constant 0 : i32
      %dma_wait3A_82 = tpu.memref_slice %arg14[%add3A_41, %dma_wait3A_81] : memref<53248x8xf32, #tpu.memory_space<vmem_shared>> -> memref<256x8xf32, #tpu.memory_space<vmem_shared>>
      %dma_wait3A_83 = arith.constant 0 : i32
      %dma_wait3A_84 = tpu.memref_slice %arg14[%add3A_41, %dma_wait3A_83] : memref<53248x8xf32, #tpu.memory_space<vmem_shared>> -> memref<256x8xf32, #tpu.memory_space<vmem_shared>>
      %dma_wait3A_85 = arith.constant 0 : i32
      %dma_wait3A_86 = arith.constant 0 : i32
      %dma_wait3A_87 = tpu.memref_slice %arg12[%dma_wait3A_85, %dma_wait3A_86] : memref<1024x8xf32, #tpu.memory_space<vmem>> -> memref<256x8xf32, #tpu.memory_space<vmem>>
      tpu.wait_dma2 semaphore(%run_scoped3A : memref<!tpu.dma_semaphore, #tpu.memory_space<semaphore_mem>>) src(%dma_wait3A_87 : memref<256x8xf32, #tpu.memory_space<vmem>>) dst(%dma_wait3A_84 : memref<256x8xf32, #tpu.memory_space<vmem_shared>>)
      tpu.yield
    }) : () -> ()
    %mul3A_42 = arith.constant 3328 : i32
    %mul3A_43 = arith.muli %arg1, %mul3A_42 : i32
    %add3A_44 = arith.constant 3072 : i32
    %add3A_45 = arith.addi %mul3A_43, %add3A_44 : i32
    "tpu.region"() ({
      %run_scoped3A = tpu.sem_alloc : memref<!tpu.dma_semaphore, #tpu.memory_space<semaphore_mem>>
      %dma_start3A = arith.constant 0 : i32
      %dma_start3A_70 = tpu.memref_slice %arg13[%dma_start3A] : memref<1024xf32, #tpu.memory_space<vmem>> -> memref<256xf32, #tpu.memory_space<vmem>>
      %dma_start3A_71 = tpu.memref_slice %arg15[%add3A_45] : memref<53248xf32, #tpu.memory_space<vmem_shared>> -> memref<256xf32, #tpu.memory_space<vmem_shared>>
      %dma_start3A_72 = tpu.memref_slice %arg15[%add3A_45] : memref<53248xf32, #tpu.memory_space<vmem_shared>> -> memref<256xf32, #tpu.memory_space<vmem_shared>>
      %dma_start3A_73 = arith.constant 0 : i32
      %dma_start3A_74 = tpu.memref_slice %arg13[%dma_start3A_73] : memref<1024xf32, #tpu.memory_space<vmem>> -> memref<256xf32, #tpu.memory_space<vmem>>
      tpu.enqueue_dma source(%dma_start3A_74 : memref<256xf32, #tpu.memory_space<vmem>>) target(%dma_start3A_72 : memref<256xf32, #tpu.memory_space<vmem_shared>>) target_semaphore(%run_scoped3A : memref<!tpu.dma_semaphore, #tpu.memory_space<semaphore_mem>>)
      %dma_wait3A = arith.constant 0 : i32
      %dma_wait3A_75 = tpu.memref_slice %arg13[%dma_wait3A] : memref<1024xf32, #tpu.memory_space<vmem>> -> memref<256xf32, #tpu.memory_space<vmem>>
      %dma_wait3A_76 = tpu.memref_slice %arg15[%add3A_45] : memref<53248xf32, #tpu.memory_space<vmem_shared>> -> memref<256xf32, #tpu.memory_space<vmem_shared>>
      %dma_wait3A_77 = tpu.memref_slice %arg15[%add3A_45] : memref<53248xf32, #tpu.memory_space<vmem_shared>> -> memref<256xf32, #tpu.memory_space<vmem_shared>>
      %dma_wait3A_78 = arith.constant 0 : i32
      %dma_wait3A_79 = tpu.memref_slice %arg13[%dma_wait3A_78] : memref<1024xf32, #tpu.memory_space<vmem>> -> memref<256xf32, #tpu.memory_space<vmem>>
      tpu.wait_dma2 semaphore(%run_scoped3A : memref<!tpu.dma_semaphore, #tpu.memory_space<semaphore_mem>>) src(%dma_wait3A_79 : memref<256xf32, #tpu.memory_space<vmem>>) dst(%dma_wait3A_77 : memref<256xf32, #tpu.memory_space<vmem_shared>>)
      tpu.yield
    }) : () -> ()
    %barrier3A = arith.constant 0 : index
    tpu.barrier barrier_id(%barrier3A)
    %mul3A_46 = arith.constant 392 : i32
    %mul3A_47 = arith.muli %add3A, %mul3A_46 : i32
    %scan3A_48 = arith.constant 0 : i32
    %scan3A_49 = arith.constant 0 : i32
    %scan3A_50 = arith.constant 0 : i32
    %scan3A_51 = arith.addi %scan3A_49, %scan3A_50 : i32
    %scan3A_52 = arith.constant 0 : i32
    %barrier3A_53 = arith.constant 0 : index
    tpu.barrier barrier_id(%barrier3A_53)
    %mul3A_54 = arith.constant 3328 : i32
    %mul3A_55 = arith.muli %arg1, %mul3A_54 : i32
    %add3A_56 = arith.constant 0 : i32
    %add3A_57 = arith.addi %mul3A_55, %add3A_56 : i32
    "tpu.region"() ({
      %run_scoped3A = tpu.sem_alloc : memref<!tpu.dma_semaphore, #tpu.memory_space<semaphore_mem>>
      %dma_start3A = arith.constant 0 : i32
      %dma_start3A_70 = tpu.memref_slice %arg6[%arg0, %add3A_57, %dma_start3A] : memref<2x53248x8xf32, #tpu.memory_space<hbm>> -> memref<1x1024x8xf32, #tpu.memory_space<hbm>>
      %dma_start3A_71 = tpu.memref_squeeze %dma_start3A_70 : memref<1x1024x8xf32, #tpu.memory_space<hbm>> -> memref<1024x8xf32, #tpu.memory_space<hbm>>
      %dma_start3A_72 = arith.constant 0 : i32
      %dma_start3A_73 = tpu.memref_slice %arg14[%add3A_57, %dma_start3A_72] : memref<53248x8xf32, #tpu.memory_space<vmem_shared>> -> memref<1024x8xf32, #tpu.memory_space<vmem_shared>>
      tpu.enqueue_dma source(%dma_start3A_73 : memref<1024x8xf32, #tpu.memory_space<vmem_shared>>) target(%dma_start3A_71 : memref<1024x8xf32, #tpu.memory_space<hbm>>) target_semaphore(%run_scoped3A : memref<!tpu.dma_semaphore, #tpu.memory_space<semaphore_mem>>)
      %dma_wait3A = arith.constant 0 : i32
      %dma_wait3A_74 = tpu.memref_slice %arg6[%arg0, %add3A_57, %dma_wait3A] : memref<2x53248x8xf32, #tpu.memory_space<hbm>> -> memref<1x1024x8xf32, #tpu.memory_space<hbm>>
      %dma_wait3A_75 = tpu.memref_squeeze %dma_wait3A_74 : memref<1x1024x8xf32, #tpu.memory_space<hbm>> -> memref<1024x8xf32, #tpu.memory_space<hbm>>
      %dma_wait3A_76 = arith.constant 0 : i32
      %dma_wait3A_77 = tpu.memref_slice %arg14[%add3A_57, %dma_wait3A_76] : memref<53248x8xf32, #tpu.memory_space<vmem_shared>> -> memref<1024x8xf32, #tpu.memory_space<vmem_shared>>
      tpu.wait_dma2 semaphore(%run_scoped3A : memref<!tpu.dma_semaphore, #tpu.memory_space<semaphore_mem>>) src(%dma_wait3A_77 : memref<1024x8xf32, #tpu.memory_space<vmem_shared>>) dst(%dma_wait3A_75 : memref<1024x8xf32, #tpu.memory_space<hbm>>)
      tpu.yield
    }) : () -> ()
    "tpu.region"() ({
      %run_scoped3A = tpu.sem_alloc : memref<!tpu.dma_semaphore, #tpu.memory_space<semaphore_mem>>
      %dma_start3A = tpu.memref_slice %arg7[%arg0, %add3A_57] : memref<2x53248xf32, #tpu.memory_space<hbm>> -> memref<1x1024xf32, #tpu.memory_space<hbm>>
      %dma_start3A_70 = tpu.memref_squeeze %dma_start3A : memref<1x1024xf32, #tpu.memory_space<hbm>> -> memref<1024xf32, #tpu.memory_space<hbm>>
      %dma_start3A_71 = tpu.memref_slice %arg15[%add3A_57] : memref<53248xf32, #tpu.memory_space<vmem_shared>> -> memref<1024xf32, #tpu.memory_space<vmem_shared>>
      tpu.enqueue_dma source(%dma_start3A_71 : memref<1024xf32, #tpu.memory_space<vmem_shared>>) target(%dma_start3A_70 : memref<1024xf32, #tpu.memory_space<hbm>>) target_semaphore(%run_scoped3A : memref<!tpu.dma_semaphore, #tpu.memory_space<semaphore_mem>>)
      %dma_wait3A = tpu.memref_slice %arg7[%arg0, %add3A_57] : memref<2x53248xf32, #tpu.memory_space<hbm>> -> memref<1x1024xf32, #tpu.memory_space<hbm>>
      %dma_wait3A_72 = tpu.memref_squeeze %dma_wait3A : memref<1x1024xf32, #tpu.memory_space<hbm>> -> memref<1024xf32, #tpu.memory_space<hbm>>
      %dma_wait3A_73 = tpu.memref_slice %arg15[%add3A_57] : memref<53248xf32, #tpu.memory_space<vmem_shared>> -> memref<1024xf32, #tpu.memory_space<vmem_shared>>
      tpu.wait_dma2 semaphore(%run_scoped3A : memref<!tpu.dma_semaphore, #tpu.memory_space<semaphore_mem>>) src(%dma_wait3A_73 : memref<1024xf32, #tpu.memory_space<vmem_shared>>) dst(%dma_wait3A_72 : memref<1024xf32, #tpu.memory_space<hbm>>)
      tpu.yield
    }) : () -> ()
    %mul3A_58 = arith.constant 3328 : i32
    %mul3A_59 = arith.muli %arg1, %mul3A_58 : i32
    %add3A_60 = arith.constant 1024 : i32
    %add3A_61 = arith.addi %mul3A_59, %add3A_60 : i32
    "tpu.region"() ({
      %run_scoped3A = tpu.sem_alloc : memref<!tpu.dma_semaphore, #tpu.memory_space<semaphore_mem>>
      %dma_start3A = arith.constant 0 : i32
      %dma_start3A_70 = tpu.memref_slice %arg6[%arg0, %add3A_61, %dma_start3A] : memref<2x53248x8xf32, #tpu.memory_space<hbm>> -> memref<1x1024x8xf32, #tpu.memory_space<hbm>>
      %dma_start3A_71 = tpu.memref_squeeze %dma_start3A_70 : memref<1x1024x8xf32, #tpu.memory_space<hbm>> -> memref<1024x8xf32, #tpu.memory_space<hbm>>
      %dma_start3A_72 = arith.constant 0 : i32
      %dma_start3A_73 = tpu.memref_slice %arg14[%add3A_61, %dma_start3A_72] : memref<53248x8xf32, #tpu.memory_space<vmem_shared>> -> memref<1024x8xf32, #tpu.memory_space<vmem_shared>>
      tpu.enqueue_dma source(%dma_start3A_73 : memref<1024x8xf32, #tpu.memory_space<vmem_shared>>) target(%dma_start3A_71 : memref<1024x8xf32, #tpu.memory_space<hbm>>) target_semaphore(%run_scoped3A : memref<!tpu.dma_semaphore, #tpu.memory_space<semaphore_mem>>)
      %dma_wait3A = arith.constant 0 : i32
      %dma_wait3A_74 = tpu.memref_slice %arg6[%arg0, %add3A_61, %dma_wait3A] : memref<2x53248x8xf32, #tpu.memory_space<hbm>> -> memref<1x1024x8xf32, #tpu.memory_space<hbm>>
      %dma_wait3A_75 = tpu.memref_squeeze %dma_wait3A_74 : memref<1x1024x8xf32, #tpu.memory_space<hbm>> -> memref<1024x8xf32, #tpu.memory_space<hbm>>
      %dma_wait3A_76 = arith.constant 0 : i32
      %dma_wait3A_77 = tpu.memref_slice %arg14[%add3A_61, %dma_wait3A_76] : memref<53248x8xf32, #tpu.memory_space<vmem_shared>> -> memref<1024x8xf32, #tpu.memory_space<vmem_shared>>
      tpu.wait_dma2 semaphore(%run_scoped3A : memref<!tpu.dma_semaphore, #tpu.memory_space<semaphore_mem>>) src(%dma_wait3A_77 : memref<1024x8xf32, #tpu.memory_space<vmem_shared>>) dst(%dma_wait3A_75 : memref<1024x8xf32, #tpu.memory_space<hbm>>)
      tpu.yield
    }) : () -> ()
    "tpu.region"() ({
      %run_scoped3A = tpu.sem_alloc : memref<!tpu.dma_semaphore, #tpu.memory_space<semaphore_mem>>
      %dma_start3A = tpu.memref_slice %arg7[%arg0, %add3A_61] : memref<2x53248xf32, #tpu.memory_space<hbm>> -> memref<1x1024xf32, #tpu.memory_space<hbm>>
      %dma_start3A_70 = tpu.memref_squeeze %dma_start3A : memref<1x1024xf32, #tpu.memory_space<hbm>> -> memref<1024xf32, #tpu.memory_space<hbm>>
      %dma_start3A_71 = tpu.memref_slice %arg15[%add3A_61] : memref<53248xf32, #tpu.memory_space<vmem_shared>> -> memref<1024xf32, #tpu.memory_space<vmem_shared>>
      tpu.enqueue_dma source(%dma_start3A_71 : memref<1024xf32, #tpu.memory_space<vmem_shared>>) target(%dma_start3A_70 : memref<1024xf32, #tpu.memory_space<hbm>>) target_semaphore(%run_scoped3A : memref<!tpu.dma_semaphore, #tpu.memory_space<semaphore_mem>>)
      %dma_wait3A = tpu.memref_slice %arg7[%arg0, %add3A_61] : memref<2x53248xf32, #tpu.memory_space<hbm>> -> memref<1x1024xf32, #tpu.memory_space<hbm>>
      %dma_wait3A_72 = tpu.memref_squeeze %dma_wait3A : memref<1x1024xf32, #tpu.memory_space<hbm>> -> memref<1024xf32, #tpu.memory_space<hbm>>
      %dma_wait3A_73 = tpu.memref_slice %arg15[%add3A_61] : memref<53248xf32, #tpu.memory_space<vmem_shared>> -> memref<1024xf32, #tpu.memory_space<vmem_shared>>
      tpu.wait_dma2 semaphore(%run_scoped3A : memref<!tpu.dma_semaphore, #tpu.memory_space<semaphore_mem>>) src(%dma_wait3A_73 : memref<1024xf32, #tpu.memory_space<vmem_shared>>) dst(%dma_wait3A_72 : memref<1024xf32, #tpu.memory_space<hbm>>)
      tpu.yield
    }) : () -> ()
    %mul3A_62 = arith.constant 3328 : i32
    %mul3A_63 = arith.muli %arg1, %mul3A_62 : i32
    %add3A_64 = arith.constant 2048 : i32
    %add3A_65 = arith.addi %mul3A_63, %add3A_64 : i32
    "tpu.region"() ({
      %run_scoped3A = tpu.sem_alloc : memref<!tpu.dma_semaphore, #tpu.memory_space<semaphore_mem>>
      %dma_start3A = arith.constant 0 : i32
      %dma_start3A_70 = tpu.memref_slice %arg6[%arg0, %add3A_65, %dma_start3A] : memref<2x53248x8xf32, #tpu.memory_space<hbm>> -> memref<1x1024x8xf32, #tpu.memory_space<hbm>>
      %dma_start3A_71 = tpu.memref_squeeze %dma_start3A_70 : memref<1x1024x8xf32, #tpu.memory_space<hbm>> -> memref<1024x8xf32, #tpu.memory_space<hbm>>
      %dma_start3A_72 = arith.constant 0 : i32
      %dma_start3A_73 = tpu.memref_slice %arg14[%add3A_65, %dma_start3A_72] : memref<53248x8xf32, #tpu.memory_space<vmem_shared>> -> memref<1024x8xf32, #tpu.memory_space<vmem_shared>>
      tpu.enqueue_dma source(%dma_start3A_73 : memref<1024x8xf32, #tpu.memory_space<vmem_shared>>) target(%dma_start3A_71 : memref<1024x8xf32, #tpu.memory_space<hbm>>) target_semaphore(%run_scoped3A : memref<!tpu.dma_semaphore, #tpu.memory_space<semaphore_mem>>)
      %dma_wait3A = arith.constant 0 : i32
      %dma_wait3A_74 = tpu.memref_slice %arg6[%arg0, %add3A_65, %dma_wait3A] : memref<2x53248x8xf32, #tpu.memory_space<hbm>> -> memref<1x1024x8xf32, #tpu.memory_space<hbm>>
      %dma_wait3A_75 = tpu.memref_squeeze %dma_wait3A_74 : memref<1x1024x8xf32, #tpu.memory_space<hbm>> -> memref<1024x8xf32, #tpu.memory_space<hbm>>
      %dma_wait3A_76 = arith.constant 0 : i32
      %dma_wait3A_77 = tpu.memref_slice %arg14[%add3A_65, %dma_wait3A_76] : memref<53248x8xf32, #tpu.memory_space<vmem_shared>> -> memref<1024x8xf32, #tpu.memory_space<vmem_shared>>
      tpu.wait_dma2 semaphore(%run_scoped3A : memref<!tpu.dma_semaphore, #tpu.memory_space<semaphore_mem>>) src(%dma_wait3A_77 : memref<1024x8xf32, #tpu.memory_space<vmem_shared>>) dst(%dma_wait3A_75 : memref<1024x8xf32, #tpu.memory_space<hbm>>)
      tpu.yield
    }) : () -> ()
    "tpu.region"() ({
      %run_scoped3A = tpu.sem_alloc : memref<!tpu.dma_semaphore, #tpu.memory_space<semaphore_mem>>
      %dma_start3A = tpu.memref_slice %arg7[%arg0, %add3A_65] : memref<2x53248xf32, #tpu.memory_space<hbm>> -> memref<1x1024xf32, #tpu.memory_space<hbm>>
      %dma_start3A_70 = tpu.memref_squeeze %dma_start3A : memref<1x1024xf32, #tpu.memory_space<hbm>> -> memref<1024xf32, #tpu.memory_space<hbm>>
      %dma_start3A_71 = tpu.memref_slice %arg15[%add3A_65] : memref<53248xf32, #tpu.memory_space<vmem_shared>> -> memref<1024xf32, #tpu.memory_space<vmem_shared>>
      tpu.enqueue_dma source(%dma_start3A_71 : memref<1024xf32, #tpu.memory_space<vmem_shared>>) target(%dma_start3A_70 : memref<1024xf32, #tpu.memory_space<hbm>>) target_semaphore(%run_scoped3A : memref<!tpu.dma_semaphore, #tpu.memory_space<semaphore_mem>>)
      %dma_wait3A = tpu.memref_slice %arg7[%arg0, %add3A_65] : memref<2x53248xf32, #tpu.memory_space<hbm>> -> memref<1x1024xf32, #tpu.memory_space<hbm>>
      %dma_wait3A_72 = tpu.memref_squeeze %dma_wait3A : memref<1x1024xf32, #tpu.memory_space<hbm>> -> memref<1024xf32, #tpu.memory_space<hbm>>
      %dma_wait3A_73 = tpu.memref_slice %arg15[%add3A_65] : memref<53248xf32, #tpu.memory_space<vmem_shared>> -> memref<1024xf32, #tpu.memory_space<vmem_shared>>
      tpu.wait_dma2 semaphore(%run_scoped3A : memref<!tpu.dma_semaphore, #tpu.memory_space<semaphore_mem>>) src(%dma_wait3A_73 : memref<1024xf32, #tpu.memory_space<vmem_shared>>) dst(%dma_wait3A_72 : memref<1024xf32, #tpu.memory_space<hbm>>)
      tpu.yield
    }) : () -> ()
    %mul3A_66 = arith.constant 3328 : i32
    %mul3A_67 = arith.muli %arg1, %mul3A_66 : i32
    %add3A_68 = arith.constant 3072 : i32
    %add3A_69 = arith.addi %mul3A_67, %add3A_68 : i32
    "tpu.region"() ({
      %run_scoped3A = tpu.sem_alloc : memref<!tpu.dma_semaphore, #tpu.memory_space<semaphore_mem>>
      %dma_start3A = arith.constant 0 : i32
      %dma_start3A_70 = tpu.memref_slice %arg6[%arg0, %add3A_69, %dma_start3A] : memref<2x53248x8xf32, #tpu.memory_space<hbm>> -> memref<1x256x8xf32, #tpu.memory_space<hbm>>
      %dma_start3A_71 = tpu.memref_squeeze %dma_start3A_70 : memref<1x256x8xf32, #tpu.memory_space<hbm>> -> memref<256x8xf32, #tpu.memory_space<hbm>>
      %dma_start3A_72 = arith.constant 0 : i32
      %dma_start3A_73 = tpu.memref_slice %arg14[%add3A_69, %dma_start3A_72] : memref<53248x8xf32, #tpu.memory_space<vmem_shared>> -> memref<256x8xf32, #tpu.memory_space<vmem_shared>>
      tpu.enqueue_dma source(%dma_start3A_73 : memref<256x8xf32, #tpu.memory_space<vmem_shared>>) target(%dma_start3A_71 : memref<256x8xf32, #tpu.memory_space<hbm>>) target_semaphore(%run_scoped3A : memref<!tpu.dma_semaphore, #tpu.memory_space<semaphore_mem>>)
      %dma_wait3A = arith.constant 0 : i32
      %dma_wait3A_74 = tpu.memref_slice %arg6[%arg0, %add3A_69, %dma_wait3A] : memref<2x53248x8xf32, #tpu.memory_space<hbm>> -> memref<1x256x8xf32, #tpu.memory_space<hbm>>
      %dma_wait3A_75 = tpu.memref_squeeze %dma_wait3A_74 : memref<1x256x8xf32, #tpu.memory_space<hbm>> -> memref<256x8xf32, #tpu.memory_space<hbm>>
      %dma_wait3A_76 = arith.constant 0 : i32
      %dma_wait3A_77 = tpu.memref_slice %arg14[%add3A_69, %dma_wait3A_76] : memref<53248x8xf32, #tpu.memory_space<vmem_shared>> -> memref<256x8xf32, #tpu.memory_space<vmem_shared>>
      tpu.wait_dma2 semaphore(%run_scoped3A : memref<!tpu.dma_semaphore, #tpu.memory_space<semaphore_mem>>) src(%dma_wait3A_77 : memref<256x8xf32, #tpu.memory_space<vmem_shared>>) dst(%dma_wait3A_75 : memref<256x8xf32, #tpu.memory_space<hbm>>)
      tpu.yield
    }) : () -> ()
    "tpu.region"() ({
      %run_scoped3A = tpu.sem_alloc : memref<!tpu.dma_semaphore, #tpu.memory_space<semaphore_mem>>
      %dma_start3A = tpu.memref_slice %arg7[%arg0, %add3A_69] : memref<2x53248xf32, #tpu.memory_space<hbm>> -> memref<1x256xf32, #tpu.memory_space<hbm>>
      %dma_start3A_70 = tpu.memref_squeeze %dma_start3A : memref<1x256xf32, #tpu.memory_space<hbm>> -> memref<256xf32, #tpu.memory_space<hbm>>
      %dma_start3A_71 = tpu.memref_slice %arg15[%add3A_69] : memref<53248xf32, #tpu.memory_space<vmem_shared>> -> memref<256xf32, #tpu.memory_space<vmem_shared>>
      tpu.enqueue_dma source(%dma_start3A_71 : memref<256xf32, #tpu.memory_space<vmem_shared>>) target(%dma_start3A_70 : memref<256xf32, #tpu.memory_space<hbm>>) target_semaphore(%run_scoped3A : memref<!tpu.dma_semaphore, #tpu.memory_space<semaphore_mem>>)
      %dma_wait3A = tpu.memref_slice %arg7[%arg0, %add3A_69] : memref<2x53248xf32, #tpu.memory_space<hbm>> -> memref<1x256xf32, #tpu.memory_space<hbm>>
      %dma_wait3A_72 = tpu.memref_squeeze %dma_wait3A : memref<1x256xf32, #tpu.memory_space<hbm>> -> memref<256xf32, #tpu.memory_space<hbm>>
      %dma_wait3A_73 = tpu.memref_slice %arg15[%add3A_69] : memref<53248xf32, #tpu.memory_space<vmem_shared>> -> memref<256xf32, #tpu.memory_space<vmem_shared>>
      tpu.wait_dma2 semaphore(%run_scoped3A : memref<!tpu.dma_semaphore, #tpu.memory_space<semaphore_mem>>) src(%dma_wait3A_73 : memref<256xf32, #tpu.memory_space<vmem_shared>>) dst(%dma_wait3A_72 : memref<256xf32, #tpu.memory_space<hbm>>)
      tpu.yield
    }) : () -> ()
    return
  }
}

#map = affine_map<(d0, d1) -> (0, 0)>
#map1 = affine_map<(d0, d1) -> (0, 0, 0)>
module attributes {stable_mosaic.version = 14 : i64} {
  func.func @body(%arg0: i32, %arg1: i32, %arg2: memref<11000x16xf32, #tpu.memory_space<hbm>>, %arg3: memref<101000x16xf32, #tpu.memory_space<hbm>>, %arg4: memref<1280x128xi32, #tpu.memory_space<hbm>>, %arg5: memref<1280x128xi32, #tpu.memory_space<hbm>>, %arg6: memref<2x102400x8xf32, #tpu.memory_space<hbm>>, %arg7: memref<2x102400xf32, #tpu.memory_space<hbm>>, %arg8: memref<8x128xi32, #tpu.memory_space<vmem>>, %arg9: memref<8x128xi32, #tpu.memory_space<vmem>>, %arg10: memref<1024x16xf32, #tpu.memory_space<vmem>>, %arg11: memref<1024x16xf32, #tpu.memory_space<vmem>>, %arg12: memref<1024x8xf32, #tpu.memory_space<vmem>>, %arg13: memref<1024xf32, #tpu.memory_space<vmem>>, %arg14: memref<102400x8xf32, #tpu.memory_space<vmem_shared>>, %arg15: memref<102400xf32, #tpu.memory_space<vmem_shared>>, %arg16: memref<!tpu.dma_semaphore, #tpu.memory_space<semaphore_mem>>) attributes {dimension_semantics = [#tpu.dimension_semantics<core_parallel>, #tpu.dimension_semantics<subcore_parallel>], iteration_bounds = array<i64: 2, 16>, scalar_prefetch = 0 : i64, scratch_operands = 9 : i64, tpu.core_type = #tpu.core_type<sc_vector_subcore>, window_params = [{transform_indices = #map}, {transform_indices = #map}, {transform_indices = #map}, {transform_indices = #map}, {transform_indices = #map1}, {transform_indices = #map}]} {
    %mul3A = arith.constant 16 : i32
    %mul3A_0 = arith.muli %arg0, %mul3A : i32
    %add3A = arith.addi %mul3A_0, %arg1 : i32
    %scan3A = arith.constant 0 : i32
    %scan3A_1 = arith.constant 0 : i32
    %scan3A_2 = arith.constant 512 : i32
    %scan3A_3 = arith.addi %scan3A_1, %scan3A_2 : i32
    %scan3A_4 = arith.constant 1 : i32
    %scan3A_5 = scf.for %scan3A_106 = %scan3A_1 to %scan3A_3 step %scan3A_4 iter_args(%scan3A_107 = %scan3A) -> (i32)  : i32 {
      %mul3A_108 = arith.constant 2 : i32
      %mul3A_109 = arith.muli %scan3A_106, %mul3A_108 : i32
      %iota3A = tpu.iota {dimensions = array<i32: 0>} : vector<16xi32>
      %jit3A = arith.constant 8 : i32
      %div3A = vector.broadcast %jit3A : i32 to vector<16xi32>
      %div3A_110 = arith.divsi %iota3A, %div3A : vector<16xi32>
      %sign3A = arith.constant 0 : i32
      %sign3A_111 = vector.broadcast %sign3A : i32 to vector<16xi32>
      %sign3A_112 = arith.cmpi sgt, %iota3A, %sign3A_111 : vector<16xi32>
      %sign3A_113 = arith.extui %sign3A_112 : vector<16xi1> to vector<16xi32>
      %sign3A_114 = arith.constant 0 : i32
      %sign3A_115 = vector.broadcast %sign3A_114 : i32 to vector<16xi32>
      %sign3A_116 = arith.cmpi slt, %iota3A, %sign3A_115 : vector<16xi32>
      %sign3A_117 = arith.extui %sign3A_116 : vector<16xi1> to vector<16xi32>
      %sign3A_118 = arith.subi %sign3A_113, %sign3A_117 : vector<16xi32>
      %sign3A_119 = arith.constant 0 : i32
      %sign3A_120 = arith.cmpi sgt, %jit3A, %sign3A_119 : i32
      %sign3A_121 = arith.extui %sign3A_120 : i1 to i32
      %sign3A_122 = arith.constant 0 : i32
      %sign3A_123 = arith.cmpi slt, %jit3A, %sign3A_122 : i32
      %sign3A_124 = arith.extui %sign3A_123 : i1 to i32
      %sign3A_125 = arith.subi %sign3A_121, %sign3A_124 : i32
      %ne3A = vector.broadcast %sign3A_125 : i32 to vector<16xi32>
      %ne3A_126 = arith.cmpi ne, %sign3A_118, %ne3A : vector<16xi32>
      %rem3A = vector.broadcast %jit3A : i32 to vector<16xi32>
      %rem3A_127 = arith.remsi %iota3A, %rem3A : vector<16xi32>
      %ne3A_128 = arith.constant 0 : i32
      %ne3A_129 = vector.broadcast %ne3A_128 : i32 to vector<16xi32>
      %ne3A_130 = arith.cmpi ne, %rem3A_127, %ne3A_129 : vector<16xi32>
      %and3A = arith.andi %ne3A_126, %ne3A_130 : vector<16xi1>
      %sub3A = arith.constant 1 : i32
      %sub3A_131 = vector.broadcast %sub3A : i32 to vector<16xi32>
      %sub3A_132 = arith.subi %div3A_110, %sub3A_131 : vector<16xi32>
      %select_n3A = arith.select %and3A, %sub3A_132, %div3A_110 : vector<16xi1>, vector<16xi32>
      %add3A_133 = vector.broadcast %mul3A_109 : i32 to vector<16xi32>
      %add3A_134 = arith.addi %add3A_133, %select_n3A : vector<16xi32>
      %iota3A_135 = tpu.iota {dimensions = array<i32: 0>} : vector<16xi32>
      %jit3A_136 = arith.constant 8 : i32
      %eq3A = arith.constant 0 : i32
      %eq3A_137 = arith.cmpi eq, %jit3A_136, %eq3A : i32
      %jit3A_138 = arith.constant 1 : i32
      %select_n3A_139 = arith.select %eq3A_137, %jit3A_138, %jit3A_136 : i32
      %rem3A_140 = vector.broadcast %select_n3A_139 : i32 to vector<16xi32>
      %rem3A_141 = arith.remsi %iota3A_135, %rem3A_140 : vector<16xi32>
      %ne3A_142 = arith.constant 0 : i32
      %ne3A_143 = vector.broadcast %ne3A_142 : i32 to vector<16xi32>
      %ne3A_144 = arith.cmpi ne, %rem3A_141, %ne3A_143 : vector<16xi32>
      %lt3A = arith.constant 0 : i32
      %lt3A_145 = vector.broadcast %lt3A : i32 to vector<16xi32>
      %lt3A_146 = arith.cmpi slt, %rem3A_141, %lt3A_145 : vector<16xi32>
      %lt3A_147 = arith.constant 0 : i32
      %lt3A_148 = arith.cmpi slt, %select_n3A_139, %lt3A_147 : i32
      %ne3A_149 = vector.broadcast %lt3A_148 : i1 to vector<16xi1>
      %ne3A_150 = vector.broadcast %ne3A_149 : vector<16xi1> to vector<16xi1>
      %ne3A_151 = arith.xori %lt3A_146, %ne3A_150 : vector<16xi1>
      %and3A_152 = arith.andi %ne3A_151, %ne3A_144 : vector<16xi1>
      %add3A_153 = vector.broadcast %select_n3A_139 : i32 to vector<16xi32>
      %add3A_154 = arith.addi %rem3A_141, %add3A_153 : vector<16xi32>
      %select_n3A_155 = arith.select %and3A_152, %add3A_154, %rem3A_141 : vector<16xi1>, vector<16xi32>
      %broadcast_in_dim3A = arith.constant 0.000000e+00 : f32
      %broadcast_in_dim3A_156 = vector.broadcast %broadcast_in_dim3A : f32 to vector<16xf32>
      tpu.vector_store_idx %arg12[%add3A_134, %select_n3A_155], %broadcast_in_dim3A_156 : memref<1024x8xf32, #tpu.memory_space<vmem>>[vector<16xi32>, vector<16xi32>], vector<16xf32>,
      %scan3A_157 = arith.constant 0 : i32
      scf.yield %scan3A_157 : i32
    }
    %scan3A_6 = arith.constant 512 : i32
    %scan3A_7 = arith.constant 0 : i32
    %scan3A_8 = arith.constant 0 : i32
    %scan3A_9 = arith.constant 64 : i32
    %scan3A_10 = arith.addi %scan3A_8, %scan3A_9 : i32
    %scan3A_11 = arith.constant 1 : i32
    %scan3A_12 = scf.for %scan3A_106 = %scan3A_8 to %scan3A_10 step %scan3A_11 iter_args(%scan3A_107 = %scan3A_7) -> (i32)  : i32 {
      %broadcast_in_dim3A = arith.constant 0.000000e+00 : f32
      %broadcast_in_dim3A_108 = vector.broadcast %broadcast_in_dim3A : f32 to vector<16xf32>
      %mul3A_109 = arith.constant 16 : i32
      %mul3A_110 = arith.muli %scan3A_106, %mul3A_109 : i32
      %swap3A = arith.index_cast %mul3A_110 : i32 to index
      %swap3A_111 = tpu.vector_load %arg13[%swap3A] {strides = array<i32>} : memref<1024xf32, #tpu.memory_space<vmem>>, vector<16xf32>,
      tpu.vector_store %arg13[%swap3A], %broadcast_in_dim3A_108 {strides = array<i32>} : memref<1024xf32, #tpu.memory_space<vmem>>, vector<16xf32>,
      %scan3A_112 = arith.constant 0 : i32
      scf.yield %scan3A_112 : i32
    }
    %scan3A_13 = arith.constant 64 : i32
    %mul3A_14 = arith.constant 6400 : i32
    %mul3A_15 = arith.muli %arg1, %mul3A_14 : i32
    %add3A_16 = arith.constant 0 : i32
    %add3A_17 = arith.addi %mul3A_15, %add3A_16 : i32
    "tpu.region"() ({
      %run_scoped3A = tpu.sem_alloc : memref<!tpu.dma_semaphore, #tpu.memory_space<semaphore_mem>>
      %dma_start3A = arith.constant 0 : i32
      %dma_start3A_106 = arith.constant 0 : i32
      %dma_start3A_107 = tpu.memref_slice %arg12[%dma_start3A, %dma_start3A_106] : memref<1024x8xf32, #tpu.memory_space<vmem>> -> memref<1024x8xf32, #tpu.memory_space<vmem>>
      %dma_start3A_108 = arith.constant 0 : i32
      %dma_start3A_109 = tpu.memref_slice %arg14[%add3A_17, %dma_start3A_108] : memref<102400x8xf32, #tpu.memory_space<vmem_shared>> -> memref<1024x8xf32, #tpu.memory_space<vmem_shared>>
      %dma_start3A_110 = arith.constant 0 : i32
      %dma_start3A_111 = tpu.memref_slice %arg14[%add3A_17, %dma_start3A_110] : memref<102400x8xf32, #tpu.memory_space<vmem_shared>> -> memref<1024x8xf32, #tpu.memory_space<vmem_shared>>
      %dma_start3A_112 = arith.constant 0 : i32
      %dma_start3A_113 = arith.constant 0 : i32
      %dma_start3A_114 = tpu.memref_slice %arg12[%dma_start3A_112, %dma_start3A_113] : memref<1024x8xf32, #tpu.memory_space<vmem>> -> memref<1024x8xf32, #tpu.memory_space<vmem>>
      tpu.enqueue_dma source(%dma_start3A_114 : memref<1024x8xf32, #tpu.memory_space<vmem>>) target(%dma_start3A_111 : memref<1024x8xf32, #tpu.memory_space<vmem_shared>>) target_semaphore(%run_scoped3A : memref<!tpu.dma_semaphore, #tpu.memory_space<semaphore_mem>>)
      %dma_wait3A = arith.constant 0 : i32
      %dma_wait3A_115 = arith.constant 0 : i32
      %dma_wait3A_116 = tpu.memref_slice %arg12[%dma_wait3A, %dma_wait3A_115] : memref<1024x8xf32, #tpu.memory_space<vmem>> -> memref<1024x8xf32, #tpu.memory_space<vmem>>
      %dma_wait3A_117 = arith.constant 0 : i32
      %dma_wait3A_118 = tpu.memref_slice %arg14[%add3A_17, %dma_wait3A_117] : memref<102400x8xf32, #tpu.memory_space<vmem_shared>> -> memref<1024x8xf32, #tpu.memory_space<vmem_shared>>
      %dma_wait3A_119 = arith.constant 0 : i32
      %dma_wait3A_120 = tpu.memref_slice %arg14[%add3A_17, %dma_wait3A_119] : memref<102400x8xf32, #tpu.memory_space<vmem_shared>> -> memref<1024x8xf32, #tpu.memory_space<vmem_shared>>
      %dma_wait3A_121 = arith.constant 0 : i32
      %dma_wait3A_122 = arith.constant 0 : i32
      %dma_wait3A_123 = tpu.memref_slice %arg12[%dma_wait3A_121, %dma_wait3A_122] : memref<1024x8xf32, #tpu.memory_space<vmem>> -> memref<1024x8xf32, #tpu.memory_space<vmem>>
      tpu.wait_dma2 semaphore(%run_scoped3A : memref<!tpu.dma_semaphore, #tpu.memory_space<semaphore_mem>>) src(%dma_wait3A_123 : memref<1024x8xf32, #tpu.memory_space<vmem>>) dst(%dma_wait3A_120 : memref<1024x8xf32, #tpu.memory_space<vmem_shared>>)
      tpu.yield
    }) : () -> ()
    %mul3A_18 = arith.constant 6400 : i32
    %mul3A_19 = arith.muli %arg1, %mul3A_18 : i32
    %add3A_20 = arith.constant 0 : i32
    %add3A_21 = arith.addi %mul3A_19, %add3A_20 : i32
    "tpu.region"() ({
      %run_scoped3A = tpu.sem_alloc : memref<!tpu.dma_semaphore, #tpu.memory_space<semaphore_mem>>
      %dma_start3A = arith.constant 0 : i32
      %dma_start3A_106 = tpu.memref_slice %arg13[%dma_start3A] : memref<1024xf32, #tpu.memory_space<vmem>> -> memref<1024xf32, #tpu.memory_space<vmem>>
      %dma_start3A_107 = tpu.memref_slice %arg15[%add3A_21] : memref<102400xf32, #tpu.memory_space<vmem_shared>> -> memref<1024xf32, #tpu.memory_space<vmem_shared>>
      %dma_start3A_108 = tpu.memref_slice %arg15[%add3A_21] : memref<102400xf32, #tpu.memory_space<vmem_shared>> -> memref<1024xf32, #tpu.memory_space<vmem_shared>>
      %dma_start3A_109 = arith.constant 0 : i32
      %dma_start3A_110 = tpu.memref_slice %arg13[%dma_start3A_109] : memref<1024xf32, #tpu.memory_space<vmem>> -> memref<1024xf32, #tpu.memory_space<vmem>>
      tpu.enqueue_dma source(%dma_start3A_110 : memref<1024xf32, #tpu.memory_space<vmem>>) target(%dma_start3A_108 : memref<1024xf32, #tpu.memory_space<vmem_shared>>) target_semaphore(%run_scoped3A : memref<!tpu.dma_semaphore, #tpu.memory_space<semaphore_mem>>)
      %dma_wait3A = arith.constant 0 : i32
      %dma_wait3A_111 = tpu.memref_slice %arg13[%dma_wait3A] : memref<1024xf32, #tpu.memory_space<vmem>> -> memref<1024xf32, #tpu.memory_space<vmem>>
      %dma_wait3A_112 = tpu.memref_slice %arg15[%add3A_21] : memref<102400xf32, #tpu.memory_space<vmem_shared>> -> memref<1024xf32, #tpu.memory_space<vmem_shared>>
      %dma_wait3A_113 = tpu.memref_slice %arg15[%add3A_21] : memref<102400xf32, #tpu.memory_space<vmem_shared>> -> memref<1024xf32, #tpu.memory_space<vmem_shared>>
      %dma_wait3A_114 = arith.constant 0 : i32
      %dma_wait3A_115 = tpu.memref_slice %arg13[%dma_wait3A_114] : memref<1024xf32, #tpu.memory_space<vmem>> -> memref<1024xf32, #tpu.memory_space<vmem>>
      tpu.wait_dma2 semaphore(%run_scoped3A : memref<!tpu.dma_semaphore, #tpu.memory_space<semaphore_mem>>) src(%dma_wait3A_115 : memref<1024xf32, #tpu.memory_space<vmem>>) dst(%dma_wait3A_113 : memref<1024xf32, #tpu.memory_space<vmem_shared>>)
      tpu.yield
    }) : () -> ()
    %mul3A_22 = arith.constant 6400 : i32
    %mul3A_23 = arith.muli %arg1, %mul3A_22 : i32
    %add3A_24 = arith.constant 1024 : i32
    %add3A_25 = arith.addi %mul3A_23, %add3A_24 : i32
    "tpu.region"() ({
      %run_scoped3A = tpu.sem_alloc : memref<!tpu.dma_semaphore, #tpu.memory_space<semaphore_mem>>
      %dma_start3A = arith.constant 0 : i32
      %dma_start3A_106 = arith.constant 0 : i32
      %dma_start3A_107 = tpu.memref_slice %arg12[%dma_start3A, %dma_start3A_106] : memref<1024x8xf32, #tpu.memory_space<vmem>> -> memref<1024x8xf32, #tpu.memory_space<vmem>>
      %dma_start3A_108 = arith.constant 0 : i32
      %dma_start3A_109 = tpu.memref_slice %arg14[%add3A_25, %dma_start3A_108] : memref<102400x8xf32, #tpu.memory_space<vmem_shared>> -> memref<1024x8xf32, #tpu.memory_space<vmem_shared>>
      %dma_start3A_110 = arith.constant 0 : i32
      %dma_start3A_111 = tpu.memref_slice %arg14[%add3A_25, %dma_start3A_110] : memref<102400x8xf32, #tpu.memory_space<vmem_shared>> -> memref<1024x8xf32, #tpu.memory_space<vmem_shared>>
      %dma_start3A_112 = arith.constant 0 : i32
      %dma_start3A_113 = arith.constant 0 : i32
      %dma_start3A_114 = tpu.memref_slice %arg12[%dma_start3A_112, %dma_start3A_113] : memref<1024x8xf32, #tpu.memory_space<vmem>> -> memref<1024x8xf32, #tpu.memory_space<vmem>>
      tpu.enqueue_dma source(%dma_start3A_114 : memref<1024x8xf32, #tpu.memory_space<vmem>>) target(%dma_start3A_111 : memref<1024x8xf32, #tpu.memory_space<vmem_shared>>) target_semaphore(%run_scoped3A : memref<!tpu.dma_semaphore, #tpu.memory_space<semaphore_mem>>)
      %dma_wait3A = arith.constant 0 : i32
      %dma_wait3A_115 = arith.constant 0 : i32
      %dma_wait3A_116 = tpu.memref_slice %arg12[%dma_wait3A, %dma_wait3A_115] : memref<1024x8xf32, #tpu.memory_space<vmem>> -> memref<1024x8xf32, #tpu.memory_space<vmem>>
      %dma_wait3A_117 = arith.constant 0 : i32
      %dma_wait3A_118 = tpu.memref_slice %arg14[%add3A_25, %dma_wait3A_117] : memref<102400x8xf32, #tpu.memory_space<vmem_shared>> -> memref<1024x8xf32, #tpu.memory_space<vmem_shared>>
      %dma_wait3A_119 = arith.constant 0 : i32
      %dma_wait3A_120 = tpu.memref_slice %arg14[%add3A_25, %dma_wait3A_119] : memref<102400x8xf32, #tpu.memory_space<vmem_shared>> -> memref<1024x8xf32, #tpu.memory_space<vmem_shared>>
      %dma_wait3A_121 = arith.constant 0 : i32
      %dma_wait3A_122 = arith.constant 0 : i32
      %dma_wait3A_123 = tpu.memref_slice %arg12[%dma_wait3A_121, %dma_wait3A_122] : memref<1024x8xf32, #tpu.memory_space<vmem>> -> memref<1024x8xf32, #tpu.memory_space<vmem>>
      tpu.wait_dma2 semaphore(%run_scoped3A : memref<!tpu.dma_semaphore, #tpu.memory_space<semaphore_mem>>) src(%dma_wait3A_123 : memref<1024x8xf32, #tpu.memory_space<vmem>>) dst(%dma_wait3A_120 : memref<1024x8xf32, #tpu.memory_space<vmem_shared>>)
      tpu.yield
    }) : () -> ()
    %mul3A_26 = arith.constant 6400 : i32
    %mul3A_27 = arith.muli %arg1, %mul3A_26 : i32
    %add3A_28 = arith.constant 1024 : i32
    %add3A_29 = arith.addi %mul3A_27, %add3A_28 : i32
    "tpu.region"() ({
      %run_scoped3A = tpu.sem_alloc : memref<!tpu.dma_semaphore, #tpu.memory_space<semaphore_mem>>
      %dma_start3A = arith.constant 0 : i32
      %dma_start3A_106 = tpu.memref_slice %arg13[%dma_start3A] : memref<1024xf32, #tpu.memory_space<vmem>> -> memref<1024xf32, #tpu.memory_space<vmem>>
      %dma_start3A_107 = tpu.memref_slice %arg15[%add3A_29] : memref<102400xf32, #tpu.memory_space<vmem_shared>> -> memref<1024xf32, #tpu.memory_space<vmem_shared>>
      %dma_start3A_108 = tpu.memref_slice %arg15[%add3A_29] : memref<102400xf32, #tpu.memory_space<vmem_shared>> -> memref<1024xf32, #tpu.memory_space<vmem_shared>>
      %dma_start3A_109 = arith.constant 0 : i32
      %dma_start3A_110 = tpu.memref_slice %arg13[%dma_start3A_109] : memref<1024xf32, #tpu.memory_space<vmem>> -> memref<1024xf32, #tpu.memory_space<vmem>>
      tpu.enqueue_dma source(%dma_start3A_110 : memref<1024xf32, #tpu.memory_space<vmem>>) target(%dma_start3A_108 : memref<1024xf32, #tpu.memory_space<vmem_shared>>) target_semaphore(%run_scoped3A : memref<!tpu.dma_semaphore, #tpu.memory_space<semaphore_mem>>)
      %dma_wait3A = arith.constant 0 : i32
      %dma_wait3A_111 = tpu.memref_slice %arg13[%dma_wait3A] : memref<1024xf32, #tpu.memory_space<vmem>> -> memref<1024xf32, #tpu.memory_space<vmem>>
      %dma_wait3A_112 = tpu.memref_slice %arg15[%add3A_29] : memref<102400xf32, #tpu.memory_space<vmem_shared>> -> memref<1024xf32, #tpu.memory_space<vmem_shared>>
      %dma_wait3A_113 = tpu.memref_slice %arg15[%add3A_29] : memref<102400xf32, #tpu.memory_space<vmem_shared>> -> memref<1024xf32, #tpu.memory_space<vmem_shared>>
      %dma_wait3A_114 = arith.constant 0 : i32
      %dma_wait3A_115 = tpu.memref_slice %arg13[%dma_wait3A_114] : memref<1024xf32, #tpu.memory_space<vmem>> -> memref<1024xf32, #tpu.memory_space<vmem>>
      tpu.wait_dma2 semaphore(%run_scoped3A : memref<!tpu.dma_semaphore, #tpu.memory_space<semaphore_mem>>) src(%dma_wait3A_115 : memref<1024xf32, #tpu.memory_space<vmem>>) dst(%dma_wait3A_113 : memref<1024xf32, #tpu.memory_space<vmem_shared>>)
      tpu.yield
    }) : () -> ()
    %mul3A_30 = arith.constant 6400 : i32
    %mul3A_31 = arith.muli %arg1, %mul3A_30 : i32
    %add3A_32 = arith.constant 2048 : i32
    %add3A_33 = arith.addi %mul3A_31, %add3A_32 : i32
    "tpu.region"() ({
      %run_scoped3A = tpu.sem_alloc : memref<!tpu.dma_semaphore, #tpu.memory_space<semaphore_mem>>
      %dma_start3A = arith.constant 0 : i32
      %dma_start3A_106 = arith.constant 0 : i32
      %dma_start3A_107 = tpu.memref_slice %arg12[%dma_start3A, %dma_start3A_106] : memref<1024x8xf32, #tpu.memory_space<vmem>> -> memref<1024x8xf32, #tpu.memory_space<vmem>>
      %dma_start3A_108 = arith.constant 0 : i32
      %dma_start3A_109 = tpu.memref_slice %arg14[%add3A_33, %dma_start3A_108] : memref<102400x8xf32, #tpu.memory_space<vmem_shared>> -> memref<1024x8xf32, #tpu.memory_space<vmem_shared>>
      %dma_start3A_110 = arith.constant 0 : i32
      %dma_start3A_111 = tpu.memref_slice %arg14[%add3A_33, %dma_start3A_110] : memref<102400x8xf32, #tpu.memory_space<vmem_shared>> -> memref<1024x8xf32, #tpu.memory_space<vmem_shared>>
      %dma_start3A_112 = arith.constant 0 : i32
      %dma_start3A_113 = arith.constant 0 : i32
      %dma_start3A_114 = tpu.memref_slice %arg12[%dma_start3A_112, %dma_start3A_113] : memref<1024x8xf32, #tpu.memory_space<vmem>> -> memref<1024x8xf32, #tpu.memory_space<vmem>>
      tpu.enqueue_dma source(%dma_start3A_114 : memref<1024x8xf32, #tpu.memory_space<vmem>>) target(%dma_start3A_111 : memref<1024x8xf32, #tpu.memory_space<vmem_shared>>) target_semaphore(%run_scoped3A : memref<!tpu.dma_semaphore, #tpu.memory_space<semaphore_mem>>)
      %dma_wait3A = arith.constant 0 : i32
      %dma_wait3A_115 = arith.constant 0 : i32
      %dma_wait3A_116 = tpu.memref_slice %arg12[%dma_wait3A, %dma_wait3A_115] : memref<1024x8xf32, #tpu.memory_space<vmem>> -> memref<1024x8xf32, #tpu.memory_space<vmem>>
      %dma_wait3A_117 = arith.constant 0 : i32
      %dma_wait3A_118 = tpu.memref_slice %arg14[%add3A_33, %dma_wait3A_117] : memref<102400x8xf32, #tpu.memory_space<vmem_shared>> -> memref<1024x8xf32, #tpu.memory_space<vmem_shared>>
      %dma_wait3A_119 = arith.constant 0 : i32
      %dma_wait3A_120 = tpu.memref_slice %arg14[%add3A_33, %dma_wait3A_119] : memref<102400x8xf32, #tpu.memory_space<vmem_shared>> -> memref<1024x8xf32, #tpu.memory_space<vmem_shared>>
      %dma_wait3A_121 = arith.constant 0 : i32
      %dma_wait3A_122 = arith.constant 0 : i32
      %dma_wait3A_123 = tpu.memref_slice %arg12[%dma_wait3A_121, %dma_wait3A_122] : memref<1024x8xf32, #tpu.memory_space<vmem>> -> memref<1024x8xf32, #tpu.memory_space<vmem>>
      tpu.wait_dma2 semaphore(%run_scoped3A : memref<!tpu.dma_semaphore, #tpu.memory_space<semaphore_mem>>) src(%dma_wait3A_123 : memref<1024x8xf32, #tpu.memory_space<vmem>>) dst(%dma_wait3A_120 : memref<1024x8xf32, #tpu.memory_space<vmem_shared>>)
      tpu.yield
    }) : () -> ()
    %mul3A_34 = arith.constant 6400 : i32
    %mul3A_35 = arith.muli %arg1, %mul3A_34 : i32
    %add3A_36 = arith.constant 2048 : i32
    %add3A_37 = arith.addi %mul3A_35, %add3A_36 : i32
    "tpu.region"() ({
      %run_scoped3A = tpu.sem_alloc : memref<!tpu.dma_semaphore, #tpu.memory_space<semaphore_mem>>
      %dma_start3A = arith.constant 0 : i32
      %dma_start3A_106 = tpu.memref_slice %arg13[%dma_start3A] : memref<1024xf32, #tpu.memory_space<vmem>> -> memref<1024xf32, #tpu.memory_space<vmem>>
      %dma_start3A_107 = tpu.memref_slice %arg15[%add3A_37] : memref<102400xf32, #tpu.memory_space<vmem_shared>> -> memref<1024xf32, #tpu.memory_space<vmem_shared>>
      %dma_start3A_108 = tpu.memref_slice %arg15[%add3A_37] : memref<102400xf32, #tpu.memory_space<vmem_shared>> -> memref<1024xf32, #tpu.memory_space<vmem_shared>>
      %dma_start3A_109 = arith.constant 0 : i32
      %dma_start3A_110 = tpu.memref_slice %arg13[%dma_start3A_109] : memref<1024xf32, #tpu.memory_space<vmem>> -> memref<1024xf32, #tpu.memory_space<vmem>>
      tpu.enqueue_dma source(%dma_start3A_110 : memref<1024xf32, #tpu.memory_space<vmem>>) target(%dma_start3A_108 : memref<1024xf32, #tpu.memory_space<vmem_shared>>) target_semaphore(%run_scoped3A : memref<!tpu.dma_semaphore, #tpu.memory_space<semaphore_mem>>)
      %dma_wait3A = arith.constant 0 : i32
      %dma_wait3A_111 = tpu.memref_slice %arg13[%dma_wait3A] : memref<1024xf32, #tpu.memory_space<vmem>> -> memref<1024xf32, #tpu.memory_space<vmem>>
      %dma_wait3A_112 = tpu.memref_slice %arg15[%add3A_37] : memref<102400xf32, #tpu.memory_space<vmem_shared>> -> memref<1024xf32, #tpu.memory_space<vmem_shared>>
      %dma_wait3A_113 = tpu.memref_slice %arg15[%add3A_37] : memref<102400xf32, #tpu.memory_space<vmem_shared>> -> memref<1024xf32, #tpu.memory_space<vmem_shared>>
      %dma_wait3A_114 = arith.constant 0 : i32
      %dma_wait3A_115 = tpu.memref_slice %arg13[%dma_wait3A_114] : memref<1024xf32, #tpu.memory_space<vmem>> -> memref<1024xf32, #tpu.memory_space<vmem>>
      tpu.wait_dma2 semaphore(%run_scoped3A : memref<!tpu.dma_semaphore, #tpu.memory_space<semaphore_mem>>) src(%dma_wait3A_115 : memref<1024xf32, #tpu.memory_space<vmem>>) dst(%dma_wait3A_113 : memref<1024xf32, #tpu.memory_space<vmem_shared>>)
      tpu.yield
    }) : () -> ()
    %mul3A_38 = arith.constant 6400 : i32
    %mul3A_39 = arith.muli %arg1, %mul3A_38 : i32
    %add3A_40 = arith.constant 3072 : i32
    %add3A_41 = arith.addi %mul3A_39, %add3A_40 : i32
    "tpu.region"() ({
      %run_scoped3A = tpu.sem_alloc : memref<!tpu.dma_semaphore, #tpu.memory_space<semaphore_mem>>
      %dma_start3A = arith.constant 0 : i32
      %dma_start3A_106 = arith.constant 0 : i32
      %dma_start3A_107 = tpu.memref_slice %arg12[%dma_start3A, %dma_start3A_106] : memref<1024x8xf32, #tpu.memory_space<vmem>> -> memref<1024x8xf32, #tpu.memory_space<vmem>>
      %dma_start3A_108 = arith.constant 0 : i32
      %dma_start3A_109 = tpu.memref_slice %arg14[%add3A_41, %dma_start3A_108] : memref<102400x8xf32, #tpu.memory_space<vmem_shared>> -> memref<1024x8xf32, #tpu.memory_space<vmem_shared>>
      %dma_start3A_110 = arith.constant 0 : i32
      %dma_start3A_111 = tpu.memref_slice %arg14[%add3A_41, %dma_start3A_110] : memref<102400x8xf32, #tpu.memory_space<vmem_shared>> -> memref<1024x8xf32, #tpu.memory_space<vmem_shared>>
      %dma_start3A_112 = arith.constant 0 : i32
      %dma_start3A_113 = arith.constant 0 : i32
      %dma_start3A_114 = tpu.memref_slice %arg12[%dma_start3A_112, %dma_start3A_113] : memref<1024x8xf32, #tpu.memory_space<vmem>> -> memref<1024x8xf32, #tpu.memory_space<vmem>>
      tpu.enqueue_dma source(%dma_start3A_114 : memref<1024x8xf32, #tpu.memory_space<vmem>>) target(%dma_start3A_111 : memref<1024x8xf32, #tpu.memory_space<vmem_shared>>) target_semaphore(%run_scoped3A : memref<!tpu.dma_semaphore, #tpu.memory_space<semaphore_mem>>)
      %dma_wait3A = arith.constant 0 : i32
      %dma_wait3A_115 = arith.constant 0 : i32
      %dma_wait3A_116 = tpu.memref_slice %arg12[%dma_wait3A, %dma_wait3A_115] : memref<1024x8xf32, #tpu.memory_space<vmem>> -> memref<1024x8xf32, #tpu.memory_space<vmem>>
      %dma_wait3A_117 = arith.constant 0 : i32
      %dma_wait3A_118 = tpu.memref_slice %arg14[%add3A_41, %dma_wait3A_117] : memref<102400x8xf32, #tpu.memory_space<vmem_shared>> -> memref<1024x8xf32, #tpu.memory_space<vmem_shared>>
      %dma_wait3A_119 = arith.constant 0 : i32
      %dma_wait3A_120 = tpu.memref_slice %arg14[%add3A_41, %dma_wait3A_119] : memref<102400x8xf32, #tpu.memory_space<vmem_shared>> -> memref<1024x8xf32, #tpu.memory_space<vmem_shared>>
      %dma_wait3A_121 = arith.constant 0 : i32
      %dma_wait3A_122 = arith.constant 0 : i32
      %dma_wait3A_123 = tpu.memref_slice %arg12[%dma_wait3A_121, %dma_wait3A_122] : memref<1024x8xf32, #tpu.memory_space<vmem>> -> memref<1024x8xf32, #tpu.memory_space<vmem>>
      tpu.wait_dma2 semaphore(%run_scoped3A : memref<!tpu.dma_semaphore, #tpu.memory_space<semaphore_mem>>) src(%dma_wait3A_123 : memref<1024x8xf32, #tpu.memory_space<vmem>>) dst(%dma_wait3A_120 : memref<1024x8xf32, #tpu.memory_space<vmem_shared>>)
      tpu.yield
    }) : () -> ()
    %mul3A_42 = arith.constant 6400 : i32
    %mul3A_43 = arith.muli %arg1, %mul3A_42 : i32
    %add3A_44 = arith.constant 3072 : i32
    %add3A_45 = arith.addi %mul3A_43, %add3A_44 : i32
    "tpu.region"() ({
      %run_scoped3A = tpu.sem_alloc : memref<!tpu.dma_semaphore, #tpu.memory_space<semaphore_mem>>
      %dma_start3A = arith.constant 0 : i32
      %dma_start3A_106 = tpu.memref_slice %arg13[%dma_start3A] : memref<1024xf32, #tpu.memory_space<vmem>> -> memref<1024xf32, #tpu.memory_space<vmem>>
      %dma_start3A_107 = tpu.memref_slice %arg15[%add3A_45] : memref<102400xf32, #tpu.memory_space<vmem_shared>> -> memref<1024xf32, #tpu.memory_space<vmem_shared>>
      %dma_start3A_108 = tpu.memref_slice %arg15[%add3A_45] : memref<102400xf32, #tpu.memory_space<vmem_shared>> -> memref<1024xf32, #tpu.memory_space<vmem_shared>>
      %dma_start3A_109 = arith.constant 0 : i32
      %dma_start3A_110 = tpu.memref_slice %arg13[%dma_start3A_109] : memref<1024xf32, #tpu.memory_space<vmem>> -> memref<1024xf32, #tpu.memory_space<vmem>>
      tpu.enqueue_dma source(%dma_start3A_110 : memref<1024xf32, #tpu.memory_space<vmem>>) target(%dma_start3A_108 : memref<1024xf32, #tpu.memory_space<vmem_shared>>) target_semaphore(%run_scoped3A : memref<!tpu.dma_semaphore, #tpu.memory_space<semaphore_mem>>)
      %dma_wait3A = arith.constant 0 : i32
      %dma_wait3A_111 = tpu.memref_slice %arg13[%dma_wait3A] : memref<1024xf32, #tpu.memory_space<vmem>> -> memref<1024xf32, #tpu.memory_space<vmem>>
      %dma_wait3A_112 = tpu.memref_slice %arg15[%add3A_45] : memref<102400xf32, #tpu.memory_space<vmem_shared>> -> memref<1024xf32, #tpu.memory_space<vmem_shared>>
      %dma_wait3A_113 = tpu.memref_slice %arg15[%add3A_45] : memref<102400xf32, #tpu.memory_space<vmem_shared>> -> memref<1024xf32, #tpu.memory_space<vmem_shared>>
      %dma_wait3A_114 = arith.constant 0 : i32
      %dma_wait3A_115 = tpu.memref_slice %arg13[%dma_wait3A_114] : memref<1024xf32, #tpu.memory_space<vmem>> -> memref<1024xf32, #tpu.memory_space<vmem>>
      tpu.wait_dma2 semaphore(%run_scoped3A : memref<!tpu.dma_semaphore, #tpu.memory_space<semaphore_mem>>) src(%dma_wait3A_115 : memref<1024xf32, #tpu.memory_space<vmem>>) dst(%dma_wait3A_113 : memref<1024xf32, #tpu.memory_space<vmem_shared>>)
      tpu.yield
    }) : () -> ()
    %mul3A_46 = arith.constant 6400 : i32
    %mul3A_47 = arith.muli %arg1, %mul3A_46 : i32
    %add3A_48 = arith.constant 4096 : i32
    %add3A_49 = arith.addi %mul3A_47, %add3A_48 : i32
    "tpu.region"() ({
      %run_scoped3A = tpu.sem_alloc : memref<!tpu.dma_semaphore, #tpu.memory_space<semaphore_mem>>
      %dma_start3A = arith.constant 0 : i32
      %dma_start3A_106 = arith.constant 0 : i32
      %dma_start3A_107 = tpu.memref_slice %arg12[%dma_start3A, %dma_start3A_106] : memref<1024x8xf32, #tpu.memory_space<vmem>> -> memref<1024x8xf32, #tpu.memory_space<vmem>>
      %dma_start3A_108 = arith.constant 0 : i32
      %dma_start3A_109 = tpu.memref_slice %arg14[%add3A_49, %dma_start3A_108] : memref<102400x8xf32, #tpu.memory_space<vmem_shared>> -> memref<1024x8xf32, #tpu.memory_space<vmem_shared>>
      %dma_start3A_110 = arith.constant 0 : i32
      %dma_start3A_111 = tpu.memref_slice %arg14[%add3A_49, %dma_start3A_110] : memref<102400x8xf32, #tpu.memory_space<vmem_shared>> -> memref<1024x8xf32, #tpu.memory_space<vmem_shared>>
      %dma_start3A_112 = arith.constant 0 : i32
      %dma_start3A_113 = arith.constant 0 : i32
      %dma_start3A_114 = tpu.memref_slice %arg12[%dma_start3A_112, %dma_start3A_113] : memref<1024x8xf32, #tpu.memory_space<vmem>> -> memref<1024x8xf32, #tpu.memory_space<vmem>>
      tpu.enqueue_dma source(%dma_start3A_114 : memref<1024x8xf32, #tpu.memory_space<vmem>>) target(%dma_start3A_111 : memref<1024x8xf32, #tpu.memory_space<vmem_shared>>) target_semaphore(%run_scoped3A : memref<!tpu.dma_semaphore, #tpu.memory_space<semaphore_mem>>)
      %dma_wait3A = arith.constant 0 : i32
      %dma_wait3A_115 = arith.constant 0 : i32
      %dma_wait3A_116 = tpu.memref_slice %arg12[%dma_wait3A, %dma_wait3A_115] : memref<1024x8xf32, #tpu.memory_space<vmem>> -> memref<1024x8xf32, #tpu.memory_space<vmem>>
      %dma_wait3A_117 = arith.constant 0 : i32
      %dma_wait3A_118 = tpu.memref_slice %arg14[%add3A_49, %dma_wait3A_117] : memref<102400x8xf32, #tpu.memory_space<vmem_shared>> -> memref<1024x8xf32, #tpu.memory_space<vmem_shared>>
      %dma_wait3A_119 = arith.constant 0 : i32
      %dma_wait3A_120 = tpu.memref_slice %arg14[%add3A_49, %dma_wait3A_119] : memref<102400x8xf32, #tpu.memory_space<vmem_shared>> -> memref<1024x8xf32, #tpu.memory_space<vmem_shared>>
      %dma_wait3A_121 = arith.constant 0 : i32
      %dma_wait3A_122 = arith.constant 0 : i32
      %dma_wait3A_123 = tpu.memref_slice %arg12[%dma_wait3A_121, %dma_wait3A_122] : memref<1024x8xf32, #tpu.memory_space<vmem>> -> memref<1024x8xf32, #tpu.memory_space<vmem>>
      tpu.wait_dma2 semaphore(%run_scoped3A : memref<!tpu.dma_semaphore, #tpu.memory_space<semaphore_mem>>) src(%dma_wait3A_123 : memref<1024x8xf32, #tpu.memory_space<vmem>>) dst(%dma_wait3A_120 : memref<1024x8xf32, #tpu.memory_space<vmem_shared>>)
      tpu.yield
    }) : () -> ()
    %mul3A_50 = arith.constant 6400 : i32
    %mul3A_51 = arith.muli %arg1, %mul3A_50 : i32
    %add3A_52 = arith.constant 4096 : i32
    %add3A_53 = arith.addi %mul3A_51, %add3A_52 : i32
    "tpu.region"() ({
      %run_scoped3A = tpu.sem_alloc : memref<!tpu.dma_semaphore, #tpu.memory_space<semaphore_mem>>
      %dma_start3A = arith.constant 0 : i32
      %dma_start3A_106 = tpu.memref_slice %arg13[%dma_start3A] : memref<1024xf32, #tpu.memory_space<vmem>> -> memref<1024xf32, #tpu.memory_space<vmem>>
      %dma_start3A_107 = tpu.memref_slice %arg15[%add3A_53] : memref<102400xf32, #tpu.memory_space<vmem_shared>> -> memref<1024xf32, #tpu.memory_space<vmem_shared>>
      %dma_start3A_108 = tpu.memref_slice %arg15[%add3A_53] : memref<102400xf32, #tpu.memory_space<vmem_shared>> -> memref<1024xf32, #tpu.memory_space<vmem_shared>>
      %dma_start3A_109 = arith.constant 0 : i32
      %dma_start3A_110 = tpu.memref_slice %arg13[%dma_start3A_109] : memref<1024xf32, #tpu.memory_space<vmem>> -> memref<1024xf32, #tpu.memory_space<vmem>>
      tpu.enqueue_dma source(%dma_start3A_110 : memref<1024xf32, #tpu.memory_space<vmem>>) target(%dma_start3A_108 : memref<1024xf32, #tpu.memory_space<vmem_shared>>) target_semaphore(%run_scoped3A : memref<!tpu.dma_semaphore, #tpu.memory_space<semaphore_mem>>)
      %dma_wait3A = arith.constant 0 : i32
      %dma_wait3A_111 = tpu.memref_slice %arg13[%dma_wait3A] : memref<1024xf32, #tpu.memory_space<vmem>> -> memref<1024xf32, #tpu.memory_space<vmem>>
      %dma_wait3A_112 = tpu.memref_slice %arg15[%add3A_53] : memref<102400xf32, #tpu.memory_space<vmem_shared>> -> memref<1024xf32, #tpu.memory_space<vmem_shared>>
      %dma_wait3A_113 = tpu.memref_slice %arg15[%add3A_53] : memref<102400xf32, #tpu.memory_space<vmem_shared>> -> memref<1024xf32, #tpu.memory_space<vmem_shared>>
      %dma_wait3A_114 = arith.constant 0 : i32
      %dma_wait3A_115 = tpu.memref_slice %arg13[%dma_wait3A_114] : memref<1024xf32, #tpu.memory_space<vmem>> -> memref<1024xf32, #tpu.memory_space<vmem>>
      tpu.wait_dma2 semaphore(%run_scoped3A : memref<!tpu.dma_semaphore, #tpu.memory_space<semaphore_mem>>) src(%dma_wait3A_115 : memref<1024xf32, #tpu.memory_space<vmem>>) dst(%dma_wait3A_113 : memref<1024xf32, #tpu.memory_space<vmem_shared>>)
      tpu.yield
    }) : () -> ()
    %mul3A_54 = arith.constant 6400 : i32
    %mul3A_55 = arith.muli %arg1, %mul3A_54 : i32
    %add3A_56 = arith.constant 5120 : i32
    %add3A_57 = arith.addi %mul3A_55, %add3A_56 : i32
    "tpu.region"() ({
      %run_scoped3A = tpu.sem_alloc : memref<!tpu.dma_semaphore, #tpu.memory_space<semaphore_mem>>
      %dma_start3A = arith.constant 0 : i32
      %dma_start3A_106 = arith.constant 0 : i32
      %dma_start3A_107 = tpu.memref_slice %arg12[%dma_start3A, %dma_start3A_106] : memref<1024x8xf32, #tpu.memory_space<vmem>> -> memref<1024x8xf32, #tpu.memory_space<vmem>>
      %dma_start3A_108 = arith.constant 0 : i32
      %dma_start3A_109 = tpu.memref_slice %arg14[%add3A_57, %dma_start3A_108] : memref<102400x8xf32, #tpu.memory_space<vmem_shared>> -> memref<1024x8xf32, #tpu.memory_space<vmem_shared>>
      %dma_start3A_110 = arith.constant 0 : i32
      %dma_start3A_111 = tpu.memref_slice %arg14[%add3A_57, %dma_start3A_110] : memref<102400x8xf32, #tpu.memory_space<vmem_shared>> -> memref<1024x8xf32, #tpu.memory_space<vmem_shared>>
      %dma_start3A_112 = arith.constant 0 : i32
      %dma_start3A_113 = arith.constant 0 : i32
      %dma_start3A_114 = tpu.memref_slice %arg12[%dma_start3A_112, %dma_start3A_113] : memref<1024x8xf32, #tpu.memory_space<vmem>> -> memref<1024x8xf32, #tpu.memory_space<vmem>>
      tpu.enqueue_dma source(%dma_start3A_114 : memref<1024x8xf32, #tpu.memory_space<vmem>>) target(%dma_start3A_111 : memref<1024x8xf32, #tpu.memory_space<vmem_shared>>) target_semaphore(%run_scoped3A : memref<!tpu.dma_semaphore, #tpu.memory_space<semaphore_mem>>)
      %dma_wait3A = arith.constant 0 : i32
      %dma_wait3A_115 = arith.constant 0 : i32
      %dma_wait3A_116 = tpu.memref_slice %arg12[%dma_wait3A, %dma_wait3A_115] : memref<1024x8xf32, #tpu.memory_space<vmem>> -> memref<1024x8xf32, #tpu.memory_space<vmem>>
      %dma_wait3A_117 = arith.constant 0 : i32
      %dma_wait3A_118 = tpu.memref_slice %arg14[%add3A_57, %dma_wait3A_117] : memref<102400x8xf32, #tpu.memory_space<vmem_shared>> -> memref<1024x8xf32, #tpu.memory_space<vmem_shared>>
      %dma_wait3A_119 = arith.constant 0 : i32
      %dma_wait3A_120 = tpu.memref_slice %arg14[%add3A_57, %dma_wait3A_119] : memref<102400x8xf32, #tpu.memory_space<vmem_shared>> -> memref<1024x8xf32, #tpu.memory_space<vmem_shared>>
      %dma_wait3A_121 = arith.constant 0 : i32
      %dma_wait3A_122 = arith.constant 0 : i32
      %dma_wait3A_123 = tpu.memref_slice %arg12[%dma_wait3A_121, %dma_wait3A_122] : memref<1024x8xf32, #tpu.memory_space<vmem>> -> memref<1024x8xf32, #tpu.memory_space<vmem>>
      tpu.wait_dma2 semaphore(%run_scoped3A : memref<!tpu.dma_semaphore, #tpu.memory_space<semaphore_mem>>) src(%dma_wait3A_123 : memref<1024x8xf32, #tpu.memory_space<vmem>>) dst(%dma_wait3A_120 : memref<1024x8xf32, #tpu.memory_space<vmem_shared>>)
      tpu.yield
    }) : () -> ()
    %mul3A_58 = arith.constant 6400 : i32
    %mul3A_59 = arith.muli %arg1, %mul3A_58 : i32
    %add3A_60 = arith.constant 5120 : i32
    %add3A_61 = arith.addi %mul3A_59, %add3A_60 : i32
    "tpu.region"() ({
      %run_scoped3A = tpu.sem_alloc : memref<!tpu.dma_semaphore, #tpu.memory_space<semaphore_mem>>
      %dma_start3A = arith.constant 0 : i32
      %dma_start3A_106 = tpu.memref_slice %arg13[%dma_start3A] : memref<1024xf32, #tpu.memory_space<vmem>> -> memref<1024xf32, #tpu.memory_space<vmem>>
      %dma_start3A_107 = tpu.memref_slice %arg15[%add3A_61] : memref<102400xf32, #tpu.memory_space<vmem_shared>> -> memref<1024xf32, #tpu.memory_space<vmem_shared>>
      %dma_start3A_108 = tpu.memref_slice %arg15[%add3A_61] : memref<102400xf32, #tpu.memory_space<vmem_shared>> -> memref<1024xf32, #tpu.memory_space<vmem_shared>>
      %dma_start3A_109 = arith.constant 0 : i32
      %dma_start3A_110 = tpu.memref_slice %arg13[%dma_start3A_109] : memref<1024xf32, #tpu.memory_space<vmem>> -> memref<1024xf32, #tpu.memory_space<vmem>>
      tpu.enqueue_dma source(%dma_start3A_110 : memref<1024xf32, #tpu.memory_space<vmem>>) target(%dma_start3A_108 : memref<1024xf32, #tpu.memory_space<vmem_shared>>) target_semaphore(%run_scoped3A : memref<!tpu.dma_semaphore, #tpu.memory_space<semaphore_mem>>)
      %dma_wait3A = arith.constant 0 : i32
      %dma_wait3A_111 = tpu.memref_slice %arg13[%dma_wait3A] : memref<1024xf32, #tpu.memory_space<vmem>> -> memref<1024xf32, #tpu.memory_space<vmem>>
      %dma_wait3A_112 = tpu.memref_slice %arg15[%add3A_61] : memref<102400xf32, #tpu.memory_space<vmem_shared>> -> memref<1024xf32, #tpu.memory_space<vmem_shared>>
      %dma_wait3A_113 = tpu.memref_slice %arg15[%add3A_61] : memref<102400xf32, #tpu.memory_space<vmem_shared>> -> memref<1024xf32, #tpu.memory_space<vmem_shared>>
      %dma_wait3A_114 = arith.constant 0 : i32
      %dma_wait3A_115 = tpu.memref_slice %arg13[%dma_wait3A_114] : memref<1024xf32, #tpu.memory_space<vmem>> -> memref<1024xf32, #tpu.memory_space<vmem>>
      tpu.wait_dma2 semaphore(%run_scoped3A : memref<!tpu.dma_semaphore, #tpu.memory_space<semaphore_mem>>) src(%dma_wait3A_115 : memref<1024xf32, #tpu.memory_space<vmem>>) dst(%dma_wait3A_113 : memref<1024xf32, #tpu.memory_space<vmem_shared>>)
      tpu.yield
    }) : () -> ()
    %mul3A_62 = arith.constant 6400 : i32
    %mul3A_63 = arith.muli %arg1, %mul3A_62 : i32
    %add3A_64 = arith.constant 6144 : i32
    %add3A_65 = arith.addi %mul3A_63, %add3A_64 : i32
    "tpu.region"() ({
      %run_scoped3A = tpu.sem_alloc : memref<!tpu.dma_semaphore, #tpu.memory_space<semaphore_mem>>
      %dma_start3A = arith.constant 0 : i32
      %dma_start3A_106 = arith.constant 0 : i32
      %dma_start3A_107 = tpu.memref_slice %arg12[%dma_start3A, %dma_start3A_106] : memref<1024x8xf32, #tpu.memory_space<vmem>> -> memref<256x8xf32, #tpu.memory_space<vmem>>
      %dma_start3A_108 = arith.constant 0 : i32
      %dma_start3A_109 = tpu.memref_slice %arg14[%add3A_65, %dma_start3A_108] : memref<102400x8xf32, #tpu.memory_space<vmem_shared>> -> memref<256x8xf32, #tpu.memory_space<vmem_shared>>
      %dma_start3A_110 = arith.constant 0 : i32
      %dma_start3A_111 = tpu.memref_slice %arg14[%add3A_65, %dma_start3A_110] : memref<102400x8xf32, #tpu.memory_space<vmem_shared>> -> memref<256x8xf32, #tpu.memory_space<vmem_shared>>
      %dma_start3A_112 = arith.constant 0 : i32
      %dma_start3A_113 = arith.constant 0 : i32
      %dma_start3A_114 = tpu.memref_slice %arg12[%dma_start3A_112, %dma_start3A_113] : memref<1024x8xf32, #tpu.memory_space<vmem>> -> memref<256x8xf32, #tpu.memory_space<vmem>>
      tpu.enqueue_dma source(%dma_start3A_114 : memref<256x8xf32, #tpu.memory_space<vmem>>) target(%dma_start3A_111 : memref<256x8xf32, #tpu.memory_space<vmem_shared>>) target_semaphore(%run_scoped3A : memref<!tpu.dma_semaphore, #tpu.memory_space<semaphore_mem>>)
      %dma_wait3A = arith.constant 0 : i32
      %dma_wait3A_115 = arith.constant 0 : i32
      %dma_wait3A_116 = tpu.memref_slice %arg12[%dma_wait3A, %dma_wait3A_115] : memref<1024x8xf32, #tpu.memory_space<vmem>> -> memref<256x8xf32, #tpu.memory_space<vmem>>
      %dma_wait3A_117 = arith.constant 0 : i32
      %dma_wait3A_118 = tpu.memref_slice %arg14[%add3A_65, %dma_wait3A_117] : memref<102400x8xf32, #tpu.memory_space<vmem_shared>> -> memref<256x8xf32, #tpu.memory_space<vmem_shared>>
      %dma_wait3A_119 = arith.constant 0 : i32
      %dma_wait3A_120 = tpu.memref_slice %arg14[%add3A_65, %dma_wait3A_119] : memref<102400x8xf32, #tpu.memory_space<vmem_shared>> -> memref<256x8xf32, #tpu.memory_space<vmem_shared>>
      %dma_wait3A_121 = arith.constant 0 : i32
      %dma_wait3A_122 = arith.constant 0 : i32
      %dma_wait3A_123 = tpu.memref_slice %arg12[%dma_wait3A_121, %dma_wait3A_122] : memref<1024x8xf32, #tpu.memory_space<vmem>> -> memref<256x8xf32, #tpu.memory_space<vmem>>
      tpu.wait_dma2 semaphore(%run_scoped3A : memref<!tpu.dma_semaphore, #tpu.memory_space<semaphore_mem>>) src(%dma_wait3A_123 : memref<256x8xf32, #tpu.memory_space<vmem>>) dst(%dma_wait3A_120 : memref<256x8xf32, #tpu.memory_space<vmem_shared>>)
      tpu.yield
    }) : () -> ()
    %mul3A_66 = arith.constant 6400 : i32
    %mul3A_67 = arith.muli %arg1, %mul3A_66 : i32
    %add3A_68 = arith.constant 6144 : i32
    %add3A_69 = arith.addi %mul3A_67, %add3A_68 : i32
    "tpu.region"() ({
      %run_scoped3A = tpu.sem_alloc : memref<!tpu.dma_semaphore, #tpu.memory_space<semaphore_mem>>
      %dma_start3A = arith.constant 0 : i32
      %dma_start3A_106 = tpu.memref_slice %arg13[%dma_start3A] : memref<1024xf32, #tpu.memory_space<vmem>> -> memref<256xf32, #tpu.memory_space<vmem>>
      %dma_start3A_107 = tpu.memref_slice %arg15[%add3A_69] : memref<102400xf32, #tpu.memory_space<vmem_shared>> -> memref<256xf32, #tpu.memory_space<vmem_shared>>
      %dma_start3A_108 = tpu.memref_slice %arg15[%add3A_69] : memref<102400xf32, #tpu.memory_space<vmem_shared>> -> memref<256xf32, #tpu.memory_space<vmem_shared>>
      %dma_start3A_109 = arith.constant 0 : i32
      %dma_start3A_110 = tpu.memref_slice %arg13[%dma_start3A_109] : memref<1024xf32, #tpu.memory_space<vmem>> -> memref<256xf32, #tpu.memory_space<vmem>>
      tpu.enqueue_dma source(%dma_start3A_110 : memref<256xf32, #tpu.memory_space<vmem>>) target(%dma_start3A_108 : memref<256xf32, #tpu.memory_space<vmem_shared>>) target_semaphore(%run_scoped3A : memref<!tpu.dma_semaphore, #tpu.memory_space<semaphore_mem>>)
      %dma_wait3A = arith.constant 0 : i32
      %dma_wait3A_111 = tpu.memref_slice %arg13[%dma_wait3A] : memref<1024xf32, #tpu.memory_space<vmem>> -> memref<256xf32, #tpu.memory_space<vmem>>
      %dma_wait3A_112 = tpu.memref_slice %arg15[%add3A_69] : memref<102400xf32, #tpu.memory_space<vmem_shared>> -> memref<256xf32, #tpu.memory_space<vmem_shared>>
      %dma_wait3A_113 = tpu.memref_slice %arg15[%add3A_69] : memref<102400xf32, #tpu.memory_space<vmem_shared>> -> memref<256xf32, #tpu.memory_space<vmem_shared>>
      %dma_wait3A_114 = arith.constant 0 : i32
      %dma_wait3A_115 = tpu.memref_slice %arg13[%dma_wait3A_114] : memref<1024xf32, #tpu.memory_space<vmem>> -> memref<256xf32, #tpu.memory_space<vmem>>
      tpu.wait_dma2 semaphore(%run_scoped3A : memref<!tpu.dma_semaphore, #tpu.memory_space<semaphore_mem>>) src(%dma_wait3A_115 : memref<256xf32, #tpu.memory_space<vmem>>) dst(%dma_wait3A_113 : memref<256xf32, #tpu.memory_space<vmem_shared>>)
      tpu.yield
    }) : () -> ()
    %barrier3A = arith.constant 0 : index
    tpu.barrier barrier_id(%barrier3A)
    %mul3A_70 = arith.constant 40 : i32
    %mul3A_71 = arith.muli %add3A, %mul3A_70 : i32
    %scan3A_72 = arith.constant 0 : i32
    %scan3A_73 = arith.constant 0 : i32
    %scan3A_74 = arith.constant 0 : i32
    %scan3A_75 = arith.addi %scan3A_73, %scan3A_74 : i32
    %scan3A_76 = arith.constant 0 : i32
    %barrier3A_77 = arith.constant 0 : index
    tpu.barrier barrier_id(%barrier3A_77)
    %mul3A_78 = arith.constant 6400 : i32
    %mul3A_79 = arith.muli %arg1, %mul3A_78 : i32
    %add3A_80 = arith.constant 0 : i32
    %add3A_81 = arith.addi %mul3A_79, %add3A_80 : i32
    "tpu.region"() ({
      %run_scoped3A = tpu.sem_alloc : memref<!tpu.dma_semaphore, #tpu.memory_space<semaphore_mem>>
      %dma_start3A = arith.constant 0 : i32
      %dma_start3A_106 = tpu.memref_slice %arg6[%arg0, %add3A_81, %dma_start3A] : memref<2x102400x8xf32, #tpu.memory_space<hbm>> -> memref<1x1024x8xf32, #tpu.memory_space<hbm>>
      %dma_start3A_107 = tpu.memref_squeeze %dma_start3A_106 : memref<1x1024x8xf32, #tpu.memory_space<hbm>> -> memref<1024x8xf32, #tpu.memory_space<hbm>>
      %dma_start3A_108 = arith.constant 0 : i32
      %dma_start3A_109 = tpu.memref_slice %arg14[%add3A_81, %dma_start3A_108] : memref<102400x8xf32, #tpu.memory_space<vmem_shared>> -> memref<1024x8xf32, #tpu.memory_space<vmem_shared>>
      tpu.enqueue_dma source(%dma_start3A_109 : memref<1024x8xf32, #tpu.memory_space<vmem_shared>>) target(%dma_start3A_107 : memref<1024x8xf32, #tpu.memory_space<hbm>>) target_semaphore(%run_scoped3A : memref<!tpu.dma_semaphore, #tpu.memory_space<semaphore_mem>>)
      %dma_wait3A = arith.constant 0 : i32
      %dma_wait3A_110 = tpu.memref_slice %arg6[%arg0, %add3A_81, %dma_wait3A] : memref<2x102400x8xf32, #tpu.memory_space<hbm>> -> memref<1x1024x8xf32, #tpu.memory_space<hbm>>
      %dma_wait3A_111 = tpu.memref_squeeze %dma_wait3A_110 : memref<1x1024x8xf32, #tpu.memory_space<hbm>> -> memref<1024x8xf32, #tpu.memory_space<hbm>>
      %dma_wait3A_112 = arith.constant 0 : i32
      %dma_wait3A_113 = tpu.memref_slice %arg14[%add3A_81, %dma_wait3A_112] : memref<102400x8xf32, #tpu.memory_space<vmem_shared>> -> memref<1024x8xf32, #tpu.memory_space<vmem_shared>>
      tpu.wait_dma2 semaphore(%run_scoped3A : memref<!tpu.dma_semaphore, #tpu.memory_space<semaphore_mem>>) src(%dma_wait3A_113 : memref<1024x8xf32, #tpu.memory_space<vmem_shared>>) dst(%dma_wait3A_111 : memref<1024x8xf32, #tpu.memory_space<hbm>>)
      tpu.yield
    }) : () -> ()
    "tpu.region"() ({
      %run_scoped3A = tpu.sem_alloc : memref<!tpu.dma_semaphore, #tpu.memory_space<semaphore_mem>>
      %dma_start3A = tpu.memref_slice %arg7[%arg0, %add3A_81] : memref<2x102400xf32, #tpu.memory_space<hbm>> -> memref<1x1024xf32, #tpu.memory_space<hbm>>
      %dma_start3A_106 = tpu.memref_squeeze %dma_start3A : memref<1x1024xf32, #tpu.memory_space<hbm>> -> memref<1024xf32, #tpu.memory_space<hbm>>
      %dma_start3A_107 = tpu.memref_slice %arg15[%add3A_81] : memref<102400xf32, #tpu.memory_space<vmem_shared>> -> memref<1024xf32, #tpu.memory_space<vmem_shared>>
      tpu.enqueue_dma source(%dma_start3A_107 : memref<1024xf32, #tpu.memory_space<vmem_shared>>) target(%dma_start3A_106 : memref<1024xf32, #tpu.memory_space<hbm>>) target_semaphore(%run_scoped3A : memref<!tpu.dma_semaphore, #tpu.memory_space<semaphore_mem>>)
      %dma_wait3A = tpu.memref_slice %arg7[%arg0, %add3A_81] : memref<2x102400xf32, #tpu.memory_space<hbm>> -> memref<1x1024xf32, #tpu.memory_space<hbm>>
      %dma_wait3A_108 = tpu.memref_squeeze %dma_wait3A : memref<1x1024xf32, #tpu.memory_space<hbm>> -> memref<1024xf32, #tpu.memory_space<hbm>>
      %dma_wait3A_109 = tpu.memref_slice %arg15[%add3A_81] : memref<102400xf32, #tpu.memory_space<vmem_shared>> -> memref<1024xf32, #tpu.memory_space<vmem_shared>>
      tpu.wait_dma2 semaphore(%run_scoped3A : memref<!tpu.dma_semaphore, #tpu.memory_space<semaphore_mem>>) src(%dma_wait3A_109 : memref<1024xf32, #tpu.memory_space<vmem_shared>>) dst(%dma_wait3A_108 : memref<1024xf32, #tpu.memory_space<hbm>>)
      tpu.yield
    }) : () -> ()
    %mul3A_82 = arith.constant 6400 : i32
    %mul3A_83 = arith.muli %arg1, %mul3A_82 : i32
    %add3A_84 = arith.constant 1024 : i32
    %add3A_85 = arith.addi %mul3A_83, %add3A_84 : i32
    "tpu.region"() ({
      %run_scoped3A = tpu.sem_alloc : memref<!tpu.dma_semaphore, #tpu.memory_space<semaphore_mem>>
      %dma_start3A = arith.constant 0 : i32
      %dma_start3A_106 = tpu.memref_slice %arg6[%arg0, %add3A_85, %dma_start3A] : memref<2x102400x8xf32, #tpu.memory_space<hbm>> -> memref<1x1024x8xf32, #tpu.memory_space<hbm>>
      %dma_start3A_107 = tpu.memref_squeeze %dma_start3A_106 : memref<1x1024x8xf32, #tpu.memory_space<hbm>> -> memref<1024x8xf32, #tpu.memory_space<hbm>>
      %dma_start3A_108 = arith.constant 0 : i32
      %dma_start3A_109 = tpu.memref_slice %arg14[%add3A_85, %dma_start3A_108] : memref<102400x8xf32, #tpu.memory_space<vmem_shared>> -> memref<1024x8xf32, #tpu.memory_space<vmem_shared>>
      tpu.enqueue_dma source(%dma_start3A_109 : memref<1024x8xf32, #tpu.memory_space<vmem_shared>>) target(%dma_start3A_107 : memref<1024x8xf32, #tpu.memory_space<hbm>>) target_semaphore(%run_scoped3A : memref<!tpu.dma_semaphore, #tpu.memory_space<semaphore_mem>>)
      %dma_wait3A = arith.constant 0 : i32
      %dma_wait3A_110 = tpu.memref_slice %arg6[%arg0, %add3A_85, %dma_wait3A] : memref<2x102400x8xf32, #tpu.memory_space<hbm>> -> memref<1x1024x8xf32, #tpu.memory_space<hbm>>
      %dma_wait3A_111 = tpu.memref_squeeze %dma_wait3A_110 : memref<1x1024x8xf32, #tpu.memory_space<hbm>> -> memref<1024x8xf32, #tpu.memory_space<hbm>>
      %dma_wait3A_112 = arith.constant 0 : i32
      %dma_wait3A_113 = tpu.memref_slice %arg14[%add3A_85, %dma_wait3A_112] : memref<102400x8xf32, #tpu.memory_space<vmem_shared>> -> memref<1024x8xf32, #tpu.memory_space<vmem_shared>>
      tpu.wait_dma2 semaphore(%run_scoped3A : memref<!tpu.dma_semaphore, #tpu.memory_space<semaphore_mem>>) src(%dma_wait3A_113 : memref<1024x8xf32, #tpu.memory_space<vmem_shared>>) dst(%dma_wait3A_111 : memref<1024x8xf32, #tpu.memory_space<hbm>>)
      tpu.yield
    }) : () -> ()
    "tpu.region"() ({
      %run_scoped3A = tpu.sem_alloc : memref<!tpu.dma_semaphore, #tpu.memory_space<semaphore_mem>>
      %dma_start3A = tpu.memref_slice %arg7[%arg0, %add3A_85] : memref<2x102400xf32, #tpu.memory_space<hbm>> -> memref<1x1024xf32, #tpu.memory_space<hbm>>
      %dma_start3A_106 = tpu.memref_squeeze %dma_start3A : memref<1x1024xf32, #tpu.memory_space<hbm>> -> memref<1024xf32, #tpu.memory_space<hbm>>
      %dma_start3A_107 = tpu.memref_slice %arg15[%add3A_85] : memref<102400xf32, #tpu.memory_space<vmem_shared>> -> memref<1024xf32, #tpu.memory_space<vmem_shared>>
      tpu.enqueue_dma source(%dma_start3A_107 : memref<1024xf32, #tpu.memory_space<vmem_shared>>) target(%dma_start3A_106 : memref<1024xf32, #tpu.memory_space<hbm>>) target_semaphore(%run_scoped3A : memref<!tpu.dma_semaphore, #tpu.memory_space<semaphore_mem>>)
      %dma_wait3A = tpu.memref_slice %arg7[%arg0, %add3A_85] : memref<2x102400xf32, #tpu.memory_space<hbm>> -> memref<1x1024xf32, #tpu.memory_space<hbm>>
      %dma_wait3A_108 = tpu.memref_squeeze %dma_wait3A : memref<1x1024xf32, #tpu.memory_space<hbm>> -> memref<1024xf32, #tpu.memory_space<hbm>>
      %dma_wait3A_109 = tpu.memref_slice %arg15[%add3A_85] : memref<102400xf32, #tpu.memory_space<vmem_shared>> -> memref<1024xf32, #tpu.memory_space<vmem_shared>>
      tpu.wait_dma2 semaphore(%run_scoped3A : memref<!tpu.dma_semaphore, #tpu.memory_space<semaphore_mem>>) src(%dma_wait3A_109 : memref<1024xf32, #tpu.memory_space<vmem_shared>>) dst(%dma_wait3A_108 : memref<1024xf32, #tpu.memory_space<hbm>>)
      tpu.yield
    }) : () -> ()
    %mul3A_86 = arith.constant 6400 : i32
    %mul3A_87 = arith.muli %arg1, %mul3A_86 : i32
    %add3A_88 = arith.constant 2048 : i32
    %add3A_89 = arith.addi %mul3A_87, %add3A_88 : i32
    "tpu.region"() ({
      %run_scoped3A = tpu.sem_alloc : memref<!tpu.dma_semaphore, #tpu.memory_space<semaphore_mem>>
      %dma_start3A = arith.constant 0 : i32
      %dma_start3A_106 = tpu.memref_slice %arg6[%arg0, %add3A_89, %dma_start3A] : memref<2x102400x8xf32, #tpu.memory_space<hbm>> -> memref<1x1024x8xf32, #tpu.memory_space<hbm>>
      %dma_start3A_107 = tpu.memref_squeeze %dma_start3A_106 : memref<1x1024x8xf32, #tpu.memory_space<hbm>> -> memref<1024x8xf32, #tpu.memory_space<hbm>>
      %dma_start3A_108 = arith.constant 0 : i32
      %dma_start3A_109 = tpu.memref_slice %arg14[%add3A_89, %dma_start3A_108] : memref<102400x8xf32, #tpu.memory_space<vmem_shared>> -> memref<1024x8xf32, #tpu.memory_space<vmem_shared>>
      tpu.enqueue_dma source(%dma_start3A_109 : memref<1024x8xf32, #tpu.memory_space<vmem_shared>>) target(%dma_start3A_107 : memref<1024x8xf32, #tpu.memory_space<hbm>>) target_semaphore(%run_scoped3A : memref<!tpu.dma_semaphore, #tpu.memory_space<semaphore_mem>>)
      %dma_wait3A = arith.constant 0 : i32
      %dma_wait3A_110 = tpu.memref_slice %arg6[%arg0, %add3A_89, %dma_wait3A] : memref<2x102400x8xf32, #tpu.memory_space<hbm>> -> memref<1x1024x8xf32, #tpu.memory_space<hbm>>
      %dma_wait3A_111 = tpu.memref_squeeze %dma_wait3A_110 : memref<1x1024x8xf32, #tpu.memory_space<hbm>> -> memref<1024x8xf32, #tpu.memory_space<hbm>>
      %dma_wait3A_112 = arith.constant 0 : i32
      %dma_wait3A_113 = tpu.memref_slice %arg14[%add3A_89, %dma_wait3A_112] : memref<102400x8xf32, #tpu.memory_space<vmem_shared>> -> memref<1024x8xf32, #tpu.memory_space<vmem_shared>>
      tpu.wait_dma2 semaphore(%run_scoped3A : memref<!tpu.dma_semaphore, #tpu.memory_space<semaphore_mem>>) src(%dma_wait3A_113 : memref<1024x8xf32, #tpu.memory_space<vmem_shared>>) dst(%dma_wait3A_111 : memref<1024x8xf32, #tpu.memory_space<hbm>>)
      tpu.yield
    }) : () -> ()
    "tpu.region"() ({
      %run_scoped3A = tpu.sem_alloc : memref<!tpu.dma_semaphore, #tpu.memory_space<semaphore_mem>>
      %dma_start3A = tpu.memref_slice %arg7[%arg0, %add3A_89] : memref<2x102400xf32, #tpu.memory_space<hbm>> -> memref<1x1024xf32, #tpu.memory_space<hbm>>
      %dma_start3A_106 = tpu.memref_squeeze %dma_start3A : memref<1x1024xf32, #tpu.memory_space<hbm>> -> memref<1024xf32, #tpu.memory_space<hbm>>
      %dma_start3A_107 = tpu.memref_slice %arg15[%add3A_89] : memref<102400xf32, #tpu.memory_space<vmem_shared>> -> memref<1024xf32, #tpu.memory_space<vmem_shared>>
      tpu.enqueue_dma source(%dma_start3A_107 : memref<1024xf32, #tpu.memory_space<vmem_shared>>) target(%dma_start3A_106 : memref<1024xf32, #tpu.memory_space<hbm>>) target_semaphore(%run_scoped3A : memref<!tpu.dma_semaphore, #tpu.memory_space<semaphore_mem>>)
      %dma_wait3A = tpu.memref_slice %arg7[%arg0, %add3A_89] : memref<2x102400xf32, #tpu.memory_space<hbm>> -> memref<1x1024xf32, #tpu.memory_space<hbm>>
      %dma_wait3A_108 = tpu.memref_squeeze %dma_wait3A : memref<1x1024xf32, #tpu.memory_space<hbm>> -> memref<1024xf32, #tpu.memory_space<hbm>>
      %dma_wait3A_109 = tpu.memref_slice %arg15[%add3A_89] : memref<102400xf32, #tpu.memory_space<vmem_shared>> -> memref<1024xf32, #tpu.memory_space<vmem_shared>>
      tpu.wait_dma2 semaphore(%run_scoped3A : memref<!tpu.dma_semaphore, #tpu.memory_space<semaphore_mem>>) src(%dma_wait3A_109 : memref<1024xf32, #tpu.memory_space<vmem_shared>>) dst(%dma_wait3A_108 : memref<1024xf32, #tpu.memory_space<hbm>>)
      tpu.yield
    }) : () -> ()
    %mul3A_90 = arith.constant 6400 : i32
    %mul3A_91 = arith.muli %arg1, %mul3A_90 : i32
    %add3A_92 = arith.constant 3072 : i32
    %add3A_93 = arith.addi %mul3A_91, %add3A_92 : i32
    "tpu.region"() ({
      %run_scoped3A = tpu.sem_alloc : memref<!tpu.dma_semaphore, #tpu.memory_space<semaphore_mem>>
      %dma_start3A = arith.constant 0 : i32
      %dma_start3A_106 = tpu.memref_slice %arg6[%arg0, %add3A_93, %dma_start3A] : memref<2x102400x8xf32, #tpu.memory_space<hbm>> -> memref<1x1024x8xf32, #tpu.memory_space<hbm>>
      %dma_start3A_107 = tpu.memref_squeeze %dma_start3A_106 : memref<1x1024x8xf32, #tpu.memory_space<hbm>> -> memref<1024x8xf32, #tpu.memory_space<hbm>>
      %dma_start3A_108 = arith.constant 0 : i32
      %dma_start3A_109 = tpu.memref_slice %arg14[%add3A_93, %dma_start3A_108] : memref<102400x8xf32, #tpu.memory_space<vmem_shared>> -> memref<1024x8xf32, #tpu.memory_space<vmem_shared>>
      tpu.enqueue_dma source(%dma_start3A_109 : memref<1024x8xf32, #tpu.memory_space<vmem_shared>>) target(%dma_start3A_107 : memref<1024x8xf32, #tpu.memory_space<hbm>>) target_semaphore(%run_scoped3A : memref<!tpu.dma_semaphore, #tpu.memory_space<semaphore_mem>>)
      %dma_wait3A = arith.constant 0 : i32
      %dma_wait3A_110 = tpu.memref_slice %arg6[%arg0, %add3A_93, %dma_wait3A] : memref<2x102400x8xf32, #tpu.memory_space<hbm>> -> memref<1x1024x8xf32, #tpu.memory_space<hbm>>
      %dma_wait3A_111 = tpu.memref_squeeze %dma_wait3A_110 : memref<1x1024x8xf32, #tpu.memory_space<hbm>> -> memref<1024x8xf32, #tpu.memory_space<hbm>>
      %dma_wait3A_112 = arith.constant 0 : i32
      %dma_wait3A_113 = tpu.memref_slice %arg14[%add3A_93, %dma_wait3A_112] : memref<102400x8xf32, #tpu.memory_space<vmem_shared>> -> memref<1024x8xf32, #tpu.memory_space<vmem_shared>>
      tpu.wait_dma2 semaphore(%run_scoped3A : memref<!tpu.dma_semaphore, #tpu.memory_space<semaphore_mem>>) src(%dma_wait3A_113 : memref<1024x8xf32, #tpu.memory_space<vmem_shared>>) dst(%dma_wait3A_111 : memref<1024x8xf32, #tpu.memory_space<hbm>>)
      tpu.yield
    }) : () -> ()
    "tpu.region"() ({
      %run_scoped3A = tpu.sem_alloc : memref<!tpu.dma_semaphore, #tpu.memory_space<semaphore_mem>>
      %dma_start3A = tpu.memref_slice %arg7[%arg0, %add3A_93] : memref<2x102400xf32, #tpu.memory_space<hbm>> -> memref<1x1024xf32, #tpu.memory_space<hbm>>
      %dma_start3A_106 = tpu.memref_squeeze %dma_start3A : memref<1x1024xf32, #tpu.memory_space<hbm>> -> memref<1024xf32, #tpu.memory_space<hbm>>
      %dma_start3A_107 = tpu.memref_slice %arg15[%add3A_93] : memref<102400xf32, #tpu.memory_space<vmem_shared>> -> memref<1024xf32, #tpu.memory_space<vmem_shared>>
      tpu.enqueue_dma source(%dma_start3A_107 : memref<1024xf32, #tpu.memory_space<vmem_shared>>) target(%dma_start3A_106 : memref<1024xf32, #tpu.memory_space<hbm>>) target_semaphore(%run_scoped3A : memref<!tpu.dma_semaphore, #tpu.memory_space<semaphore_mem>>)
      %dma_wait3A = tpu.memref_slice %arg7[%arg0, %add3A_93] : memref<2x102400xf32, #tpu.memory_space<hbm>> -> memref<1x1024xf32, #tpu.memory_space<hbm>>
      %dma_wait3A_108 = tpu.memref_squeeze %dma_wait3A : memref<1x1024xf32, #tpu.memory_space<hbm>> -> memref<1024xf32, #tpu.memory_space<hbm>>
      %dma_wait3A_109 = tpu.memref_slice %arg15[%add3A_93] : memref<102400xf32, #tpu.memory_space<vmem_shared>> -> memref<1024xf32, #tpu.memory_space<vmem_shared>>
      tpu.wait_dma2 semaphore(%run_scoped3A : memref<!tpu.dma_semaphore, #tpu.memory_space<semaphore_mem>>) src(%dma_wait3A_109 : memref<1024xf32, #tpu.memory_space<vmem_shared>>) dst(%dma_wait3A_108 : memref<1024xf32, #tpu.memory_space<hbm>>)
      tpu.yield
    }) : () -> ()
    %mul3A_94 = arith.constant 6400 : i32
    %mul3A_95 = arith.muli %arg1, %mul3A_94 : i32
    %add3A_96 = arith.constant 4096 : i32
    %add3A_97 = arith.addi %mul3A_95, %add3A_96 : i32
    "tpu.region"() ({
      %run_scoped3A = tpu.sem_alloc : memref<!tpu.dma_semaphore, #tpu.memory_space<semaphore_mem>>
      %dma_start3A = arith.constant 0 : i32
      %dma_start3A_106 = tpu.memref_slice %arg6[%arg0, %add3A_97, %dma_start3A] : memref<2x102400x8xf32, #tpu.memory_space<hbm>> -> memref<1x1024x8xf32, #tpu.memory_space<hbm>>
      %dma_start3A_107 = tpu.memref_squeeze %dma_start3A_106 : memref<1x1024x8xf32, #tpu.memory_space<hbm>> -> memref<1024x8xf32, #tpu.memory_space<hbm>>
      %dma_start3A_108 = arith.constant 0 : i32
      %dma_start3A_109 = tpu.memref_slice %arg14[%add3A_97, %dma_start3A_108] : memref<102400x8xf32, #tpu.memory_space<vmem_shared>> -> memref<1024x8xf32, #tpu.memory_space<vmem_shared>>
      tpu.enqueue_dma source(%dma_start3A_109 : memref<1024x8xf32, #tpu.memory_space<vmem_shared>>) target(%dma_start3A_107 : memref<1024x8xf32, #tpu.memory_space<hbm>>) target_semaphore(%run_scoped3A : memref<!tpu.dma_semaphore, #tpu.memory_space<semaphore_mem>>)
      %dma_wait3A = arith.constant 0 : i32
      %dma_wait3A_110 = tpu.memref_slice %arg6[%arg0, %add3A_97, %dma_wait3A] : memref<2x102400x8xf32, #tpu.memory_space<hbm>> -> memref<1x1024x8xf32, #tpu.memory_space<hbm>>
      %dma_wait3A_111 = tpu.memref_squeeze %dma_wait3A_110 : memref<1x1024x8xf32, #tpu.memory_space<hbm>> -> memref<1024x8xf32, #tpu.memory_space<hbm>>
      %dma_wait3A_112 = arith.constant 0 : i32
      %dma_wait3A_113 = tpu.memref_slice %arg14[%add3A_97, %dma_wait3A_112] : memref<102400x8xf32, #tpu.memory_space<vmem_shared>> -> memref<1024x8xf32, #tpu.memory_space<vmem_shared>>
      tpu.wait_dma2 semaphore(%run_scoped3A : memref<!tpu.dma_semaphore, #tpu.memory_space<semaphore_mem>>) src(%dma_wait3A_113 : memref<1024x8xf32, #tpu.memory_space<vmem_shared>>) dst(%dma_wait3A_111 : memref<1024x8xf32, #tpu.memory_space<hbm>>)
      tpu.yield
    }) : () -> ()
    "tpu.region"() ({
      %run_scoped3A = tpu.sem_alloc : memref<!tpu.dma_semaphore, #tpu.memory_space<semaphore_mem>>
      %dma_start3A = tpu.memref_slice %arg7[%arg0, %add3A_97] : memref<2x102400xf32, #tpu.memory_space<hbm>> -> memref<1x1024xf32, #tpu.memory_space<hbm>>
      %dma_start3A_106 = tpu.memref_squeeze %dma_start3A : memref<1x1024xf32, #tpu.memory_space<hbm>> -> memref<1024xf32, #tpu.memory_space<hbm>>
      %dma_start3A_107 = tpu.memref_slice %arg15[%add3A_97] : memref<102400xf32, #tpu.memory_space<vmem_shared>> -> memref<1024xf32, #tpu.memory_space<vmem_shared>>
      tpu.enqueue_dma source(%dma_start3A_107 : memref<1024xf32, #tpu.memory_space<vmem_shared>>) target(%dma_start3A_106 : memref<1024xf32, #tpu.memory_space<hbm>>) target_semaphore(%run_scoped3A : memref<!tpu.dma_semaphore, #tpu.memory_space<semaphore_mem>>)
      %dma_wait3A = tpu.memref_slice %arg7[%arg0, %add3A_97] : memref<2x102400xf32, #tpu.memory_space<hbm>> -> memref<1x1024xf32, #tpu.memory_space<hbm>>
      %dma_wait3A_108 = tpu.memref_squeeze %dma_wait3A : memref<1x1024xf32, #tpu.memory_space<hbm>> -> memref<1024xf32, #tpu.memory_space<hbm>>
      %dma_wait3A_109 = tpu.memref_slice %arg15[%add3A_97] : memref<102400xf32, #tpu.memory_space<vmem_shared>> -> memref<1024xf32, #tpu.memory_space<vmem_shared>>
      tpu.wait_dma2 semaphore(%run_scoped3A : memref<!tpu.dma_semaphore, #tpu.memory_space<semaphore_mem>>) src(%dma_wait3A_109 : memref<1024xf32, #tpu.memory_space<vmem_shared>>) dst(%dma_wait3A_108 : memref<1024xf32, #tpu.memory_space<hbm>>)
      tpu.yield
    }) : () -> ()
    %mul3A_98 = arith.constant 6400 : i32
    %mul3A_99 = arith.muli %arg1, %mul3A_98 : i32
    %add3A_100 = arith.constant 5120 : i32
    %add3A_101 = arith.addi %mul3A_99, %add3A_100 : i32
    "tpu.region"() ({
      %run_scoped3A = tpu.sem_alloc : memref<!tpu.dma_semaphore, #tpu.memory_space<semaphore_mem>>
      %dma_start3A = arith.constant 0 : i32
      %dma_start3A_106 = tpu.memref_slice %arg6[%arg0, %add3A_101, %dma_start3A] : memref<2x102400x8xf32, #tpu.memory_space<hbm>> -> memref<1x1024x8xf32, #tpu.memory_space<hbm>>
      %dma_start3A_107 = tpu.memref_squeeze %dma_start3A_106 : memref<1x1024x8xf32, #tpu.memory_space<hbm>> -> memref<1024x8xf32, #tpu.memory_space<hbm>>
      %dma_start3A_108 = arith.constant 0 : i32
      %dma_start3A_109 = tpu.memref_slice %arg14[%add3A_101, %dma_start3A_108] : memref<102400x8xf32, #tpu.memory_space<vmem_shared>> -> memref<1024x8xf32, #tpu.memory_space<vmem_shared>>
      tpu.enqueue_dma source(%dma_start3A_109 : memref<1024x8xf32, #tpu.memory_space<vmem_shared>>) target(%dma_start3A_107 : memref<1024x8xf32, #tpu.memory_space<hbm>>) target_semaphore(%run_scoped3A : memref<!tpu.dma_semaphore, #tpu.memory_space<semaphore_mem>>)
      %dma_wait3A = arith.constant 0 : i32
      %dma_wait3A_110 = tpu.memref_slice %arg6[%arg0, %add3A_101, %dma_wait3A] : memref<2x102400x8xf32, #tpu.memory_space<hbm>> -> memref<1x1024x8xf32, #tpu.memory_space<hbm>>
      %dma_wait3A_111 = tpu.memref_squeeze %dma_wait3A_110 : memref<1x1024x8xf32, #tpu.memory_space<hbm>> -> memref<1024x8xf32, #tpu.memory_space<hbm>>
      %dma_wait3A_112 = arith.constant 0 : i32
      %dma_wait3A_113 = tpu.memref_slice %arg14[%add3A_101, %dma_wait3A_112] : memref<102400x8xf32, #tpu.memory_space<vmem_shared>> -> memref<1024x8xf32, #tpu.memory_space<vmem_shared>>
      tpu.wait_dma2 semaphore(%run_scoped3A : memref<!tpu.dma_semaphore, #tpu.memory_space<semaphore_mem>>) src(%dma_wait3A_113 : memref<1024x8xf32, #tpu.memory_space<vmem_shared>>) dst(%dma_wait3A_111 : memref<1024x8xf32, #tpu.memory_space<hbm>>)
      tpu.yield
    }) : () -> ()
    "tpu.region"() ({
      %run_scoped3A = tpu.sem_alloc : memref<!tpu.dma_semaphore, #tpu.memory_space<semaphore_mem>>
      %dma_start3A = tpu.memref_slice %arg7[%arg0, %add3A_101] : memref<2x102400xf32, #tpu.memory_space<hbm>> -> memref<1x1024xf32, #tpu.memory_space<hbm>>
      %dma_start3A_106 = tpu.memref_squeeze %dma_start3A : memref<1x1024xf32, #tpu.memory_space<hbm>> -> memref<1024xf32, #tpu.memory_space<hbm>>
      %dma_start3A_107 = tpu.memref_slice %arg15[%add3A_101] : memref<102400xf32, #tpu.memory_space<vmem_shared>> -> memref<1024xf32, #tpu.memory_space<vmem_shared>>
      tpu.enqueue_dma source(%dma_start3A_107 : memref<1024xf32, #tpu.memory_space<vmem_shared>>) target(%dma_start3A_106 : memref<1024xf32, #tpu.memory_space<hbm>>) target_semaphore(%run_scoped3A : memref<!tpu.dma_semaphore, #tpu.memory_space<semaphore_mem>>)
      %dma_wait3A = tpu.memref_slice %arg7[%arg0, %add3A_101] : memref<2x102400xf32, #tpu.memory_space<hbm>> -> memref<1x1024xf32, #tpu.memory_space<hbm>>
      %dma_wait3A_108 = tpu.memref_squeeze %dma_wait3A : memref<1x1024xf32, #tpu.memory_space<hbm>> -> memref<1024xf32, #tpu.memory_space<hbm>>
      %dma_wait3A_109 = tpu.memref_slice %arg15[%add3A_101] : memref<102400xf32, #tpu.memory_space<vmem_shared>> -> memref<1024xf32, #tpu.memory_space<vmem_shared>>
      tpu.wait_dma2 semaphore(%run_scoped3A : memref<!tpu.dma_semaphore, #tpu.memory_space<semaphore_mem>>) src(%dma_wait3A_109 : memref<1024xf32, #tpu.memory_space<vmem_shared>>) dst(%dma_wait3A_108 : memref<1024xf32, #tpu.memory_space<hbm>>)
      tpu.yield
    }) : () -> ()
    %mul3A_102 = arith.constant 6400 : i32
    %mul3A_103 = arith.muli %arg1, %mul3A_102 : i32
    %add3A_104 = arith.constant 6144 : i32
    %add3A_105 = arith.addi %mul3A_103, %add3A_104 : i32
    "tpu.region"() ({
      %run_scoped3A = tpu.sem_alloc : memref<!tpu.dma_semaphore, #tpu.memory_space<semaphore_mem>>
      %dma_start3A = arith.constant 0 : i32
      %dma_start3A_106 = tpu.memref_slice %arg6[%arg0, %add3A_105, %dma_start3A] : memref<2x102400x8xf32, #tpu.memory_space<hbm>> -> memref<1x256x8xf32, #tpu.memory_space<hbm>>
      %dma_start3A_107 = tpu.memref_squeeze %dma_start3A_106 : memref<1x256x8xf32, #tpu.memory_space<hbm>> -> memref<256x8xf32, #tpu.memory_space<hbm>>
      %dma_start3A_108 = arith.constant 0 : i32
      %dma_start3A_109 = tpu.memref_slice %arg14[%add3A_105, %dma_start3A_108] : memref<102400x8xf32, #tpu.memory_space<vmem_shared>> -> memref<256x8xf32, #tpu.memory_space<vmem_shared>>
      tpu.enqueue_dma source(%dma_start3A_109 : memref<256x8xf32, #tpu.memory_space<vmem_shared>>) target(%dma_start3A_107 : memref<256x8xf32, #tpu.memory_space<hbm>>) target_semaphore(%run_scoped3A : memref<!tpu.dma_semaphore, #tpu.memory_space<semaphore_mem>>)
      %dma_wait3A = arith.constant 0 : i32
      %dma_wait3A_110 = tpu.memref_slice %arg6[%arg0, %add3A_105, %dma_wait3A] : memref<2x102400x8xf32, #tpu.memory_space<hbm>> -> memref<1x256x8xf32, #tpu.memory_space<hbm>>
      %dma_wait3A_111 = tpu.memref_squeeze %dma_wait3A_110 : memref<1x256x8xf32, #tpu.memory_space<hbm>> -> memref<256x8xf32, #tpu.memory_space<hbm>>
      %dma_wait3A_112 = arith.constant 0 : i32
      %dma_wait3A_113 = tpu.memref_slice %arg14[%add3A_105, %dma_wait3A_112] : memref<102400x8xf32, #tpu.memory_space<vmem_shared>> -> memref<256x8xf32, #tpu.memory_space<vmem_shared>>
      tpu.wait_dma2 semaphore(%run_scoped3A : memref<!tpu.dma_semaphore, #tpu.memory_space<semaphore_mem>>) src(%dma_wait3A_113 : memref<256x8xf32, #tpu.memory_space<vmem_shared>>) dst(%dma_wait3A_111 : memref<256x8xf32, #tpu.memory_space<hbm>>)
      tpu.yield
    }) : () -> ()
    "tpu.region"() ({
      %run_scoped3A = tpu.sem_alloc : memref<!tpu.dma_semaphore, #tpu.memory_space<semaphore_mem>>
      %dma_start3A = tpu.memref_slice %arg7[%arg0, %add3A_105] : memref<2x102400xf32, #tpu.memory_space<hbm>> -> memref<1x256xf32, #tpu.memory_space<hbm>>
      %dma_start3A_106 = tpu.memref_squeeze %dma_start3A : memref<1x256xf32, #tpu.memory_space<hbm>> -> memref<256xf32, #tpu.memory_space<hbm>>
      %dma_start3A_107 = tpu.memref_slice %arg15[%add3A_105] : memref<102400xf32, #tpu.memory_space<vmem_shared>> -> memref<256xf32, #tpu.memory_space<vmem_shared>>
      tpu.enqueue_dma source(%dma_start3A_107 : memref<256xf32, #tpu.memory_space<vmem_shared>>) target(%dma_start3A_106 : memref<256xf32, #tpu.memory_space<hbm>>) target_semaphore(%run_scoped3A : memref<!tpu.dma_semaphore, #tpu.memory_space<semaphore_mem>>)
      %dma_wait3A = tpu.memref_slice %arg7[%arg0, %add3A_105] : memref<2x102400xf32, #tpu.memory_space<hbm>> -> memref<1x256xf32, #tpu.memory_space<hbm>>
      %dma_wait3A_108 = tpu.memref_squeeze %dma_wait3A : memref<1x256xf32, #tpu.memory_space<hbm>> -> memref<256xf32, #tpu.memory_space<hbm>>
      %dma_wait3A_109 = tpu.memref_slice %arg15[%add3A_105] : memref<102400xf32, #tpu.memory_space<vmem_shared>> -> memref<256xf32, #tpu.memory_space<vmem_shared>>
      tpu.wait_dma2 semaphore(%run_scoped3A : memref<!tpu.dma_semaphore, #tpu.memory_space<semaphore_mem>>) src(%dma_wait3A_109 : memref<256xf32, #tpu.memory_space<vmem_shared>>) dst(%dma_wait3A_108 : memref<256xf32, #tpu.memory_space<hbm>>)
      tpu.yield
    }) : () -> ()
    return
  }
}

module attributes {stable_mosaic.version = 14 : i64} {
  func.func @body(%arg0: i32, %arg1: memref<1000x128xf32, #tpu.memory_space<vmem>>, %arg2: memref<128x16xf32, #tpu.memory_space<vmem>>, %arg3: memref<1x16xf32, #tpu.memory_space<vmem>>, %arg4: memref<1000x16xf32, #tpu.memory_space<vmem>>) attributes {dimension_semantics = [#tpu.dimension_semantics<arbitrary>], iteration_bounds = array<i64: 101>, scalar_prefetch = 0 : i64, scratch_operands = 0 : i64, tpu.core_type = #tpu.core_type<tc>, window_params = [{transform_indices = @transform_0, window_bounds = array<i64: 1000, 128>}, {pipeline_mode = #tpu.pipeline_mode<synchronous>, transform_indices = @transform_1, window_bounds = array<i64: 128, 16>}, {pipeline_mode = #tpu.pipeline_mode<synchronous>, transform_indices = @transform_2, window_bounds = array<i64: 1, 16>}, {transform_indices = @transform_3, window_bounds = array<i64: 1000, 16>}]} {
    %get3A = arith.constant 0 : index
    %get3A_0 = arith.constant 0 : index
    %get3A_1 = vector.load %arg1[%get3A, %get3A_0] : memref<1000x128xf32, #tpu.memory_space<vmem>>, vector<1000x128xf32>
    %get3A_2 = arith.constant 0 : index
    %get3A_3 = arith.constant 0 : index
    %get3A_4 = vector.load %arg2[%get3A_2, %get3A_3] : memref<128x16xf32, #tpu.memory_space<vmem>>, vector<128x16xf32>
    %dot_general3A = arith.constant dense<0.000000e+00> : vector<1000x16xf32>
    %dot_general3A_5 = tpu.matmul %get3A_1, %get3A_4, %dot_general3A {dimension_numbers = #tpu.dot_dimension_numbers<[1], [0], [0], [1], [0, 0, 1, 1], [], []>, transpose_lhs_hint = false} : vector<1000x128xf32>, vector<128x16xf32>, vector<1000x16xf32> -> vector<1000x16xf32>
    %get3A_6 = arith.constant 0 : index
    %get3A_7 = arith.constant 0 : index
    %get3A_8 = vector.load %arg3[%get3A_6, %get3A_7] : memref<1x16xf32, #tpu.memory_space<vmem>>, vector<1x16xf32>
    %add3A = vector.broadcast %get3A_8 : vector<1x16xf32> to vector<1000x16xf32>
    %add3A_9 = arith.addf %dot_general3A_5, %add3A : vector<1000x16xf32>
    %swap3A = arith.constant 0 : index
    %swap3A_10 = arith.constant 0 : index
    %swap3A_11 = vector.load %arg4[%swap3A, %swap3A_10] : memref<1000x16xf32, #tpu.memory_space<vmem>>, vector<1000x16xf32>
    tpu.vector_store %arg4[%swap3A, %swap3A_10], %add3A_9 {strides = array<i32>} : memref<1000x16xf32, #tpu.memory_space<vmem>>, vector<1000x16xf32>,
    return
  }
  func.func @transform_0(%arg0: i32) -> (i32, i32) {
    %min3A = arith.constant 99 : i32
    %min3A_0 = arith.minsi %arg0, %min3A : i32
    %c0_i32 = arith.constant 0 : i32
    %c0_i32_1 = arith.constant 0 : i32
    return %min3A_0, %c0_i32 : i32, i32
  }
  func.func @transform_1(%arg0: i32) -> (i32, i32) {
    %c0_i32 = arith.constant 0 : i32
    %c0_i32_0 = arith.constant 0 : i32
    %c0_i32_1 = arith.constant 0 : i32
    return %c0_i32, %c0_i32_0 : i32, i32
  }
  func.func @transform_2(%arg0: i32) -> (i32, i32) {
    %c0_i32 = arith.constant 0 : i32
    %c0_i32_0 = arith.constant 0 : i32
    %c0_i32_1 = arith.constant 0 : i32
    return %c0_i32, %c0_i32_0 : i32, i32
  }
  func.func @transform_3(%arg0: i32) -> (i32, i32) {
    %c0_i32 = arith.constant 0 : i32
    %c0_i32_0 = arith.constant 0 : i32
    return %arg0, %c0_i32 : i32, i32
  }
}

module attributes {stable_mosaic.version = 14 : i64} {
  func.func @body(%arg0: i32, %arg1: memref<1000x128xf32, #tpu.memory_space<vmem>>, %arg2: memref<128x16xf32, #tpu.memory_space<vmem>>, %arg3: memref<1x16xf32, #tpu.memory_space<vmem>>, %arg4: memref<1000x16xf32, #tpu.memory_space<vmem>>) attributes {dimension_semantics = [#tpu.dimension_semantics<arbitrary>], iteration_bounds = array<i64: 51>, scalar_prefetch = 0 : i64, scratch_operands = 0 : i64, tpu.core_type = #tpu.core_type<tc>, window_params = [{transform_indices = @transform_0, window_bounds = array<i64: 1000, 128>}, {pipeline_mode = #tpu.pipeline_mode<synchronous>, transform_indices = @transform_1, window_bounds = array<i64: 128, 16>}, {pipeline_mode = #tpu.pipeline_mode<synchronous>, transform_indices = @transform_2, window_bounds = array<i64: 1, 16>}, {transform_indices = @transform_3, window_bounds = array<i64: 1000, 16>}]} {
    %get3A = arith.constant 0 : index
    %get3A_0 = arith.constant 0 : index
    %get3A_1 = vector.load %arg1[%get3A, %get3A_0] : memref<1000x128xf32, #tpu.memory_space<vmem>>, vector<1000x128xf32>
    %get3A_2 = arith.constant 0 : index
    %get3A_3 = arith.constant 0 : index
    %get3A_4 = vector.load %arg2[%get3A_2, %get3A_3] : memref<128x16xf32, #tpu.memory_space<vmem>>, vector<128x16xf32>
    %dot_general3A = arith.constant dense<0.000000e+00> : vector<1000x16xf32>
    %dot_general3A_5 = tpu.matmul %get3A_1, %get3A_4, %dot_general3A {dimension_numbers = #tpu.dot_dimension_numbers<[1], [0], [0], [1], [0, 0, 1, 1], [], []>, transpose_lhs_hint = false} : vector<1000x128xf32>, vector<128x16xf32>, vector<1000x16xf32> -> vector<1000x16xf32>
    %get3A_6 = arith.constant 0 : index
    %get3A_7 = arith.constant 0 : index
    %get3A_8 = vector.load %arg3[%get3A_6, %get3A_7] : memref<1x16xf32, #tpu.memory_space<vmem>>, vector<1x16xf32>
    %add3A = vector.broadcast %get3A_8 : vector<1x16xf32> to vector<1000x16xf32>
    %add3A_9 = arith.addf %dot_general3A_5, %add3A : vector<1000x16xf32>
    %swap3A = arith.constant 0 : index
    %swap3A_10 = arith.constant 0 : index
    %swap3A_11 = vector.load %arg4[%swap3A, %swap3A_10] : memref<1000x16xf32, #tpu.memory_space<vmem>>, vector<1000x16xf32>
    tpu.vector_store %arg4[%swap3A, %swap3A_10], %add3A_9 {strides = array<i32>} : memref<1000x16xf32, #tpu.memory_space<vmem>>, vector<1000x16xf32>,
    return
  }
  func.func @transform_0(%arg0: i32) -> (i32, i32) {
    %min3A = arith.constant 49 : i32
    %min3A_0 = arith.minsi %arg0, %min3A : i32
    %c0_i32 = arith.constant 0 : i32
    %c0_i32_1 = arith.constant 0 : i32
    return %min3A_0, %c0_i32 : i32, i32
  }
  func.func @transform_1(%arg0: i32) -> (i32, i32) {
    %c0_i32 = arith.constant 0 : i32
    %c0_i32_0 = arith.constant 0 : i32
    %c0_i32_1 = arith.constant 0 : i32
    return %c0_i32, %c0_i32_0 : i32, i32
  }
  func.func @transform_2(%arg0: i32) -> (i32, i32) {
    %c0_i32 = arith.constant 0 : i32
    %c0_i32_0 = arith.constant 0 : i32
    %c0_i32_1 = arith.constant 0 : i32
    return %c0_i32, %c0_i32_0 : i32, i32
  }
  func.func @transform_3(%arg0: i32) -> (i32, i32) {
    %c0_i32 = arith.constant 0 : i32
    %c0_i32_0 = arith.constant 0 : i32
    return %arg0, %c0_i32 : i32, i32
  }
}

module attributes {stable_mosaic.version = 14 : i64} {
  func.func @body(%arg0: i32, %arg1: memref<1000x128xf32, #tpu.memory_space<vmem>>, %arg2: memref<128x16xf32, #tpu.memory_space<vmem>>, %arg3: memref<1x16xf32, #tpu.memory_space<vmem>>, %arg4: memref<1000x16xf32, #tpu.memory_space<vmem>>) attributes {dimension_semantics = [#tpu.dimension_semantics<arbitrary>], iteration_bounds = array<i64: 11>, scalar_prefetch = 0 : i64, scratch_operands = 0 : i64, tpu.core_type = #tpu.core_type<tc>, window_params = [{transform_indices = @transform_0, window_bounds = array<i64: 1000, 128>}, {pipeline_mode = #tpu.pipeline_mode<synchronous>, transform_indices = @transform_1, window_bounds = array<i64: 128, 16>}, {pipeline_mode = #tpu.pipeline_mode<synchronous>, transform_indices = @transform_2, window_bounds = array<i64: 1, 16>}, {transform_indices = @transform_3, window_bounds = array<i64: 1000, 16>}]} {
    %get3A = arith.constant 0 : index
    %get3A_0 = arith.constant 0 : index
    %get3A_1 = vector.load %arg1[%get3A, %get3A_0] : memref<1000x128xf32, #tpu.memory_space<vmem>>, vector<1000x128xf32>
    %get3A_2 = arith.constant 0 : index
    %get3A_3 = arith.constant 0 : index
    %get3A_4 = vector.load %arg2[%get3A_2, %get3A_3] : memref<128x16xf32, #tpu.memory_space<vmem>>, vector<128x16xf32>
    %dot_general3A = arith.constant dense<0.000000e+00> : vector<1000x16xf32>
    %dot_general3A_5 = tpu.matmul %get3A_1, %get3A_4, %dot_general3A {dimension_numbers = #tpu.dot_dimension_numbers<[1], [0], [0], [1], [0, 0, 1, 1], [], []>, transpose_lhs_hint = false} : vector<1000x128xf32>, vector<128x16xf32>, vector<1000x16xf32> -> vector<1000x16xf32>
    %get3A_6 = arith.constant 0 : index
    %get3A_7 = arith.constant 0 : index
    %get3A_8 = vector.load %arg3[%get3A_6, %get3A_7] : memref<1x16xf32, #tpu.memory_space<vmem>>, vector<1x16xf32>
    %add3A = vector.broadcast %get3A_8 : vector<1x16xf32> to vector<1000x16xf32>
    %add3A_9 = arith.addf %dot_general3A_5, %add3A : vector<1000x16xf32>
    %swap3A = arith.constant 0 : index
    %swap3A_10 = arith.constant 0 : index
    %swap3A_11 = vector.load %arg4[%swap3A, %swap3A_10] : memref<1000x16xf32, #tpu.memory_space<vmem>>, vector<1000x16xf32>
    tpu.vector_store %arg4[%swap3A, %swap3A_10], %add3A_9 {strides = array<i32>} : memref<1000x16xf32, #tpu.memory_space<vmem>>, vector<1000x16xf32>,
    return
  }
  func.func @transform_0(%arg0: i32) -> (i32, i32) {
    %min3A = arith.constant 9 : i32
    %min3A_0 = arith.minsi %arg0, %min3A : i32
    %c0_i32 = arith.constant 0 : i32
    %c0_i32_1 = arith.constant 0 : i32
    return %min3A_0, %c0_i32 : i32, i32
  }
  func.func @transform_1(%arg0: i32) -> (i32, i32) {
    %c0_i32 = arith.constant 0 : i32
    %c0_i32_0 = arith.constant 0 : i32
    %c0_i32_1 = arith.constant 0 : i32
    return %c0_i32, %c0_i32_0 : i32, i32
  }
  func.func @transform_2(%arg0: i32) -> (i32, i32) {
    %c0_i32 = arith.constant 0 : i32
    %c0_i32_0 = arith.constant 0 : i32
    %c0_i32_1 = arith.constant 0 : i32
    return %c0_i32, %c0_i32_0 : i32, i32
  }
  func.func @transform_3(%arg0: i32) -> (i32, i32) {
    %c0_i32 = arith.constant 0 : i32
    %c0_i32_0 = arith.constant 0 : i32
    return %arg0, %c0_i32 : i32, i32
  }
}

module attributes {stable_mosaic.version = 14 : i64} {
  func.func @body(%arg0: i32, %arg1: memref<2x1024x8xf32, #tpu.memory_space<vmem>>, %arg2: memref<2x1024xf32, #tpu.memory_space<vmem>>, %arg3: memref<2x1024x8xf32, #tpu.memory_space<vmem>>, %arg4: memref<2x1024xf32, #tpu.memory_space<vmem>>, %arg5: memref<8x8xf32, #tpu.memory_space<vmem>>, %arg6: memref<1x8xf32, #tpu.memory_space<vmem>>, %arg7: memref<1024x8xf32, #tpu.memory_space<vmem>>, %arg8: memref<1024x8xf32, #tpu.memory_space<vmem>>, %arg9: memref<2x8xf32, #tpu.memory_space<vmem>>) attributes {dimension_semantics = [#tpu.dimension_semantics<arbitrary>], iteration_bounds = array<i64: 52>, scalar_prefetch = 0 : i64, scratch_operands = 0 : i64, tpu.core_type = #tpu.core_type<tc>, window_params = [{transform_indices = @transform_0, window_bounds = array<i64: 2, 1024, 8>}, {transform_indices = @transform_1, window_bounds = array<i64: 2, 1024>}, {transform_indices = @transform_2, window_bounds = array<i64: 2, 1024, 8>}, {transform_indices = @transform_3, window_bounds = array<i64: 2, 1024>}, {pipeline_mode = #tpu.pipeline_mode<synchronous>, transform_indices = @transform_4, window_bounds = array<i64: 8, 8>}, {pipeline_mode = #tpu.pipeline_mode<synchronous>, transform_indices = @transform_5, window_bounds = array<i64: 1, 8>}, {transform_indices = @transform_6, window_bounds = array<i64: 1024, 8>}, {transform_indices = @transform_7, window_bounds = array<i64: 1024, 8>}, {pipeline_mode = #tpu.pipeline_mode<synchronous>, transform_indices = @transform_8, window_bounds = array<i64: 2, 8>}]} {
    %eq3A = arith.constant 0 : i32
    %eq3A_0 = arith.cmpi eq, %arg0, %eq3A : i32
    %convert_element_type3A = arith.extui %eq3A_0 : i1 to i32
    %cond3A = arith.constant 0 : i32
    %cond3A_1 = arith.cmpi ne, %convert_element_type3A, %cond3A : i32
    scf.if %cond3A_1 {
      %broadcast_in_dim3A_101 = arith.constant 0.000000e+00 : f32
      %broadcast_in_dim3A_102 = vector.broadcast %broadcast_in_dim3A_101 : f32 to vector<2x8xf32>
      %swap3A_103 = arith.constant 0 : index
      %swap3A_104 = arith.constant 0 : index
      %swap3A_105 = vector.load %arg9[%swap3A_103, %swap3A_104] : memref<2x8xf32, #tpu.memory_space<vmem>>, vector<2x8xf32>
      tpu.vector_store %arg9[%swap3A_103, %swap3A_104], %broadcast_in_dim3A_102 {strides = array<i32>} : memref<2x8xf32, #tpu.memory_space<vmem>>, vector<2x8xf32>,
    } else {
    }
    %get3A = arith.constant 0 : index
    %get3A_2 = arith.constant 0 : index
    %get3A_3 = arith.constant 0 : index
    %get3A_4 = vector.load %arg1[%get3A, %get3A_2, %get3A_3] : memref<2x1024x8xf32, #tpu.memory_space<vmem>>, vector<1x1024x8xf32>
    %get3A_5 = vector.shape_cast %get3A_4 : vector<1x1024x8xf32> to vector<1024x8xf32>
    %get3A_6 = arith.constant 1 : index
    %get3A_7 = arith.constant 0 : index
    %get3A_8 = arith.constant 0 : index
    %get3A_9 = vector.load %arg1[%get3A_6, %get3A_7, %get3A_8] : memref<2x1024x8xf32, #tpu.memory_space<vmem>>, vector<1x1024x8xf32>
    %get3A_10 = vector.shape_cast %get3A_9 : vector<1x1024x8xf32> to vector<1024x8xf32>
    %add3A = arith.addf %get3A_5, %get3A_10 : vector<1024x8xf32>
    %get3A_11 = arith.constant 0 : index
    %get3A_12 = arith.constant 0 : index
    %get3A_13 = arith.constant 0 : index
    %get3A_14 = vector.load %arg3[%get3A_11, %get3A_12, %get3A_13] : memref<2x1024x8xf32, #tpu.memory_space<vmem>>, vector<1x1024x8xf32>
    %get3A_15 = vector.shape_cast %get3A_14 : vector<1x1024x8xf32> to vector<1024x8xf32>
    %get3A_16 = arith.constant 1 : index
    %get3A_17 = arith.constant 0 : index
    %get3A_18 = arith.constant 0 : index
    %get3A_19 = vector.load %arg3[%get3A_16, %get3A_17, %get3A_18] : memref<2x1024x8xf32, #tpu.memory_space<vmem>>, vector<1x1024x8xf32>
    %get3A_20 = vector.shape_cast %get3A_19 : vector<1x1024x8xf32> to vector<1024x8xf32>
    %add3A_21 = arith.addf %get3A_15, %get3A_20 : vector<1024x8xf32>
    %get3A_22 = arith.constant 0 : index
    %get3A_23 = arith.constant 0 : index
    %get3A_24 = vector.load %arg2[%get3A_22, %get3A_23] : memref<2x1024xf32, #tpu.memory_space<vmem>>, vector<1x1024xf32>
    %get3A_25 = vector.shape_cast %get3A_24 : vector<1x1024xf32> to vector<1024xf32>
    %get3A_26 = arith.constant 1 : index
    %get3A_27 = arith.constant 0 : index
    %get3A_28 = vector.load %arg2[%get3A_26, %get3A_27] : memref<2x1024xf32, #tpu.memory_space<vmem>>, vector<1x1024xf32>
    %get3A_29 = vector.shape_cast %get3A_28 : vector<1x1024xf32> to vector<1024xf32>
    %add3A_30 = arith.addf %get3A_25, %get3A_29 : vector<1024xf32>
    %broadcast_in_dim3A = vector.shape_cast %add3A_30 : vector<1024xf32> to vector<1024x1xf32>
    %get3A_31 = arith.constant 0 : index
    %get3A_32 = arith.constant 0 : index
    %get3A_33 = vector.load %arg4[%get3A_31, %get3A_32] : memref<2x1024xf32, #tpu.memory_space<vmem>>, vector<1x1024xf32>
    %get3A_34 = vector.shape_cast %get3A_33 : vector<1x1024xf32> to vector<1024xf32>
    %get3A_35 = arith.constant 1 : index
    %get3A_36 = arith.constant 0 : index
    %get3A_37 = vector.load %arg4[%get3A_35, %get3A_36] : memref<2x1024xf32, #tpu.memory_space<vmem>>, vector<1x1024xf32>
    %get3A_38 = vector.shape_cast %get3A_37 : vector<1x1024xf32> to vector<1024xf32>
    %add3A_39 = arith.addf %get3A_34, %get3A_38 : vector<1024xf32>
    %broadcast_in_dim3A_40 = vector.shape_cast %add3A_39 : vector<1024xf32> to vector<1024x1xf32>
    %add3A_41 = arith.constant 1.000000e-16 : f32
    %add3A_42 = vector.broadcast %add3A_41 : f32 to vector<1024x1xf32>
    %add3A_43 = arith.addf %broadcast_in_dim3A, %add3A_42 : vector<1024x1xf32>
    %div3A = vector.broadcast %add3A_43 : vector<1024x1xf32> to vector<1024x8xf32>
    %div3A_44 = arith.divf %add3A, %div3A : vector<1024x8xf32>
    %max3A = arith.constant 0.000000e+00 : f32
    %max3A_45 = vector.broadcast %max3A : f32 to vector<1024x8xf32>
    %max3A_46 = arith.maximumf %div3A_44, %max3A_45 : vector<1024x8xf32>
    %add3A_47 = arith.constant 1.000000e-16 : f32
    %add3A_48 = vector.broadcast %add3A_47 : f32 to vector<1024x1xf32>
    %add3A_49 = arith.addf %broadcast_in_dim3A_40, %add3A_48 : vector<1024x1xf32>
    %div3A_50 = vector.broadcast %add3A_49 : vector<1024x1xf32> to vector<1024x8xf32>
    %div3A_51 = arith.divf %add3A_21, %div3A_50 : vector<1024x8xf32>
    %max3A_52 = arith.constant 0.000000e+00 : f32
    %max3A_53 = vector.broadcast %max3A_52 : f32 to vector<1024x8xf32>
    %max3A_54 = arith.maximumf %div3A_51, %max3A_53 : vector<1024x8xf32>
    %swap3A = arith.constant 0 : index
    %swap3A_55 = arith.constant 0 : index
    %swap3A_56 = vector.load %arg7[%swap3A, %swap3A_55] : memref<1024x8xf32, #tpu.memory_space<vmem>>, vector<1024x8xf32>
    tpu.vector_store %arg7[%swap3A, %swap3A_55], %max3A_46 {strides = array<i32>} : memref<1024x8xf32, #tpu.memory_space<vmem>>, vector<1024x8xf32>,
    %swap3A_57 = arith.constant 0 : index
    %swap3A_58 = arith.constant 0 : index
    %swap3A_59 = vector.load %arg8[%swap3A_57, %swap3A_58] : memref<1024x8xf32, #tpu.memory_space<vmem>>, vector<1024x8xf32>
    tpu.vector_store %arg8[%swap3A_57, %swap3A_58], %max3A_54 {strides = array<i32>} : memref<1024x8xf32, #tpu.memory_space<vmem>>, vector<1024x8xf32>,
    %iota3A = tpu.iota {dimensions = array<i32: 0>} : vector<1024x8xi32>
    %mul3A = arith.constant 1024 : i32
    %mul3A_60 = arith.muli %arg0, %mul3A : i32
    %add3A_61 = vector.broadcast %mul3A_60 : i32 to vector<1024x8xi32>
    %add3A_62 = arith.addi %iota3A, %add3A_61 : vector<1024x8xi32>
    %lt3A = arith.constant 50000 : i32
    %lt3A_63 = vector.broadcast %lt3A : i32 to vector<1024x8xi32>
    %lt3A_64 = arith.cmpi slt, %add3A_62, %lt3A_63 : vector<1024x8xi32>
    %get3A_65 = arith.constant 0 : index
    %get3A_66 = arith.constant 0 : index
    %get3A_67 = vector.load %arg5[%get3A_65, %get3A_66] : memref<8x8xf32, #tpu.memory_space<vmem>>, vector<8x8xf32>
    %dot_general3A = arith.constant dense<0.000000e+00> : vector<1024x8xf32>
    %dot_general3A_68 = tpu.matmul %max3A_46, %get3A_67, %dot_general3A {dimension_numbers = #tpu.dot_dimension_numbers<[1], [0], [0], [1], [0, 0, 1, 1], [], []>, transpose_lhs_hint = false} : vector<1024x8xf32>, vector<8x8xf32>, vector<1024x8xf32> -> vector<1024x8xf32>
    %get3A_69 = arith.constant 0 : index
    %get3A_70 = arith.constant 0 : index
    %get3A_71 = vector.load %arg6[%get3A_69, %get3A_70] : memref<1x8xf32, #tpu.memory_space<vmem>>, vector<1x8xf32>
    %add3A_72 = vector.broadcast %get3A_71 : vector<1x8xf32> to vector<1024x8xf32>
    %add3A_73 = arith.addf %dot_general3A_68, %add3A_72 : vector<1024x8xf32>
    %tanh3A = math.tanh %add3A_73 : vector<1024x8xf32>
    %get3A_74 = arith.constant 0 : index
    %get3A_75 = arith.constant 0 : index
    %get3A_76 = vector.load %arg5[%get3A_74, %get3A_75] : memref<8x8xf32, #tpu.memory_space<vmem>>, vector<8x8xf32>
    %dot_general3A_77 = arith.constant dense<0.000000e+00> : vector<1024x8xf32>
    %dot_general3A_78 = tpu.matmul %max3A_54, %get3A_76, %dot_general3A_77 {dimension_numbers = #tpu.dot_dimension_numbers<[1], [0], [0], [1], [0, 0, 1, 1], [], []>, transpose_lhs_hint = false} : vector<1024x8xf32>, vector<8x8xf32>, vector<1024x8xf32> -> vector<1024x8xf32>
    %get3A_79 = arith.constant 0 : index
    %get3A_80 = arith.constant 0 : index
    %get3A_81 = vector.load %arg6[%get3A_79, %get3A_80] : memref<1x8xf32, #tpu.memory_space<vmem>>, vector<1x8xf32>
    %add3A_82 = vector.broadcast %get3A_81 : vector<1x8xf32> to vector<1024x8xf32>
    %add3A_83 = arith.addf %dot_general3A_78, %add3A_82 : vector<1024x8xf32>
    %tanh3A_84 = math.tanh %add3A_83 : vector<1024x8xf32>
    %jit3A = arith.constant 0.000000e+00 : f32
    %broadcast_in_dim3A_85 = vector.broadcast %jit3A : f32 to vector<1024x8xf32>
    %select_n3A = arith.select %lt3A_64, %tanh3A, %broadcast_in_dim3A_85 : vector<1024x8xi1>, vector<1024x8xf32>
    %jit3A_86 = arith.constant 0.000000e+00 : f32
    %broadcast_in_dim3A_87 = vector.broadcast %jit3A_86 : f32 to vector<1024x8xf32>
    %select_n3A_88 = arith.select %lt3A_64, %tanh3A_84, %broadcast_in_dim3A_87 : vector<1024x8xi1>, vector<1024x8xf32>
    %reduce_sum3A = arith.constant dense<0.000000e+00> : vector<8xf32>
    %reduce_sum3A_89 = vector.multi_reduction <add>, %select_n3A, %reduce_sum3A [0] : vector<1024x8xf32> to vector<8xf32>
    %reduce_sum3A_90 = arith.constant dense<0.000000e+00> : vector<8xf32>
    %reduce_sum3A_91 = vector.multi_reduction <add>, %select_n3A_88, %reduce_sum3A_90 [0] : vector<1024x8xf32> to vector<8xf32>
    %stack3A = vector.shape_cast %reduce_sum3A_89 : vector<8xf32> to vector<1x8xf32>
    %stack3A_92 = vector.shape_cast %reduce_sum3A_91 : vector<8xf32> to vector<1x8xf32>
    %stack3A_93 = tpu.concatenate %stack3A, %stack3A_92 in 0 : vector<1x8xf32>, vector<1x8xf32> -> vector<2x8xf32>
    %get3A_94 = arith.constant 0 : index
    %get3A_95 = arith.constant 0 : index
    %get3A_96 = vector.load %arg9[%get3A_94, %get3A_95] : memref<2x8xf32, #tpu.memory_space<vmem>>, vector<2x8xf32>
    %add3A_97 = arith.addf %get3A_96, %stack3A_93 : vector<2x8xf32>
    %swap3A_98 = arith.constant 0 : index
    %swap3A_99 = arith.constant 0 : index
    %swap3A_100 = vector.load %arg9[%swap3A_98, %swap3A_99] : memref<2x8xf32, #tpu.memory_space<vmem>>, vector<2x8xf32>
    tpu.vector_store %arg9[%swap3A_98, %swap3A_99], %add3A_97 {strides = array<i32>} : memref<2x8xf32, #tpu.memory_space<vmem>>, vector<2x8xf32>,
    return
  }
  func.func @transform_0(%arg0: i32) -> (i32, i32, i32) {
    %c0_i32 = arith.constant 0 : i32
    %c0_i32_0 = arith.constant 0 : i32
    %c0_i32_1 = arith.constant 0 : i32
    return %c0_i32, %arg0, %c0_i32_0 : i32, i32, i32
  }
  func.func @transform_1(%arg0: i32) -> (i32, i32) {
    %c0_i32 = arith.constant 0 : i32
    %c0_i32_0 = arith.constant 0 : i32
    return %c0_i32, %arg0 : i32, i32
  }
  func.func @transform_2(%arg0: i32) -> (i32, i32, i32) {
    %c0_i32 = arith.constant 0 : i32
    %c0_i32_0 = arith.constant 0 : i32
    %c0_i32_1 = arith.constant 0 : i32
    return %c0_i32, %arg0, %c0_i32_0 : i32, i32, i32
  }
  func.func @transform_3(%arg0: i32) -> (i32, i32) {
    %c0_i32 = arith.constant 0 : i32
    %c0_i32_0 = arith.constant 0 : i32
    return %c0_i32, %arg0 : i32, i32
  }
  func.func @transform_4(%arg0: i32) -> (i32, i32) {
    %c0_i32 = arith.constant 0 : i32
    %c0_i32_0 = arith.constant 0 : i32
    %c0_i32_1 = arith.constant 0 : i32
    return %c0_i32, %c0_i32_0 : i32, i32
  }
  func.func @transform_5(%arg0: i32) -> (i32, i32) {
    %c0_i32 = arith.constant 0 : i32
    %c0_i32_0 = arith.constant 0 : i32
    %c0_i32_1 = arith.constant 0 : i32
    return %c0_i32, %c0_i32_0 : i32, i32
  }
  func.func @transform_6(%arg0: i32) -> (i32, i32) {
    %c0_i32 = arith.constant 0 : i32
    %c0_i32_0 = arith.constant 0 : i32
    return %arg0, %c0_i32 : i32, i32
  }
  func.func @transform_7(%arg0: i32) -> (i32, i32) {
    %c0_i32 = arith.constant 0 : i32
    %c0_i32_0 = arith.constant 0 : i32
    return %arg0, %c0_i32 : i32, i32
  }
  func.func @transform_8(%arg0: i32) -> (i32, i32) {
    %c0_i32 = arith.constant 0 : i32
    %c0_i32_0 = arith.constant 0 : i32
    %c0_i32_1 = arith.constant 0 : i32
    return %c0_i32, %c0_i32_0 : i32, i32
  }
}

module attributes {stable_mosaic.version = 14 : i64} {
  func.func @body(%arg0: i32, %arg1: memref<1024x8xf32, #tpu.memory_space<vmem>>, %arg2: memref<1024x8xf32, #tpu.memory_space<vmem>>, %arg3: memref<2x8xf32, #tpu.memory_space<vmem>>, %arg4: memref<1x8xf32, #tpu.memory_space<vmem>>, %arg5: memref<1x8xf32, #tpu.memory_space<vmem>>, %arg6: memref<1x1xf32, #tpu.memory_space<vmem>>, %arg7: memref<1024x1xf32, #tpu.memory_space<vmem>>) attributes {dimension_semantics = [#tpu.dimension_semantics<arbitrary>], iteration_bounds = array<i64: 52>, scalar_prefetch = 0 : i64, scratch_operands = 0 : i64, tpu.core_type = #tpu.core_type<tc>, window_params = [{transform_indices = @transform_0, window_bounds = array<i64: 1024, 8>}, {transform_indices = @transform_1, window_bounds = array<i64: 1024, 8>}, {pipeline_mode = #tpu.pipeline_mode<synchronous>, transform_indices = @transform_2, window_bounds = array<i64: 2, 8>}, {pipeline_mode = #tpu.pipeline_mode<synchronous>, transform_indices = @transform_3, window_bounds = array<i64: 1, 8>}, {pipeline_mode = #tpu.pipeline_mode<synchronous>, transform_indices = @transform_4, window_bounds = array<i64: 1, 8>}, {pipeline_mode = #tpu.pipeline_mode<synchronous>, transform_indices = @transform_5, window_bounds = array<i64: 1, 1>}, {transform_indices = @transform_6, window_bounds = array<i64: 1024, 1>}]} {
    %get3A = arith.constant 0 : index
    %get3A_0 = arith.constant 0 : index
    %get3A_1 = vector.load %arg4[%get3A, %get3A_0] : memref<1x8xf32, #tpu.memory_space<vmem>>, vector<1x8xf32>
    %get3A_2 = vector.shape_cast %get3A_1 : vector<1x8xf32> to vector<8xf32>
    %get3A_3 = arith.constant 0 : index
    %get3A_4 = arith.constant 0 : index
    %get3A_5 = vector.load %arg3[%get3A_3, %get3A_4] : memref<2x8xf32, #tpu.memory_space<vmem>>, vector<1x8xf32>
    %get3A_6 = vector.shape_cast %get3A_5 : vector<1x8xf32> to vector<8xf32>
    %mul3A = arith.mulf %get3A_2, %get3A_6 : vector<8xf32>
    %reduce_sum3A = vector.shape_cast %mul3A : vector<8xf32> to vector<1x8xf32>
    %reduce_sum3A_7 = arith.constant dense<0.000000e+00> : vector<1xf32>
    %reduce_sum3A_8 = vector.multi_reduction <add>, %reduce_sum3A, %reduce_sum3A_7 [1] : vector<1x8xf32> to vector<1xf32>
    %reduce_sum3A_9 = vector.shape_cast %reduce_sum3A_8 : vector<1xf32> to vector<1x1xf32>
    %reduce_sum3A_10 = vector.extract %reduce_sum3A_9[0, 0] : f32 from vector<1x1xf32>
    %mul3A_11 = arith.constant 2.000000e-05 : f32
    %mul3A_12 = arith.mulf %reduce_sum3A_10, %mul3A_11 : f32
    %get3A_13 = arith.constant 0 : index
    %get3A_14 = arith.constant 0 : index
    %get3A_15 = vector.load %arg4[%get3A_13, %get3A_14] : memref<1x8xf32, #tpu.memory_space<vmem>>, vector<1x8xf32>
    %get3A_16 = vector.shape_cast %get3A_15 : vector<1x8xf32> to vector<8xf32>
    %get3A_17 = arith.constant 1 : index
    %get3A_18 = arith.constant 0 : index
    %get3A_19 = vector.load %arg3[%get3A_17, %get3A_18] : memref<2x8xf32, #tpu.memory_space<vmem>>, vector<1x8xf32>
    %get3A_20 = vector.shape_cast %get3A_19 : vector<1x8xf32> to vector<8xf32>
    %mul3A_21 = arith.mulf %get3A_16, %get3A_20 : vector<8xf32>
    %reduce_sum3A_22 = vector.shape_cast %mul3A_21 : vector<8xf32> to vector<1x8xf32>
    %reduce_sum3A_23 = arith.constant dense<0.000000e+00> : vector<1xf32>
    %reduce_sum3A_24 = vector.multi_reduction <add>, %reduce_sum3A_22, %reduce_sum3A_23 [1] : vector<1x8xf32> to vector<1xf32>
    %reduce_sum3A_25 = vector.shape_cast %reduce_sum3A_24 : vector<1xf32> to vector<1x1xf32>
    %reduce_sum3A_26 = vector.extract %reduce_sum3A_25[0, 0] : f32 from vector<1x1xf32>
    %mul3A_27 = arith.constant 2.000000e-05 : f32
    %mul3A_28 = arith.mulf %reduce_sum3A_26, %mul3A_27 : f32
    %max3A = arith.maximumf %mul3A_12, %mul3A_28 : f32
    %sub3A = arith.subf %mul3A_12, %max3A : f32
    %exp3A = math.exp %sub3A : f32
    %sub3A_29 = arith.subf %mul3A_28, %max3A : f32
    %exp3A_30 = math.exp %sub3A_29 : f32
    %add3A = arith.addf %exp3A, %exp3A_30 : f32
    %div3A = arith.divf %exp3A, %add3A : f32
    %add3A_31 = arith.addf %exp3A, %exp3A_30 : f32
    %div3A_32 = arith.divf %exp3A_30, %add3A_31 : f32
    %get3A_33 = arith.constant 0 : index
    %get3A_34 = arith.constant 0 : index
    %get3A_35 = vector.load %arg1[%get3A_33, %get3A_34] : memref<1024x8xf32, #tpu.memory_space<vmem>>, vector<1024x8xf32>
    %mul3A_36 = vector.broadcast %div3A : f32 to vector<1024x8xf32>
    %mul3A_37 = arith.mulf %mul3A_36, %get3A_35 : vector<1024x8xf32>
    %get3A_38 = arith.constant 0 : index
    %get3A_39 = arith.constant 0 : index
    %get3A_40 = vector.load %arg2[%get3A_38, %get3A_39] : memref<1024x8xf32, #tpu.memory_space<vmem>>, vector<1024x8xf32>
    %mul3A_41 = vector.broadcast %div3A_32 : f32 to vector<1024x8xf32>
    %mul3A_42 = arith.mulf %mul3A_41, %get3A_40 : vector<1024x8xf32>
    %add3A_43 = arith.addf %mul3A_37, %mul3A_42 : vector<1024x8xf32>
    %get3A_44 = arith.constant 0 : index
    %get3A_45 = arith.constant 0 : index
    %get3A_46 = vector.load %arg5[%get3A_44, %get3A_45] : memref<1x8xf32, #tpu.memory_space<vmem>>, vector<1x8xf32>
    %mul3A_47 = vector.broadcast %get3A_46 : vector<1x8xf32> to vector<1024x8xf32>
    %mul3A_48 = arith.mulf %add3A_43, %mul3A_47 : vector<1024x8xf32>
    %reduce_sum3A_49 = arith.constant dense<0.000000e+00> : vector<1024xf32>
    %reduce_sum3A_50 = vector.multi_reduction <add>, %mul3A_48, %reduce_sum3A_49 [1] : vector<1024x8xf32> to vector<1024xf32>
    %broadcast_in_dim3A = vector.shape_cast %reduce_sum3A_50 : vector<1024xf32> to vector<1024x1xf32>
    %get3A_51 = arith.constant 0 : index
    %get3A_52 = arith.constant 0 : index
    %get3A_53 = vector.load %arg6[%get3A_51, %get3A_52] : memref<1x1xf32, #tpu.memory_space<vmem>>, vector<1x1xf32>
    %get3A_54 = vector.extract %get3A_53[0, 0] : f32 from vector<1x1xf32>
    %add3A_55 = vector.broadcast %get3A_54 : f32 to vector<1024x1xf32>
    %add3A_56 = arith.addf %broadcast_in_dim3A, %add3A_55 : vector<1024x1xf32>
    %logistic3A = arith.negf %add3A_56 : vector<1024x1xf32>
    %logistic3A_57 = math.exp %logistic3A : vector<1024x1xf32>
    %logistic3A_58 = arith.constant 1.000000e+00 : f32
    %logistic3A_59 = vector.broadcast %logistic3A_58 : f32 to vector<1024x1xf32>
    %logistic3A_60 = arith.addf %logistic3A_59, %logistic3A_57 : vector<1024x1xf32>
    %logistic3A_61 = arith.divf %logistic3A_59, %logistic3A_60 : vector<1024x1xf32>
    %swap3A = arith.constant 0 : index
    %swap3A_62 = arith.constant 0 : index
    %swap3A_63 = vector.load %arg7[%swap3A, %swap3A_62] : memref<1024x1xf32, #tpu.memory_space<vmem>>, vector<1024x1xf32>
    tpu.vector_store %arg7[%swap3A, %swap3A_62], %logistic3A_61 {strides = array<i32>} : memref<1024x1xf32, #tpu.memory_space<vmem>>, vector<1024x1xf32>,
    return
  }
  func.func @transform_0(%arg0: i32) -> (i32, i32) {
    %c0_i32 = arith.constant 0 : i32
    %c0_i32_0 = arith.constant 0 : i32
    return %arg0, %c0_i32 : i32, i32
  }
  func.func @transform_1(%arg0: i32) -> (i32, i32) {
    %c0_i32 = arith.constant 0 : i32
    %c0_i32_0 = arith.constant 0 : i32
    return %arg0, %c0_i32 : i32, i32
  }
  func.func @transform_2(%arg0: i32) -> (i32, i32) {
    %c0_i32 = arith.constant 0 : i32
    %c0_i32_0 = arith.constant 0 : i32
    %c0_i32_1 = arith.constant 0 : i32
    return %c0_i32, %c0_i32_0 : i32, i32
  }
  func.func @transform_3(%arg0: i32) -> (i32, i32) {
    %c0_i32 = arith.constant 0 : i32
    %c0_i32_0 = arith.constant 0 : i32
    %c0_i32_1 = arith.constant 0 : i32
    return %c0_i32, %c0_i32_0 : i32, i32
  }
  func.func @transform_4(%arg0: i32) -> (i32, i32) {
    %c0_i32 = arith.constant 0 : i32
    %c0_i32_0 = arith.constant 0 : i32
    %c0_i32_1 = arith.constant 0 : i32
    return %c0_i32, %c0_i32_0 : i32, i32
  }
  func.func @transform_5(%arg0: i32) -> (i32, i32) {
    %c0_i32 = arith.constant 0 : i32
    %c0_i32_0 = arith.constant 0 : i32
    %c0_i32_1 = arith.constant 0 : i32
    return %c0_i32, %c0_i32_0 : i32, i32
  }
  func.func @transform_6(%arg0: i32) -> (i32, i32) {
    %c0_i32 = arith.constant 0 : i32
    %c0_i32_0 = arith.constant 0 : i32
    return %arg0, %c0_i32 : i32, i32
  }
}

module attributes {stable_mosaic.version = 14 : i64} {
  func.func @body(%arg0: i32, %arg1: memref<2x1024x8xf32, #tpu.memory_space<vmem>>, %arg2: memref<2x1024xf32, #tpu.memory_space<vmem>>, %arg3: memref<2x1024x8xf32, #tpu.memory_space<vmem>>, %arg4: memref<2x1024xf32, #tpu.memory_space<vmem>>, %arg5: memref<8x8xf32, #tpu.memory_space<vmem>>, %arg6: memref<1x8xf32, #tpu.memory_space<vmem>>, %arg7: memref<1024x8xf32, #tpu.memory_space<vmem>>, %arg8: memref<1024x8xf32, #tpu.memory_space<vmem>>, %arg9: memref<2x8xf32, #tpu.memory_space<vmem>>) attributes {dimension_semantics = [#tpu.dimension_semantics<arbitrary>], iteration_bounds = array<i64: 100>, scalar_prefetch = 0 : i64, scratch_operands = 0 : i64, tpu.core_type = #tpu.core_type<tc>, window_params = [{transform_indices = @transform_0, window_bounds = array<i64: 2, 1024, 8>}, {transform_indices = @transform_1, window_bounds = array<i64: 2, 1024>}, {transform_indices = @transform_2, window_bounds = array<i64: 2, 1024, 8>}, {transform_indices = @transform_3, window_bounds = array<i64: 2, 1024>}, {pipeline_mode = #tpu.pipeline_mode<synchronous>, transform_indices = @transform_4, window_bounds = array<i64: 8, 8>}, {pipeline_mode = #tpu.pipeline_mode<synchronous>, transform_indices = @transform_5, window_bounds = array<i64: 1, 8>}, {transform_indices = @transform_6, window_bounds = array<i64: 1024, 8>}, {transform_indices = @transform_7, window_bounds = array<i64: 1024, 8>}, {pipeline_mode = #tpu.pipeline_mode<synchronous>, transform_indices = @transform_8, window_bounds = array<i64: 2, 8>}]} {
    %eq3A = arith.constant 0 : i32
    %eq3A_0 = arith.cmpi eq, %arg0, %eq3A : i32
    %convert_element_type3A = arith.extui %eq3A_0 : i1 to i32
    %cond3A = arith.constant 0 : i32
    %cond3A_1 = arith.cmpi ne, %convert_element_type3A, %cond3A : i32
    scf.if %cond3A_1 {
      %broadcast_in_dim3A_101 = arith.constant 0.000000e+00 : f32
      %broadcast_in_dim3A_102 = vector.broadcast %broadcast_in_dim3A_101 : f32 to vector<2x8xf32>
      %swap3A_103 = arith.constant 0 : index
      %swap3A_104 = arith.constant 0 : index
      %swap3A_105 = vector.load %arg9[%swap3A_103, %swap3A_104] : memref<2x8xf32, #tpu.memory_space<vmem>>, vector<2x8xf32>
      tpu.vector_store %arg9[%swap3A_103, %swap3A_104], %broadcast_in_dim3A_102 {strides = array<i32>} : memref<2x8xf32, #tpu.memory_space<vmem>>, vector<2x8xf32>,
    } else {
    }
    %get3A = arith.constant 0 : index
    %get3A_2 = arith.constant 0 : index
    %get3A_3 = arith.constant 0 : index
    %get3A_4 = vector.load %arg1[%get3A, %get3A_2, %get3A_3] : memref<2x1024x8xf32, #tpu.memory_space<vmem>>, vector<1x1024x8xf32>
    %get3A_5 = vector.shape_cast %get3A_4 : vector<1x1024x8xf32> to vector<1024x8xf32>
    %get3A_6 = arith.constant 1 : index
    %get3A_7 = arith.constant 0 : index
    %get3A_8 = arith.constant 0 : index
    %get3A_9 = vector.load %arg1[%get3A_6, %get3A_7, %get3A_8] : memref<2x1024x8xf32, #tpu.memory_space<vmem>>, vector<1x1024x8xf32>
    %get3A_10 = vector.shape_cast %get3A_9 : vector<1x1024x8xf32> to vector<1024x8xf32>
    %add3A = arith.addf %get3A_5, %get3A_10 : vector<1024x8xf32>
    %get3A_11 = arith.constant 0 : index
    %get3A_12 = arith.constant 0 : index
    %get3A_13 = arith.constant 0 : index
    %get3A_14 = vector.load %arg3[%get3A_11, %get3A_12, %get3A_13] : memref<2x1024x8xf32, #tpu.memory_space<vmem>>, vector<1x1024x8xf32>
    %get3A_15 = vector.shape_cast %get3A_14 : vector<1x1024x8xf32> to vector<1024x8xf32>
    %get3A_16 = arith.constant 1 : index
    %get3A_17 = arith.constant 0 : index
    %get3A_18 = arith.constant 0 : index
    %get3A_19 = vector.load %arg3[%get3A_16, %get3A_17, %get3A_18] : memref<2x1024x8xf32, #tpu.memory_space<vmem>>, vector<1x1024x8xf32>
    %get3A_20 = vector.shape_cast %get3A_19 : vector<1x1024x8xf32> to vector<1024x8xf32>
    %add3A_21 = arith.addf %get3A_15, %get3A_20 : vector<1024x8xf32>
    %get3A_22 = arith.constant 0 : index
    %get3A_23 = arith.constant 0 : index
    %get3A_24 = vector.load %arg2[%get3A_22, %get3A_23] : memref<2x1024xf32, #tpu.memory_space<vmem>>, vector<1x1024xf32>
    %get3A_25 = vector.shape_cast %get3A_24 : vector<1x1024xf32> to vector<1024xf32>
    %get3A_26 = arith.constant 1 : index
    %get3A_27 = arith.constant 0 : index
    %get3A_28 = vector.load %arg2[%get3A_26, %get3A_27] : memref<2x1024xf32, #tpu.memory_space<vmem>>, vector<1x1024xf32>
    %get3A_29 = vector.shape_cast %get3A_28 : vector<1x1024xf32> to vector<1024xf32>
    %add3A_30 = arith.addf %get3A_25, %get3A_29 : vector<1024xf32>
    %broadcast_in_dim3A = vector.shape_cast %add3A_30 : vector<1024xf32> to vector<1024x1xf32>
    %get3A_31 = arith.constant 0 : index
    %get3A_32 = arith.constant 0 : index
    %get3A_33 = vector.load %arg4[%get3A_31, %get3A_32] : memref<2x1024xf32, #tpu.memory_space<vmem>>, vector<1x1024xf32>
    %get3A_34 = vector.shape_cast %get3A_33 : vector<1x1024xf32> to vector<1024xf32>
    %get3A_35 = arith.constant 1 : index
    %get3A_36 = arith.constant 0 : index
    %get3A_37 = vector.load %arg4[%get3A_35, %get3A_36] : memref<2x1024xf32, #tpu.memory_space<vmem>>, vector<1x1024xf32>
    %get3A_38 = vector.shape_cast %get3A_37 : vector<1x1024xf32> to vector<1024xf32>
    %add3A_39 = arith.addf %get3A_34, %get3A_38 : vector<1024xf32>
    %broadcast_in_dim3A_40 = vector.shape_cast %add3A_39 : vector<1024xf32> to vector<1024x1xf32>
    %add3A_41 = arith.constant 1.000000e-16 : f32
    %add3A_42 = vector.broadcast %add3A_41 : f32 to vector<1024x1xf32>
    %add3A_43 = arith.addf %broadcast_in_dim3A, %add3A_42 : vector<1024x1xf32>
    %div3A = vector.broadcast %add3A_43 : vector<1024x1xf32> to vector<1024x8xf32>
    %div3A_44 = arith.divf %add3A, %div3A : vector<1024x8xf32>
    %max3A = arith.constant 0.000000e+00 : f32
    %max3A_45 = vector.broadcast %max3A : f32 to vector<1024x8xf32>
    %max3A_46 = arith.maximumf %div3A_44, %max3A_45 : vector<1024x8xf32>
    %add3A_47 = arith.constant 1.000000e-16 : f32
    %add3A_48 = vector.broadcast %add3A_47 : f32 to vector<1024x1xf32>
    %add3A_49 = arith.addf %broadcast_in_dim3A_40, %add3A_48 : vector<1024x1xf32>
    %div3A_50 = vector.broadcast %add3A_49 : vector<1024x1xf32> to vector<1024x8xf32>
    %div3A_51 = arith.divf %add3A_21, %div3A_50 : vector<1024x8xf32>
    %max3A_52 = arith.constant 0.000000e+00 : f32
    %max3A_53 = vector.broadcast %max3A_52 : f32 to vector<1024x8xf32>
    %max3A_54 = arith.maximumf %div3A_51, %max3A_53 : vector<1024x8xf32>
    %swap3A = arith.constant 0 : index
    %swap3A_55 = arith.constant 0 : index
    %swap3A_56 = vector.load %arg7[%swap3A, %swap3A_55] : memref<1024x8xf32, #tpu.memory_space<vmem>>, vector<1024x8xf32>
    tpu.vector_store %arg7[%swap3A, %swap3A_55], %max3A_46 {strides = array<i32>} : memref<1024x8xf32, #tpu.memory_space<vmem>>, vector<1024x8xf32>,
    %swap3A_57 = arith.constant 0 : index
    %swap3A_58 = arith.constant 0 : index
    %swap3A_59 = vector.load %arg8[%swap3A_57, %swap3A_58] : memref<1024x8xf32, #tpu.memory_space<vmem>>, vector<1024x8xf32>
    tpu.vector_store %arg8[%swap3A_57, %swap3A_58], %max3A_54 {strides = array<i32>} : memref<1024x8xf32, #tpu.memory_space<vmem>>, vector<1024x8xf32>,
    %iota3A = tpu.iota {dimensions = array<i32: 0>} : vector<1024x8xi32>
    %mul3A = arith.constant 1024 : i32
    %mul3A_60 = arith.muli %arg0, %mul3A : i32
    %add3A_61 = vector.broadcast %mul3A_60 : i32 to vector<1024x8xi32>
    %add3A_62 = arith.addi %iota3A, %add3A_61 : vector<1024x8xi32>
    %lt3A = arith.constant 100000 : i32
    %lt3A_63 = vector.broadcast %lt3A : i32 to vector<1024x8xi32>
    %lt3A_64 = arith.cmpi slt, %add3A_62, %lt3A_63 : vector<1024x8xi32>
    %get3A_65 = arith.constant 0 : index
    %get3A_66 = arith.constant 0 : index
    %get3A_67 = vector.load %arg5[%get3A_65, %get3A_66] : memref<8x8xf32, #tpu.memory_space<vmem>>, vector<8x8xf32>
    %dot_general3A = arith.constant dense<0.000000e+00> : vector<1024x8xf32>
    %dot_general3A_68 = tpu.matmul %max3A_46, %get3A_67, %dot_general3A {dimension_numbers = #tpu.dot_dimension_numbers<[1], [0], [0], [1], [0, 0, 1, 1], [], []>, transpose_lhs_hint = false} : vector<1024x8xf32>, vector<8x8xf32>, vector<1024x8xf32> -> vector<1024x8xf32>
    %get3A_69 = arith.constant 0 : index
    %get3A_70 = arith.constant 0 : index
    %get3A_71 = vector.load %arg6[%get3A_69, %get3A_70] : memref<1x8xf32, #tpu.memory_space<vmem>>, vector<1x8xf32>
    %add3A_72 = vector.broadcast %get3A_71 : vector<1x8xf32> to vector<1024x8xf32>
    %add3A_73 = arith.addf %dot_general3A_68, %add3A_72 : vector<1024x8xf32>
    %tanh3A = math.tanh %add3A_73 : vector<1024x8xf32>
    %get3A_74 = arith.constant 0 : index
    %get3A_75 = arith.constant 0 : index
    %get3A_76 = vector.load %arg5[%get3A_74, %get3A_75] : memref<8x8xf32, #tpu.memory_space<vmem>>, vector<8x8xf32>
    %dot_general3A_77 = arith.constant dense<0.000000e+00> : vector<1024x8xf32>
    %dot_general3A_78 = tpu.matmul %max3A_54, %get3A_76, %dot_general3A_77 {dimension_numbers = #tpu.dot_dimension_numbers<[1], [0], [0], [1], [0, 0, 1, 1], [], []>, transpose_lhs_hint = false} : vector<1024x8xf32>, vector<8x8xf32>, vector<1024x8xf32> -> vector<1024x8xf32>
    %get3A_79 = arith.constant 0 : index
    %get3A_80 = arith.constant 0 : index
    %get3A_81 = vector.load %arg6[%get3A_79, %get3A_80] : memref<1x8xf32, #tpu.memory_space<vmem>>, vector<1x8xf32>
    %add3A_82 = vector.broadcast %get3A_81 : vector<1x8xf32> to vector<1024x8xf32>
    %add3A_83 = arith.addf %dot_general3A_78, %add3A_82 : vector<1024x8xf32>
    %tanh3A_84 = math.tanh %add3A_83 : vector<1024x8xf32>
    %jit3A = arith.constant 0.000000e+00 : f32
    %broadcast_in_dim3A_85 = vector.broadcast %jit3A : f32 to vector<1024x8xf32>
    %select_n3A = arith.select %lt3A_64, %tanh3A, %broadcast_in_dim3A_85 : vector<1024x8xi1>, vector<1024x8xf32>
    %jit3A_86 = arith.constant 0.000000e+00 : f32
    %broadcast_in_dim3A_87 = vector.broadcast %jit3A_86 : f32 to vector<1024x8xf32>
    %select_n3A_88 = arith.select %lt3A_64, %tanh3A_84, %broadcast_in_dim3A_87 : vector<1024x8xi1>, vector<1024x8xf32>
    %reduce_sum3A = arith.constant dense<0.000000e+00> : vector<8xf32>
    %reduce_sum3A_89 = vector.multi_reduction <add>, %select_n3A, %reduce_sum3A [0] : vector<1024x8xf32> to vector<8xf32>
    %reduce_sum3A_90 = arith.constant dense<0.000000e+00> : vector<8xf32>
    %reduce_sum3A_91 = vector.multi_reduction <add>, %select_n3A_88, %reduce_sum3A_90 [0] : vector<1024x8xf32> to vector<8xf32>
    %stack3A = vector.shape_cast %reduce_sum3A_89 : vector<8xf32> to vector<1x8xf32>
    %stack3A_92 = vector.shape_cast %reduce_sum3A_91 : vector<8xf32> to vector<1x8xf32>
    %stack3A_93 = tpu.concatenate %stack3A, %stack3A_92 in 0 : vector<1x8xf32>, vector<1x8xf32> -> vector<2x8xf32>
    %get3A_94 = arith.constant 0 : index
    %get3A_95 = arith.constant 0 : index
    %get3A_96 = vector.load %arg9[%get3A_94, %get3A_95] : memref<2x8xf32, #tpu.memory_space<vmem>>, vector<2x8xf32>
    %add3A_97 = arith.addf %get3A_96, %stack3A_93 : vector<2x8xf32>
    %swap3A_98 = arith.constant 0 : index
    %swap3A_99 = arith.constant 0 : index
    %swap3A_100 = vector.load %arg9[%swap3A_98, %swap3A_99] : memref<2x8xf32, #tpu.memory_space<vmem>>, vector<2x8xf32>
    tpu.vector_store %arg9[%swap3A_98, %swap3A_99], %add3A_97 {strides = array<i32>} : memref<2x8xf32, #tpu.memory_space<vmem>>, vector<2x8xf32>,
    return
  }
  func.func @transform_0(%arg0: i32) -> (i32, i32, i32) {
    %c0_i32 = arith.constant 0 : i32
    %c0_i32_0 = arith.constant 0 : i32
    %c0_i32_1 = arith.constant 0 : i32
    return %c0_i32, %arg0, %c0_i32_0 : i32, i32, i32
  }
  func.func @transform_1(%arg0: i32) -> (i32, i32) {
    %c0_i32 = arith.constant 0 : i32
    %c0_i32_0 = arith.constant 0 : i32
    return %c0_i32, %arg0 : i32, i32
  }
  func.func @transform_2(%arg0: i32) -> (i32, i32, i32) {
    %c0_i32 = arith.constant 0 : i32
    %c0_i32_0 = arith.constant 0 : i32
    %c0_i32_1 = arith.constant 0 : i32
    return %c0_i32, %arg0, %c0_i32_0 : i32, i32, i32
  }
  func.func @transform_3(%arg0: i32) -> (i32, i32) {
    %c0_i32 = arith.constant 0 : i32
    %c0_i32_0 = arith.constant 0 : i32
    return %c0_i32, %arg0 : i32, i32
  }
  func.func @transform_4(%arg0: i32) -> (i32, i32) {
    %c0_i32 = arith.constant 0 : i32
    %c0_i32_0 = arith.constant 0 : i32
    %c0_i32_1 = arith.constant 0 : i32
    return %c0_i32, %c0_i32_0 : i32, i32
  }
  func.func @transform_5(%arg0: i32) -> (i32, i32) {
    %c0_i32 = arith.constant 0 : i32
    %c0_i32_0 = arith.constant 0 : i32
    %c0_i32_1 = arith.constant 0 : i32
    return %c0_i32, %c0_i32_0 : i32, i32
  }
  func.func @transform_6(%arg0: i32) -> (i32, i32) {
    %c0_i32 = arith.constant 0 : i32
    %c0_i32_0 = arith.constant 0 : i32
    return %arg0, %c0_i32 : i32, i32
  }
  func.func @transform_7(%arg0: i32) -> (i32, i32) {
    %c0_i32 = arith.constant 0 : i32
    %c0_i32_0 = arith.constant 0 : i32
    return %arg0, %c0_i32 : i32, i32
  }
  func.func @transform_8(%arg0: i32) -> (i32, i32) {
    %c0_i32 = arith.constant 0 : i32
    %c0_i32_0 = arith.constant 0 : i32
    %c0_i32_1 = arith.constant 0 : i32
    return %c0_i32, %c0_i32_0 : i32, i32
  }
}

module attributes {stable_mosaic.version = 14 : i64} {
  func.func @body(%arg0: i32, %arg1: memref<1024x8xf32, #tpu.memory_space<vmem>>, %arg2: memref<1024x8xf32, #tpu.memory_space<vmem>>, %arg3: memref<2x8xf32, #tpu.memory_space<vmem>>, %arg4: memref<1x8xf32, #tpu.memory_space<vmem>>, %arg5: memref<1x8xf32, #tpu.memory_space<vmem>>, %arg6: memref<1x1xf32, #tpu.memory_space<vmem>>, %arg7: memref<1024x1xf32, #tpu.memory_space<vmem>>) attributes {dimension_semantics = [#tpu.dimension_semantics<arbitrary>], iteration_bounds = array<i64: 100>, scalar_prefetch = 0 : i64, scratch_operands = 0 : i64, tpu.core_type = #tpu.core_type<tc>, window_params = [{transform_indices = @transform_0, window_bounds = array<i64: 1024, 8>}, {transform_indices = @transform_1, window_bounds = array<i64: 1024, 8>}, {pipeline_mode = #tpu.pipeline_mode<synchronous>, transform_indices = @transform_2, window_bounds = array<i64: 2, 8>}, {pipeline_mode = #tpu.pipeline_mode<synchronous>, transform_indices = @transform_3, window_bounds = array<i64: 1, 8>}, {pipeline_mode = #tpu.pipeline_mode<synchronous>, transform_indices = @transform_4, window_bounds = array<i64: 1, 8>}, {pipeline_mode = #tpu.pipeline_mode<synchronous>, transform_indices = @transform_5, window_bounds = array<i64: 1, 1>}, {transform_indices = @transform_6, window_bounds = array<i64: 1024, 1>}]} {
    %get3A = arith.constant 0 : index
    %get3A_0 = arith.constant 0 : index
    %get3A_1 = vector.load %arg4[%get3A, %get3A_0] : memref<1x8xf32, #tpu.memory_space<vmem>>, vector<1x8xf32>
    %get3A_2 = vector.shape_cast %get3A_1 : vector<1x8xf32> to vector<8xf32>
    %get3A_3 = arith.constant 0 : index
    %get3A_4 = arith.constant 0 : index
    %get3A_5 = vector.load %arg3[%get3A_3, %get3A_4] : memref<2x8xf32, #tpu.memory_space<vmem>>, vector<1x8xf32>
    %get3A_6 = vector.shape_cast %get3A_5 : vector<1x8xf32> to vector<8xf32>
    %mul3A = arith.mulf %get3A_2, %get3A_6 : vector<8xf32>
    %reduce_sum3A = vector.shape_cast %mul3A : vector<8xf32> to vector<1x8xf32>
    %reduce_sum3A_7 = arith.constant dense<0.000000e+00> : vector<1xf32>
    %reduce_sum3A_8 = vector.multi_reduction <add>, %reduce_sum3A, %reduce_sum3A_7 [1] : vector<1x8xf32> to vector<1xf32>
    %reduce_sum3A_9 = vector.shape_cast %reduce_sum3A_8 : vector<1xf32> to vector<1x1xf32>
    %reduce_sum3A_10 = vector.extract %reduce_sum3A_9[0, 0] : f32 from vector<1x1xf32>
    %mul3A_11 = arith.constant 9.99999974E-6 : f32
    %mul3A_12 = arith.mulf %reduce_sum3A_10, %mul3A_11 : f32
    %get3A_13 = arith.constant 0 : index
    %get3A_14 = arith.constant 0 : index
    %get3A_15 = vector.load %arg4[%get3A_13, %get3A_14] : memref<1x8xf32, #tpu.memory_space<vmem>>, vector<1x8xf32>
    %get3A_16 = vector.shape_cast %get3A_15 : vector<1x8xf32> to vector<8xf32>
    %get3A_17 = arith.constant 1 : index
    %get3A_18 = arith.constant 0 : index
    %get3A_19 = vector.load %arg3[%get3A_17, %get3A_18] : memref<2x8xf32, #tpu.memory_space<vmem>>, vector<1x8xf32>
    %get3A_20 = vector.shape_cast %get3A_19 : vector<1x8xf32> to vector<8xf32>
    %mul3A_21 = arith.mulf %get3A_16, %get3A_20 : vector<8xf32>
    %reduce_sum3A_22 = vector.shape_cast %mul3A_21 : vector<8xf32> to vector<1x8xf32>
    %reduce_sum3A_23 = arith.constant dense<0.000000e+00> : vector<1xf32>
    %reduce_sum3A_24 = vector.multi_reduction <add>, %reduce_sum3A_22, %reduce_sum3A_23 [1] : vector<1x8xf32> to vector<1xf32>
    %reduce_sum3A_25 = vector.shape_cast %reduce_sum3A_24 : vector<1xf32> to vector<1x1xf32>
    %reduce_sum3A_26 = vector.extract %reduce_sum3A_25[0, 0] : f32 from vector<1x1xf32>
    %mul3A_27 = arith.constant 9.99999974E-6 : f32
    %mul3A_28 = arith.mulf %reduce_sum3A_26, %mul3A_27 : f32
    %max3A = arith.maximumf %mul3A_12, %mul3A_28 : f32
    %sub3A = arith.subf %mul3A_12, %max3A : f32
    %exp3A = math.exp %sub3A : f32
    %sub3A_29 = arith.subf %mul3A_28, %max3A : f32
    %exp3A_30 = math.exp %sub3A_29 : f32
    %add3A = arith.addf %exp3A, %exp3A_30 : f32
    %div3A = arith.divf %exp3A, %add3A : f32
    %add3A_31 = arith.addf %exp3A, %exp3A_30 : f32
    %div3A_32 = arith.divf %exp3A_30, %add3A_31 : f32
    %get3A_33 = arith.constant 0 : index
    %get3A_34 = arith.constant 0 : index
    %get3A_35 = vector.load %arg1[%get3A_33, %get3A_34] : memref<1024x8xf32, #tpu.memory_space<vmem>>, vector<1024x8xf32>
    %mul3A_36 = vector.broadcast %div3A : f32 to vector<1024x8xf32>
    %mul3A_37 = arith.mulf %mul3A_36, %get3A_35 : vector<1024x8xf32>
    %get3A_38 = arith.constant 0 : index
    %get3A_39 = arith.constant 0 : index
    %get3A_40 = vector.load %arg2[%get3A_38, %get3A_39] : memref<1024x8xf32, #tpu.memory_space<vmem>>, vector<1024x8xf32>
    %mul3A_41 = vector.broadcast %div3A_32 : f32 to vector<1024x8xf32>
    %mul3A_42 = arith.mulf %mul3A_41, %get3A_40 : vector<1024x8xf32>
    %add3A_43 = arith.addf %mul3A_37, %mul3A_42 : vector<1024x8xf32>
    %get3A_44 = arith.constant 0 : index
    %get3A_45 = arith.constant 0 : index
    %get3A_46 = vector.load %arg5[%get3A_44, %get3A_45] : memref<1x8xf32, #tpu.memory_space<vmem>>, vector<1x8xf32>
    %mul3A_47 = vector.broadcast %get3A_46 : vector<1x8xf32> to vector<1024x8xf32>
    %mul3A_48 = arith.mulf %add3A_43, %mul3A_47 : vector<1024x8xf32>
    %reduce_sum3A_49 = arith.constant dense<0.000000e+00> : vector<1024xf32>
    %reduce_sum3A_50 = vector.multi_reduction <add>, %mul3A_48, %reduce_sum3A_49 [1] : vector<1024x8xf32> to vector<1024xf32>
    %broadcast_in_dim3A = vector.shape_cast %reduce_sum3A_50 : vector<1024xf32> to vector<1024x1xf32>
    %get3A_51 = arith.constant 0 : index
    %get3A_52 = arith.constant 0 : index
    %get3A_53 = vector.load %arg6[%get3A_51, %get3A_52] : memref<1x1xf32, #tpu.memory_space<vmem>>, vector<1x1xf32>
    %get3A_54 = vector.extract %get3A_53[0, 0] : f32 from vector<1x1xf32>
    %add3A_55 = vector.broadcast %get3A_54 : f32 to vector<1024x1xf32>
    %add3A_56 = arith.addf %broadcast_in_dim3A, %add3A_55 : vector<1024x1xf32>
    %logistic3A = arith.negf %add3A_56 : vector<1024x1xf32>
    %logistic3A_57 = math.exp %logistic3A : vector<1024x1xf32>
    %logistic3A_58 = arith.constant 1.000000e+00 : f32
    %logistic3A_59 = vector.broadcast %logistic3A_58 : f32 to vector<1024x1xf32>
    %logistic3A_60 = arith.addf %logistic3A_59, %logistic3A_57 : vector<1024x1xf32>
    %logistic3A_61 = arith.divf %logistic3A_59, %logistic3A_60 : vector<1024x1xf32>
    %swap3A = arith.constant 0 : index
    %swap3A_62 = arith.constant 0 : index
    %swap3A_63 = vector.load %arg7[%swap3A, %swap3A_62] : memref<1024x1xf32, #tpu.memory_space<vmem>>, vector<1024x1xf32>
    tpu.vector_store %arg7[%swap3A, %swap3A_62], %logistic3A_61 {strides = array<i32>} : memref<1024x1xf32, #tpu.memory_space<vmem>>, vector<1024x1xf32>,
    return
  }
  func.func @transform_0(%arg0: i32) -> (i32, i32) {
    %c0_i32 = arith.constant 0 : i32
    %c0_i32_0 = arith.constant 0 : i32
    return %arg0, %c0_i32 : i32, i32
  }
  func.func @transform_1(%arg0: i32) -> (i32, i32) {
    %c0_i32 = arith.constant 0 : i32
    %c0_i32_0 = arith.constant 0 : i32
    return %arg0, %c0_i32 : i32, i32
  }
  func.func @transform_2(%arg0: i32) -> (i32, i32) {
    %c0_i32 = arith.constant 0 : i32
    %c0_i32_0 = arith.constant 0 : i32
    %c0_i32_1 = arith.constant 0 : i32
    return %c0_i32, %c0_i32_0 : i32, i32
  }
  func.func @transform_3(%arg0: i32) -> (i32, i32) {
    %c0_i32 = arith.constant 0 : i32
    %c0_i32_0 = arith.constant 0 : i32
    %c0_i32_1 = arith.constant 0 : i32
    return %c0_i32, %c0_i32_0 : i32, i32
  }
  func.func @transform_4(%arg0: i32) -> (i32, i32) {
    %c0_i32 = arith.constant 0 : i32
    %c0_i32_0 = arith.constant 0 : i32
    %c0_i32_1 = arith.constant 0 : i32
    return %c0_i32, %c0_i32_0 : i32, i32
  }
  func.func @transform_5(%arg0: i32) -> (i32, i32) {
    %c0_i32 = arith.constant 0 : i32
    %c0_i32_0 = arith.constant 0 : i32
    %c0_i32_1 = arith.constant 0 : i32
    return %c0_i32, %c0_i32_0 : i32, i32
  }
  func.func @transform_6(%arg0: i32) -> (i32, i32) {
    %c0_i32 = arith.constant 0 : i32
    %c0_i32_0 = arith.constant 0 : i32
    return %arg0, %c0_i32 : i32, i32
  }
}

</mosaic_0001>

<sc_bundles>
// kernel: kernel.13.cloned.1.call-start
scs
__scs_entry_jumppad:
0x0: {  	(pc) =	sbr.rel $0x88, $3  }
0x1: {  	(tag) =	ssettag $0x0;
	lr =	simm.s32 $0x1  }
0x2: {  	[smem:$0x3F85] =	sst lr;
	_ =	strace $0xD0000000  }
0x3: {  	_ = 	snop  }
0x4: {  	_ = 	snop  }
0x5: {  	_ = 	snop  }
0x6: {  	_ = 	snop  }
0x7: {  	_ = 	snop  }
__scs_overlays_trampoline_lowered:
0x8: {  	[smem:$0x3F94] =	sst s0  }
0x9: {  	[smem:$0x3F95] =	sst s1  }
0xa: {  	[smem:$0x3F96] =	sst s2  }
0xb: {  	[smem:$0x3F97] =	sst s3  }
0xc: {  	[smem:$0x3F98] =	sst s4  }
0xd: {  	[smem:$0x3F99] =	sst s5  }
0xe: {  	[smem:$0x3F9A] =	sst s6  }
0xf: {  	[smem:$0x3F9B] =	sst s7  }
0x10: {  	[smem:$0x3F9C] =	sst s8  }
0x11: {  	[smem:$0x3F9D] =	sst s9;
	s0 =	simm.s32 @!p0 $0x0  }
0x12: {  	s1 =	sld [smem:$0x3F83];
	s0 =	simm.s32 @p0 $0x1  }
0x13: {  	[smem:$0x3F9E] =	sst s0;
	s0 =	simm.s32 @!p1 $0x0  }
0x14: {  	s2 =	sld [smem:$0x3F82];
	s0 =	simm.s32 @p1 $0x1  }
0x15: {  	[smem:$0x3F9F] =	sst s0;
	s0 =	simm.s32 @!p2 $0x0  }
0x16: {  	s3 =	sld [smem:$0x3FDB];
	s0 =	simm.s32 @p2 $0x1  }
0x17: {  	s4 =	simm.s32 $0x1BF5;
	[smem:$0x3FA1] =	sst s0  }
0x18: {  	s0 =	sld [smem:$0x3F84];
	_ =	swait.ge [sflag:s4], $0x0  }
0x19: {  	s7 =	sld [smem:$0x3F85]  }
0x1a: {  	s8 =	sadd.s32 $0xFFFFE003, lr  }
0x1b: {  	s9 =	sadd.s32 $0xFFFFFEF7, lr;
	s5 =	simm.s32 $0xFFFFFFFF;
	p2 =	slt.u32 s8, $0xFFFFF086  }
0x1c: {  	p1 =	slt.u32 s9, $0xF7A;
	s5 =	simm.s32 @!p2 $0x0  }
0x1d: {  	s5 =	simm.s32 @p1 $0x1;
	p0 =	seq.s32 s7, s2  }
0x1e: {  	s7 =	smul.u32 @!p0 $0xF7A, s2;
	p2 =	seq.s32 @!p0 s5, $0x0  }
0x1f: {  	s9 =	smul.u32 $0xF7A, s1;
	s8 =	simm.s32 @!p0 $0x1BF5;
	p2 =	por !p2, p0  }
0x20: {  	[sflag:s8] =	ssyncset.s32 @!p0 $0xFFFFF086;
	s6 =	sadd.s32 @!p0 s3, s7;
	s7 =	simm.s32 @!p0 $0x108  }
0x21: {  	s3 =	sadd.s32 s3, s9;
	s6 =	sadd.s32 @!p0 $0x88, s6;
	s7 =	simm.s32 @p2 $0x1082  }
0x22: {  	[simem:s7], [sflag:s8] =	dma.local @!p0 [hbm:s6], $0xF7A  }
0x23: {  	s9 =	sor.u32 $0xD0000000, s2;
	s6 =	simm.s32 $0x108;
	_ =	swait.ge @!p0 [sflag:s8], $0x0  }
0x24: {  	s3 =	sadd.s32 $0x88, s3;
	s6 =	simm.s32 @!p1 $0x1082;
	[sflag:s4] =	ssyncset.s32 $0xFFFFF086  }
0x25: {  	[simem:s6], [sflag:s4] =	dma.local [hbm:s3], $0xF7A  }
0x26: {  	[smem:$0x3F85] =	sst s1;
	(tag) =	ssettag s2;
	_ =	strace s9  }
0x27: {  	s1 =	sld [smem:$0x3F95]  }
0x28: {  	s2 =	sld [smem:$0x3F96]  }
0x29: {  	s4 =	sld [smem:$0x3F98]  }
0x2a: {  	p0 =	seq.s32 s5, $0x0;
	s5 =	sld [smem:$0x3F99]  }
0x2b: {  	s6 =	sld [smem:$0x3F9A]  }
0x2c: {  	s7 =	sld [smem:$0x3F9B]  }
0x2d: {  	s3 =	simm.s32 $0x108;
	s8 =	sld [smem:$0x3F9C]  }
0x2e: {  	s3 =	simm.s32 @!p0 $0x1082;
	s9 =	sld [smem:$0x3F9D]  }
0x2f: {  	lr =	sadd.s32 s0, s3;
	s0 =	sld [smem:$0x3F94]  }
0x30: {  	s3 =	sld [smem:$0x3F97]  }
0x31: {  	[smem:$0x3FA0] =	sst s10  }
0x32: {  	s10 =	sld [smem:$0x3F9E];
	_ =	sdelay $0x3  }
0x33: {  	p0 =	seq.s32 s10, $0x1;
	s10 =	sld [smem:$0x3FA0];
	_ =	sdelay $0x3  }
0x34: {  	[smem:$0x3FA0] =	sst s10  }
0x35: {  	s10 =	sld [smem:$0x3F9F];
	_ =	sdelay $0x3  }
0x36: {  	p1 =	seq.s32 s10, $0x1;
	s10 =	sld [smem:$0x3FA0];
	_ =	sdelay $0x3  }
0x37: {  	[smem:$0x3FA0] =	sst s10  }
0x38: {  	s10 =	sld [smem:$0x3FA1]  }
0x39: {  	_ = 	snop;
	(pc) =	sbr.ind lr, $3  }
0x3a: {  	_ = 	snop  }
0x3b: {  	_ = 	snop  }
0x3c: {  	p2 =	seq.s32 s10, $0x1;
	s10 =	sld [smem:$0x3FA0]  }
0x3d: {  	_ =	shalt  }
0x3e: {  	_ =	shalt  }
0x3f: {  	_ =	shalt  }
0x40: {  	_ =	shalt  }
0x41: {  	_ =	shalt  }
0x42: {  	_ =	shalt  }
0x43: {  	_ =	shalt  }
0x44: {  	_ =	shalt  }
0x45: {  	_ =	shalt  }
0x46: {  	_ =	shalt  }
0x47: {  	_ =	shalt  }
0x48: {  	_ =	shalt  }
0x49: {  	_ =	shalt  }
0x4a: {  	_ =	shalt  }
0x4b: {  	_ =	shalt  }
0x4c: {  	_ =	shalt  }
0x4d: {  	_ =	shalt  }
0x4e: {  	_ =	shalt  }
0x4f: {  	_ =	shalt  }
0x50: {  	_ =	shalt  }
0x51: {  	_ =	shalt  }
0x52: {  	_ =	shalt  }
0x53: {  	_ =	shalt  }
0x54: {  	_ =	shalt  }
0x55: {  	_ =	shalt  }
0x56: {  	_ =	shalt  }
0x57: {  	_ =	shalt  }
0x58: {  	_ =	shalt  }
0x59: {  	_ =	shalt  }
0x5a: {  	_ =	shalt  }
0x5b: {  	_ =	shalt  }
0x5c: {  	_ =	shalt  }
0x5d: {  	_ =	shalt  }
0x5e: {  	_ =	shalt  }
0x5f: {  	_ =	shalt  }
0x60: {  	_ =	shalt  }
0x61: {  	_ =	shalt  }
0x62: {  	_ =	shalt  }
0x63: {  	_ =	shalt  }
0x64: {  	_ =	shalt  }
0x65: {  	_ =	shalt  }
0x66: {  	_ =	shalt  }
0x67: {  	_ =	shalt  }
0x68: {  	_ =	shalt  }
0x69: {  	_ =	shalt  }
0x6a: {  	_ =	shalt  }
0x6b: {  	_ =	shalt  }
0x6c: {  	_ =	shalt  }
0x6d: {  	_ =	shalt  }
0x6e: {  	_ =	shalt  }
0x6f: {  	_ =	shalt  }
0x70: {  	_ =	shalt  }
0x71: {  	_ =	shalt  }
0x72: {  	_ =	shalt  }
0x73: {  	_ =	shalt  }
0x74: {  	_ =	shalt  }
0x75: {  	_ =	shalt  }
0x76: {  	_ =	shalt  }
0x77: {  	_ =	shalt  }
0x78: {  	_ =	shalt  }
0x79: {  	_ =	shalt  }
0x7a: {  	_ =	shalt  }
0x7b: {  	_ =	shalt  }
0x7c: {  	_ =	shalt  }
0x7d: {  	_ =	shalt  }
0x7e: {  	_ =	shalt  }
0x7f: {  	_ =	shalt  }
0x80: {  	_ =	shalt  }
0x81: {  	_ =	shalt  }
0x82: {  	_ =	shalt  }
0x83: {  	_ =	shalt  }
0x84: {  	_ =	shalt  }
0x85: {  	_ =	shalt  }
0x86: {  	_ =	shalt  }
0x87: {  	_ =	shalt  }
.Lfunc_end0:
.L_simem_size_0:
called_computation_lowered:
.L_overlay_start_0:
0x88: {  	s2 =	sld [smem:$0x3FD9]  }
0x89: {  	s3 =	sld [smem:$0x3FFE];
	_ =	sdelay $0x1  }
0x8a: {  	s1 =	srdreg.scid  }
0x8b: {  	s0 =	sand.u32 $0x1, s1  }
0x8c: {  	s16 =	sshll.u32 s0, $0xA;
	s2 =	sadd.s32 s3, s2  }
0x8d: {  	s2 =	sadd.s32 s2, s16  }
0x8e: {  	[smem:$0x3FAC] =	sst s2  }
0x8f: {  	_ = 	snop  }
0x90: {  	(tm) =	ssettm $0x1  }
0x91: {  	s17 =	sld [smem:$0x3FFB];
	_ =	sdelay $0x3  }
0x92: {  	_ =	strace s17  }
0x93: {  	s2 =	sld [smem:$0x3FFC];
	_ =	sdelay $0x3  }
0x94: {  	_ =	strace s2  }
0x95: {  	s2 =	sld [smem:$0x3FFD];
	_ =	sdelay $0x3  }
0x96: {  	_ =	strace s2  }
0x97: {  	_ =	strace $0x8FFFFFFF  }
0x98: {  	s18 =	sld [smem:$0x3FDB];
	_ =	sdelay $0x1  }
0x99: {  	s19 =	simm.s32 $_scs_section_size  }
0x9a: {  	s4 =	simm.s32 $_size__tile_overlayer_lowered;
	s5 =	simm.s32 $_tile_overlayer_lowered  }
0x9b: {  	s22 =	simm.s32 $0x1BFF;
	s21 =	sshll.u32 s5, $0x1;
	s2 =	sadd.s32 s19, s18  }
0x9c: {  	s6 =	simm.s32 $0x0;
	s20 =	sshll.u32 s4, $0x1;
	s4 =	sadd.s32 s21, s2  }
0x9d: {  	[timem:s6], [sflag:s22] =	dma.local [hbm:s4], s20  }
0x9e: {  	_ =	swait.ge [sflag:s22], s20  }
0x9f: {  	s3 =	ssub.s32 $0x0, s20;
	[sflag:s22] =	ssyncset.done $0x0  }
0xa0: {  	[sflag:s22] =	ssyncadd.s32 s3;
	_ =	sdelay $0x1  }
0xa1: {  	s23 =	simm.s32 $0x1B8B  }
0xa2: {  	_ =	swait.ge [sflag:s23], $0x1  }
0xa3: {  	[sflag:s23] =	ssyncset.done $0x0  }
0xa4: {  	s25 =	simm.s32 $0x1B8E;
	s24 =	sld [smem:$0x3FFE];
	[sflag:s23] =	ssyncadd.s32 $0xFFFFFFFF  }
0xa5: {  	s26 =	simm.s32 $execute0_lowered;
	[smem:$0x3FD2] =	sst s25  }
0xa6: {  	s4 =	sshll.u32 s26, $0x1;
	_ =	strace $0x80000046;
	[dreg:$0x1] =	wrdreg $0xFFFFFFFF  }
0xa7: {  	s28 =	simm.s32 $_size_execute0_lowered;
	s2 =	sadd.s32 s2, s4;
	[dreg:$0x0] =	wrdreg $0x0  }
0xa8: {  	s4 =	sshll.u32 s28, $0x1;
	[dreg:$0x2] =	wrdreg s2  }
0xa9: {  	[dreg:$0x3] =	wrdreg s4  }
0xaa: {  	[dreg:$0x4] =	wrdreg $0xC0  }
0xab: {  	_ =	task [dreg:s6], $0x5FFFF  }
0xac: {  	[dreg:$0x1] =	wrdreg $0xFFFFFFFF  }
0xad: {  	[dreg:$0x0] =	wrdreg $0x60  }
0xae: {  	[dreg:$0x2] =	wrdreg s24  }
0xaf: {  	[dreg:$0x3] =	wrdreg $0x24000  }
0xb0: {  	[dreg:$0x4] =	wrdreg $0x8C000  }
0xb1: {  	[dreg:$0x5] =	wrdreg $0x9  }
0xb2: {  	_ =	task.clear_ibuf [dreg:s6], $0x6FFFF;
	_ =	strace $0x90000046  }
0xb3: {  	s29 =	simm.s32 $0x9;
	_ =	strace $0x80000048  }
0xb4: {  	_ =	swait.ge [sflag:s29], $0x1  }
0xb5: {  	[sflag:s29] =	ssyncadd.s32 $0xFFFFFFFF  }
0xb6: {  	_ =	strace $0x90000048  }
0xb7: {  	_ =	sfence  }
0xb8: {  	s30 =	sld [smem:$0x0];
	_ =	sdelay $0x2  }
0xb9: {  	s31 =	sshll.u32 s1, $0xD;
	s1 =	sshrl.u32 s1, $0x2  }
0xba: {  	s3 =	sand.u32 $0x4000, s31;
	s1 =	sadd.s32 s1, s30  }
0xbb: {  	s0 =	sor.u32 s3, s0;
	s1 =	sshll.u32 s1, $0x11  }
0xbc: {  	s0 =	sor.u32 s1, s0  }
0xbd: {  	s0 =	sadd.s32 $0x8F2B, s0  }
0xbe: {  	[sflag:s0] =	ssyncadd.remote.s32 $0x1  }
0xbf: {  	_ =	sfence.sel $0xFFFF  }
0xc0: {  	[dreg:$0x0] =	wrdreg $0xFFFFFFFF;
	(pc) =	sbr.abs _section_cstart, $3  }
0xc1: {  	[dreg:$0x1] =	wrdreg $0xFFFFFFFF  }
0xc2: {  	_ =	task.clear_ibuf [dreg:s6], $0x2FFFF;
	_ =	strace $0x9FFFFFFF  }
0xc3: {  	(tm) =	ssettm $0x7FFFFFFF  }
tec
execute0_lowered:
.L_overlay_start_1:
0x0: {  	(tag) =	ssettag $0x1  }
0x1: {  	s3 =	rddreg [dreg:$0x0]  }
0x2: {  	s9 =	rddreg [dreg:$0x1]  }
0x3: {  	s10 =	rddreg [dreg:$0x2]  }
0x4: {  	s0 =	rddreg [dreg:$0x3];
	s2 =	simm.s32 $0x0;
	s1 =	stileid.u32  }
0x5: {  	s4 =	srdreg.scid;
	s22 =	simm.s32 $0x0;
	s11 =	smul.u32 $0xD00, s1  }
0x6: {  	s8 =	sand.u32 $0x1, s4;
	s13 =	sadd.s32 $0x143400, s3;
	s12 =	smul.u32 $0x6800, s1  }
0x7: {  	[smem:$0x7FF] =	sst s2;
	s18 =	sadd.s32 $0x15D400, s3;
	s16 =	smul.u32 $0x68000, s8  }
0x8: {  	_ =	strace $0x80000047;
	s4 =	ssub.s32 $0x2, s8;
	s21 =	smul.u32 $0xD000, s8  }
0x9: {  	s5 =	sshrl.u32 s4, $0x1;
	s14 =	sadd.s32 $0x400, s11;
	s3 =	sadd.s32 s12, s9  }
0xa: {  	s15 =	sadd.s32 $0x800, s11;
	s17 =	sadd.s32 $0xC00, s11;
	s19 =	ssub.s32 s4, s5  }
0xb: {  	s4 =	sadd.s32 s11, s10;
	s24 =	sshll.u32 s14, $0x3;
	s6 =	sadd.s32 s14, s10  }
0xc: {  	s7 =	sshll.u32 s15, $0x3;
	s20 =	sshll.u32 s17, $0x3;
	s8 =	sadd.s32 s15, s10  }
0xd: {  	s12 =	sadd.s32 s12, s16;
	s10 =	sadd.s32 s17, s10;
	s25 =	sadd.s32 s11, s21  }
0xe: {  	s16 =	sshrl.u32 s16, $0x3;
	s29 =	sadd.s32 s21, s14;
	s31 =	sadd.s32 s21, s15  }
0xf: {  	s21 =	sadd.s32 s21, s17;
	s5 =	sadd.s32 s24, s9;
	s7 =	sadd.s32 s7, s9  }
0x10: {  	s9 =	sadd.s32 s20, s9;
	s12 =	sshrl.u32 s12, $0x3;
	s26 =	sshrl.u32 s25, $0x3  }
0x11: {  	s28 =	sadd.s32 s13, s16;
	s30 =	sshrl.u32 s29, $0x3;
	s16 =	sshrl.u32 s31, $0x3  }
0x12: {  	s21 =	sshrl.u32 s21, $0x3;
	s19 =	smax.u32 s19, $0x1;
	s20 =	simm.s32 $0x1  }
0x13: {  	v1 =	vlaneseq.u32;
	s11 =	sadd.s32 s13, s12;
	s12 =	sadd.s32 s18, s26;
	s13 =	sadd.s32 s14, s28  }
0x14: {  	v0 =	vshrl.u32 v1, $0x3;
	s14 =	sadd.s32 s18, s30;
	s15 =	sadd.s32 s15, s28;
	s16 =	sadd.s32 s18, s16  }
0x15: {  	v2 =	vimm.f32 $0.0e+00;
	v1 =	vand.u32 $0x7, v1;
	v0 =	vmul.u32 $0x8, v0;
	s17 =	sadd.s32 s17, s28;
	s18 =	sadd.s32 s18, s21;
	s21 =	simm.s32 $0x2000  }
.LBB2_1:
0x16: {  	v3 =	vmov s2  }
0x17: {  	v3 =	vshll.u32 v3, $0x3  }
0x18: {  	v3 =	vor.u32 v0, v3  }
0x19: {  	s23 =	simm.s32 $0x2;
	v3 =	vor.u32 v1, v3  }
.LBB2_2:
0x1a: {  	p0 =	sne.s32 s23, $0x3FE  }
.Ltmp0:
0x1b: {  	_ = 	snop;
	(pc) =	sbr.rel @p0 .LBB2_2-.Ltmp0, $4  }
0x1c: {  	v4 =	vmov s23  }
0x1d: {  	v4 =	vshll.u32 v4, $0x3  }
0x1e: {  	s24 =	simm.s32 $0x0;
	v4 =	vor.u32 v0, v4  }
0x1f: {  	s23 =	sadd.s32 $0x2, s23;
	[tilespmem:v3+s24+$0x0] =	vst.idx.msk $0xffff, v2;
	v3 =	vor.u32 v1, v4  }
0x20: {  	_ =	sdelay $0x3  }
0x21: {  	[tilespmem:v3+s24+$0x0] =	vst.idx.msk $0xffff, v2;
	s23 =	simm.s32 $0x40;
	s24 =	simm.s32 $0x0  }
.LBB2_4:
0x22: {  	p0 =	sne.s32 s23, $0xFC0;
	[tilespmem:s24+$0x2000] =	vst v2;
	s24 =	smov.u32 s23;
	s23 =	sadd.s32 $0x40, s23  }
.Ltmp1:
0x23: {  	(pc) =	sbr.rel @p0 .LBB2_4-.Ltmp1, $2  }
0x24: {  	_ =	sdelay $0x2  }
0x25: {  	s24 =	sshra.s32 s24, $0x2  }
0x26: {  	[tilespmem:s24+$0x2000] =	vst v2  }
0x27: {  	[spmem:s3] =	stream.linear.scatter [tilespmem:s2], [sflag:$0x1], $0x2000, $0x38;
	[tilespmem:$0x9900] =	vst v63  }
0x28: {  	_ =	swait.ge [sflag:s20], $0x2000  }
0x29: {  	[sflag:s20] =	ssyncset.done $0x0  }
0x2a: {  	[sflag:s20] =	ssyncadd.s32 $0xFFFFE000  }
0x2b: {  	[spmem:s4] =	stream.linear.scatter [tilespmem:s21], [sflag:$0x1], $0x400, $0x38;
	[tilespmem:$0x9900] =	vst v63  }
0x2c: {  	_ =	swait.ge [sflag:s20], $0x400  }
0x2d: {  	[sflag:s20] =	ssyncset.done $0x0  }
0x2e: {  	[sflag:s20] =	ssyncadd.s32 $0xFFFFFC00  }
0x2f: {  	[spmem:s5] =	stream.linear.scatter [tilespmem:s2], [sflag:$0x1], $0x2000, $0x38;
	[tilespmem:$0x9900] =	vst v63  }
0x30: {  	_ =	swait.ge [sflag:s20], $0x2000  }
0x31: {  	[sflag:s20] =	ssyncset.done $0x0  }
0x32: {  	[sflag:s20] =	ssyncadd.s32 $0xFFFFE000  }
0x33: {  	[spmem:s6] =	stream.linear.scatter [tilespmem:s21], [sflag:$0x1], $0x400, $0x38;
	[tilespmem:$0x9900] =	vst v63  }
0x34: {  	_ =	swait.ge [sflag:s20], $0x400  }
0x35: {  	[sflag:s20] =	ssyncset.done $0x0  }
0x36: {  	[sflag:s20] =	ssyncadd.s32 $0xFFFFFC00  }
0x37: {  	[spmem:s7] =	stream.linear.scatter [tilespmem:s2], [sflag:$0x1], $0x2000, $0x38;
	[tilespmem:$0x9900] =	vst v63  }
0x38: {  	_ =	swait.ge [sflag:s20], $0x2000  }
0x39: {  	[sflag:s20] =	ssyncset.done $0x0  }
0x3a: {  	[sflag:s20] =	ssyncadd.s32 $0xFFFFE000  }
0x3b: {  	[spmem:s8] =	stream.linear.scatter [tilespmem:s21], [sflag:$0x1], $0x400, $0x38;
	[tilespmem:$0x9900] =	vst v63  }
0x3c: {  	_ =	swait.ge [sflag:s20], $0x400  }
0x3d: {  	[sflag:s20] =	ssyncset.done $0x0  }
0x3e: {  	[sflag:s20] =	ssyncadd.s32 $0xFFFFFC00  }
0x3f: {  	[spmem:s9] =	stream.linear.scatter [tilespmem:s2], [sflag:$0x1], $0x800, $0x38;
	[tilespmem:$0x9900] =	vst v63  }
0x40: {  	_ =	swait.ge [sflag:s20], $0x800  }
0x41: {  	[sflag:s20] =	ssyncset.done $0x0  }
0x42: {  	[sflag:s20] =	ssyncadd.s32 $0xFFFFF800  }
0x43: {  	[spmem:s10] =	stream.linear.scatter [tilespmem:s21], [sflag:$0x1], $0x100, $0x38;
	[tilespmem:$0x9900] =	vst v63  }
0x44: {  	_ =	swait.ge [sflag:s20], $0x100  }
0x45: {  	[sflag:s20] =	ssyncset.done $0x0  }
0x46: {  	[sflag:s20] =	ssyncadd.s32 $0xFFFFFF00  }
0x47: {  	s23 =	sshll.u32 s1, $0x6;
	[bflag:$0x0] =	sbarrier.arrive $0xFFFF  }
0x48: {  	s30 =	sshrl.u32 s3, $0x3;
	s23 =	sor.u32 $0x1C01, s23;
	[bflag:$0x0] =	sbarrier.arrive $0xFFFF  }
0x49: {  	[hbm:s11], [sflag:s23] =	dma.local [spmem:s30], $0x400  }
0x4a: {  	_ =	swait.ge [sflag:s20], $0x400  }
0x4b: {  	[sflag:s20] =	ssyncset.done $0x0  }
0x4c: {  	s31 =	sshrl.u32 s4, $0x3;
	[sflag:s20] =	ssyncadd.s32 $0xFFFFFC00  }
0x4d: {  	[hbm:s12], [sflag:s23] =	dma.local [spmem:s31], $0x80  }
0x4e: {  	_ =	swait.ge [sflag:s20], $0x80  }
0x4f: {  	[sflag:s20] =	ssyncset.done $0x0  }
0x50: {  	s25 =	sshrl.u32 s5, $0x3;
	[sflag:s20] =	ssyncadd.s32 $0xFFFFFF80  }
0x51: {  	[hbm:s13], [sflag:s23] =	dma.local [spmem:s25], $0x400  }
0x52: {  	_ =	swait.ge [sflag:s20], $0x400  }
0x53: {  	[sflag:s20] =	ssyncset.done $0x0  }
0x54: {  	s26 =	sshrl.u32 s6, $0x3;
	[sflag:s20] =	ssyncadd.s32 $0xFFFFFC00  }
0x55: {  	[hbm:s14], [sflag:s23] =	dma.local [spmem:s26], $0x80  }
0x56: {  	_ =	swait.ge [sflag:s20], $0x80  }
0x57: {  	[sflag:s20] =	ssyncset.done $0x0  }
0x58: {  	s28 =	sshrl.u32 s7, $0x3;
	[sflag:s20] =	ssyncadd.s32 $0xFFFFFF80  }
0x59: {  	[hbm:s15], [sflag:s23] =	dma.local [spmem:s28], $0x400  }
0x5a: {  	_ =	swait.ge [sflag:s20], $0x400  }
0x5b: {  	[sflag:s20] =	ssyncset.done $0x0  }
0x5c: {  	s29 =	sshrl.u32 s8, $0x3;
	[sflag:s20] =	ssyncadd.s32 $0xFFFFFC00  }
0x5d: {  	[hbm:s16], [sflag:s23] =	dma.local [spmem:s29], $0x80  }
0x5e: {  	_ =	swait.ge [sflag:s20], $0x80  }
0x5f: {  	[sflag:s20] =	ssyncset.done $0x0  }
0x60: {  	s30 =	sshrl.u32 s9, $0x3;
	[sflag:s20] =	ssyncadd.s32 $0xFFFFFF80  }
0x61: {  	[hbm:s17], [sflag:s23] =	dma.local [spmem:s30], $0x100  }
0x62: {  	s22 =	sadd.s32 $0x1, s22;
	_ =	swait.ge [sflag:s20], $0x100  }
0x63: {  	p0 =	sne.s32 s22, s19;
	[sflag:s20] =	ssyncset.done $0x0  }
.Ltmp2:
0x64: {  	s31 =	sshrl.u32 s10, $0x3;
	[sflag:s20] =	ssyncadd.s32 $0xFFFFFF00;
	(pc) =	sbr.rel @p0 .LBB2_1-.Ltmp2, $4  }
0x65: {  	[hbm:s18], [sflag:s23] =	dma.local [spmem:s31], $0x20  }
0x66: {  	_ =	swait.ge [sflag:s20], $0x20  }
0x67: {  	[sflag:s20] =	ssyncset.done $0x0  }
0x68: {  	[sflag:s20] =	ssyncadd.s32 $0xFFFFFFE0  }
0x69: {  	_ =	sfence.sel $0x180000  }
0x6a: {  	[bflag:$0x0] =	sbarrier.arrive $0xFFFF  }
0x6b: {  	p0 =	sne.s32 s1, $0x0;
	_ =	strace $0x90000047  }
0x6c: {  	s0 =	sadd.s32 @!p0 $0x100000, s0;
	[bflag:$0x2] =	sbarrier.arrive $0xFFFF  }
0x6d: {  	[sflag:s0] =	ssyncadd.tile.s32 @!p0 $0x1;
	_ =	shalt  }
.Lfunc_end2:
_tile_overlayer_lowered:
.L_overlay_start_2:
0x6e: {  	(tag) =	ssettag $0x2  }
0x6f: {  	s0 =	rddreg [dreg:$0x0];
	s2 =	stileid.u32  }
0x70: {  	s1 =	rddreg [dreg:$0x1];
	p0 =	sne.s32 s2, $0x0  }
0x71: {  	s3 =	rddreg [dreg:$0x2];
	[bflag:$0x3] =	sbarrier.arrive $0xFFFF;
	s2 =	simm.s32 @!p0 $0x1C01  }
0x72: {  	[timem:s3], [sflag:s2] =	dma.local @!p0 [hbm:s0], s1  }
0x73: {  	s0 =	simm.s32 @!p0 $0x1  }
0x74: {  	_ =	swait.ge @!p0 [sflag:s0], s1  }
0x75: {  	s1 =	ssub.s32 @!p0 $0x0, s1;
	[sflag:s0] =	ssyncset.done @!p0 $0x0  }
0x76: {  	[sflag:s0] =	ssyncadd.s32 @!p0 s1  }
0x77: {  	[bflag:$0x3] =	sbarrier.arrive $0xFFFF  }
0x78: {  	_ =	shalt  }

// kernel: kernel.16.cloned.1.call-start
scs
__scs_entry_jumppad:
0x0: {  	(pc) =	sbr.rel $0x88, $3  }
0x1: {  	(tag) =	ssettag $0x0;
	lr =	simm.s32 $0x1  }
0x2: {  	[smem:$0x3F85] =	sst lr;
	_ =	strace $0xD0000000  }
0x3: {  	_ = 	snop  }
0x4: {  	_ = 	snop  }
0x5: {  	_ = 	snop  }
0x6: {  	_ = 	snop  }
0x7: {  	_ = 	snop  }
__scs_overlays_trampoline_lowered:
0x8: {  	[smem:$0x3F94] =	sst s0  }
0x9: {  	[smem:$0x3F95] =	sst s1  }
0xa: {  	[smem:$0x3F96] =	sst s2  }
0xb: {  	[smem:$0x3F97] =	sst s3  }
0xc: {  	[smem:$0x3F98] =	sst s4  }
0xd: {  	[smem:$0x3F99] =	sst s5  }
0xe: {  	[smem:$0x3F9A] =	sst s6  }
0xf: {  	[smem:$0x3F9B] =	sst s7  }
0x10: {  	[smem:$0x3F9C] =	sst s8  }
0x11: {  	[smem:$0x3F9D] =	sst s9;
	s0 =	simm.s32 @!p0 $0x0  }
0x12: {  	s1 =	sld [smem:$0x3F83];
	s0 =	simm.s32 @p0 $0x1  }
0x13: {  	[smem:$0x3F9E] =	sst s0;
	s0 =	simm.s32 @!p1 $0x0  }
0x14: {  	s2 =	sld [smem:$0x3F82];
	s0 =	simm.s32 @p1 $0x1  }
0x15: {  	[smem:$0x3F9F] =	sst s0;
	s0 =	simm.s32 @!p2 $0x0  }
0x16: {  	s3 =	sld [smem:$0x3FDB];
	s0 =	simm.s32 @p2 $0x1  }
0x17: {  	s4 =	simm.s32 $0x1BF5;
	[smem:$0x3FA1] =	sst s0  }
0x18: {  	s0 =	sld [smem:$0x3F84];
	_ =	swait.ge [sflag:s4], $0x0  }
0x19: {  	s7 =	sld [smem:$0x3F85]  }
0x1a: {  	s8 =	sadd.s32 $0xFFFFE003, lr  }
0x1b: {  	s9 =	sadd.s32 $0xFFFFFEF7, lr;
	s5 =	simm.s32 $0xFFFFFFFF;
	p2 =	slt.u32 s8, $0xFFFFF086  }
0x1c: {  	p1 =	slt.u32 s9, $0xF7A;
	s5 =	simm.s32 @!p2 $0x0  }
0x1d: {  	s5 =	simm.s32 @p1 $0x1;
	p0 =	seq.s32 s7, s2  }
0x1e: {  	s7 =	smul.u32 @!p0 $0xF7A, s2;
	p2 =	seq.s32 @!p0 s5, $0x0  }
0x1f: {  	s9 =	smul.u32 $0xF7A, s1;
	s8 =	simm.s32 @!p0 $0x1BF5;
	p2 =	por !p2, p0  }
0x20: {  	[sflag:s8] =	ssyncset.s32 @!p0 $0xFFFFF086;
	s6 =	sadd.s32 @!p0 s3, s7;
	s7 =	simm.s32 @!p0 $0x108  }
0x21: {  	s3 =	sadd.s32 s3, s9;
	s6 =	sadd.s32 @!p0 $0x88, s6;
	s7 =	simm.s32 @p2 $0x1082  }
0x22: {  	[simem:s7], [sflag:s8] =	dma.local @!p0 [hbm:s6], $0xF7A  }
0x23: {  	s9 =	sor.u32 $0xD0000000, s2;
	s6 =	simm.s32 $0x108;
	_ =	swait.ge @!p0 [sflag:s8], $0x0  }
0x24: {  	s3 =	sadd.s32 $0x88, s3;
	s6 =	simm.s32 @!p1 $0x1082;
	[sflag:s4] =	ssyncset.s32 $0xFFFFF086  }
0x25: {  	[simem:s6], [sflag:s4] =	dma.local [hbm:s3], $0xF7A  }
0x26: {  	[smem:$0x3F85] =	sst s1;
	(tag) =	ssettag s2;
	_ =	strace s9  }
0x27: {  	s1 =	sld [smem:$0x3F95]  }
0x28: {  	s2 =	sld [smem:$0x3F96]  }
0x29: {  	s4 =	sld [smem:$0x3F98]  }
0x2a: {  	p0 =	seq.s32 s5, $0x0;
	s5 =	sld [smem:$0x3F99]  }
0x2b: {  	s6 =	sld [smem:$0x3F9A]  }
0x2c: {  	s7 =	sld [smem:$0x3F9B]  }
0x2d: {  	s3 =	simm.s32 $0x108;
	s8 =	sld [smem:$0x3F9C]  }
0x2e: {  	s3 =	simm.s32 @!p0 $0x1082;
	s9 =	sld [smem:$0x3F9D]  }
0x2f: {  	lr =	sadd.s32 s0, s3;
	s0 =	sld [smem:$0x3F94]  }
0x30: {  	s3 =	sld [smem:$0x3F97]  }
0x31: {  	[smem:$0x3FA0] =	sst s10  }
0x32: {  	s10 =	sld [smem:$0x3F9E];
	_ =	sdelay $0x3  }
0x33: {  	p0 =	seq.s32 s10, $0x1;
	s10 =	sld [smem:$0x3FA0];
	_ =	sdelay $0x3  }
0x34: {  	[smem:$0x3FA0] =	sst s10  }
0x35: {  	s10 =	sld [smem:$0x3F9F];
	_ =	sdelay $0x3  }
0x36: {  	p1 =	seq.s32 s10, $0x1;
	s10 =	sld [smem:$0x3FA0];
	_ =	sdelay $0x3  }
0x37: {  	[smem:$0x3FA0] =	sst s10  }
0x38: {  	s10 =	sld [smem:$0x3FA1]  }
0x39: {  	_ = 	snop;
	(pc) =	sbr.ind lr, $3  }
0x3a: {  	_ = 	snop  }
0x3b: {  	_ = 	snop  }
0x3c: {  	p2 =	seq.s32 s10, $0x1;
	s10 =	sld [smem:$0x3FA0]  }
0x3d: {  	_ =	shalt  }
0x3e: {  	_ =	shalt  }
0x3f: {  	_ =	shalt  }
0x40: {  	_ =	shalt  }
0x41: {  	_ =	shalt  }
0x42: {  	_ =	shalt  }
0x43: {  	_ =	shalt  }
0x44: {  	_ =	shalt  }
0x45: {  	_ =	shalt  }
0x46: {  	_ =	shalt  }
0x47: {  	_ =	shalt  }
0x48: {  	_ =	shalt  }
0x49: {  	_ =	shalt  }
0x4a: {  	_ =	shalt  }
0x4b: {  	_ =	shalt  }
0x4c: {  	_ =	shalt  }
0x4d: {  	_ =	shalt  }
0x4e: {  	_ =	shalt  }
0x4f: {  	_ =	shalt  }
0x50: {  	_ =	shalt  }
0x51: {  	_ =	shalt  }
0x52: {  	_ =	shalt  }
0x53: {  	_ =	shalt  }
0x54: {  	_ =	shalt  }
0x55: {  	_ =	shalt  }
0x56: {  	_ =	shalt  }
0x57: {  	_ =	shalt  }
0x58: {  	_ =	shalt  }
0x59: {  	_ =	shalt  }
0x5a: {  	_ =	shalt  }
0x5b: {  	_ =	shalt  }
0x5c: {  	_ =	shalt  }
0x5d: {  	_ =	shalt  }
0x5e: {  	_ =	shalt  }
0x5f: {  	_ =	shalt  }
0x60: {  	_ =	shalt  }
0x61: {  	_ =	shalt  }
0x62: {  	_ =	shalt  }
0x63: {  	_ =	shalt  }
0x64: {  	_ =	shalt  }
0x65: {  	_ =	shalt  }
0x66: {  	_ =	shalt  }
0x67: {  	_ =	shalt  }
0x68: {  	_ =	shalt  }
0x69: {  	_ =	shalt  }
0x6a: {  	_ =	shalt  }
0x6b: {  	_ =	shalt  }
0x6c: {  	_ =	shalt  }
0x6d: {  	_ =	shalt  }
0x6e: {  	_ =	shalt  }
0x6f: {  	_ =	shalt  }
0x70: {  	_ =	shalt  }
0x71: {  	_ =	shalt  }
0x72: {  	_ =	shalt  }
0x73: {  	_ =	shalt  }
0x74: {  	_ =	shalt  }
0x75: {  	_ =	shalt  }
0x76: {  	_ =	shalt  }
0x77: {  	_ =	shalt  }
0x78: {  	_ =	shalt  }
0x79: {  	_ =	shalt  }
0x7a: {  	_ =	shalt  }
0x7b: {  	_ =	shalt  }
0x7c: {  	_ =	shalt  }
0x7d: {  	_ =	shalt  }
0x7e: {  	_ =	shalt  }
0x7f: {  	_ =	shalt  }
0x80: {  	_ =	shalt  }
0x81: {  	_ =	shalt  }
0x82: {  	_ =	shalt  }
0x83: {  	_ =	shalt  }
0x84: {  	_ =	shalt  }
0x85: {  	_ =	shalt  }
0x86: {  	_ =	shalt  }
0x87: {  	_ =	shalt  }
.Lfunc_end0:
.L_simem_size_0:
called_computation.1_lowered:
.L_overlay_start_0:
0x88: {  	s2 =	sld [smem:$0x3FD9]  }
0x89: {  	s3 =	sld [smem:$0x3FFE];
	_ =	sdelay $0x1  }
0x8a: {  	s1 =	srdreg.scid  }
0x8b: {  	s0 =	sand.u32 $0x1, s1  }
0x8c: {  	s17 =	sshll.u32 s0, $0xA;
	s2 =	sadd.s32 s3, s2  }
0x8d: {  	s2 =	sadd.s32 s2, s17  }
0x8e: {  	[smem:$0x3FAC] =	sst s2  }
0x8f: {  	_ = 	snop  }
0x90: {  	(tm) =	ssettm $0x1  }
0x91: {  	s18 =	sld [smem:$0x3FFB];
	_ =	sdelay $0x3  }
0x92: {  	_ =	strace s18  }
0x93: {  	s2 =	sld [smem:$0x3FFC];
	_ =	sdelay $0x3  }
0x94: {  	_ =	strace s2  }
0x95: {  	s2 =	sld [smem:$0x3FFD];
	_ =	sdelay $0x3  }
0x96: {  	_ =	strace s2  }
0x97: {  	_ =	strace $0x8FFFFFFF  }
0x98: {  	s19 =	sld [smem:$0x3FDB];
	_ =	sdelay $0x1  }
0x99: {  	s20 =	simm.s32 $_scs_section_size  }
0x9a: {  	s4 =	simm.s32 $_size__tile_overlayer_lowered;
	s5 =	simm.s32 $_tile_overlayer_lowered  }
0x9b: {  	s6 =	simm.s32 $0x1BFF;
	s21 =	sshll.u32 s5, $0x1;
	s3 =	sadd.s32 s20, s19  }
0x9c: {  	s22 =	simm.s32 $0x0;
	s4 =	sshll.u32 s4, $0x1;
	s5 =	sadd.s32 s21, s3  }
0x9d: {  	[timem:s22], [sflag:s6] =	dma.local [hbm:s5], s4  }
0x9e: {  	_ =	swait.ge [sflag:s6], s4  }
0x9f: {  	s4 =	ssub.s32 $0x0, s4;
	[sflag:s6] =	ssyncset.done $0x0  }
0xa0: {  	[sflag:s6] =	ssyncadd.s32 s4;
	_ =	sdelay $0x1  }
0xa1: {  	s23 =	simm.s32 $0x1B8B  }
0xa2: {  	_ =	swait.ge [sflag:s23], $0x1  }
0xa3: {  	[sflag:s23] =	ssyncset.done $0x0  }
0xa4: {  	[sflag:s23] =	ssyncadd.s32 $0xFFFFFFFF  }
0xa5: {  	s4 =	sld [smem:$0x0]  }
0xa6: {  	s5 =	sand.u32 $0xFFFFFFFE, s1  }
0xa7: {  	p0 =	sne.s32 s1, s5  }
0xa8: {  	s5 =	sshll.u32 @p0 s5, $0xE  }
0xa9: {  	s5 =	sadd.s32 @p0 $0x11B8D, s5;
	s6 =	sshll.u32 @p0 s4, $0x11  }
0xaa: {  	s5 =	sor.u32 @p0 s6, s5  }
0xab: {  	[sflag:s5] =	ssyncadd.remote.s32 @p0 $0x1;
	_ =	sdelay $0x1  }
0xac: {  	s5 =	simm.s32 @p0 $0x1B8D  }
0xad: {  	_ =	swait.eq @p0 [sflag:s5], $0x1  }
0xae: {  	[sflag:s5] =	ssyncadd.s32 @p0 $0xFFFFFFFF  }
0xaf: {  	s6 =	sshll.u32 @!p0 s1, $0xE  }
0xb0: {  	s6 =	sor.u32 @!p0 $0x4000, s6;
	s5 =	simm.s32 @!p0 $0x1B8D  }
0xb1: {  	s4 =	sshll.u32 @!p0 s4, $0x11;
	s6 =	sadd.s32 @!p0 $0x11B8D, s6;
	_ =	swait.eq @!p0 [sflag:s5], $0x1  }
0xb2: {  	s4 =	sor.u32 @!p0 s4, s6;
	[sflag:s5] =	ssyncadd.s32 @!p0 $0xFFFFFFFF  }
0xb3: {  	s25 =	simm.s32 $0x1B8E;
	s24 =	sld [smem:$0x3FFE];
	[sflag:s4] =	ssyncadd.remote.s32 @!p0 $0x1  }
0xb4: {  	s26 =	simm.s32 $execute0_lowered;
	[smem:$0x3FD2] =	sst s25  }
0xb5: {  	s5 =	sshll.u32 s26, $0x1;
	_ =	strace $0x8000004C;
	[dreg:$0x1] =	wrdreg $0xFFFFFFFF  }
0xb6: {  	s28 =	simm.s32 $_size_execute0_lowered;
	s3 =	sadd.s32 s3, s5;
	[dreg:$0x0] =	wrdreg $0x0  }
0xb7: {  	s5 =	sshll.u32 s28, $0x1;
	[dreg:$0x2] =	wrdreg s3  }
0xb8: {  	[dreg:$0x3] =	wrdreg s5  }
0xb9: {  	[dreg:$0x4] =	wrdreg $0xC0  }
0xba: {  	_ =	task [dreg:s22], $0x5FFFF  }
0xbb: {  	[dreg:$0x1] =	wrdreg $0xFFFFFFFF  }
0xbc: {  	[dreg:$0x0] =	wrdreg $0x60  }
0xbd: {  	[dreg:$0x2] =	wrdreg s24  }
0xbe: {  	[dreg:$0x3] =	wrdreg $0x24000  }
0xbf: {  	[dreg:$0x4] =	wrdreg $0xEC000  }
0xc0: {  	[dreg:$0x5] =	wrdreg $0xA  }
0xc1: {  	_ =	task.clear_ibuf [dreg:s22], $0x6FFFF;
	_ =	strace $0x9000004C  }
0xc2: {  	s29 =	simm.s32 $0xA;
	_ =	strace $0x8000004E  }
0xc3: {  	_ =	swait.ge [sflag:s29], $0x1  }
0xc4: {  	[sflag:s29] =	ssyncadd.s32 $0xFFFFFFFF  }
0xc5: {  	_ =	strace $0x9000004E  }
0xc6: {  	_ =	sfence  }
0xc7: {  	s30 =	sld [smem:$0x0];
	_ =	sdelay $0x2  }
0xc8: {  	s31 =	sshll.u32 s1, $0xD;
	s1 =	sshrl.u32 s1, $0x2  }
0xc9: {  	s4 =	sand.u32 $0x4000, s31;
	s1 =	sadd.s32 s1, s30  }
0xca: {  	s0 =	sor.u32 s4, s0;
	s1 =	sshll.u32 s1, $0x11  }
0xcb: {  	s0 =	sor.u32 s1, s0  }
0xcc: {  	s0 =	sadd.s32 $0x8F2B, s0  }
0xcd: {  	[sflag:s0] =	ssyncadd.remote.s32 $0x1  }
0xce: {  	_ =	sfence.sel $0xFFFF  }
0xcf: {  	[dreg:$0x0] =	wrdreg $0xFFFFFFFF;
	(pc) =	sbr.abs _section_cstart, $3  }
0xd0: {  	[dreg:$0x1] =	wrdreg $0xFFFFFFFF  }
0xd1: {  	_ =	task.clear_ibuf [dreg:s22], $0x2FFFF;
	_ =	strace $0x9FFFFFFF  }
0xd2: {  	(tm) =	ssettm $0x7FFFFFFF  }
0xd3: {  	_ =	shalt  }
tec
execute0_lowered:
.L_overlay_start_1:
0x0: {  	(tag) =	ssettag $0x1  }
0x1: {  	s12 =	rddreg [dreg:$0x0];
	s0 =	srdreg.scid  }
0x2: {  	s1 =	stileid.u32;
	s10 =	rddreg [dreg:$0x1]  }
0x3: {  	s15 =	rddreg [dreg:$0x2];
	s13 =	sand.u32 $0x1, s0;
	s16 =	smul.u32 $0x1900, s1  }
0x4: {  	s11 =	smul.u32 $0xC800, s1;
	s14 =	sadd.s32 $0x36400, s12;
	s0 =	ssub.s32 $0x2, s13  }
0x5: {  	s12 =	sadd.s32 $0x68400, s12;
	s22 =	smul.u32 $0xC8000, s13;
	s24 =	sshrl.u32 s0, $0x1  }
0x6: {  	s17 =	sadd.s32 $0x400, s16;
	s1 =	sadd.s32 s11, s10;
	s2 =	sadd.s32 s16, s15  }
0x7: {  	s18 =	sadd.s32 $0x800, s16;
	s19 =	sadd.s32 $0xC00, s16;
	s20 =	sadd.s32 $0x1000, s16  }
0x8: {  	s21 =	sadd.s32 $0x1400, s16;
	s23 =	sadd.s32 $0x1800, s16;
	s0 =	ssub.s32 s0, s24  }
0x9: {  	s3 =	sshll.u32 s17, $0x3;
	s5 =	sshll.u32 s18, $0x3;
	s7 =	sshll.u32 s19, $0x3  }
0xa: {  	s8 =	sshll.u32 s20, $0x3;
	s9 =	sshll.u32 s21, $0x3;
	s24 =	sshll.u32 s23, $0x3  }
0xb: {  	s25 =	sadd.s32 s11, s22;
	s22 =	sshrl.u32 s22, $0x3;
	s3 =	sadd.s32 s3, s10  }
0xc: {  	s5 =	sadd.s32 s5, s10;
	s7 =	sadd.s32 s7, s10;
	s8 =	sadd.s32 s8, s10  }
0xd: {  	s9 =	sadd.s32 s9, s10;
	s10 =	sadd.s32 s24, s10;
	s24 =	sshrl.u32 s25, $0x3  }
0xe: {  	s4 =	sadd.s32 s17, s15;
	s22 =	sadd.s32 s14, s22;
	s24 =	sadd.s32 s14, s24  }
0xf: {  	s6 =	sadd.s32 s18, s15;
	s25 =	sadd.s32 s17, s22;
	[dreg:$0x4] =	wrdreg s24  }
0x10: {  	s11 =	sadd.s32 s19, s15;
	s26 =	sadd.s32 s18, s22;
	[dreg:$0x5] =	wrdreg s25  }
0x11: {  	s14 =	sadd.s32 s21, s15;
	[dreg:$0x6] =	wrdreg s26;
	s26 =	sadd.s32 s19, s22  }
0x12: {  	s24 =	smul.u32 $0x19000, s13;
	s25 =	sadd.s32 s20, s22;
	[dreg:$0x7] =	wrdreg s26  }
0x13: {  	s13 =	sadd.s32 s20, s15;
	s15 =	sadd.s32 s23, s15;
	[dreg:$0x8] =	wrdreg s25  }
0x14: {  	s16 =	sadd.s32 s16, s24;
	s17 =	sadd.s32 s24, s17;
	s18 =	sadd.s32 s24, s18  }
0x15: {  	s26 =	sadd.s32 s24, s19;
	s28 =	sadd.s32 s24, s20;
	s20 =	sadd.s32 s21, s22  }
0x16: {  	s30 =	sadd.s32 s24, s21;
	s21 =	simm.s32 $0x0;
	s22 =	sadd.s32 s23, s22  }
0x17: {  	s31 =	sadd.s32 s24, s23;
	[smem:$0x7FF] =	sst s21;
	s16 =	sshrl.u32 s16, $0x3  }
0x18: {  	s17 =	sshrl.u32 s17, $0x3;
	s25 =	sshrl.u32 s18, $0x3;
	s18 =	sshrl.u32 s28, $0x3  }
0x19: {  	s19 =	sshrl.u32 s30, $0x3;
	s23 =	sadd.s32 s12, s16;
	s24 =	sadd.s32 s12, s17  }
0x1a: {  	s25 =	sadd.s32 s12, s25;
	s17 =	sshrl.u32 s26, $0x3;
	s29 =	sadd.s32 s12, s18  }
0x1b: {  	v1 =	vlaneseq.u32;
	s30 =	sadd.s32 s12, s19;
	s26 =	sshrl.u32 s31, $0x3;
	_ =	strace $0x8000004D  }
0x1c: {  	v0 =	vshrl.u32 v1, $0x3;
	s16 =	simm.s32 $0x0;
	s28 =	sadd.s32 s12, s17;
	s31 =	sadd.s32 s12, s26  }
0x1d: {  	v2 =	vimm.f32 $0.0e+00;
	v1 =	vand.u32 $0x7, v1;
	v0 =	vmul.u32 $0x8, v0;
	s26 =	smax.u32 s0, $0x1;
	s0 =	simm.s32 $0x1;
	s12 =	simm.s32 $0x2000  }
.LBB2_1:
0x1e: {  	v3 =	vmov s21  }
0x1f: {  	v3 =	vshll.u32 v3, $0x3  }
0x20: {  	v3 =	vor.u32 v0, v3  }
0x21: {  	s17 =	simm.s32 $0x2;
	v3 =	vor.u32 v1, v3  }
.LBB2_2:
0x22: {  	p0 =	sne.s32 s17, $0x3FE  }
.Ltmp0:
0x23: {  	_ = 	snop;
	(pc) =	sbr.rel @p0 .LBB2_2-.Ltmp0, $4  }
0x24: {  	v4 =	vmov s17  }
0x25: {  	v4 =	vshll.u32 v4, $0x3  }
0x26: {  	s18 =	simm.s32 $0x0;
	v4 =	vor.u32 v0, v4  }
0x27: {  	s17 =	sadd.s32 $0x2, s17;
	[tilespmem:v3+s18+$0x0] =	vst.idx.msk $0xffff, v2;
	v3 =	vor.u32 v1, v4  }
0x28: {  	_ =	sdelay $0x3  }
0x29: {  	[tilespmem:v3+s18+$0x0] =	vst.idx.msk $0xffff, v2;
	s17 =	simm.s32 $0x40;
	s18 =	simm.s32 $0x0  }
.LBB2_4:
0x2a: {  	p0 =	sne.s32 s17, $0xFC0;
	[tilespmem:s18+$0x2000] =	vst v2;
	s18 =	smov.u32 s17;
	s17 =	sadd.s32 $0x40, s17  }
.Ltmp1:
0x2b: {  	(pc) =	sbr.rel @p0 .LBB2_4-.Ltmp1, $2  }
0x2c: {  	_ =	sdelay $0x2  }
0x2d: {  	s18 =	sshra.s32 s18, $0x2  }
0x2e: {  	[tilespmem:s18+$0x2000] =	vst v2  }
0x2f: {  	[spmem:s1] =	stream.linear.scatter [tilespmem:s21], [sflag:$0x1], $0x2000, $0x38;
	[tilespmem:$0x10500] =	vst v63  }
0x30: {  	_ =	swait.ge [sflag:s0], $0x2000  }
0x31: {  	[sflag:s0] =	ssyncset.done $0x0  }
0x32: {  	[sflag:s0] =	ssyncadd.s32 $0xFFFFE000  }
0x33: {  	[spmem:s2] =	stream.linear.scatter [tilespmem:s12], [sflag:$0x1], $0x400, $0x38;
	[tilespmem:$0x10500] =	vst v63  }
0x34: {  	_ =	swait.ge [sflag:s0], $0x400  }
0x35: {  	[sflag:s0] =	ssyncset.done $0x0  }
0x36: {  	[sflag:s0] =	ssyncadd.s32 $0xFFFFFC00  }
0x37: {  	[spmem:s3] =	stream.linear.scatter [tilespmem:s21], [sflag:$0x1], $0x2000, $0x38;
	[tilespmem:$0x10500] =	vst v63  }
0x38: {  	_ =	swait.ge [sflag:s0], $0x2000  }
0x39: {  	[sflag:s0] =	ssyncset.done $0x0  }
0x3a: {  	[sflag:s0] =	ssyncadd.s32 $0xFFFFE000  }
0x3b: {  	[spmem:s4] =	stream.linear.scatter [tilespmem:s12], [sflag:$0x1], $0x400, $0x38;
	[tilespmem:$0x10500] =	vst v63  }
0x3c: {  	_ =	swait.ge [sflag:s0], $0x400  }
0x3d: {  	[sflag:s0] =	ssyncset.done $0x0  }
0x3e: {  	[sflag:s0] =	ssyncadd.s32 $0xFFFFFC00  }
0x3f: {  	[spmem:s5] =	stream.linear.scatter [tilespmem:s21], [sflag:$0x1], $0x2000, $0x38;
	[tilespmem:$0x10500] =	vst v63  }
0x40: {  	_ =	swait.ge [sflag:s0], $0x2000  }
0x41: {  	[sflag:s0] =	ssyncset.done $0x0  }
0x42: {  	[sflag:s0] =	ssyncadd.s32 $0xFFFFE000  }
0x43: {  	[spmem:s6] =	stream.linear.scatter [tilespmem:s12], [sflag:$0x1], $0x400, $0x38;
	[tilespmem:$0x10500] =	vst v63  }
0x44: {  	_ =	swait.ge [sflag:s0], $0x400  }
0x45: {  	[sflag:s0] =	ssyncset.done $0x0  }
0x46: {  	[sflag:s0] =	ssyncadd.s32 $0xFFFFFC00  }
0x47: {  	[spmem:s7] =	stream.linear.scatter [tilespmem:s21], [sflag:$0x1], $0x2000, $0x38;
	[tilespmem:$0x10500] =	vst v63  }
0x48: {  	_ =	swait.ge [sflag:s0], $0x2000  }
0x49: {  	[sflag:s0] =	ssyncset.done $0x0  }
0x4a: {  	[sflag:s0] =	ssyncadd.s32 $0xFFFFE000  }
0x4b: {  	[spmem:s11] =	stream.linear.scatter [tilespmem:s12], [sflag:$0x1], $0x400, $0x38;
	[tilespmem:$0x10500] =	vst v63  }
0x4c: {  	_ =	swait.ge [sflag:s0], $0x400  }
0x4d: {  	[sflag:s0] =	ssyncset.done $0x0  }
0x4e: {  	[sflag:s0] =	ssyncadd.s32 $0xFFFFFC00  }
0x4f: {  	[spmem:s8] =	stream.linear.scatter [tilespmem:s21], [sflag:$0x1], $0x2000, $0x38;
	[tilespmem:$0x10500] =	vst v63  }
0x50: {  	_ =	swait.ge [sflag:s0], $0x2000  }
0x51: {  	[sflag:s0] =	ssyncset.done $0x0  }
0x52: {  	[sflag:s0] =	ssyncadd.s32 $0xFFFFE000  }
0x53: {  	[spmem:s13] =	stream.linear.scatter [tilespmem:s12], [sflag:$0x1], $0x400, $0x38;
	[tilespmem:$0x10500] =	vst v63  }
0x54: {  	_ =	swait.ge [sflag:s0], $0x400  }
0x55: {  	[sflag:s0] =	ssyncset.done $0x0  }
0x56: {  	[sflag:s0] =	ssyncadd.s32 $0xFFFFFC00  }
0x57: {  	[spmem:s9] =	stream.linear.scatter [tilespmem:s21], [sflag:$0x1], $0x2000, $0x38;
	[tilespmem:$0x10500] =	vst v63  }
0x58: {  	_ =	swait.ge [sflag:s0], $0x2000  }
0x59: {  	[sflag:s0] =	ssyncset.done $0x0  }
0x5a: {  	[sflag:s0] =	ssyncadd.s32 $0xFFFFE000  }
0x5b: {  	[spmem:s14] =	stream.linear.scatter [tilespmem:s12], [sflag:$0x1], $0x400, $0x38;
	[tilespmem:$0x10500] =	vst v63  }
0x5c: {  	_ =	swait.ge [sflag:s0], $0x400  }
0x5d: {  	[sflag:s0] =	ssyncset.done $0x0  }
0x5e: {  	[sflag:s0] =	ssyncadd.s32 $0xFFFFFC00  }
0x5f: {  	[spmem:s10] =	stream.linear.scatter [tilespmem:s21], [sflag:$0x1], $0x800, $0x38;
	[tilespmem:$0x10500] =	vst v63  }
0x60: {  	_ =	swait.ge [sflag:s0], $0x800  }
0x61: {  	[sflag:s0] =	ssyncset.done $0x0  }
0x62: {  	[sflag:s0] =	ssyncadd.s32 $0xFFFFF800  }
0x63: {  	[spmem:s15] =	stream.linear.scatter [tilespmem:s12], [sflag:$0x1], $0x100, $0x38;
	[tilespmem:$0x10500] =	vst v63  }
0x64: {  	_ =	swait.ge [sflag:s0], $0x100  }
0x65: {  	[sflag:s0] =	ssyncset.done $0x0  }
0x66: {  	[sflag:s0] =	ssyncadd.s32 $0xFFFFFF00  }
0x67: {  	s17 =	stileid.u32;
	[bflag:$0x0] =	sbarrier.arrive $0xFFFF  }
0x68: {  	s17 =	sshll.u32 s17, $0x6;
	[bflag:$0x0] =	sbarrier.arrive $0xFFFF  }
0x69: {  	s18 =	sshrl.u32 s1, $0x3;
	s17 =	sor.u32 $0x1C01, s17;
	s19 =	rddreg [dreg:$0x4]  }
0x6a: {  	[hbm:s19], [sflag:s17] =	dma.local [spmem:s18], $0x400  }
0x6b: {  	_ =	swait.ge [sflag:s0], $0x400  }
0x6c: {  	[sflag:s0] =	ssyncset.done $0x0  }
0x6d: {  	s19 =	sshrl.u32 s2, $0x3;
	[sflag:s0] =	ssyncadd.s32 $0xFFFFFC00  }
0x6e: {  	[hbm:s23], [sflag:s17] =	dma.local [spmem:s19], $0x80  }
0x6f: {  	_ =	swait.ge [sflag:s0], $0x80  }
0x70: {  	[sflag:s0] =	ssyncset.done $0x0  }
0x71: {  	s18 =	sshrl.u32 s3, $0x3;
	s19 =	rddreg [dreg:$0x5];
	[sflag:s0] =	ssyncadd.s32 $0xFFFFFF80  }
0x72: {  	[hbm:s19], [sflag:s17] =	dma.local [spmem:s18], $0x400  }
0x73: {  	_ =	swait.ge [sflag:s0], $0x400  }
0x74: {  	[sflag:s0] =	ssyncset.done $0x0  }
0x75: {  	s19 =	sshrl.u32 s4, $0x3;
	[sflag:s0] =	ssyncadd.s32 $0xFFFFFC00  }
0x76: {  	[hbm:s24], [sflag:s17] =	dma.local [spmem:s19], $0x80  }
0x77: {  	_ =	swait.ge [sflag:s0], $0x80  }
0x78: {  	[sflag:s0] =	ssyncset.done $0x0  }
0x79: {  	s18 =	sshrl.u32 s5, $0x3;
	s19 =	rddreg [dreg:$0x6];
	[sflag:s0] =	ssyncadd.s32 $0xFFFFFF80  }
0x7a: {  	[hbm:s19], [sflag:s17] =	dma.local [spmem:s18], $0x400  }
0x7b: {  	_ =	swait.ge [sflag:s0], $0x400  }
0x7c: {  	[sflag:s0] =	ssyncset.done $0x0  }
0x7d: {  	s19 =	sshrl.u32 s6, $0x3;
	[sflag:s0] =	ssyncadd.s32 $0xFFFFFC00  }
0x7e: {  	[hbm:s25], [sflag:s17] =	dma.local [spmem:s19], $0x80  }
0x7f: {  	_ =	swait.ge [sflag:s0], $0x80  }
0x80: {  	[sflag:s0] =	ssyncset.done $0x0  }
0x81: {  	s18 =	sshrl.u32 s7, $0x3;
	s19 =	rddreg [dreg:$0x7];
	[sflag:s0] =	ssyncadd.s32 $0xFFFFFF80  }
0x82: {  	[hbm:s19], [sflag:s17] =	dma.local [spmem:s18], $0x400  }
0x83: {  	_ =	swait.ge [sflag:s0], $0x400  }
0x84: {  	[sflag:s0] =	ssyncset.done $0x0  }
0x85: {  	s19 =	sshrl.u32 s11, $0x3;
	[sflag:s0] =	ssyncadd.s32 $0xFFFFFC00  }
0x86: {  	[hbm:s28], [sflag:s17] =	dma.local [spmem:s19], $0x80  }
0x87: {  	_ =	swait.ge [sflag:s0], $0x80  }
0x88: {  	[sflag:s0] =	ssyncset.done $0x0  }
0x89: {  	s18 =	sshrl.u32 s8, $0x3;
	s19 =	rddreg [dreg:$0x8];
	[sflag:s0] =	ssyncadd.s32 $0xFFFFFF80  }
0x8a: {  	[hbm:s19], [sflag:s17] =	dma.local [spmem:s18], $0x400  }
0x8b: {  	_ =	swait.ge [sflag:s0], $0x400  }
0x8c: {  	[sflag:s0] =	ssyncset.done $0x0  }
0x8d: {  	s19 =	sshrl.u32 s13, $0x3;
	[sflag:s0] =	ssyncadd.s32 $0xFFFFFC00  }
0x8e: {  	[hbm:s29], [sflag:s17] =	dma.local [spmem:s19], $0x80  }
0x8f: {  	_ =	swait.ge [sflag:s0], $0x80  }
0x90: {  	[sflag:s0] =	ssyncset.done $0x0  }
0x91: {  	s19 =	sshrl.u32 s9, $0x3;
	[sflag:s0] =	ssyncadd.s32 $0xFFFFFF80  }
0x92: {  	[hbm:s20], [sflag:s17] =	dma.local [spmem:s19], $0x400  }
0x93: {  	_ =	swait.ge [sflag:s0], $0x400  }
0x94: {  	[sflag:s0] =	ssyncset.done $0x0  }
0x95: {  	s19 =	sshrl.u32 s14, $0x3;
	[sflag:s0] =	ssyncadd.s32 $0xFFFFFC00  }
0x96: {  	[hbm:s30], [sflag:s17] =	dma.local [spmem:s19], $0x80  }
0x97: {  	_ =	swait.ge [sflag:s0], $0x80  }
0x98: {  	[sflag:s0] =	ssyncset.done $0x0  }
0x99: {  	s19 =	sshrl.u32 s10, $0x3;
	[sflag:s0] =	ssyncadd.s32 $0xFFFFFF80  }
0x9a: {  	[hbm:s22], [sflag:s17] =	dma.local [spmem:s19], $0x100  }
0x9b: {  	s16 =	sadd.s32 $0x1, s16;
	_ =	swait.ge [sflag:s0], $0x100  }
0x9c: {  	p0 =	sne.s32 s16, s26;
	[sflag:s0] =	ssyncset.done $0x0  }
.Ltmp2:
0x9d: {  	s19 =	sshrl.u32 s15, $0x3;
	[sflag:s0] =	ssyncadd.s32 $0xFFFFFF00;
	(pc) =	sbr.rel @p0 .LBB2_1-.Ltmp2, $4  }
0x9e: {  	[hbm:s31], [sflag:s17] =	dma.local [spmem:s19], $0x20  }
0x9f: {  	_ =	swait.ge [sflag:s0], $0x20  }
0xa0: {  	[sflag:s0] =	ssyncset.done $0x0  }
0xa1: {  	[sflag:s0] =	ssyncadd.s32 $0xFFFFFFE0  }
0xa2: {  	_ =	sfence.sel $0x180000  }
0xa3: {  	[bflag:$0x0] =	sbarrier.arrive $0xFFFF  }
0xa4: {  	_ =	strace $0x9000004D  }
0xa5: {  	s0 =	stileid.u32;
	[bflag:$0x2] =	sbarrier.arrive $0xFFFF  }
0xa6: {  	p0 =	sne.s32 s0, $0x0;
	s0 =	rddreg [dreg:$0x3]  }
0xa7: {  	s0 =	sadd.s32 @!p0 $0x100000, s0  }
0xa8: {  	[sflag:s0] =	ssyncadd.tile.s32 @!p0 $0x1;
	_ =	shalt  }
.Lfunc_end2:
_tile_overlayer_lowered:
.L_overlay_start_2:
0xa9: {  	(tag) =	ssettag $0x2  }
0xaa: {  	s0 =	rddreg [dreg:$0x0];
	s2 =	stileid.u32  }
0xab: {  	s1 =	rddreg [dreg:$0x1];
	p0 =	sne.s32 s2, $0x0  }
0xac: {  	s3 =	rddreg [dreg:$0x2];
	[bflag:$0x3] =	sbarrier.arrive $0xFFFF;
	s2 =	simm.s32 @!p0 $0x1C01  }
0xad: {  	[timem:s3], [sflag:s2] =	dma.local @!p0 [hbm:s0], s1  }
0xae: {  	s0 =	simm.s32 @!p0 $0x1  }
0xaf: {  	_ =	swait.ge @!p0 [sflag:s0], s1  }
0xb0: {  	s1 =	ssub.s32 @!p0 $0x0, s1;
	[sflag:s0] =	ssyncset.done @!p0 $0x0  }
0xb1: {  	[sflag:s0] =	ssyncadd.s32 @!p0 s1  }
0xb2: {  	[bflag:$0x3] =	sbarrier.arrive $0xFFFF  }
0xb3: {  	_ =	shalt  }

// kernel: kernel.19.cloned.1.call-start
scs
__scs_entry_jumppad:
0x0: {  	(pc) =	sbr.rel $0x88, $3  }
0x1: {  	(tag) =	ssettag $0x0;
	lr =	simm.s32 $0x1  }
0x2: {  	[smem:$0x3F85] =	sst lr;
	_ =	strace $0xD0000000  }
0x3: {  	_ = 	snop  }
0x4: {  	_ = 	snop  }
0x5: {  	_ = 	snop  }
0x6: {  	_ = 	snop  }
0x7: {  	_ = 	snop  }
__scs_overlays_trampoline_lowered:
0x8: {  	[smem:$0x3F94] =	sst s0  }
0x9: {  	[smem:$0x3F95] =	sst s1  }
0xa: {  	[smem:$0x3F96] =	sst s2  }
0xb: {  	[smem:$0x3F97] =	sst s3  }
0xc: {  	[smem:$0x3F98] =	sst s4  }
0xd: {  	[smem:$0x3F99] =	sst s5  }
0xe: {  	[smem:$0x3F9A] =	sst s6  }
0xf: {  	[smem:$0x3F9B] =	sst s7  }
0x10: {  	[smem:$0x3F9C] =	sst s8  }
0x11: {  	[smem:$0x3F9D] =	sst s9;
	s0 =	simm.s32 @!p0 $0x0  }
0x12: {  	s1 =	sld [smem:$0x3F83];
	s0 =	simm.s32 @p0 $0x1  }
0x13: {  	[smem:$0x3F9E] =	sst s0;
	s0 =	simm.s32 @!p1 $0x0  }
0x14: {  	s2 =	sld [smem:$0x3F82];
	s0 =	simm.s32 @p1 $0x1  }
0x15: {  	[smem:$0x3F9F] =	sst s0;
	s0 =	simm.s32 @!p2 $0x0  }
0x16: {  	s3 =	sld [smem:$0x3FDB];
	s0 =	simm.s32 @p2 $0x1  }
0x17: {  	s4 =	simm.s32 $0x1BF5;
	[smem:$0x3FA1] =	sst s0  }
0x18: {  	s0 =	sld [smem:$0x3F84];
	_ =	swait.ge [sflag:s4], $0x0  }
0x19: {  	s7 =	sld [smem:$0x3F85]  }
0x1a: {  	s8 =	sadd.s32 $0xFFFFE003, lr  }
0x1b: {  	s9 =	sadd.s32 $0xFFFFFEF7, lr;
	s5 =	simm.s32 $0xFFFFFFFF;
	p2 =	slt.u32 s8, $0xFFFFF086  }
0x1c: {  	p1 =	slt.u32 s9, $0xF7A;
	s5 =	simm.s32 @!p2 $0x0  }
0x1d: {  	s5 =	simm.s32 @p1 $0x1;
	p0 =	seq.s32 s7, s2  }
0x1e: {  	s7 =	smul.u32 @!p0 $0xF7A, s2;
	p2 =	seq.s32 @!p0 s5, $0x0  }
0x1f: {  	s9 =	smul.u32 $0xF7A, s1;
	s8 =	simm.s32 @!p0 $0x1BF5;
	p2 =	por !p2, p0  }
0x20: {  	[sflag:s8] =	ssyncset.s32 @!p0 $0xFFFFF086;
	s6 =	sadd.s32 @!p0 s3, s7;
	s7 =	simm.s32 @!p0 $0x108  }
0x21: {  	s3 =	sadd.s32 s3, s9;
	s6 =	sadd.s32 @!p0 $0x88, s6;
	s7 =	simm.s32 @p2 $0x1082  }
0x22: {  	[simem:s7], [sflag:s8] =	dma.local @!p0 [hbm:s6], $0xF7A  }
0x23: {  	s9 =	sor.u32 $0xD0000000, s2;
	s6 =	simm.s32 $0x108;
	_ =	swait.ge @!p0 [sflag:s8], $0x0  }
0x24: {  	s3 =	sadd.s32 $0x88, s3;
	s6 =	simm.s32 @!p1 $0x1082;
	[sflag:s4] =	ssyncset.s32 $0xFFFFF086  }
0x25: {  	[simem:s6], [sflag:s4] =	dma.local [hbm:s3], $0xF7A  }
0x26: {  	[smem:$0x3F85] =	sst s1;
	(tag) =	ssettag s2;
	_ =	strace s9  }
0x27: {  	s1 =	sld [smem:$0x3F95]  }
0x28: {  	s2 =	sld [smem:$0x3F96]  }
0x29: {  	s4 =	sld [smem:$0x3F98]  }
0x2a: {  	p0 =	seq.s32 s5, $0x0;
	s5 =	sld [smem:$0x3F99]  }
0x2b: {  	s6 =	sld [smem:$0x3F9A]  }
0x2c: {  	s7 =	sld [smem:$0x3F9B]  }
0x2d: {  	s3 =	simm.s32 $0x108;
	s8 =	sld [smem:$0x3F9C]  }
0x2e: {  	s3 =	simm.s32 @!p0 $0x1082;
	s9 =	sld [smem:$0x3F9D]  }
0x2f: {  	lr =	sadd.s32 s0, s3;
	s0 =	sld [smem:$0x3F94]  }
0x30: {  	s3 =	sld [smem:$0x3F97]  }
0x31: {  	[smem:$0x3FA0] =	sst s10  }
0x32: {  	s10 =	sld [smem:$0x3F9E];
	_ =	sdelay $0x3  }
0x33: {  	p0 =	seq.s32 s10, $0x1;
	s10 =	sld [smem:$0x3FA0];
	_ =	sdelay $0x3  }
0x34: {  	[smem:$0x3FA0] =	sst s10  }
0x35: {  	s10 =	sld [smem:$0x3F9F];
	_ =	sdelay $0x3  }
0x36: {  	p1 =	seq.s32 s10, $0x1;
	s10 =	sld [smem:$0x3FA0];
	_ =	sdelay $0x3  }
0x37: {  	[smem:$0x3FA0] =	sst s10  }
0x38: {  	s10 =	sld [smem:$0x3FA1]  }
0x39: {  	_ = 	snop;
	(pc) =	sbr.ind lr, $3  }
0x3a: {  	_ = 	snop  }
0x3b: {  	_ = 	snop  }
0x3c: {  	p2 =	seq.s32 s10, $0x1;
	s10 =	sld [smem:$0x3FA0]  }
0x3d: {  	_ =	shalt  }
0x3e: {  	_ =	shalt  }
0x3f: {  	_ =	shalt  }
0x40: {  	_ =	shalt  }
0x41: {  	_ =	shalt  }
0x42: {  	_ =	shalt  }
0x43: {  	_ =	shalt  }
0x44: {  	_ =	shalt  }
0x45: {  	_ =	shalt  }
0x46: {  	_ =	shalt  }
0x47: {  	_ =	shalt  }
0x48: {  	_ =	shalt  }
0x49: {  	_ =	shalt  }
0x4a: {  	_ =	shalt  }
0x4b: {  	_ =	shalt  }
0x4c: {  	_ =	shalt  }
0x4d: {  	_ =	shalt  }
0x4e: {  	_ =	shalt  }
0x4f: {  	_ =	shalt  }
0x50: {  	_ =	shalt  }
0x51: {  	_ =	shalt  }
0x52: {  	_ =	shalt  }
0x53: {  	_ =	shalt  }
0x54: {  	_ =	shalt  }
0x55: {  	_ =	shalt  }
0x56: {  	_ =	shalt  }
0x57: {  	_ =	shalt  }
0x58: {  	_ =	shalt  }
0x59: {  	_ =	shalt  }
0x5a: {  	_ =	shalt  }
0x5b: {  	_ =	shalt  }
0x5c: {  	_ =	shalt  }
0x5d: {  	_ =	shalt  }
0x5e: {  	_ =	shalt  }
0x5f: {  	_ =	shalt  }
0x60: {  	_ =	shalt  }
0x61: {  	_ =	shalt  }
0x62: {  	_ =	shalt  }
0x63: {  	_ =	shalt  }
0x64: {  	_ =	shalt  }
0x65: {  	_ =	shalt  }
0x66: {  	_ =	shalt  }
0x67: {  	_ =	shalt  }
0x68: {  	_ =	shalt  }
0x69: {  	_ =	shalt  }
0x6a: {  	_ =	shalt  }
0x6b: {  	_ =	shalt  }
0x6c: {  	_ =	shalt  }
0x6d: {  	_ =	shalt  }
0x6e: {  	_ =	shalt  }
0x6f: {  	_ =	shalt  }
0x70: {  	_ =	shalt  }
0x71: {  	_ =	shalt  }
0x72: {  	_ =	shalt  }
0x73: {  	_ =	shalt  }
0x74: {  	_ =	shalt  }
0x75: {  	_ =	shalt  }
0x76: {  	_ =	shalt  }
0x77: {  	_ =	shalt  }
0x78: {  	_ =	shalt  }
0x79: {  	_ =	shalt  }
0x7a: {  	_ =	shalt  }
0x7b: {  	_ =	shalt  }
0x7c: {  	_ =	shalt  }
0x7d: {  	_ =	shalt  }
0x7e: {  	_ =	shalt  }
0x7f: {  	_ =	shalt  }
0x80: {  	_ =	shalt  }
0x81: {  	_ =	shalt  }
0x82: {  	_ =	shalt  }
0x83: {  	_ =	shalt  }
0x84: {  	_ =	shalt  }
0x85: {  	_ =	shalt  }
0x86: {  	_ =	shalt  }
0x87: {  	_ =	shalt  }
.Lfunc_end0:
.L_simem_size_0:
called_computation.2_lowered:
.L_overlay_start_0:
0x88: {  	s2 =	sld [smem:$0x3FD9]  }
0x89: {  	s3 =	sld [smem:$0x3FFE];
	_ =	sdelay $0x1  }
0x8a: {  	s1 =	srdreg.scid  }
0x8b: {  	s0 =	sand.u32 $0x1, s1  }
0x8c: {  	s17 =	sshll.u32 s0, $0xA;
	s2 =	sadd.s32 s3, s2  }
0x8d: {  	s2 =	sadd.s32 s2, s17  }
0x8e: {  	[smem:$0x3FAC] =	sst s2  }
0x8f: {  	_ = 	snop  }
0x90: {  	(tm) =	ssettm $0x1  }
0x91: {  	s18 =	sld [smem:$0x3FFB];
	_ =	sdelay $0x3  }
0x92: {  	_ =	strace s18  }
0x93: {  	s2 =	sld [smem:$0x3FFC];
	_ =	sdelay $0x3  }
0x94: {  	_ =	strace s2  }
0x95: {  	s2 =	sld [smem:$0x3FFD];
	_ =	sdelay $0x3  }
0x96: {  	_ =	strace s2  }
0x97: {  	_ =	strace $0x8FFFFFFF  }
0x98: {  	s19 =	sld [smem:$0x3FDB];
	_ =	sdelay $0x1  }
0x99: {  	s20 =	simm.s32 $_scs_section_size  }
0x9a: {  	s4 =	simm.s32 $_size__tile_overlayer_lowered;
	s5 =	simm.s32 $_tile_overlayer_lowered  }
0x9b: {  	s6 =	simm.s32 $0x1BFF;
	s21 =	sshll.u32 s5, $0x1;
	s3 =	sadd.s32 s20, s19  }
0x9c: {  	s22 =	simm.s32 $0x0;
	s4 =	sshll.u32 s4, $0x1;
	s5 =	sadd.s32 s21, s3  }
0x9d: {  	[timem:s22], [sflag:s6] =	dma.local [hbm:s5], s4  }
0x9e: {  	_ =	swait.ge [sflag:s6], s4  }
0x9f: {  	s4 =	ssub.s32 $0x0, s4;
	[sflag:s6] =	ssyncset.done $0x0  }
0xa0: {  	[sflag:s6] =	ssyncadd.s32 s4;
	_ =	sdelay $0x1  }
0xa1: {  	s23 =	simm.s32 $0x1B8B  }
0xa2: {  	_ =	swait.ge [sflag:s23], $0x1  }
0xa3: {  	[sflag:s23] =	ssyncset.done $0x0  }
0xa4: {  	[sflag:s23] =	ssyncadd.s32 $0xFFFFFFFF  }
0xa5: {  	s4 =	sld [smem:$0x0]  }
0xa6: {  	s5 =	sand.u32 $0xFFFFFFFE, s1  }
0xa7: {  	p0 =	sne.s32 s1, s5  }
0xa8: {  	s5 =	sshll.u32 @p0 s5, $0xE  }
0xa9: {  	s5 =	sadd.s32 @p0 $0x11B8D, s5;
	s6 =	sshll.u32 @p0 s4, $0x11  }
0xaa: {  	s5 =	sor.u32 @p0 s6, s5  }
0xab: {  	[sflag:s5] =	ssyncadd.remote.s32 @p0 $0x1;
	_ =	sdelay $0x1  }
0xac: {  	s5 =	simm.s32 @p0 $0x1B8D  }
0xad: {  	_ =	swait.eq @p0 [sflag:s5], $0x1  }
0xae: {  	[sflag:s5] =	ssyncadd.s32 @p0 $0xFFFFFFFF  }
0xaf: {  	s6 =	sshll.u32 @!p0 s1, $0xE  }
0xb0: {  	s6 =	sor.u32 @!p0 $0x4000, s6;
	s5 =	simm.s32 @!p0 $0x1B8D  }
0xb1: {  	s4 =	sshll.u32 @!p0 s4, $0x11;
	s6 =	sadd.s32 @!p0 $0x11B8D, s6;
	_ =	swait.eq @!p0 [sflag:s5], $0x1  }
0xb2: {  	s4 =	sor.u32 @!p0 s4, s6;
	[sflag:s5] =	ssyncadd.s32 @!p0 $0xFFFFFFFF  }
0xb3: {  	s25 =	simm.s32 $0x1B8E;
	s24 =	sld [smem:$0x3FFE];
	[sflag:s4] =	ssyncadd.remote.s32 @!p0 $0x1  }
0xb4: {  	s26 =	simm.s32 $execute0_lowered;
	[smem:$0x3FD2] =	sst s25  }
0xb5: {  	s5 =	sshll.u32 s26, $0x1;
	_ =	strace $0x8000004F;
	[dreg:$0x1] =	wrdreg $0xFFFFFFFF  }
0xb6: {  	s28 =	simm.s32 $_size_execute0_lowered;
	s3 =	sadd.s32 s3, s5;
	[dreg:$0x0] =	wrdreg $0x0  }
0xb7: {  	s5 =	sshll.u32 s28, $0x1;
	[dreg:$0x2] =	wrdreg s3  }
0xb8: {  	[dreg:$0x3] =	wrdreg s5  }
0xb9: {  	[dreg:$0x4] =	wrdreg $0xC0  }
0xba: {  	_ =	task [dreg:s22], $0x5FFFF  }
0xbb: {  	[dreg:$0x1] =	wrdreg $0xFFFFFFFF  }
0xbc: {  	[dreg:$0x0] =	wrdreg $0x60  }
0xbd: {  	[dreg:$0x2] =	wrdreg s24  }
0xbe: {  	[dreg:$0x3] =	wrdreg $0x24000  }
0xbf: {  	[dreg:$0x4] =	wrdreg $0xEC000  }
0xc0: {  	[dreg:$0x5] =	wrdreg $0xB  }
0xc1: {  	_ =	task.clear_ibuf [dreg:s22], $0x6FFFF;
	_ =	strace $0x9000004F  }
0xc2: {  	s29 =	simm.s32 $0xB;
	_ =	strace $0x80000051  }
0xc3: {  	_ =	swait.ge [sflag:s29], $0x1  }
0xc4: {  	[sflag:s29] =	ssyncadd.s32 $0xFFFFFFFF  }
0xc5: {  	_ =	strace $0x90000051  }
0xc6: {  	_ =	sfence  }
0xc7: {  	s30 =	sld [smem:$0x0];
	_ =	sdelay $0x2  }
0xc8: {  	s31 =	sshll.u32 s1, $0xD;
	s1 =	sshrl.u32 s1, $0x2  }
0xc9: {  	s4 =	sand.u32 $0x4000, s31;
	s1 =	sadd.s32 s1, s30  }
0xca: {  	s0 =	sor.u32 s4, s0;
	s1 =	sshll.u32 s1, $0x11  }
0xcb: {  	s0 =	sor.u32 s1, s0  }
0xcc: {  	s0 =	sadd.s32 $0x8F2B, s0  }
0xcd: {  	[sflag:s0] =	ssyncadd.remote.s32 $0x1  }
0xce: {  	_ =	sfence.sel $0xFFFF  }
0xcf: {  	[dreg:$0x0] =	wrdreg $0xFFFFFFFF;
	(pc) =	sbr.abs _section_cstart, $3  }
0xd0: {  	[dreg:$0x1] =	wrdreg $0xFFFFFFFF  }
0xd1: {  	_ =	task.clear_ibuf [dreg:s22], $0x2FFFF;
	_ =	strace $0x9FFFFFFF  }
0xd2: {  	(tm) =	ssettm $0x7FFFFFFF  }
0xd3: {  	_ =	shalt  }
tec
execute0_lowered:
.L_overlay_start_1:
0x0: {  	(tag) =	ssettag $0x1  }
0x1: {  	s12 =	rddreg [dreg:$0x0];
	s0 =	srdreg.scid  }
0x2: {  	s1 =	stileid.u32;
	s10 =	rddreg [dreg:$0x1]  }
0x3: {  	s15 =	rddreg [dreg:$0x2];
	s13 =	sand.u32 $0x1, s0;
	s16 =	smul.u32 $0x1900, s1  }
0x4: {  	s11 =	smul.u32 $0xC800, s1;
	s14 =	sadd.s32 $0x78800, s12;
	s0 =	ssub.s32 $0x2, s13  }
0x5: {  	s12 =	sadd.s32 $0xAA800, s12;
	s22 =	smul.u32 $0xC8000, s13;
	s24 =	sshrl.u32 s0, $0x1  }
0x6: {  	s17 =	sadd.s32 $0x400, s16;
	s1 =	sadd.s32 s11, s10;
	s2 =	sadd.s32 s16, s15  }
0x7: {  	s18 =	sadd.s32 $0x800, s16;
	s19 =	sadd.s32 $0xC00, s16;
	s20 =	sadd.s32 $0x1000, s16  }
0x8: {  	s21 =	sadd.s32 $0x1400, s16;
	s23 =	sadd.s32 $0x1800, s16;
	s0 =	ssub.s32 s0, s24  }
0x9: {  	s3 =	sshll.u32 s17, $0x3;
	s5 =	sshll.u32 s18, $0x3;
	s7 =	sshll.u32 s19, $0x3  }
0xa: {  	s8 =	sshll.u32 s20, $0x3;
	s9 =	sshll.u32 s21, $0x3;
	s24 =	sshll.u32 s23, $0x3  }
0xb: {  	s25 =	sadd.s32 s11, s22;
	s22 =	sshrl.u32 s22, $0x3;
	s3 =	sadd.s32 s3, s10  }
0xc: {  	s5 =	sadd.s32 s5, s10;
	s7 =	sadd.s32 s7, s10;
	s8 =	sadd.s32 s8, s10  }
0xd: {  	s9 =	sadd.s32 s9, s10;
	s10 =	sadd.s32 s24, s10;
	s24 =	sshrl.u32 s25, $0x3  }
0xe: {  	s4 =	sadd.s32 s17, s15;
	s22 =	sadd.s32 s14, s22;
	s24 =	sadd.s32 s14, s24  }
0xf: {  	s6 =	sadd.s32 s18, s15;
	s25 =	sadd.s32 s17, s22;
	[dreg:$0x4] =	wrdreg s24  }
0x10: {  	s11 =	sadd.s32 s19, s15;
	s26 =	sadd.s32 s18, s22;
	[dreg:$0x5] =	wrdreg s25  }
0x11: {  	s14 =	sadd.s32 s21, s15;
	[dreg:$0x6] =	wrdreg s26;
	s26 =	sadd.s32 s19, s22  }
0x12: {  	s24 =	smul.u32 $0x19000, s13;
	s25 =	sadd.s32 s20, s22;
	[dreg:$0x7] =	wrdreg s26  }
0x13: {  	s13 =	sadd.s32 s20, s15;
	s15 =	sadd.s32 s23, s15;
	[dreg:$0x8] =	wrdreg s25  }
0x14: {  	s16 =	sadd.s32 s16, s24;
	s17 =	sadd.s32 s24, s17;
	s18 =	sadd.s32 s24, s18  }
0x15: {  	s26 =	sadd.s32 s24, s19;
	s28 =	sadd.s32 s24, s20;
	s20 =	sadd.s32 s21, s22  }
0x16: {  	s30 =	sadd.s32 s24, s21;
	s21 =	simm.s32 $0x0;
	s22 =	sadd.s32 s23, s22  }
0x17: {  	s31 =	sadd.s32 s24, s23;
	[smem:$0x7FF] =	sst s21;
	s16 =	sshrl.u32 s16, $0x3  }
0x18: {  	s17 =	sshrl.u32 s17, $0x3;
	s25 =	sshrl.u32 s18, $0x3;
	s18 =	sshrl.u32 s28, $0x3  }
0x19: {  	s19 =	sshrl.u32 s30, $0x3;
	s23 =	sadd.s32 s12, s16;
	s24 =	sadd.s32 s12, s17  }
0x1a: {  	s25 =	sadd.s32 s12, s25;
	s17 =	sshrl.u32 s26, $0x3;
	s29 =	sadd.s32 s12, s18  }
0x1b: {  	v1 =	vlaneseq.u32;
	s30 =	sadd.s32 s12, s19;
	s26 =	sshrl.u32 s31, $0x3;
	_ =	strace $0x80000050  }
0x1c: {  	v0 =	vshrl.u32 v1, $0x3;
	s16 =	simm.s32 $0x0;
	s28 =	sadd.s32 s12, s17;
	s31 =	sadd.s32 s12, s26  }
0x1d: {  	v2 =	vimm.f32 $0.0e+00;
	v1 =	vand.u32 $0x7, v1;
	v0 =	vmul.u32 $0x8, v0;
	s26 =	smax.u32 s0, $0x1;
	s0 =	simm.s32 $0x1;
	s12 =	simm.s32 $0x2000  }
.LBB2_1:
0x1e: {  	v3 =	vmov s21  }
0x1f: {  	v3 =	vshll.u32 v3, $0x3  }
0x20: {  	v3 =	vor.u32 v0, v3  }
0x21: {  	s17 =	simm.s32 $0x2;
	v3 =	vor.u32 v1, v3  }
.LBB2_2:
0x22: {  	p0 =	sne.s32 s17, $0x3FE  }
.Ltmp0:
0x23: {  	_ = 	snop;
	(pc) =	sbr.rel @p0 .LBB2_2-.Ltmp0, $4  }
0x24: {  	v4 =	vmov s17  }
0x25: {  	v4 =	vshll.u32 v4, $0x3  }
0x26: {  	s18 =	simm.s32 $0x0;
	v4 =	vor.u32 v0, v4  }
0x27: {  	s17 =	sadd.s32 $0x2, s17;
	[tilespmem:v3+s18+$0x0] =	vst.idx.msk $0xffff, v2;
	v3 =	vor.u32 v1, v4  }
0x28: {  	_ =	sdelay $0x3  }
0x29: {  	[tilespmem:v3+s18+$0x0] =	vst.idx.msk $0xffff, v2;
	s17 =	simm.s32 $0x40;
	s18 =	simm.s32 $0x0  }
.LBB2_4:
0x2a: {  	p0 =	sne.s32 s17, $0xFC0;
	[tilespmem:s18+$0x2000] =	vst v2;
	s18 =	smov.u32 s17;
	s17 =	sadd.s32 $0x40, s17  }
.Ltmp1:
0x2b: {  	(pc) =	sbr.rel @p0 .LBB2_4-.Ltmp1, $2  }
0x2c: {  	_ =	sdelay $0x2  }
0x2d: {  	s18 =	sshra.s32 s18, $0x2  }
0x2e: {  	[tilespmem:s18+$0x2000] =	vst v2  }
0x2f: {  	[spmem:s1] =	stream.linear.scatter [tilespmem:s21], [sflag:$0x1], $0x2000, $0x38;
	[tilespmem:$0x10500] =	vst v63  }
0x30: {  	_ =	swait.ge [sflag:s0], $0x2000  }
0x31: {  	[sflag:s0] =	ssyncset.done $0x0  }
0x32: {  	[sflag:s0] =	ssyncadd.s32 $0xFFFFE000  }
0x33: {  	[spmem:s2] =	stream.linear.scatter [tilespmem:s12], [sflag:$0x1], $0x400, $0x38;
	[tilespmem:$0x10500] =	vst v63  }
0x34: {  	_ =	swait.ge [sflag:s0], $0x400  }
0x35: {  	[sflag:s0] =	ssyncset.done $0x0  }
0x36: {  	[sflag:s0] =	ssyncadd.s32 $0xFFFFFC00  }
0x37: {  	[spmem:s3] =	stream.linear.scatter [tilespmem:s21], [sflag:$0x1], $0x2000, $0x38;
	[tilespmem:$0x10500] =	vst v63  }
0x38: {  	_ =	swait.ge [sflag:s0], $0x2000  }
0x39: {  	[sflag:s0] =	ssyncset.done $0x0  }
0x3a: {  	[sflag:s0] =	ssyncadd.s32 $0xFFFFE000  }
0x3b: {  	[spmem:s4] =	stream.linear.scatter [tilespmem:s12], [sflag:$0x1], $0x400, $0x38;
	[tilespmem:$0x10500] =	vst v63  }
0x3c: {  	_ =	swait.ge [sflag:s0], $0x400  }
0x3d: {  	[sflag:s0] =	ssyncset.done $0x0  }
0x3e: {  	[sflag:s0] =	ssyncadd.s32 $0xFFFFFC00  }
0x3f: {  	[spmem:s5] =	stream.linear.scatter [tilespmem:s21], [sflag:$0x1], $0x2000, $0x38;
	[tilespmem:$0x10500] =	vst v63  }
0x40: {  	_ =	swait.ge [sflag:s0], $0x2000  }
0x41: {  	[sflag:s0] =	ssyncset.done $0x0  }
0x42: {  	[sflag:s0] =	ssyncadd.s32 $0xFFFFE000  }
0x43: {  	[spmem:s6] =	stream.linear.scatter [tilespmem:s12], [sflag:$0x1], $0x400, $0x38;
	[tilespmem:$0x10500] =	vst v63  }
0x44: {  	_ =	swait.ge [sflag:s0], $0x400  }
0x45: {  	[sflag:s0] =	ssyncset.done $0x0  }
0x46: {  	[sflag:s0] =	ssyncadd.s32 $0xFFFFFC00  }
0x47: {  	[spmem:s7] =	stream.linear.scatter [tilespmem:s21], [sflag:$0x1], $0x2000, $0x38;
	[tilespmem:$0x10500] =	vst v63  }
0x48: {  	_ =	swait.ge [sflag:s0], $0x2000  }
0x49: {  	[sflag:s0] =	ssyncset.done $0x0  }
0x4a: {  	[sflag:s0] =	ssyncadd.s32 $0xFFFFE000  }
0x4b: {  	[spmem:s11] =	stream.linear.scatter [tilespmem:s12], [sflag:$0x1], $0x400, $0x38;
	[tilespmem:$0x10500] =	vst v63  }
0x4c: {  	_ =	swait.ge [sflag:s0], $0x400  }
0x4d: {  	[sflag:s0] =	ssyncset.done $0x0  }
0x4e: {  	[sflag:s0] =	ssyncadd.s32 $0xFFFFFC00  }
0x4f: {  	[spmem:s8] =	stream.linear.scatter [tilespmem:s21], [sflag:$0x1], $0x2000, $0x38;
	[tilespmem:$0x10500] =	vst v63  }
0x50: {  	_ =	swait.ge [sflag:s0], $0x2000  }
0x51: {  	[sflag:s0] =	ssyncset.done $0x0  }
0x52: {  	[sflag:s0] =	ssyncadd.s32 $0xFFFFE000  }
0x53: {  	[spmem:s13] =	stream.linear.scatter [tilespmem:s12], [sflag:$0x1], $0x400, $0x38;
	[tilespmem:$0x10500] =	vst v63  }
0x54: {  	_ =	swait.ge [sflag:s0], $0x400  }
0x55: {  	[sflag:s0] =	ssyncset.done $0x0  }
0x56: {  	[sflag:s0] =	ssyncadd.s32 $0xFFFFFC00  }
0x57: {  	[spmem:s9] =	stream.linear.scatter [tilespmem:s21], [sflag:$0x1], $0x2000, $0x38;
	[tilespmem:$0x10500] =	vst v63  }
0x58: {  	_ =	swait.ge [sflag:s0], $0x2000  }
0x59: {  	[sflag:s0] =	ssyncset.done $0x0  }
0x5a: {  	[sflag:s0] =	ssyncadd.s32 $0xFFFFE000  }
0x5b: {  	[spmem:s14] =	stream.linear.scatter [tilespmem:s12], [sflag:$0x1], $0x400, $0x38;
	[tilespmem:$0x10500] =	vst v63  }
0x5c: {  	_ =	swait.ge [sflag:s0], $0x400  }
0x5d: {  	[sflag:s0] =	ssyncset.done $0x0  }
0x5e: {  	[sflag:s0] =	ssyncadd.s32 $0xFFFFFC00  }
0x5f: {  	[spmem:s10] =	stream.linear.scatter [tilespmem:s21], [sflag:$0x1], $0x800, $0x38;
	[tilespmem:$0x10500] =	vst v63  }
0x60: {  	_ =	swait.ge [sflag:s0], $0x800  }
0x61: {  	[sflag:s0] =	ssyncset.done $0x0  }
0x62: {  	[sflag:s0] =	ssyncadd.s32 $0xFFFFF800  }
0x63: {  	[spmem:s15] =	stream.linear.scatter [tilespmem:s12], [sflag:$0x1], $0x100, $0x38;
	[tilespmem:$0x10500] =	vst v63  }
0x64: {  	_ =	swait.ge [sflag:s0], $0x100  }
0x65: {  	[sflag:s0] =	ssyncset.done $0x0  }
0x66: {  	[sflag:s0] =	ssyncadd.s32 $0xFFFFFF00  }
0x67: {  	s17 =	stileid.u32;
	[bflag:$0x0] =	sbarrier.arrive $0xFFFF  }
0x68: {  	s17 =	sshll.u32 s17, $0x6;
	[bflag:$0x0] =	sbarrier.arrive $0xFFFF  }
0x69: {  	s18 =	sshrl.u32 s1, $0x3;
	s17 =	sor.u32 $0x1C01, s17;
	s19 =	rddreg [dreg:$0x4]  }
0x6a: {  	[hbm:s19], [sflag:s17] =	dma.local [spmem:s18], $0x400  }
0x6b: {  	_ =	swait.ge [sflag:s0], $0x400  }
0x6c: {  	[sflag:s0] =	ssyncset.done $0x0  }
0x6d: {  	s19 =	sshrl.u32 s2, $0x3;
	[sflag:s0] =	ssyncadd.s32 $0xFFFFFC00  }
0x6e: {  	[hbm:s23], [sflag:s17] =	dma.local [spmem:s19], $0x80  }
0x6f: {  	_ =	swait.ge [sflag:s0], $0x80  }
0x70: {  	[sflag:s0] =	ssyncset.done $0x0  }
0x71: {  	s18 =	sshrl.u32 s3, $0x3;
	s19 =	rddreg [dreg:$0x5];
	[sflag:s0] =	ssyncadd.s32 $0xFFFFFF80  }
0x72: {  	[hbm:s19], [sflag:s17] =	dma.local [spmem:s18], $0x400  }
0x73: {  	_ =	swait.ge [sflag:s0], $0x400  }
0x74: {  	[sflag:s0] =	ssyncset.done $0x0  }
0x75: {  	s19 =	sshrl.u32 s4, $0x3;
	[sflag:s0] =	ssyncadd.s32 $0xFFFFFC00  }
0x76: {  	[hbm:s24], [sflag:s17] =	dma.local [spmem:s19], $0x80  }
0x77: {  	_ =	swait.ge [sflag:s0], $0x80  }
0x78: {  	[sflag:s0] =	ssyncset.done $0x0  }
0x79: {  	s18 =	sshrl.u32 s5, $0x3;
	s19 =	rddreg [dreg:$0x6];
	[sflag:s0] =	ssyncadd.s32 $0xFFFFFF80  }
0x7a: {  	[hbm:s19], [sflag:s17] =	dma.local [spmem:s18], $0x400  }
0x7b: {  	_ =	swait.ge [sflag:s0], $0x400  }
0x7c: {  	[sflag:s0] =	ssyncset.done $0x0  }
0x7d: {  	s19 =	sshrl.u32 s6, $0x3;
	[sflag:s0] =	ssyncadd.s32 $0xFFFFFC00  }
0x7e: {  	[hbm:s25], [sflag:s17] =	dma.local [spmem:s19], $0x80  }
0x7f: {  	_ =	swait.ge [sflag:s0], $0x80  }
0x80: {  	[sflag:s0] =	ssyncset.done $0x0  }
0x81: {  	s18 =	sshrl.u32 s7, $0x3;
	s19 =	rddreg [dreg:$0x7];
	[sflag:s0] =	ssyncadd.s32 $0xFFFFFF80  }
0x82: {  	[hbm:s19], [sflag:s17] =	dma.local [spmem:s18], $0x400  }
0x83: {  	_ =	swait.ge [sflag:s0], $0x400  }
0x84: {  	[sflag:s0] =	ssyncset.done $0x0  }
0x85: {  	s19 =	sshrl.u32 s11, $0x3;
	[sflag:s0] =	ssyncadd.s32 $0xFFFFFC00  }
0x86: {  	[hbm:s28], [sflag:s17] =	dma.local [spmem:s19], $0x80  }
0x87: {  	_ =	swait.ge [sflag:s0], $0x80  }
0x88: {  	[sflag:s0] =	ssyncset.done $0x0  }
0x89: {  	s18 =	sshrl.u32 s8, $0x3;
	s19 =	rddreg [dreg:$0x8];
	[sflag:s0] =	ssyncadd.s32 $0xFFFFFF80  }
0x8a: {  	[hbm:s19], [sflag:s17] =	dma.local [spmem:s18], $0x400  }
0x8b: {  	_ =	swait.ge [sflag:s0], $0x400  }
0x8c: {  	[sflag:s0] =	ssyncset.done $0x0  }
0x8d: {  	s19 =	sshrl.u32 s13, $0x3;
	[sflag:s0] =	ssyncadd.s32 $0xFFFFFC00  }
0x8e: {  	[hbm:s29], [sflag:s17] =	dma.local [spmem:s19], $0x80  }
0x8f: {  	_ =	swait.ge [sflag:s0], $0x80  }
0x90: {  	[sflag:s0] =	ssyncset.done $0x0  }
0x91: {  	s19 =	sshrl.u32 s9, $0x3;
	[sflag:s0] =	ssyncadd.s32 $0xFFFFFF80  }
0x92: {  	[hbm:s20], [sflag:s17] =	dma.local [spmem:s19], $0x400  }
0x93: {  	_ =	swait.ge [sflag:s0], $0x400  }
0x94: {  	[sflag:s0] =	ssyncset.done $0x0  }
0x95: {  	s19 =	sshrl.u32 s14, $0x3;
	[sflag:s0] =	ssyncadd.s32 $0xFFFFFC00  }
0x96: {  	[hbm:s30], [sflag:s17] =	dma.local [spmem:s19], $0x80  }
0x97: {  	_ =	swait.ge [sflag:s0], $0x80  }
0x98: {  	[sflag:s0] =	ssyncset.done $0x0  }
0x99: {  	s19 =	sshrl.u32 s10, $0x3;
	[sflag:s0] =	ssyncadd.s32 $0xFFFFFF80  }
0x9a: {  	[hbm:s22], [sflag:s17] =	dma.local [spmem:s19], $0x100  }
0x9b: {  	s16 =	sadd.s32 $0x1, s16;
	_ =	swait.ge [sflag:s0], $0x100  }
0x9c: {  	p0 =	sne.s32 s16, s26;
	[sflag:s0] =	ssyncset.done $0x0  }
.Ltmp2:
0x9d: {  	s19 =	sshrl.u32 s15, $0x3;
	[sflag:s0] =	ssyncadd.s32 $0xFFFFFF00;
	(pc) =	sbr.rel @p0 .LBB2_1-.Ltmp2, $4  }
0x9e: {  	[hbm:s31], [sflag:s17] =	dma.local [spmem:s19], $0x20  }
0x9f: {  	_ =	swait.ge [sflag:s0], $0x20  }
0xa0: {  	[sflag:s0] =	ssyncset.done $0x0  }
0xa1: {  	[sflag:s0] =	ssyncadd.s32 $0xFFFFFFE0  }
0xa2: {  	_ =	sfence.sel $0x180000  }
0xa3: {  	[bflag:$0x0] =	sbarrier.arrive $0xFFFF  }
0xa4: {  	_ =	strace $0x90000050  }
0xa5: {  	s0 =	stileid.u32;
	[bflag:$0x2] =	sbarrier.arrive $0xFFFF  }
0xa6: {  	p0 =	sne.s32 s0, $0x0;
	s0 =	rddreg [dreg:$0x3]  }
0xa7: {  	s0 =	sadd.s32 @!p0 $0x100000, s0  }
0xa8: {  	[sflag:s0] =	ssyncadd.tile.s32 @!p0 $0x1;
	_ =	shalt  }
.Lfunc_end2:
_tile_overlayer_lowered:
.L_overlay_start_2:
0xa9: {  	(tag) =	ssettag $0x2  }
0xaa: {  	s0 =	rddreg [dreg:$0x0];
	s2 =	stileid.u32  }
0xab: {  	s1 =	rddreg [dreg:$0x1];
	p0 =	sne.s32 s2, $0x0  }
0xac: {  	s3 =	rddreg [dreg:$0x2];
	[bflag:$0x3] =	sbarrier.arrive $0xFFFF;
	s2 =	simm.s32 @!p0 $0x1C01  }
0xad: {  	[timem:s3], [sflag:s2] =	dma.local @!p0 [hbm:s0], s1  }
0xae: {  	s0 =	simm.s32 @!p0 $0x1  }
0xaf: {  	_ =	swait.ge @!p0 [sflag:s0], s1  }
0xb0: {  	s1 =	ssub.s32 @!p0 $0x0, s1;
	[sflag:s0] =	ssyncset.done @!p0 $0x0  }
0xb1: {  	[sflag:s0] =	ssyncadd.s32 @!p0 s1  }
0xb2: {  	[bflag:$0x3] =	sbarrier.arrive $0xFFFF  }
0xb3: {  	_ =	shalt  }

// kernel: kernel.22.cloned.1.call-start
scs
__scs_entry_jumppad:
0x0: {  	(pc) =	sbr.rel $0x88, $3  }
0x1: {  	(tag) =	ssettag $0x0;
	lr =	simm.s32 $0x1  }
0x2: {  	[smem:$0x3F85] =	sst lr;
	_ =	strace $0xD0000000  }
0x3: {  	_ = 	snop  }
0x4: {  	_ = 	snop  }
0x5: {  	_ = 	snop  }
0x6: {  	_ = 	snop  }
0x7: {  	_ = 	snop  }
__scs_overlays_trampoline_lowered:
0x8: {  	[smem:$0x3F94] =	sst s0  }
0x9: {  	[smem:$0x3F95] =	sst s1  }
0xa: {  	[smem:$0x3F96] =	sst s2  }
0xb: {  	[smem:$0x3F97] =	sst s3  }
0xc: {  	[smem:$0x3F98] =	sst s4  }
0xd: {  	[smem:$0x3F99] =	sst s5  }
0xe: {  	[smem:$0x3F9A] =	sst s6  }
0xf: {  	[smem:$0x3F9B] =	sst s7  }
0x10: {  	[smem:$0x3F9C] =	sst s8  }
0x11: {  	[smem:$0x3F9D] =	sst s9;
	s0 =	simm.s32 @!p0 $0x0  }
0x12: {  	s1 =	sld [smem:$0x3F83];
	s0 =	simm.s32 @p0 $0x1  }
0x13: {  	[smem:$0x3F9E] =	sst s0;
	s0 =	simm.s32 @!p1 $0x0  }
0x14: {  	s2 =	sld [smem:$0x3F82];
	s0 =	simm.s32 @p1 $0x1  }
0x15: {  	[smem:$0x3F9F] =	sst s0;
	s0 =	simm.s32 @!p2 $0x0  }
0x16: {  	s3 =	sld [smem:$0x3FDB];
	s0 =	simm.s32 @p2 $0x1  }
0x17: {  	s4 =	simm.s32 $0x1BF5;
	[smem:$0x3FA1] =	sst s0  }
0x18: {  	s0 =	sld [smem:$0x3F84];
	_ =	swait.ge [sflag:s4], $0x0  }
0x19: {  	s7 =	sld [smem:$0x3F85]  }
0x1a: {  	s8 =	sadd.s32 $0xFFFFE003, lr  }
0x1b: {  	s9 =	sadd.s32 $0xFFFFFEF7, lr;
	s5 =	simm.s32 $0xFFFFFFFF;
	p2 =	slt.u32 s8, $0xFFFFF086  }
0x1c: {  	p1 =	slt.u32 s9, $0xF7A;
	s5 =	simm.s32 @!p2 $0x0  }
0x1d: {  	s5 =	simm.s32 @p1 $0x1;
	p0 =	seq.s32 s7, s2  }
0x1e: {  	s7 =	smul.u32 @!p0 $0xF7A, s2;
	p2 =	seq.s32 @!p0 s5, $0x0  }
0x1f: {  	s9 =	smul.u32 $0xF7A, s1;
	s8 =	simm.s32 @!p0 $0x1BF5;
	p2 =	por !p2, p0  }
0x20: {  	[sflag:s8] =	ssyncset.s32 @!p0 $0xFFFFF086;
	s6 =	sadd.s32 @!p0 s3, s7;
	s7 =	simm.s32 @!p0 $0x108  }
0x21: {  	s3 =	sadd.s32 s3, s9;
	s6 =	sadd.s32 @!p0 $0x88, s6;
	s7 =	simm.s32 @p2 $0x1082  }
0x22: {  	[simem:s7], [sflag:s8] =	dma.local @!p0 [hbm:s6], $0xF7A  }
0x23: {  	s9 =	sor.u32 $0xD0000000, s2;
	s6 =	simm.s32 $0x108;
	_ =	swait.ge @!p0 [sflag:s8], $0x0  }
0x24: {  	s3 =	sadd.s32 $0x88, s3;
	s6 =	simm.s32 @!p1 $0x1082;
	[sflag:s4] =	ssyncset.s32 $0xFFFFF086  }
0x25: {  	[simem:s6], [sflag:s4] =	dma.local [hbm:s3], $0xF7A  }
0x26: {  	[smem:$0x3F85] =	sst s1;
	(tag) =	ssettag s2;
	_ =	strace s9  }
0x27: {  	s1 =	sld [smem:$0x3F95]  }
0x28: {  	s2 =	sld [smem:$0x3F96]  }
0x29: {  	s4 =	sld [smem:$0x3F98]  }
0x2a: {  	p0 =	seq.s32 s5, $0x0;
	s5 =	sld [smem:$0x3F99]  }
0x2b: {  	s6 =	sld [smem:$0x3F9A]  }
0x2c: {  	s7 =	sld [smem:$0x3F9B]  }
0x2d: {  	s3 =	simm.s32 $0x108;
	s8 =	sld [smem:$0x3F9C]  }
0x2e: {  	s3 =	simm.s32 @!p0 $0x1082;
	s9 =	sld [smem:$0x3F9D]  }
0x2f: {  	lr =	sadd.s32 s0, s3;
	s0 =	sld [smem:$0x3F94]  }
0x30: {  	s3 =	sld [smem:$0x3F97]  }
0x31: {  	[smem:$0x3FA0] =	sst s10  }
0x32: {  	s10 =	sld [smem:$0x3F9E];
	_ =	sdelay $0x3  }
0x33: {  	p0 =	seq.s32 s10, $0x1;
	s10 =	sld [smem:$0x3FA0];
	_ =	sdelay $0x3  }
0x34: {  	[smem:$0x3FA0] =	sst s10  }
0x35: {  	s10 =	sld [smem:$0x3F9F];
	_ =	sdelay $0x3  }
0x36: {  	p1 =	seq.s32 s10, $0x1;
	s10 =	sld [smem:$0x3FA0];
	_ =	sdelay $0x3  }
0x37: {  	[smem:$0x3FA0] =	sst s10  }
0x38: {  	s10 =	sld [smem:$0x3FA1]  }
0x39: {  	_ = 	snop;
	(pc) =	sbr.ind lr, $3  }
0x3a: {  	_ = 	snop  }
0x3b: {  	_ = 	snop  }
0x3c: {  	p2 =	seq.s32 s10, $0x1;
	s10 =	sld [smem:$0x3FA0]  }
0x3d: {  	_ =	shalt  }
0x3e: {  	_ =	shalt  }
0x3f: {  	_ =	shalt  }
0x40: {  	_ =	shalt  }
0x41: {  	_ =	shalt  }
0x42: {  	_ =	shalt  }
0x43: {  	_ =	shalt  }
0x44: {  	_ =	shalt  }
0x45: {  	_ =	shalt  }
0x46: {  	_ =	shalt  }
0x47: {  	_ =	shalt  }
0x48: {  	_ =	shalt  }
0x49: {  	_ =	shalt  }
0x4a: {  	_ =	shalt  }
0x4b: {  	_ =	shalt  }
0x4c: {  	_ =	shalt  }
0x4d: {  	_ =	shalt  }
0x4e: {  	_ =	shalt  }
0x4f: {  	_ =	shalt  }
0x50: {  	_ =	shalt  }
0x51: {  	_ =	shalt  }
0x52: {  	_ =	shalt  }
0x53: {  	_ =	shalt  }
0x54: {  	_ =	shalt  }
0x55: {  	_ =	shalt  }
0x56: {  	_ =	shalt  }
0x57: {  	_ =	shalt  }
0x58: {  	_ =	shalt  }
0x59: {  	_ =	shalt  }
0x5a: {  	_ =	shalt  }
0x5b: {  	_ =	shalt  }
0x5c: {  	_ =	shalt  }
0x5d: {  	_ =	shalt  }
0x5e: {  	_ =	shalt  }
0x5f: {  	_ =	shalt  }
0x60: {  	_ =	shalt  }
0x61: {  	_ =	shalt  }
0x62: {  	_ =	shalt  }
0x63: {  	_ =	shalt  }
0x64: {  	_ =	shalt  }
0x65: {  	_ =	shalt  }
0x66: {  	_ =	shalt  }
0x67: {  	_ =	shalt  }
0x68: {  	_ =	shalt  }
0x69: {  	_ =	shalt  }
0x6a: {  	_ =	shalt  }
0x6b: {  	_ =	shalt  }
0x6c: {  	_ =	shalt  }
0x6d: {  	_ =	shalt  }
0x6e: {  	_ =	shalt  }
0x6f: {  	_ =	shalt  }
0x70: {  	_ =	shalt  }
0x71: {  	_ =	shalt  }
0x72: {  	_ =	shalt  }
0x73: {  	_ =	shalt  }
0x74: {  	_ =	shalt  }
0x75: {  	_ =	shalt  }
0x76: {  	_ =	shalt  }
0x77: {  	_ =	shalt  }
0x78: {  	_ =	shalt  }
0x79: {  	_ =	shalt  }
0x7a: {  	_ =	shalt  }
0x7b: {  	_ =	shalt  }
0x7c: {  	_ =	shalt  }
0x7d: {  	_ =	shalt  }
0x7e: {  	_ =	shalt  }
0x7f: {  	_ =	shalt  }
0x80: {  	_ =	shalt  }
0x81: {  	_ =	shalt  }
0x82: {  	_ =	shalt  }
0x83: {  	_ =	shalt  }
0x84: {  	_ =	shalt  }
0x85: {  	_ =	shalt  }
0x86: {  	_ =	shalt  }
0x87: {  	_ =	shalt  }
.Lfunc_end0:
.L_simem_size_0:
called_computation.3_lowered:
.L_overlay_start_0:
0x88: {  	s2 =	sld [smem:$0x3FD9]  }
0x89: {  	s3 =	sld [smem:$0x3FFE];
	_ =	sdelay $0x1  }
0x8a: {  	s1 =	srdreg.scid  }
0x8b: {  	s0 =	sand.u32 $0x1, s1  }
0x8c: {  	s17 =	sshll.u32 s0, $0xA;
	s2 =	sadd.s32 s3, s2  }
0x8d: {  	s2 =	sadd.s32 s2, s17  }
0x8e: {  	[smem:$0x3FAC] =	sst s2  }
0x8f: {  	_ = 	snop  }
0x90: {  	(tm) =	ssettm $0x1  }
0x91: {  	s18 =	sld [smem:$0x3FFB];
	_ =	sdelay $0x3  }
0x92: {  	_ =	strace s18  }
0x93: {  	s2 =	sld [smem:$0x3FFC];
	_ =	sdelay $0x3  }
0x94: {  	_ =	strace s2  }
0x95: {  	s2 =	sld [smem:$0x3FFD];
	_ =	sdelay $0x3  }
0x96: {  	_ =	strace s2  }
0x97: {  	_ =	strace $0x8FFFFFFF  }
0x98: {  	s19 =	sld [smem:$0x3FDB];
	_ =	sdelay $0x1  }
0x99: {  	s20 =	simm.s32 $_scs_section_size  }
0x9a: {  	s4 =	simm.s32 $_size__tile_overlayer_lowered;
	s5 =	simm.s32 $_tile_overlayer_lowered  }
0x9b: {  	s6 =	simm.s32 $0x1BFF;
	s21 =	sshll.u32 s5, $0x1;
	s3 =	sadd.s32 s20, s19  }
0x9c: {  	s22 =	simm.s32 $0x0;
	s4 =	sshll.u32 s4, $0x1;
	s5 =	sadd.s32 s21, s3  }
0x9d: {  	[timem:s22], [sflag:s6] =	dma.local [hbm:s5], s4  }
0x9e: {  	_ =	swait.ge [sflag:s6], s4  }
0x9f: {  	s4 =	ssub.s32 $0x0, s4;
	[sflag:s6] =	ssyncset.done $0x0  }
0xa0: {  	[sflag:s6] =	ssyncadd.s32 s4;
	_ =	sdelay $0x1  }
0xa1: {  	s23 =	simm.s32 $0x1B8B  }
0xa2: {  	_ =	swait.ge [sflag:s23], $0x1  }
0xa3: {  	[sflag:s23] =	ssyncset.done $0x0  }
0xa4: {  	[sflag:s23] =	ssyncadd.s32 $0xFFFFFFFF  }
0xa5: {  	s4 =	sld [smem:$0x0]  }
0xa6: {  	s5 =	sand.u32 $0xFFFFFFFE, s1  }
0xa7: {  	p0 =	sne.s32 s1, s5  }
0xa8: {  	s5 =	sshll.u32 @p0 s5, $0xE  }
0xa9: {  	s5 =	sadd.s32 @p0 $0x11B8D, s5;
	s6 =	sshll.u32 @p0 s4, $0x11  }
0xaa: {  	s5 =	sor.u32 @p0 s6, s5  }
0xab: {  	[sflag:s5] =	ssyncadd.remote.s32 @p0 $0x1;
	_ =	sdelay $0x1  }
0xac: {  	s5 =	simm.s32 @p0 $0x1B8D  }
0xad: {  	_ =	swait.eq @p0 [sflag:s5], $0x1  }
0xae: {  	[sflag:s5] =	ssyncadd.s32 @p0 $0xFFFFFFFF  }
0xaf: {  	s6 =	sshll.u32 @!p0 s1, $0xE  }
0xb0: {  	s6 =	sor.u32 @!p0 $0x4000, s6;
	s5 =	simm.s32 @!p0 $0x1B8D  }
0xb1: {  	s4 =	sshll.u32 @!p0 s4, $0x11;
	s6 =	sadd.s32 @!p0 $0x11B8D, s6;
	_ =	swait.eq @!p0 [sflag:s5], $0x1  }
0xb2: {  	s4 =	sor.u32 @!p0 s4, s6;
	[sflag:s5] =	ssyncadd.s32 @!p0 $0xFFFFFFFF  }
0xb3: {  	s25 =	simm.s32 $0x1B8E;
	s24 =	sld [smem:$0x3FFE];
	[sflag:s4] =	ssyncadd.remote.s32 @!p0 $0x1  }
0xb4: {  	s26 =	simm.s32 $execute0_lowered;
	[smem:$0x3FD2] =	sst s25  }
0xb5: {  	s5 =	sshll.u32 s26, $0x1;
	_ =	strace $0x80000049;
	[dreg:$0x1] =	wrdreg $0xFFFFFFFF  }
0xb6: {  	s28 =	simm.s32 $_size_execute0_lowered;
	s3 =	sadd.s32 s3, s5;
	[dreg:$0x0] =	wrdreg $0x0  }
0xb7: {  	s5 =	sshll.u32 s28, $0x1;
	[dreg:$0x2] =	wrdreg s3  }
0xb8: {  	[dreg:$0x3] =	wrdreg s5  }
0xb9: {  	[dreg:$0x4] =	wrdreg $0xC0  }
0xba: {  	_ =	task [dreg:s22], $0x5FFFF  }
0xbb: {  	[dreg:$0x1] =	wrdreg $0xFFFFFFFF  }
0xbc: {  	[dreg:$0x0] =	wrdreg $0x60  }
0xbd: {  	[dreg:$0x2] =	wrdreg s24  }
0xbe: {  	[dreg:$0x3] =	wrdreg $0x24000  }
0xbf: {  	[dreg:$0x4] =	wrdreg $0x8C000  }
0xc0: {  	[dreg:$0x5] =	wrdreg $0xC  }
0xc1: {  	_ =	task.clear_ibuf [dreg:s22], $0x6FFFF;
	_ =	strace $0x90000049  }
0xc2: {  	s29 =	simm.s32 $0xC;
	_ =	strace $0x8000004B  }
0xc3: {  	_ =	swait.ge [sflag:s29], $0x1  }
0xc4: {  	[sflag:s29] =	ssyncadd.s32 $0xFFFFFFFF  }
0xc5: {  	_ =	strace $0x9000004B  }
0xc6: {  	_ =	sfence  }
0xc7: {  	s30 =	sld [smem:$0x0];
	_ =	sdelay $0x2  }
0xc8: {  	s31 =	sshll.u32 s1, $0xD;
	s1 =	sshrl.u32 s1, $0x2  }
0xc9: {  	s4 =	sand.u32 $0x4000, s31;
	s1 =	sadd.s32 s1, s30  }
0xca: {  	s0 =	sor.u32 s4, s0;
	s1 =	sshll.u32 s1, $0x11  }
0xcb: {  	s0 =	sor.u32 s1, s0  }
0xcc: {  	s0 =	sadd.s32 $0x8F2B, s0  }
0xcd: {  	[sflag:s0] =	ssyncadd.remote.s32 $0x1  }
0xce: {  	_ =	sfence.sel $0xFFFF  }
0xcf: {  	[dreg:$0x0] =	wrdreg $0xFFFFFFFF;
	(pc) =	sbr.abs _section_cstart, $3  }
0xd0: {  	[dreg:$0x1] =	wrdreg $0xFFFFFFFF  }
0xd1: {  	_ =	task.clear_ibuf [dreg:s22], $0x2FFFF;
	_ =	strace $0x9FFFFFFF  }
0xd2: {  	(tm) =	ssettm $0x7FFFFFFF  }
0xd3: {  	_ =	shalt  }
tec
execute0_lowered:
.L_overlay_start_1:
0x0: {  	(tag) =	ssettag $0x1  }
0x1: {  	s3 =	rddreg [dreg:$0x0]  }
0x2: {  	s9 =	rddreg [dreg:$0x1]  }
0x3: {  	s10 =	rddreg [dreg:$0x2]  }
0x4: {  	s0 =	rddreg [dreg:$0x3];
	s2 =	simm.s32 $0x0;
	s1 =	stileid.u32  }
0x5: {  	s4 =	srdreg.scid;
	s22 =	simm.s32 $0x0;
	s11 =	smul.u32 $0xD00, s1  }
0x6: {  	[smem:$0x7FF] =	sst s2;
	s8 =	sand.u32 $0x1, s4;
	s12 =	smul.u32 $0x6800, s1  }
0x7: {  	s13 =	sadd.s32 $0x16FE00, s3;
	s18 =	sadd.s32 $0x1000, s3;
	s16 =	smul.u32 $0x68000, s8  }
0x8: {  	_ =	strace $0x8000004A;
	s4 =	ssub.s32 $0x2, s8;
	s21 =	smul.u32 $0xD000, s8  }
0x9: {  	s5 =	sshrl.u32 s4, $0x1;
	s14 =	sadd.s32 $0x400, s11;
	s3 =	sadd.s32 s12, s9  }
0xa: {  	s15 =	sadd.s32 $0x800, s11;
	s17 =	sadd.s32 $0xC00, s11;
	s19 =	ssub.s32 s4, s5  }
0xb: {  	s4 =	sadd.s32 s11, s10;
	s24 =	sshll.u32 s14, $0x3;
	s6 =	sadd.s32 s14, s10  }
0xc: {  	s7 =	sshll.u32 s15, $0x3;
	s20 =	sshll.u32 s17, $0x3;
	s8 =	sadd.s32 s15, s10  }
0xd: {  	s12 =	sadd.s32 s12, s16;
	s10 =	sadd.s32 s17, s10;
	s25 =	sadd.s32 s11, s21  }
0xe: {  	s16 =	sshrl.u32 s16, $0x3;
	s29 =	sadd.s32 s21, s14;
	s31 =	sadd.s32 s21, s15  }
0xf: {  	s21 =	sadd.s32 s21, s17;
	s5 =	sadd.s32 s24, s9;
	s7 =	sadd.s32 s7, s9  }
0x10: {  	s9 =	sadd.s32 s20, s9;
	s12 =	sshrl.u32 s12, $0x3;
	s26 =	sshrl.u32 s25, $0x3  }
0x11: {  	s28 =	sadd.s32 s13, s16;
	s30 =	sshrl.u32 s29, $0x3;
	s16 =	sshrl.u32 s31, $0x3  }
0x12: {  	s21 =	sshrl.u32 s21, $0x3;
	s19 =	smax.u32 s19, $0x1;
	s20 =	simm.s32 $0x1  }
0x13: {  	v1 =	vlaneseq.u32;
	s11 =	sadd.s32 s13, s12;
	s12 =	sadd.s32 s18, s26;
	s13 =	sadd.s32 s14, s28  }
0x14: {  	v0 =	vshrl.u32 v1, $0x3;
	s14 =	sadd.s32 s18, s30;
	s15 =	sadd.s32 s15, s28;
	s16 =	sadd.s32 s18, s16  }
0x15: {  	v2 =	vimm.f32 $0.0e+00;
	v1 =	vand.u32 $0x7, v1;
	v0 =	vmul.u32 $0x8, v0;
	s17 =	sadd.s32 s17, s28;
	s18 =	sadd.s32 s18, s21;
	s21 =	simm.s32 $0x2000  }
.LBB2_1:
0x16: {  	v3 =	vmov s2  }
0x17: {  	v3 =	vshll.u32 v3, $0x3  }
0x18: {  	v3 =	vor.u32 v0, v3  }
0x19: {  	s23 =	simm.s32 $0x2;
	v3 =	vor.u32 v1, v3  }
.LBB2_2:
0x1a: {  	p0 =	sne.s32 s23, $0x3FE  }
.Ltmp0:
0x1b: {  	_ = 	snop;
	(pc) =	sbr.rel @p0 .LBB2_2-.Ltmp0, $4  }
0x1c: {  	v4 =	vmov s23  }
0x1d: {  	v4 =	vshll.u32 v4, $0x3  }
0x1e: {  	s24 =	simm.s32 $0x0;
	v4 =	vor.u32 v0, v4  }
0x1f: {  	s23 =	sadd.s32 $0x2, s23;
	[tilespmem:v3+s24+$0x0] =	vst.idx.msk $0xffff, v2;
	v3 =	vor.u32 v1, v4  }
0x20: {  	_ =	sdelay $0x3  }
0x21: {  	[tilespmem:v3+s24+$0x0] =	vst.idx.msk $0xffff, v2;
	s23 =	simm.s32 $0x40;
	s24 =	simm.s32 $0x0  }
.LBB2_4:
0x22: {  	p0 =	sne.s32 s23, $0xFC0;
	[tilespmem:s24+$0x2000] =	vst v2;
	s24 =	smov.u32 s23;
	s23 =	sadd.s32 $0x40, s23  }
.Ltmp1:
0x23: {  	(pc) =	sbr.rel @p0 .LBB2_4-.Ltmp1, $2  }
0x24: {  	_ =	sdelay $0x2  }
0x25: {  	s24 =	sshra.s32 s24, $0x2  }
0x26: {  	[tilespmem:s24+$0x2000] =	vst v2  }
0x27: {  	[spmem:s3] =	stream.linear.scatter [tilespmem:s2], [sflag:$0x1], $0x2000, $0x38;
	[tilespmem:$0x9900] =	vst v63  }
0x28: {  	_ =	swait.ge [sflag:s20], $0x2000  }
0x29: {  	[sflag:s20] =	ssyncset.done $0x0  }
0x2a: {  	[sflag:s20] =	ssyncadd.s32 $0xFFFFE000  }
0x2b: {  	[spmem:s4] =	stream.linear.scatter [tilespmem:s21], [sflag:$0x1], $0x400, $0x38;
	[tilespmem:$0x9900] =	vst v63  }
0x2c: {  	_ =	swait.ge [sflag:s20], $0x400  }
0x2d: {  	[sflag:s20] =	ssyncset.done $0x0  }
0x2e: {  	[sflag:s20] =	ssyncadd.s32 $0xFFFFFC00  }
0x2f: {  	[spmem:s5] =	stream.linear.scatter [tilespmem:s2], [sflag:$0x1], $0x2000, $0x38;
	[tilespmem:$0x9900] =	vst v63  }
0x30: {  	_ =	swait.ge [sflag:s20], $0x2000  }
0x31: {  	[sflag:s20] =	ssyncset.done $0x0  }
0x32: {  	[sflag:s20] =	ssyncadd.s32 $0xFFFFE000  }
0x33: {  	[spmem:s6] =	stream.linear.scatter [tilespmem:s21], [sflag:$0x1], $0x400, $0x38;
	[tilespmem:$0x9900] =	vst v63  }
0x34: {  	_ =	swait.ge [sflag:s20], $0x400  }
0x35: {  	[sflag:s20] =	ssyncset.done $0x0  }
0x36: {  	[sflag:s20] =	ssyncadd.s32 $0xFFFFFC00  }
0x37: {  	[spmem:s7] =	stream.linear.scatter [tilespmem:s2], [sflag:$0x1], $0x2000, $0x38;
	[tilespmem:$0x9900] =	vst v63  }
0x38: {  	_ =	swait.ge [sflag:s20], $0x2000  }
0x39: {  	[sflag:s20] =	ssyncset.done $0x0  }
0x3a: {  	[sflag:s20] =	ssyncadd.s32 $0xFFFFE000  }
0x3b: {  	[spmem:s8] =	stream.linear.scatter [tilespmem:s21], [sflag:$0x1], $0x400, $0x38;
	[tilespmem:$0x9900] =	vst v63  }
0x3c: {  	_ =	swait.ge [sflag:s20], $0x400  }
0x3d: {  	[sflag:s20] =	ssyncset.done $0x0  }
0x3e: {  	[sflag:s20] =	ssyncadd.s32 $0xFFFFFC00  }
0x3f: {  	[spmem:s9] =	stream.linear.scatter [tilespmem:s2], [sflag:$0x1], $0x800, $0x38;
	[tilespmem:$0x9900] =	vst v63  }
0x40: {  	_ =	swait.ge [sflag:s20], $0x800  }
0x41: {  	[sflag:s20] =	ssyncset.done $0x0  }
0x42: {  	[sflag:s20] =	ssyncadd.s32 $0xFFFFF800  }
0x43: {  	[spmem:s10] =	stream.linear.scatter [tilespmem:s21], [sflag:$0x1], $0x100, $0x38;
	[tilespmem:$0x9900] =	vst v63  }
0x44: {  	_ =	swait.ge [sflag:s20], $0x100  }
0x45: {  	[sflag:s20] =	ssyncset.done $0x0  }
0x46: {  	[sflag:s20] =	ssyncadd.s32 $0xFFFFFF00  }
0x47: {  	s23 =	sshll.u32 s1, $0x6;
	[bflag:$0x0] =	sbarrier.arrive $0xFFFF  }
0x48: {  	s30 =	sshrl.u32 s3, $0x3;
	s23 =	sor.u32 $0x1C01, s23;
	[bflag:$0x0] =	sbarrier.arrive $0xFFFF  }
0x49: {  	[hbm:s11], [sflag:s23] =	dma.local [spmem:s30], $0x400  }
0x4a: {  	_ =	swait.ge [sflag:s20], $0x400  }
0x4b: {  	[sflag:s20] =	ssyncset.done $0x0  }
0x4c: {  	s31 =	sshrl.u32 s4, $0x3;
	[sflag:s20] =	ssyncadd.s32 $0xFFFFFC00  }
0x4d: {  	[hbm:s12], [sflag:s23] =	dma.local [spmem:s31], $0x80  }
0x4e: {  	_ =	swait.ge [sflag:s20], $0x80  }
0x4f: {  	[sflag:s20] =	ssyncset.done $0x0  }
0x50: {  	s25 =	sshrl.u32 s5, $0x3;
	[sflag:s20] =	ssyncadd.s32 $0xFFFFFF80  }
0x51: {  	[hbm:s13], [sflag:s23] =	dma.local [spmem:s25], $0x400  }
0x52: {  	_ =	swait.ge [sflag:s20], $0x400  }
0x53: {  	[sflag:s20] =	ssyncset.done $0x0  }
0x54: {  	s26 =	sshrl.u32 s6, $0x3;
	[sflag:s20] =	ssyncadd.s32 $0xFFFFFC00  }
0x55: {  	[hbm:s14], [sflag:s23] =	dma.local [spmem:s26], $0x80  }
0x56: {  	_ =	swait.ge [sflag:s20], $0x80  }
0x57: {  	[sflag:s20] =	ssyncset.done $0x0  }
0x58: {  	s28 =	sshrl.u32 s7, $0x3;
	[sflag:s20] =	ssyncadd.s32 $0xFFFFFF80  }
0x59: {  	[hbm:s15], [sflag:s23] =	dma.local [spmem:s28], $0x400  }
0x5a: {  	_ =	swait.ge [sflag:s20], $0x400  }
0x5b: {  	[sflag:s20] =	ssyncset.done $0x0  }
0x5c: {  	s29 =	sshrl.u32 s8, $0x3;
	[sflag:s20] =	ssyncadd.s32 $0xFFFFFC00  }
0x5d: {  	[hbm:s16], [sflag:s23] =	dma.local [spmem:s29], $0x80  }
0x5e: {  	_ =	swait.ge [sflag:s20], $0x80  }
0x5f: {  	[sflag:s20] =	ssyncset.done $0x0  }
0x60: {  	s30 =	sshrl.u32 s9, $0x3;
	[sflag:s20] =	ssyncadd.s32 $0xFFFFFF80  }
0x61: {  	[hbm:s17], [sflag:s23] =	dma.local [spmem:s30], $0x100  }
0x62: {  	s22 =	sadd.s32 $0x1, s22;
	_ =	swait.ge [sflag:s20], $0x100  }
0x63: {  	p0 =	sne.s32 s22, s19;
	[sflag:s20] =	ssyncset.done $0x0  }
.Ltmp2:
0x64: {  	s31 =	sshrl.u32 s10, $0x3;
	[sflag:s20] =	ssyncadd.s32 $0xFFFFFF00;
	(pc) =	sbr.rel @p0 .LBB2_1-.Ltmp2, $4  }
0x65: {  	[hbm:s18], [sflag:s23] =	dma.local [spmem:s31], $0x20  }
0x66: {  	_ =	swait.ge [sflag:s20], $0x20  }
0x67: {  	[sflag:s20] =	ssyncset.done $0x0  }
0x68: {  	[sflag:s20] =	ssyncadd.s32 $0xFFFFFFE0  }
0x69: {  	_ =	sfence.sel $0x180000  }
0x6a: {  	[bflag:$0x0] =	sbarrier.arrive $0xFFFF  }
0x6b: {  	p0 =	sne.s32 s1, $0x0;
	_ =	strace $0x9000004A  }
0x6c: {  	s0 =	sadd.s32 @!p0 $0x100000, s0;
	[bflag:$0x2] =	sbarrier.arrive $0xFFFF  }
0x6d: {  	[sflag:s0] =	ssyncadd.tile.s32 @!p0 $0x1;
	_ =	shalt  }
.Lfunc_end2:
_tile_overlayer_lowered:
.L_overlay_start_2:
0x6e: {  	(tag) =	ssettag $0x2  }
0x6f: {  	s0 =	rddreg [dreg:$0x0];
	s2 =	stileid.u32  }
0x70: {  	s1 =	rddreg [dreg:$0x1];
	p0 =	sne.s32 s2, $0x0  }
0x71: {  	s3 =	rddreg [dreg:$0x2];
	[bflag:$0x3] =	sbarrier.arrive $0xFFFF;
	s2 =	simm.s32 @!p0 $0x1C01  }
0x72: {  	[timem:s3], [sflag:s2] =	dma.local @!p0 [hbm:s0], s1  }
0x73: {  	s0 =	simm.s32 @!p0 $0x1  }
0x74: {  	_ =	swait.ge @!p0 [sflag:s0], s1  }
0x75: {  	s1 =	ssub.s32 @!p0 $0x0, s1;
	[sflag:s0] =	ssyncset.done @!p0 $0x0  }
0x76: {  	[sflag:s0] =	ssyncadd.s32 @!p0 s1  }
0x77: {  	[bflag:$0x3] =	sbarrier.arrive $0xFFFF  }
0x78: {  	_ =	shalt  }

</sc_bundles>
